<compile_context>
chip_gen: v7x
topology: tpu7x:2x2x1
jax: 0.10.2.dev20260603
libtpu: 0.0.44.dev20260713+nightly
codegen_flags: <defaults>
</compile_context>

<pallas_src>
import functools

import jax
import jax.numpy as jnp
from jax import lax
from jax.experimental import pallas as pl
from jax.experimental.pallas import tpu as pltpu
from jax.experimental.pallas import tpu_sc as plsc

B = 16384
C = 105
P = 9
NW = 32
BW = B // NW
NV = BW // 16
NROWS = C // 8
BIG = 10 ** 9

_TAPS = [(0, 1, 3, 4), (1, 2, 4, 5), (3, 4, 6, 7), (4, 5, 7, 8)]


def _sc_body(x_hbm, cw_hbm, cb_hbm, out_hbm,
             inbuf, buf104, chbuf, cw_v, cb_v, mbuf, in_sem, out_sem):
    wid = lax.axis_index("s") * 2 + lax.axis_index("c")
    wb0 = wid * BW
    lane = lax.iota(jnp.int32, 16)

    def bcast(s):
        return lax.broadcast_in_dim(jnp.asarray(s, jnp.int32), (16,), ())

    pltpu.sync_copy(x_hbm.at[pl.ds(0, P), pl.ds(0, 1), pl.ds(0, 128)], mbuf)
    pad = lane >= P
    zero = bcast(0)
    x00 = plsc.load_gather(mbuf, [jnp.where(pad, zero, lane), zero, zero])
    mask = x00 == 0.0
    rowv = lane // 3
    colv = lane % 3
    src = []
    for k in range(P):
        dr = rowv - (k // 3)
        dc = colv - (k % 3)
        drow = dr * dr + dc * dc
        d = jnp.where(pad | mask, bcast(BIG), drow)
        mn = jnp.min(d)
        cand = jnp.where(d == bcast(mn), lane, bcast(16))
        src.append(jnp.min(cand))

    pltpu.sync_copy(cw_hbm, cw_v)
    pltpu.sync_copy(cb_hbm, cb_v)

    def issue_row(r, slot):
        for j in range(P):
            pltpu.async_copy(
                x_hbm.at[pl.ds(src[j], 1), pl.ds(8 * r, 8), pl.ds(wb0, BW)],
                inbuf.at[slot, j], in_sem)

    def wait_row(slot):
        for j in range(P):
            pltpu.make_async_copy(
                x_hbm.at[pl.ds(0, 1), pl.ds(0, 8), pl.ds(wb0, BW)],
                inbuf.at[slot, j], in_sem).wait()

    def wait_out():
        pltpu.make_async_copy(
            chbuf.at[pl.ds(0, 1)],
            out_hbm.at[pl.ds(0, 1), pl.ds(0, 1), pl.ds(wb0, BW)],
            out_sem).wait()

    def compute_channel(c, bufs, chsel):
        w = [plsc.load_gather(cw_v, [bcast(c * 4 + t)]) for t in range(4)]
        bias = plsc.load_gather(cb_v, [bcast(c)])

        @pl.when(c >= 2)
        def _():
            wait_out()

        @plsc.parallel_loop(0, NV, unroll=2)
        def _(v):
            p = [bufs(j, v) for j in range(P)]
            ys = []
            for taps in _TAPS:
                y = p[taps[0]] * w[0]
                for wi, pj in enumerate(taps[1:], start=1):
                    y = y + p[pj] * w[wi]
                ys.append(y)
            m = jnp.maximum(jnp.maximum(ys[0], ys[1]),
                            jnp.maximum(ys[2], ys[3])) + bias
            chbuf[chsel, 0, pl.ds(v * 16, 16)] = (
                jnp.maximum(m, 0.2 * m) + p[4])
        pltpu.async_copy(
            chbuf.at[pl.ds(chsel, 1)],
            out_hbm.at[pl.ds(c % 7, 1), pl.ds(c // 7, 1), pl.ds(wb0, BW)],
            out_sem)

    issue_row(0, 0)

    def row_body(r, carry):
        slot = r % 2
        wait_row(slot)

        @pl.when(r < NROWS - 1)
        def _():
            issue_row(r + 1, 1 - slot)

        for c8 in range(8):
            compute_channel(
                r * 8 + c8,
                lambda j, v, _s=slot, _c=c8:
                    inbuf[_s, j, 0, _c, pl.ds(v * 16, 16)],
                c8 % 2)
        return carry

    lax.fori_loop(0, NROWS, row_body, 0)

    for j in range(P):
        pltpu.sync_copy(
            x_hbm.at[pl.ds(src[j], 1), pl.ds(104, 1), pl.ds(wb0, BW)],
            buf104.at[j])
    compute_channel(104,
                    lambda j, v: buf104[j, 0, 0, pl.ds(v * 16, 16)], 0)

    wait_out()
    wait_out()


@jax.jit
def _sc_call(x3, cwflat, cb):
    mesh = plsc.VectorSubcoreMesh(core_axis_name="c", subcore_axis_name="s")
    f = functools.partial(
        pl.kernel, mesh=mesh,
        compiler_params=pltpu.CompilerParams(needs_layout_passes=False),
        out_type=jax.ShapeDtypeStruct((7, 15, B), jnp.float32),
        scratch_types=[
            pltpu.VMEM((2, P, 1, 8, BW), jnp.float32),
            pltpu.VMEM((P, 1, 1, BW), jnp.float32),
            pltpu.VMEM((2, 1, BW), jnp.float32),
            pltpu.VMEM((C * 4,), jnp.float32),
            pltpu.VMEM((C,), jnp.float32),
            pltpu.VMEM((P, 1, 128), jnp.float32),
            pltpu.SemaphoreType.DMA,
            pltpu.SemaphoreType.DMA,
        ],
    )(_sc_body)
    return f(x3, cwflat, cb)


def kernel(augmented_tensor_temp, conv_weight, conv_bias):
    x3 = augmented_tensor_temp.transpose(2, 3, 1, 0).reshape(P, C, B)
    cwflat = conv_weight.reshape(-1)
    out3 = _sc_call(x3, cwflat, conv_bias)
    return out3.transpose(2, 1, 0)

# --- scband reference (transcript-rebuilt; emitter-appended) ---
"""Pipeline reference for scband-spatial-encoding-block-29686813950259 (READ-ONLY COPY).

The authoritative reference and input builder live on the scoring server;
editing this copy changes nothing except your own understanding.
"""

import jax, jax.numpy as jnp
import numpy as np

B = 16384
C = 105
H = 3
W = 3

def setup_inputs(seed: int = 0) -> dict:
    key = jax.random.key(seed)
    k1, k2, k3 = jax.random.split(key, 3)
    x = jax.random.normal(k1, (B, C, H, W), dtype=jnp.float32)
    conv_weight = jax.random.normal(k2, (C, 1, 2, 2), dtype=jnp.float32) * 0.1
    conv_bias = jax.random.normal(k3, (C,), dtype=jnp.float32) * 0.1
    return {"augmented_tensor_temp": x, "conv_weight": conv_weight, "conv_bias": conv_bias}

def _nearest_padding(x):
    Bc, Cc, Hh, Ww = x.shape
    flat = x.reshape(Bc, Cc, Hh * Ww)
    # mask of zero pixels in batch 0, channel 0 (same as torch: padding_tensor[0,0]==0)
    mask = (x[0, 0] == 0).reshape(-1)
    rows = jnp.arange(Hh * Ww) // Ww
    cols = jnp.arange(Hh * Ww) % Ww
    dist = (rows[:, None] - rows[None, :]) ** 2 + (cols[:, None] - cols[None, :]) ** 2
    # valid sources are NON-zero positions; invalidate zero positions as sources
    big = jnp.full_like(dist, 10 ** 9)
    dist_src = jnp.where(mask[None, :], big, dist)
    nearest = jnp.argmin(dist_src, axis=1)  # nearest non-zero position for every position
    vals = jnp.take(flat, nearest, axis=2)
    padded = jnp.where(mask[None, None, :], vals, flat)
    return padded.reshape(Bc, Cc, Hh, Ww)

def reference(augmented_tensor_temp, conv_weight, conv_bias):
    x = _nearest_padding(augmented_tensor_temp)
    y = jax.lax.conv_general_dilated(
        x, conv_weight,
        window_strides=(1, 1), padding='VALID',
        feature_group_count=C,
        dimension_numbers=('NCHW', 'OIHW', 'NCHW'))
    y = y + conv_bias[None, :, None, None]
    # LeakyReLU(0.2)
    y = jnp.where(y >= 0, y, 0.2 * y)
    # MaxPool2d(2)
    y = jax.lax.reduce_window(y, -jnp.inf, jax.lax.max, (1, 1, 2, 2), (1, 1, 2, 2), 'VALID')
    # squeeze -> [B, C]
    y = y.reshape(y.shape[0], y.shape[1])
    y = y + x[:, :, 1, 1]
    return y.reshape(-1, 15, 7)

if __name__ == "__main__":
    import jax
    _d = setup_inputs()
    print(jax.jit(kernel)(*tuple(_d.values())))

</pallas_src>

<mosaic_0001>
#map = affine_map<(d0, d1) -> (0, 0, 0)>
#map1 = affine_map<(d0, d1) -> (0)>
module attributes {stable_mosaic.version = 14 : i64} {
  func.func @_sc_body(%arg0: i32, %arg1: i32, %arg2: memref<9x105x16384xf32, #tpu.memory_space<hbm>>, %arg3: memref<420xf32, #tpu.memory_space<hbm>>, %arg4: memref<105xf32, #tpu.memory_space<hbm>>, %arg5: memref<7x15x16384xf32, #tpu.memory_space<hbm>>, %arg6: memref<2x9x1x8x512xf32, #tpu.memory_space<vmem>>, %arg7: memref<9x1x1x512xf32, #tpu.memory_space<vmem>>, %arg8: memref<2x1x512xf32, #tpu.memory_space<vmem>>, %arg9: memref<420xf32, #tpu.memory_space<vmem>>, %arg10: memref<105xf32, #tpu.memory_space<vmem>>, %arg11: memref<9x1x128xf32, #tpu.memory_space<vmem>>, %arg12: memref<!tpu.dma_semaphore, #tpu.memory_space<semaphore_mem>>, %arg13: memref<!tpu.dma_semaphore, #tpu.memory_space<semaphore_mem>>) attributes {dimension_semantics = [#tpu.dimension_semantics<core_parallel>, #tpu.dimension_semantics<subcore_parallel>], iteration_bounds = array<i64: 2, 16>, scalar_prefetch = 0 : i64, scratch_operands = 8 : i64, tpu.core_type = #tpu.core_type<sc_vector_subcore>, window_params = [{transform_indices = #map}, {transform_indices = #map1}, {transform_indices = #map1}, {transform_indices = #map}]} {
    %mul3A = arith.constant 2 : i32
    %mul3A_0 = arith.muli %arg1, %mul3A : i32
    %add3A = arith.addi %mul3A_0, %arg0 : i32
    %mul3A_1 = arith.constant 512 : i32
    %mul3A_2 = arith.muli %add3A, %mul3A_1 : i32
    %iota3A = tpu.iota {dimensions = array<i32: 0>} : vector<16xi32>
    "tpu.region"() ({
      %run_scoped3A_585 = tpu.sem_alloc : memref<!tpu.dma_semaphore, #tpu.memory_space<semaphore_mem>>
      %dma_start3A_586 = arith.constant 0 : i32
      %dma_start3A_587 = arith.constant 0 : i32
      %dma_start3A_588 = arith.constant 0 : i32
      %dma_start3A_589 = tpu.memref_slice %arg2[%dma_start3A_586, %dma_start3A_587, %dma_start3A_588] : memref<9x105x16384xf32, #tpu.memory_space<hbm>> -> memref<9x1x128xf32, #tpu.memory_space<hbm>>
      %dma_start3A_590 = arith.constant 0 : i32
      %dma_start3A_591 = arith.constant 0 : i32
      %dma_start3A_592 = arith.constant 0 : i32
      %dma_start3A_593 = tpu.memref_slice %arg2[%dma_start3A_590, %dma_start3A_591, %dma_start3A_592] : memref<9x105x16384xf32, #tpu.memory_space<hbm>> -> memref<9x1x128xf32, #tpu.memory_space<hbm>>
      tpu.enqueue_dma source(%dma_start3A_593 : memref<9x1x128xf32, #tpu.memory_space<hbm>>) target(%arg11 : memref<9x1x128xf32, #tpu.memory_space<vmem>>) target_semaphore(%run_scoped3A_585 : memref<!tpu.dma_semaphore, #tpu.memory_space<semaphore_mem>>)
      %dma_wait3A_594 = arith.constant 0 : i32
      %dma_wait3A_595 = arith.constant 0 : i32
      %dma_wait3A_596 = arith.constant 0 : i32
      %dma_wait3A_597 = tpu.memref_slice %arg2[%dma_wait3A_594, %dma_wait3A_595, %dma_wait3A_596] : memref<9x105x16384xf32, #tpu.memory_space<hbm>> -> memref<9x1x128xf32, #tpu.memory_space<hbm>>
      %dma_wait3A_598 = arith.constant 0 : i32
      %dma_wait3A_599 = arith.constant 0 : i32
      %dma_wait3A_600 = arith.constant 0 : i32
      %dma_wait3A_601 = tpu.memref_slice %arg2[%dma_wait3A_598, %dma_wait3A_599, %dma_wait3A_600] : memref<9x105x16384xf32, #tpu.memory_space<hbm>> -> memref<9x1x128xf32, #tpu.memory_space<hbm>>
      tpu.wait_dma2 semaphore(%run_scoped3A_585 : memref<!tpu.dma_semaphore, #tpu.memory_space<semaphore_mem>>) src(%dma_wait3A_601 : memref<9x1x128xf32, #tpu.memory_space<hbm>>) dst(%arg11 : memref<9x1x128xf32, #tpu.memory_space<vmem>>)
      tpu.yield
    }) : () -> ()
    %ge3A = arith.constant 9 : i32
    %ge3A_3 = vector.broadcast %ge3A : i32 to vector<16xi32>
    %ge3A_4 = arith.cmpi sge, %iota3A, %ge3A_3 : vector<16xi32>
    %broadcast_in_dim3A = arith.constant 0 : i32
    %broadcast_in_dim3A_5 = vector.broadcast %broadcast_in_dim3A : i32 to vector<16xi32>
    %select_n3A = arith.select %ge3A_4, %broadcast_in_dim3A_5, %iota3A : vector<16xi1>, vector<16xi32>
    %gather3A = tpu.vector_load_idx %arg11[%select_n3A, %broadcast_in_dim3A_5, %broadcast_in_dim3A_5] : memref<9x1x128xf32, #tpu.memory_space<vmem>>[vector<16xi32>, vector<16xi32>, vector<16xi32>], vector<16xf32>,
    %eq3A = arith.constant 0.000000e+00 : f32
    %eq3A_6 = vector.broadcast %eq3A : f32 to vector<16xf32>
    %eq3A_7 = arith.cmpf oeq, %gather3A, %eq3A_6 : vector<16xf32>
    %jit3A = arith.constant 3 : i32
    %div3A = vector.broadcast %jit3A : i32 to vector<16xi32>
    %div3A_8 = arith.divsi %iota3A, %div3A : vector<16xi32>
    %sign3A = arith.constant 0 : i32
    %sign3A_9 = vector.broadcast %sign3A : i32 to vector<16xi32>
    %sign3A_10 = arith.cmpi sgt, %iota3A, %sign3A_9 : vector<16xi32>
    %sign3A_11 = arith.extui %sign3A_10 : vector<16xi1> to vector<16xi32>
    %sign3A_12 = arith.constant 0 : i32
    %sign3A_13 = vector.broadcast %sign3A_12 : i32 to vector<16xi32>
    %sign3A_14 = arith.cmpi slt, %iota3A, %sign3A_13 : vector<16xi32>
    %sign3A_15 = arith.extui %sign3A_14 : vector<16xi1> to vector<16xi32>
    %sign3A_16 = arith.subi %sign3A_11, %sign3A_15 : vector<16xi32>
    %sign3A_17 = arith.constant 0 : i32
    %sign3A_18 = arith.cmpi sgt, %jit3A, %sign3A_17 : i32
    %sign3A_19 = arith.extui %sign3A_18 : i1 to i32
    %sign3A_20 = arith.constant 0 : i32
    %sign3A_21 = arith.cmpi slt, %jit3A, %sign3A_20 : i32
    %sign3A_22 = arith.extui %sign3A_21 : i1 to i32
    %sign3A_23 = arith.subi %sign3A_19, %sign3A_22 : i32
    %ne3A = vector.broadcast %sign3A_23 : i32 to vector<16xi32>
    %ne3A_24 = arith.cmpi ne, %sign3A_16, %ne3A : vector<16xi32>
    %rem3A = vector.broadcast %jit3A : i32 to vector<16xi32>
    %rem3A_25 = arith.remsi %iota3A, %rem3A : vector<16xi32>
    %ne3A_26 = arith.constant 0 : i32
    %ne3A_27 = vector.broadcast %ne3A_26 : i32 to vector<16xi32>
    %ne3A_28 = arith.cmpi ne, %rem3A_25, %ne3A_27 : vector<16xi32>
    %and3A = arith.andi %ne3A_24, %ne3A_28 : vector<16xi1>
    %sub3A = arith.constant 1 : i32
    %sub3A_29 = vector.broadcast %sub3A : i32 to vector<16xi32>
    %sub3A_30 = arith.subi %div3A_8, %sub3A_29 : vector<16xi32>
    %select_n3A_31 = arith.select %and3A, %sub3A_30, %div3A_8 : vector<16xi1>, vector<16xi32>
    %jit3A_32 = arith.constant 3 : i32
    %eq3A_33 = arith.constant 0 : i32
    %eq3A_34 = arith.cmpi eq, %jit3A_32, %eq3A_33 : i32
    %jit3A_35 = arith.constant 1 : i32
    %select_n3A_36 = arith.select %eq3A_34, %jit3A_35, %jit3A_32 : i32
    %rem3A_37 = vector.broadcast %select_n3A_36 : i32 to vector<16xi32>
    %rem3A_38 = arith.remsi %iota3A, %rem3A_37 : vector<16xi32>
    %ne3A_39 = arith.constant 0 : i32
    %ne3A_40 = vector.broadcast %ne3A_39 : i32 to vector<16xi32>
    %ne3A_41 = arith.cmpi ne, %rem3A_38, %ne3A_40 : vector<16xi32>
    %lt3A = arith.constant 0 : i32
    %lt3A_42 = vector.broadcast %lt3A : i32 to vector<16xi32>
    %lt3A_43 = arith.cmpi slt, %rem3A_38, %lt3A_42 : vector<16xi32>
    %lt3A_44 = arith.constant 0 : i32
    %lt3A_45 = arith.cmpi slt, %select_n3A_36, %lt3A_44 : i32
    %ne3A_46 = vector.broadcast %lt3A_45 : i1 to vector<16xi1>
    %ne3A_47 = vector.broadcast %ne3A_46 : vector<16xi1> to vector<16xi1>
    %ne3A_48 = arith.xori %lt3A_43, %ne3A_47 : vector<16xi1>
    %and3A_49 = arith.andi %ne3A_48, %ne3A_41 : vector<16xi1>
    %add3A_50 = vector.broadcast %select_n3A_36 : i32 to vector<16xi32>
    %add3A_51 = arith.addi %rem3A_38, %add3A_50 : vector<16xi32>
    %select_n3A_52 = arith.select %and3A_49, %add3A_51, %rem3A_38 : vector<16xi1>, vector<16xi32>
    %sub3A_53 = arith.constant 0 : i32
    %sub3A_54 = vector.broadcast %sub3A_53 : i32 to vector<16xi32>
    %sub3A_55 = arith.subi %select_n3A_31, %sub3A_54 : vector<16xi32>
    %sub3A_56 = arith.constant 0 : i32
    %sub3A_57 = vector.broadcast %sub3A_56 : i32 to vector<16xi32>
    %sub3A_58 = arith.subi %select_n3A_52, %sub3A_57 : vector<16xi32>
    %mul3A_59 = arith.muli %sub3A_55, %sub3A_55 : vector<16xi32>
    %mul3A_60 = arith.muli %sub3A_58, %sub3A_58 : vector<16xi32>
    %add3A_61 = arith.addi %mul3A_59, %mul3A_60 : vector<16xi32>
    %or3A = arith.ori %ge3A_4, %eq3A_7 : vector<16xi1>
    %broadcast_in_dim3A_62 = arith.constant 1000000000 : i32
    %broadcast_in_dim3A_63 = vector.broadcast %broadcast_in_dim3A_62 : i32 to vector<16xi32>
    %select_n3A_64 = arith.select %or3A, %broadcast_in_dim3A_63, %add3A_61 : vector<16xi1>, vector<16xi32>
    %reduce_min3A = arith.constant true
    %reduce_min3A_65 = vector.broadcast %reduce_min3A : i1 to vector<16xi1>
    %reduce_min3A_66 = arith.constant -2147483648 : i32
    %reduce_min3A_67 = vector.broadcast %reduce_min3A_66 : i32 to vector<16xi32>
    %reduce_min3A_68 = arith.xori %select_n3A_64, %reduce_min3A_67 : vector<16xi32>
    %reduce_min3A_69 = tpu.scan <min>, %reduce_min3A_68 masked %reduce_min3A_65 : vector<16xi32>, vector<16xi1> -> vector<16xi32>
    %reduce_min3A_70 = arith.xori %reduce_min3A_69, %reduce_min3A_67 : vector<16xi32>
    %reduce_min3A_71 = vector.extract %reduce_min3A_70[15] : i32 from vector<16xi32>
    %broadcast_in_dim3A_72 = vector.broadcast %reduce_min3A_71 : i32 to vector<16xi32>
    %eq3A_73 = arith.cmpi eq, %select_n3A_64, %broadcast_in_dim3A_72 : vector<16xi32>
    %broadcast_in_dim3A_74 = arith.constant 16 : i32
    %broadcast_in_dim3A_75 = vector.broadcast %broadcast_in_dim3A_74 : i32 to vector<16xi32>
    %select_n3A_76 = arith.select %eq3A_73, %iota3A, %broadcast_in_dim3A_75 : vector<16xi1>, vector<16xi32>
    %reduce_min3A_77 = arith.constant true
    %reduce_min3A_78 = vector.broadcast %reduce_min3A_77 : i1 to vector<16xi1>
    %reduce_min3A_79 = arith.constant -2147483648 : i32
    %reduce_min3A_80 = vector.broadcast %reduce_min3A_79 : i32 to vector<16xi32>
    %reduce_min3A_81 = arith.xori %select_n3A_76, %reduce_min3A_80 : vector<16xi32>
    %reduce_min3A_82 = tpu.scan <min>, %reduce_min3A_81 masked %reduce_min3A_78 : vector<16xi32>, vector<16xi1> -> vector<16xi32>
    %reduce_min3A_83 = arith.xori %reduce_min3A_82, %reduce_min3A_80 : vector<16xi32>
    %reduce_min3A_84 = vector.extract %reduce_min3A_83[15] : i32 from vector<16xi32>
    %sub3A_85 = arith.constant 0 : i32
    %sub3A_86 = vector.broadcast %sub3A_85 : i32 to vector<16xi32>
    %sub3A_87 = arith.subi %select_n3A_31, %sub3A_86 : vector<16xi32>
    %sub3A_88 = arith.constant 1 : i32
    %sub3A_89 = vector.broadcast %sub3A_88 : i32 to vector<16xi32>
    %sub3A_90 = arith.subi %select_n3A_52, %sub3A_89 : vector<16xi32>
    %mul3A_91 = arith.muli %sub3A_87, %sub3A_87 : vector<16xi32>
    %mul3A_92 = arith.muli %sub3A_90, %sub3A_90 : vector<16xi32>
    %add3A_93 = arith.addi %mul3A_91, %mul3A_92 : vector<16xi32>
    %or3A_94 = arith.ori %ge3A_4, %eq3A_7 : vector<16xi1>
    %broadcast_in_dim3A_95 = arith.constant 1000000000 : i32
    %broadcast_in_dim3A_96 = vector.broadcast %broadcast_in_dim3A_95 : i32 to vector<16xi32>
    %select_n3A_97 = arith.select %or3A_94, %broadcast_in_dim3A_96, %add3A_93 : vector<16xi1>, vector<16xi32>
    %reduce_min3A_98 = arith.constant true
    %reduce_min3A_99 = vector.broadcast %reduce_min3A_98 : i1 to vector<16xi1>
    %reduce_min3A_100 = arith.constant -2147483648 : i32
    %reduce_min3A_101 = vector.broadcast %reduce_min3A_100 : i32 to vector<16xi32>
    %reduce_min3A_102 = arith.xori %select_n3A_97, %reduce_min3A_101 : vector<16xi32>
    %reduce_min3A_103 = tpu.scan <min>, %reduce_min3A_102 masked %reduce_min3A_99 : vector<16xi32>, vector<16xi1> -> vector<16xi32>
    %reduce_min3A_104 = arith.xori %reduce_min3A_103, %reduce_min3A_101 : vector<16xi32>
    %reduce_min3A_105 = vector.extract %reduce_min3A_104[15] : i32 from vector<16xi32>
    %broadcast_in_dim3A_106 = vector.broadcast %reduce_min3A_105 : i32 to vector<16xi32>
    %eq3A_107 = arith.cmpi eq, %select_n3A_97, %broadcast_in_dim3A_106 : vector<16xi32>
    %broadcast_in_dim3A_108 = arith.constant 16 : i32
    %broadcast_in_dim3A_109 = vector.broadcast %broadcast_in_dim3A_108 : i32 to vector<16xi32>
    %select_n3A_110 = arith.select %eq3A_107, %iota3A, %broadcast_in_dim3A_109 : vector<16xi1>, vector<16xi32>
    %reduce_min3A_111 = arith.constant true
    %reduce_min3A_112 = vector.broadcast %reduce_min3A_111 : i1 to vector<16xi1>
    %reduce_min3A_113 = arith.constant -2147483648 : i32
    %reduce_min3A_114 = vector.broadcast %reduce_min3A_113 : i32 to vector<16xi32>
    %reduce_min3A_115 = arith.xori %select_n3A_110, %reduce_min3A_114 : vector<16xi32>
    %reduce_min3A_116 = tpu.scan <min>, %reduce_min3A_115 masked %reduce_min3A_112 : vector<16xi32>, vector<16xi1> -> vector<16xi32>
    %reduce_min3A_117 = arith.xori %reduce_min3A_116, %reduce_min3A_114 : vector<16xi32>
    %reduce_min3A_118 = vector.extract %reduce_min3A_117[15] : i32 from vector<16xi32>
    %sub3A_119 = arith.constant 0 : i32
    %sub3A_120 = vector.broadcast %sub3A_119 : i32 to vector<16xi32>
    %sub3A_121 = arith.subi %select_n3A_31, %sub3A_120 : vector<16xi32>
    %sub3A_122 = arith.constant 2 : i32
    %sub3A_123 = vector.broadcast %sub3A_122 : i32 to vector<16xi32>
    %sub3A_124 = arith.subi %select_n3A_52, %sub3A_123 : vector<16xi32>
    %mul3A_125 = arith.muli %sub3A_121, %sub3A_121 : vector<16xi32>
    %mul3A_126 = arith.muli %sub3A_124, %sub3A_124 : vector<16xi32>
    %add3A_127 = arith.addi %mul3A_125, %mul3A_126 : vector<16xi32>
    %or3A_128 = arith.ori %ge3A_4, %eq3A_7 : vector<16xi1>
    %broadcast_in_dim3A_129 = arith.constant 1000000000 : i32
    %broadcast_in_dim3A_130 = vector.broadcast %broadcast_in_dim3A_129 : i32 to vector<16xi32>
    %select_n3A_131 = arith.select %or3A_128, %broadcast_in_dim3A_130, %add3A_127 : vector<16xi1>, vector<16xi32>
    %reduce_min3A_132 = arith.constant true
    %reduce_min3A_133 = vector.broadcast %reduce_min3A_132 : i1 to vector<16xi1>
    %reduce_min3A_134 = arith.constant -2147483648 : i32
    %reduce_min3A_135 = vector.broadcast %reduce_min3A_134 : i32 to vector<16xi32>
    %reduce_min3A_136 = arith.xori %select_n3A_131, %reduce_min3A_135 : vector<16xi32>
    %reduce_min3A_137 = tpu.scan <min>, %reduce_min3A_136 masked %reduce_min3A_133 : vector<16xi32>, vector<16xi1> -> vector<16xi32>
    %reduce_min3A_138 = arith.xori %reduce_min3A_137, %reduce_min3A_135 : vector<16xi32>
    %reduce_min3A_139 = vector.extract %reduce_min3A_138[15] : i32 from vector<16xi32>
    %broadcast_in_dim3A_140 = vector.broadcast %reduce_min3A_139 : i32 to vector<16xi32>
    %eq3A_141 = arith.cmpi eq, %select_n3A_131, %broadcast_in_dim3A_140 : vector<16xi32>
    %broadcast_in_dim3A_142 = arith.constant 16 : i32
    %broadcast_in_dim3A_143 = vector.broadcast %broadcast_in_dim3A_142 : i32 to vector<16xi32>
    %select_n3A_144 = arith.select %eq3A_141, %iota3A, %broadcast_in_dim3A_143 : vector<16xi1>, vector<16xi32>
    %reduce_min3A_145 = arith.constant true
    %reduce_min3A_146 = vector.broadcast %reduce_min3A_145 : i1 to vector<16xi1>
    %reduce_min3A_147 = arith.constant -2147483648 : i32
    %reduce_min3A_148 = vector.broadcast %reduce_min3A_147 : i32 to vector<16xi32>
    %reduce_min3A_149 = arith.xori %select_n3A_144, %reduce_min3A_148 : vector<16xi32>
    %reduce_min3A_150 = tpu.scan <min>, %reduce_min3A_149 masked %reduce_min3A_146 : vector<16xi32>, vector<16xi1> -> vector<16xi32>
    %reduce_min3A_151 = arith.xori %reduce_min3A_150, %reduce_min3A_148 : vector<16xi32>
    %reduce_min3A_152 = vector.extract %reduce_min3A_151[15] : i32 from vector<16xi32>
    %sub3A_153 = arith.constant 1 : i32
    %sub3A_154 = vector.broadcast %sub3A_153 : i32 to vector<16xi32>
    %sub3A_155 = arith.subi %select_n3A_31, %sub3A_154 : vector<16xi32>
    %sub3A_156 = arith.constant 0 : i32
    %sub3A_157 = vector.broadcast %sub3A_156 : i32 to vector<16xi32>
    %sub3A_158 = arith.subi %select_n3A_52, %sub3A_157 : vector<16xi32>
    %mul3A_159 = arith.muli %sub3A_155, %sub3A_155 : vector<16xi32>
    %mul3A_160 = arith.muli %sub3A_158, %sub3A_158 : vector<16xi32>
    %add3A_161 = arith.addi %mul3A_159, %mul3A_160 : vector<16xi32>
    %or3A_162 = arith.ori %ge3A_4, %eq3A_7 : vector<16xi1>
    %broadcast_in_dim3A_163 = arith.constant 1000000000 : i32
    %broadcast_in_dim3A_164 = vector.broadcast %broadcast_in_dim3A_163 : i32 to vector<16xi32>
    %select_n3A_165 = arith.select %or3A_162, %broadcast_in_dim3A_164, %add3A_161 : vector<16xi1>, vector<16xi32>
    %reduce_min3A_166 = arith.constant true
    %reduce_min3A_167 = vector.broadcast %reduce_min3A_166 : i1 to vector<16xi1>
    %reduce_min3A_168 = arith.constant -2147483648 : i32
    %reduce_min3A_169 = vector.broadcast %reduce_min3A_168 : i32 to vector<16xi32>
    %reduce_min3A_170 = arith.xori %select_n3A_165, %reduce_min3A_169 : vector<16xi32>
    %reduce_min3A_171 = tpu.scan <min>, %reduce_min3A_170 masked %reduce_min3A_167 : vector<16xi32>, vector<16xi1> -> vector<16xi32>
    %reduce_min3A_172 = arith.xori %reduce_min3A_171, %reduce_min3A_169 : vector<16xi32>
    %reduce_min3A_173 = vector.extract %reduce_min3A_172[15] : i32 from vector<16xi32>
    %broadcast_in_dim3A_174 = vector.broadcast %reduce_min3A_173 : i32 to vector<16xi32>
    %eq3A_175 = arith.cmpi eq, %select_n3A_165, %broadcast_in_dim3A_174 : vector<16xi32>
    %broadcast_in_dim3A_176 = arith.constant 16 : i32
    %broadcast_in_dim3A_177 = vector.broadcast %broadcast_in_dim3A_176 : i32 to vector<16xi32>
    %select_n3A_178 = arith.select %eq3A_175, %iota3A, %broadcast_in_dim3A_177 : vector<16xi1>, vector<16xi32>
    %reduce_min3A_179 = arith.constant true
    %reduce_min3A_180 = vector.broadcast %reduce_min3A_179 : i1 to vector<16xi1>
    %reduce_min3A_181 = arith.constant -2147483648 : i32
    %reduce_min3A_182 = vector.broadcast %reduce_min3A_181 : i32 to vector<16xi32>
    %reduce_min3A_183 = arith.xori %select_n3A_178, %reduce_min3A_182 : vector<16xi32>
    %reduce_min3A_184 = tpu.scan <min>, %reduce_min3A_183 masked %reduce_min3A_180 : vector<16xi32>, vector<16xi1> -> vector<16xi32>
    %reduce_min3A_185 = arith.xori %reduce_min3A_184, %reduce_min3A_182 : vector<16xi32>
    %reduce_min3A_186 = vector.extract %reduce_min3A_185[15] : i32 from vector<16xi32>
    %sub3A_187 = arith.constant 1 : i32
    %sub3A_188 = vector.broadcast %sub3A_187 : i32 to vector<16xi32>
    %sub3A_189 = arith.subi %select_n3A_31, %sub3A_188 : vector<16xi32>
    %sub3A_190 = arith.constant 1 : i32
    %sub3A_191 = vector.broadcast %sub3A_190 : i32 to vector<16xi32>
    %sub3A_192 = arith.subi %select_n3A_52, %sub3A_191 : vector<16xi32>
    %mul3A_193 = arith.muli %sub3A_189, %sub3A_189 : vector<16xi32>
    %mul3A_194 = arith.muli %sub3A_192, %sub3A_192 : vector<16xi32>
    %add3A_195 = arith.addi %mul3A_193, %mul3A_194 : vector<16xi32>
    %or3A_196 = arith.ori %ge3A_4, %eq3A_7 : vector<16xi1>
    %broadcast_in_dim3A_197 = arith.constant 1000000000 : i32
    %broadcast_in_dim3A_198 = vector.broadcast %broadcast_in_dim3A_197 : i32 to vector<16xi32>
    %select_n3A_199 = arith.select %or3A_196, %broadcast_in_dim3A_198, %add3A_195 : vector<16xi1>, vector<16xi32>
    %reduce_min3A_200 = arith.constant true
    %reduce_min3A_201 = vector.broadcast %reduce_min3A_200 : i1 to vector<16xi1>
    %reduce_min3A_202 = arith.constant -2147483648 : i32
    %reduce_min3A_203 = vector.broadcast %reduce_min3A_202 : i32 to vector<16xi32>
    %reduce_min3A_204 = arith.xori %select_n3A_199, %reduce_min3A_203 : vector<16xi32>
    %reduce_min3A_205 = tpu.scan <min>, %reduce_min3A_204 masked %reduce_min3A_201 : vector<16xi32>, vector<16xi1> -> vector<16xi32>
    %reduce_min3A_206 = arith.xori %reduce_min3A_205, %reduce_min3A_203 : vector<16xi32>
    %reduce_min3A_207 = vector.extract %reduce_min3A_206[15] : i32 from vector<16xi32>
    %broadcast_in_dim3A_208 = vector.broadcast %reduce_min3A_207 : i32 to vector<16xi32>
    %eq3A_209 = arith.cmpi eq, %select_n3A_199, %broadcast_in_dim3A_208 : vector<16xi32>
    %broadcast_in_dim3A_210 = arith.constant 16 : i32
    %broadcast_in_dim3A_211 = vector.broadcast %broadcast_in_dim3A_210 : i32 to vector<16xi32>
    %select_n3A_212 = arith.select %eq3A_209, %iota3A, %broadcast_in_dim3A_211 : vector<16xi1>, vector<16xi32>
    %reduce_min3A_213 = arith.constant true
    %reduce_min3A_214 = vector.broadcast %reduce_min3A_213 : i1 to vector<16xi1>
    %reduce_min3A_215 = arith.constant -2147483648 : i32
    %reduce_min3A_216 = vector.broadcast %reduce_min3A_215 : i32 to vector<16xi32>
    %reduce_min3A_217 = arith.xori %select_n3A_212, %reduce_min3A_216 : vector<16xi32>
    %reduce_min3A_218 = tpu.scan <min>, %reduce_min3A_217 masked %reduce_min3A_214 : vector<16xi32>, vector<16xi1> -> vector<16xi32>
    %reduce_min3A_219 = arith.xori %reduce_min3A_218, %reduce_min3A_216 : vector<16xi32>
    %reduce_min3A_220 = vector.extract %reduce_min3A_219[15] : i32 from vector<16xi32>
    %sub3A_221 = arith.constant 1 : i32
    %sub3A_222 = vector.broadcast %sub3A_221 : i32 to vector<16xi32>
    %sub3A_223 = arith.subi %select_n3A_31, %sub3A_222 : vector<16xi32>
    %sub3A_224 = arith.constant 2 : i32
    %sub3A_225 = vector.broadcast %sub3A_224 : i32 to vector<16xi32>
    %sub3A_226 = arith.subi %select_n3A_52, %sub3A_225 : vector<16xi32>
    %mul3A_227 = arith.muli %sub3A_223, %sub3A_223 : vector<16xi32>
    %mul3A_228 = arith.muli %sub3A_226, %sub3A_226 : vector<16xi32>
    %add3A_229 = arith.addi %mul3A_227, %mul3A_228 : vector<16xi32>
    %or3A_230 = arith.ori %ge3A_4, %eq3A_7 : vector<16xi1>
    %broadcast_in_dim3A_231 = arith.constant 1000000000 : i32
    %broadcast_in_dim3A_232 = vector.broadcast %broadcast_in_dim3A_231 : i32 to vector<16xi32>
    %select_n3A_233 = arith.select %or3A_230, %broadcast_in_dim3A_232, %add3A_229 : vector<16xi1>, vector<16xi32>
    %reduce_min3A_234 = arith.constant true
    %reduce_min3A_235 = vector.broadcast %reduce_min3A_234 : i1 to vector<16xi1>
    %reduce_min3A_236 = arith.constant -2147483648 : i32
    %reduce_min3A_237 = vector.broadcast %reduce_min3A_236 : i32 to vector<16xi32>
    %reduce_min3A_238 = arith.xori %select_n3A_233, %reduce_min3A_237 : vector<16xi32>
    %reduce_min3A_239 = tpu.scan <min>, %reduce_min3A_238 masked %reduce_min3A_235 : vector<16xi32>, vector<16xi1> -> vector<16xi32>
    %reduce_min3A_240 = arith.xori %reduce_min3A_239, %reduce_min3A_237 : vector<16xi32>
    %reduce_min3A_241 = vector.extract %reduce_min3A_240[15] : i32 from vector<16xi32>
    %broadcast_in_dim3A_242 = vector.broadcast %reduce_min3A_241 : i32 to vector<16xi32>
    %eq3A_243 = arith.cmpi eq, %select_n3A_233, %broadcast_in_dim3A_242 : vector<16xi32>
    %broadcast_in_dim3A_244 = arith.constant 16 : i32
    %broadcast_in_dim3A_245 = vector.broadcast %broadcast_in_dim3A_244 : i32 to vector<16xi32>
    %select_n3A_246 = arith.select %eq3A_243, %iota3A, %broadcast_in_dim3A_245 : vector<16xi1>, vector<16xi32>
    %reduce_min3A_247 = arith.constant true
    %reduce_min3A_248 = vector.broadcast %reduce_min3A_247 : i1 to vector<16xi1>
    %reduce_min3A_249 = arith.constant -2147483648 : i32
    %reduce_min3A_250 = vector.broadcast %reduce_min3A_249 : i32 to vector<16xi32>
    %reduce_min3A_251 = arith.xori %select_n3A_246, %reduce_min3A_250 : vector<16xi32>
    %reduce_min3A_252 = tpu.scan <min>, %reduce_min3A_251 masked %reduce_min3A_248 : vector<16xi32>, vector<16xi1> -> vector<16xi32>
    %reduce_min3A_253 = arith.xori %reduce_min3A_252, %reduce_min3A_250 : vector<16xi32>
    %reduce_min3A_254 = vector.extract %reduce_min3A_253[15] : i32 from vector<16xi32>
    %sub3A_255 = arith.constant 2 : i32
    %sub3A_256 = vector.broadcast %sub3A_255 : i32 to vector<16xi32>
    %sub3A_257 = arith.subi %select_n3A_31, %sub3A_256 : vector<16xi32>
    %sub3A_258 = arith.constant 0 : i32
    %sub3A_259 = vector.broadcast %sub3A_258 : i32 to vector<16xi32>
    %sub3A_260 = arith.subi %select_n3A_52, %sub3A_259 : vector<16xi32>
    %mul3A_261 = arith.muli %sub3A_257, %sub3A_257 : vector<16xi32>
    %mul3A_262 = arith.muli %sub3A_260, %sub3A_260 : vector<16xi32>
    %add3A_263 = arith.addi %mul3A_261, %mul3A_262 : vector<16xi32>
    %or3A_264 = arith.ori %ge3A_4, %eq3A_7 : vector<16xi1>
    %broadcast_in_dim3A_265 = arith.constant 1000000000 : i32
    %broadcast_in_dim3A_266 = vector.broadcast %broadcast_in_dim3A_265 : i32 to vector<16xi32>
    %select_n3A_267 = arith.select %or3A_264, %broadcast_in_dim3A_266, %add3A_263 : vector<16xi1>, vector<16xi32>
    %reduce_min3A_268 = arith.constant true
    %reduce_min3A_269 = vector.broadcast %reduce_min3A_268 : i1 to vector<16xi1>
    %reduce_min3A_270 = arith.constant -2147483648 : i32
    %reduce_min3A_271 = vector.broadcast %reduce_min3A_270 : i32 to vector<16xi32>
    %reduce_min3A_272 = arith.xori %select_n3A_267, %reduce_min3A_271 : vector<16xi32>
    %reduce_min3A_273 = tpu.scan <min>, %reduce_min3A_272 masked %reduce_min3A_269 : vector<16xi32>, vector<16xi1> -> vector<16xi32>
    %reduce_min3A_274 = arith.xori %reduce_min3A_273, %reduce_min3A_271 : vector<16xi32>
    %reduce_min3A_275 = vector.extract %reduce_min3A_274[15] : i32 from vector<16xi32>
    %broadcast_in_dim3A_276 = vector.broadcast %reduce_min3A_275 : i32 to vector<16xi32>
    %eq3A_277 = arith.cmpi eq, %select_n3A_267, %broadcast_in_dim3A_276 : vector<16xi32>
    %broadcast_in_dim3A_278 = arith.constant 16 : i32
    %broadcast_in_dim3A_279 = vector.broadcast %broadcast_in_dim3A_278 : i32 to vector<16xi32>
    %select_n3A_280 = arith.select %eq3A_277, %iota3A, %broadcast_in_dim3A_279 : vector<16xi1>, vector<16xi32>
    %reduce_min3A_281 = arith.constant true
    %reduce_min3A_282 = vector.broadcast %reduce_min3A_281 : i1 to vector<16xi1>
    %reduce_min3A_283 = arith.constant -2147483648 : i32
    %reduce_min3A_284 = vector.broadcast %reduce_min3A_283 : i32 to vector<16xi32>
    %reduce_min3A_285 = arith.xori %select_n3A_280, %reduce_min3A_284 : vector<16xi32>
    %reduce_min3A_286 = tpu.scan <min>, %reduce_min3A_285 masked %reduce_min3A_282 : vector<16xi32>, vector<16xi1> -> vector<16xi32>
    %reduce_min3A_287 = arith.xori %reduce_min3A_286, %reduce_min3A_284 : vector<16xi32>
    %reduce_min3A_288 = vector.extract %reduce_min3A_287[15] : i32 from vector<16xi32>
    %sub3A_289 = arith.constant 2 : i32
    %sub3A_290 = vector.broadcast %sub3A_289 : i32 to vector<16xi32>
    %sub3A_291 = arith.subi %select_n3A_31, %sub3A_290 : vector<16xi32>
    %sub3A_292 = arith.constant 1 : i32
    %sub3A_293 = vector.broadcast %sub3A_292 : i32 to vector<16xi32>
    %sub3A_294 = arith.subi %select_n3A_52, %sub3A_293 : vector<16xi32>
    %mul3A_295 = arith.muli %sub3A_291, %sub3A_291 : vector<16xi32>
    %mul3A_296 = arith.muli %sub3A_294, %sub3A_294 : vector<16xi32>
    %add3A_297 = arith.addi %mul3A_295, %mul3A_296 : vector<16xi32>
    %or3A_298 = arith.ori %ge3A_4, %eq3A_7 : vector<16xi1>
    %broadcast_in_dim3A_299 = arith.constant 1000000000 : i32
    %broadcast_in_dim3A_300 = vector.broadcast %broadcast_in_dim3A_299 : i32 to vector<16xi32>
    %select_n3A_301 = arith.select %or3A_298, %broadcast_in_dim3A_300, %add3A_297 : vector<16xi1>, vector<16xi32>
    %reduce_min3A_302 = arith.constant true
    %reduce_min3A_303 = vector.broadcast %reduce_min3A_302 : i1 to vector<16xi1>
    %reduce_min3A_304 = arith.constant -2147483648 : i32
    %reduce_min3A_305 = vector.broadcast %reduce_min3A_304 : i32 to vector<16xi32>
    %reduce_min3A_306 = arith.xori %select_n3A_301, %reduce_min3A_305 : vector<16xi32>
    %reduce_min3A_307 = tpu.scan <min>, %reduce_min3A_306 masked %reduce_min3A_303 : vector<16xi32>, vector<16xi1> -> vector<16xi32>
    %reduce_min3A_308 = arith.xori %reduce_min3A_307, %reduce_min3A_305 : vector<16xi32>
    %reduce_min3A_309 = vector.extract %reduce_min3A_308[15] : i32 from vector<16xi32>
    %broadcast_in_dim3A_310 = vector.broadcast %reduce_min3A_309 : i32 to vector<16xi32>
    %eq3A_311 = arith.cmpi eq, %select_n3A_301, %broadcast_in_dim3A_310 : vector<16xi32>
    %broadcast_in_dim3A_312 = arith.constant 16 : i32
    %broadcast_in_dim3A_313 = vector.broadcast %broadcast_in_dim3A_312 : i32 to vector<16xi32>
    %select_n3A_314 = arith.select %eq3A_311, %iota3A, %broadcast_in_dim3A_313 : vector<16xi1>, vector<16xi32>
    %reduce_min3A_315 = arith.constant true
    %reduce_min3A_316 = vector.broadcast %reduce_min3A_315 : i1 to vector<16xi1>
    %reduce_min3A_317 = arith.constant -2147483648 : i32
    %reduce_min3A_318 = vector.broadcast %reduce_min3A_317 : i32 to vector<16xi32>
    %reduce_min3A_319 = arith.xori %select_n3A_314, %reduce_min3A_318 : vector<16xi32>
    %reduce_min3A_320 = tpu.scan <min>, %reduce_min3A_319 masked %reduce_min3A_316 : vector<16xi32>, vector<16xi1> -> vector<16xi32>
    %reduce_min3A_321 = arith.xori %reduce_min3A_320, %reduce_min3A_318 : vector<16xi32>
    %reduce_min3A_322 = vector.extract %reduce_min3A_321[15] : i32 from vector<16xi32>
    %sub3A_323 = arith.constant 2 : i32
    %sub3A_324 = vector.broadcast %sub3A_323 : i32 to vector<16xi32>
    %sub3A_325 = arith.subi %select_n3A_31, %sub3A_324 : vector<16xi32>
    %sub3A_326 = arith.constant 2 : i32
    %sub3A_327 = vector.broadcast %sub3A_326 : i32 to vector<16xi32>
    %sub3A_328 = arith.subi %select_n3A_52, %sub3A_327 : vector<16xi32>
    %mul3A_329 = arith.muli %sub3A_325, %sub3A_325 : vector<16xi32>
    %mul3A_330 = arith.muli %sub3A_328, %sub3A_328 : vector<16xi32>
    %add3A_331 = arith.addi %mul3A_329, %mul3A_330 : vector<16xi32>
    %or3A_332 = arith.ori %ge3A_4, %eq3A_7 : vector<16xi1>
    %broadcast_in_dim3A_333 = arith.constant 1000000000 : i32
    %broadcast_in_dim3A_334 = vector.broadcast %broadcast_in_dim3A_333 : i32 to vector<16xi32>
    %select_n3A_335 = arith.select %or3A_332, %broadcast_in_dim3A_334, %add3A_331 : vector<16xi1>, vector<16xi32>
    %reduce_min3A_336 = arith.constant true
    %reduce_min3A_337 = vector.broadcast %reduce_min3A_336 : i1 to vector<16xi1>
    %reduce_min3A_338 = arith.constant -2147483648 : i32
    %reduce_min3A_339 = vector.broadcast %reduce_min3A_338 : i32 to vector<16xi32>
    %reduce_min3A_340 = arith.xori %select_n3A_335, %reduce_min3A_339 : vector<16xi32>
    %reduce_min3A_341 = tpu.scan <min>, %reduce_min3A_340 masked %reduce_min3A_337 : vector<16xi32>, vector<16xi1> -> vector<16xi32>
    %reduce_min3A_342 = arith.xori %reduce_min3A_341, %reduce_min3A_339 : vector<16xi32>
    %reduce_min3A_343 = vector.extract %reduce_min3A_342[15] : i32 from vector<16xi32>
    %broadcast_in_dim3A_344 = vector.broadcast %reduce_min3A_343 : i32 to vector<16xi32>
    %eq3A_345 = arith.cmpi eq, %select_n3A_335, %broadcast_in_dim3A_344 : vector<16xi32>
    %broadcast_in_dim3A_346 = arith.constant 16 : i32
    %broadcast_in_dim3A_347 = vector.broadcast %broadcast_in_dim3A_346 : i32 to vector<16xi32>
    %select_n3A_348 = arith.select %eq3A_345, %iota3A, %broadcast_in_dim3A_347 : vector<16xi1>, vector<16xi32>
    %reduce_min3A_349 = arith.constant true
    %reduce_min3A_350 = vector.broadcast %reduce_min3A_349 : i1 to vector<16xi1>
    %reduce_min3A_351 = arith.constant -2147483648 : i32
    %reduce_min3A_352 = vector.broadcast %reduce_min3A_351 : i32 to vector<16xi32>
    %reduce_min3A_353 = arith.xori %select_n3A_348, %reduce_min3A_352 : vector<16xi32>
    %reduce_min3A_354 = tpu.scan <min>, %reduce_min3A_353 masked %reduce_min3A_350 : vector<16xi32>, vector<16xi1> -> vector<16xi32>
    %reduce_min3A_355 = arith.xori %reduce_min3A_354, %reduce_min3A_352 : vector<16xi32>
    %reduce_min3A_356 = vector.extract %reduce_min3A_355[15] : i32 from vector<16xi32>
    "tpu.region"() ({
      %run_scoped3A_585 = tpu.sem_alloc : memref<!tpu.dma_semaphore, #tpu.memory_space<semaphore_mem>>
      tpu.enqueue_dma source(%arg3 : memref<420xf32, #tpu.memory_space<hbm>>) target(%arg9 : memref<420xf32, #tpu.memory_space<vmem>>) target_semaphore(%run_scoped3A_585 : memref<!tpu.dma_semaphore, #tpu.memory_space<semaphore_mem>>)
      tpu.wait_dma2 semaphore(%run_scoped3A_585 : memref<!tpu.dma_semaphore, #tpu.memory_space<semaphore_mem>>) src(%arg3 : memref<420xf32, #tpu.memory_space<hbm>>) dst(%arg9 : memref<420xf32, #tpu.memory_space<vmem>>)
      tpu.yield
    }) : () -> ()
    "tpu.region"() ({
      %run_scoped3A_585 = tpu.sem_alloc : memref<!tpu.dma_semaphore, #tpu.memory_space<semaphore_mem>>
      tpu.enqueue_dma source(%arg4 : memref<105xf32, #tpu.memory_space<hbm>>) target(%arg10 : memref<105xf32, #tpu.memory_space<vmem>>) target_semaphore(%run_scoped3A_585 : memref<!tpu.dma_semaphore, #tpu.memory_space<semaphore_mem>>)
      tpu.wait_dma2 semaphore(%run_scoped3A_585 : memref<!tpu.dma_semaphore, #tpu.memory_space<semaphore_mem>>) src(%arg4 : memref<105xf32, #tpu.memory_space<hbm>>) dst(%arg10 : memref<105xf32, #tpu.memory_space<vmem>>)
      tpu.yield
    }) : () -> ()
    %dma_start3A = arith.constant 0 : i32
    %dma_start3A_357 = arith.constant 0 : i32
    %dma_start3A_358 = arith.constant 0 : i32
    %dma_start3A_359 = arith.constant 0 : i32
    %dma_start3A_360 = arith.constant 0 : i32
    %dma_start3A_361 = tpu.memref_slice %arg6[%dma_start3A, %dma_start3A_357, %dma_start3A_358, %dma_start3A_359, %dma_start3A_360] : memref<2x9x1x8x512xf32, #tpu.memory_space<vmem>> -> memref<1x1x1x8x512xf32, #tpu.memory_space<vmem>>
    %dma_start3A_362 = tpu.memref_squeeze %dma_start3A_361 : memref<1x1x1x8x512xf32, #tpu.memory_space<vmem>> -> memref<1x8x512xf32, #tpu.memory_space<vmem>>
    %dma_start3A_363 = arith.constant 0 : i32
    %dma_start3A_364 = tpu.memref_slice %arg2[%reduce_min3A_84, %dma_start3A_363, %mul3A_2] : memref<9x105x16384xf32, #tpu.memory_space<hbm>> -> memref<1x8x512xf32, #tpu.memory_space<hbm>>
    %dma_start3A_365 = arith.constant 0 : i32
    %dma_start3A_366 = arith.constant 0 : i32
    %dma_start3A_367 = arith.constant 0 : i32
    %dma_start3A_368 = tpu.memref_slice %arg6[%dma_start3A, %dma_start3A_357, %dma_start3A_365, %dma_start3A_366, %dma_start3A_367] : memref<2x9x1x8x512xf32, #tpu.memory_space<vmem>> -> memref<1x1x1x8x512xf32, #tpu.memory_space<vmem>>
    %dma_start3A_369 = tpu.memref_squeeze %dma_start3A_368 : memref<1x1x1x8x512xf32, #tpu.memory_space<vmem>> -> memref<1x8x512xf32, #tpu.memory_space<vmem>>
    %dma_start3A_370 = arith.constant 0 : i32
    %dma_start3A_371 = tpu.memref_slice %arg2[%reduce_min3A_84, %dma_start3A_370, %mul3A_2] : memref<9x105x16384xf32, #tpu.memory_space<hbm>> -> memref<1x8x512xf32, #tpu.memory_space<hbm>>
    tpu.enqueue_dma source(%dma_start3A_371 : memref<1x8x512xf32, #tpu.memory_space<hbm>>) target(%dma_start3A_369 : memref<1x8x512xf32, #tpu.memory_space<vmem>>) target_semaphore(%arg12 : memref<!tpu.dma_semaphore, #tpu.memory_space<semaphore_mem>>)
    %dma_start3A_372 = arith.constant 0 : i32
    %dma_start3A_373 = arith.constant 1 : i32
    %dma_start3A_374 = arith.constant 0 : i32
    %dma_start3A_375 = arith.constant 0 : i32
    %dma_start3A_376 = arith.constant 0 : i32
    %dma_start3A_377 = tpu.memref_slice %arg6[%dma_start3A_372, %dma_start3A_373, %dma_start3A_374, %dma_start3A_375, %dma_start3A_376] : memref<2x9x1x8x512xf32, #tpu.memory_space<vmem>> -> memref<1x1x1x8x512xf32, #tpu.memory_space<vmem>>
    %dma_start3A_378 = tpu.memref_squeeze %dma_start3A_377 : memref<1x1x1x8x512xf32, #tpu.memory_space<vmem>> -> memref<1x8x512xf32, #tpu.memory_space<vmem>>
    %dma_start3A_379 = arith.constant 0 : i32
    %dma_start3A_380 = tpu.memref_slice %arg2[%reduce_min3A_118, %dma_start3A_379, %mul3A_2] : memref<9x105x16384xf32, #tpu.memory_space<hbm>> -> memref<1x8x512xf32, #tpu.memory_space<hbm>>
    %dma_start3A_381 = arith.constant 0 : i32
    %dma_start3A_382 = arith.constant 0 : i32
    %dma_start3A_383 = arith.constant 0 : i32
    %dma_start3A_384 = tpu.memref_slice %arg6[%dma_start3A_372, %dma_start3A_373, %dma_start3A_381, %dma_start3A_382, %dma_start3A_383] : memref<2x9x1x8x512xf32, #tpu.memory_space<vmem>> -> memref<1x1x1x8x512xf32, #tpu.memory_space<vmem>>
    %dma_start3A_385 = tpu.memref_squeeze %dma_start3A_384 : memref<1x1x1x8x512xf32, #tpu.memory_space<vmem>> -> memref<1x8x512xf32, #tpu.memory_space<vmem>>
    %dma_start3A_386 = arith.constant 0 : i32
    %dma_start3A_387 = tpu.memref_slice %arg2[%reduce_min3A_118, %dma_start3A_386, %mul3A_2] : memref<9x105x16384xf32, #tpu.memory_space<hbm>> -> memref<1x8x512xf32, #tpu.memory_space<hbm>>
    tpu.enqueue_dma source(%dma_start3A_387 : memref<1x8x512xf32, #tpu.memory_space<hbm>>) target(%dma_start3A_385 : memref<1x8x512xf32, #tpu.memory_space<vmem>>) target_semaphore(%arg12 : memref<!tpu.dma_semaphore, #tpu.memory_space<semaphore_mem>>)
    %dma_start3A_388 = arith.constant 0 : i32
    %dma_start3A_389 = arith.constant 2 : i32
    %dma_start3A_390 = arith.constant 0 : i32
    %dma_start3A_391 = arith.constant 0 : i32
    %dma_start3A_392 = arith.constant 0 : i32
    %dma_start3A_393 = tpu.memref_slice %arg6[%dma_start3A_388, %dma_start3A_389, %dma_start3A_390, %dma_start3A_391, %dma_start3A_392] : memref<2x9x1x8x512xf32, #tpu.memory_space<vmem>> -> memref<1x1x1x8x512xf32, #tpu.memory_space<vmem>>
    %dma_start3A_394 = tpu.memref_squeeze %dma_start3A_393 : memref<1x1x1x8x512xf32, #tpu.memory_space<vmem>> -> memref<1x8x512xf32, #tpu.memory_space<vmem>>
    %dma_start3A_395 = arith.constant 0 : i32
    %dma_start3A_396 = tpu.memref_slice %arg2[%reduce_min3A_152, %dma_start3A_395, %mul3A_2] : memref<9x105x16384xf32, #tpu.memory_space<hbm>> -> memref<1x8x512xf32, #tpu.memory_space<hbm>>
    %dma_start3A_397 = arith.constant 0 : i32
    %dma_start3A_398 = arith.constant 0 : i32
    %dma_start3A_399 = arith.constant 0 : i32
    %dma_start3A_400 = tpu.memref_slice %arg6[%dma_start3A_388, %dma_start3A_389, %dma_start3A_397, %dma_start3A_398, %dma_start3A_399] : memref<2x9x1x8x512xf32, #tpu.memory_space<vmem>> -> memref<1x1x1x8x512xf32, #tpu.memory_space<vmem>>
    %dma_start3A_401 = tpu.memref_squeeze %dma_start3A_400 : memref<1x1x1x8x512xf32, #tpu.memory_space<vmem>> -> memref<1x8x512xf32, #tpu.memory_space<vmem>>
    %dma_start3A_402 = arith.constant 0 : i32
    %dma_start3A_403 = tpu.memref_slice %arg2[%reduce_min3A_152, %dma_start3A_402, %mul3A_2] : memref<9x105x16384xf32, #tpu.memory_space<hbm>> -> memref<1x8x512xf32, #tpu.memory_space<hbm>>
    tpu.enqueue_dma source(%dma_start3A_403 : memref<1x8x512xf32, #tpu.memory_space<hbm>>) target(%dma_start3A_401 : memref<1x8x512xf32, #tpu.memory_space<vmem>>) target_semaphore(%arg12 : memref<!tpu.dma_semaphore, #tpu.memory_space<semaphore_mem>>)
    %dma_start3A_404 = arith.constant 0 : i32
    %dma_start3A_405 = arith.constant 3 : i32
    %dma_start3A_406 = arith.constant 0 : i32
    %dma_start3A_407 = arith.constant 0 : i32
    %dma_start3A_408 = arith.constant 0 : i32
    %dma_start3A_409 = tpu.memref_slice %arg6[%dma_start3A_404, %dma_start3A_405, %dma_start3A_406, %dma_start3A_407, %dma_start3A_408] : memref<2x9x1x8x512xf32, #tpu.memory_space<vmem>> -> memref<1x1x1x8x512xf32, #tpu.memory_space<vmem>>
    %dma_start3A_410 = tpu.memref_squeeze %dma_start3A_409 : memref<1x1x1x8x512xf32, #tpu.memory_space<vmem>> -> memref<1x8x512xf32, #tpu.memory_space<vmem>>
    %dma_start3A_411 = arith.constant 0 : i32
    %dma_start3A_412 = tpu.memref_slice %arg2[%reduce_min3A_186, %dma_start3A_411, %mul3A_2] : memref<9x105x16384xf32, #tpu.memory_space<hbm>> -> memref<1x8x512xf32, #tpu.memory_space<hbm>>
    %dma_start3A_413 = arith.constant 0 : i32
    %dma_start3A_414 = arith.constant 0 : i32
    %dma_start3A_415 = arith.constant 0 : i32
    %dma_start3A_416 = tpu.memref_slice %arg6[%dma_start3A_404, %dma_start3A_405, %dma_start3A_413, %dma_start3A_414, %dma_start3A_415] : memref<2x9x1x8x512xf32, #tpu.memory_space<vmem>> -> memref<1x1x1x8x512xf32, #tpu.memory_space<vmem>>
    %dma_start3A_417 = tpu.memref_squeeze %dma_start3A_416 : memref<1x1x1x8x512xf32, #tpu.memory_space<vmem>> -> memref<1x8x512xf32, #tpu.memory_space<vmem>>
    %dma_start3A_418 = arith.constant 0 : i32
    %dma_start3A_419 = tpu.memref_slice %arg2[%reduce_min3A_186, %dma_start3A_418, %mul3A_2] : memref<9x105x16384xf32, #tpu.memory_space<hbm>> -> memref<1x8x512xf32, #tpu.memory_space<hbm>>
    tpu.enqueue_dma source(%dma_start3A_419 : memref<1x8x512xf32, #tpu.memory_space<hbm>>) target(%dma_start3A_417 : memref<1x8x512xf32, #tpu.memory_space<vmem>>) target_semaphore(%arg12 : memref<!tpu.dma_semaphore, #tpu.memory_space<semaphore_mem>>)
    %dma_start3A_420 = arith.constant 0 : i32
    %dma_start3A_421 = arith.constant 4 : i32
    %dma_start3A_422 = arith.constant 0 : i32
    %dma_start3A_423 = arith.constant 0 : i32
    %dma_start3A_424 = arith.constant 0 : i32
    %dma_start3A_425 = tpu.memref_slice %arg6[%dma_start3A_420, %dma_start3A_421, %dma_start3A_422, %dma_start3A_423, %dma_start3A_424] : memref<2x9x1x8x512xf32, #tpu.memory_space<vmem>> -> memref<1x1x1x8x512xf32, #tpu.memory_space<vmem>>
    %dma_start3A_426 = tpu.memref_squeeze %dma_start3A_425 : memref<1x1x1x8x512xf32, #tpu.memory_space<vmem>> -> memref<1x8x512xf32, #tpu.memory_space<vmem>>
    %dma_start3A_427 = arith.constant 0 : i32
    %dma_start3A_428 = tpu.memref_slice %arg2[%reduce_min3A_220, %dma_start3A_427, %mul3A_2] : memref<9x105x16384xf32, #tpu.memory_space<hbm>> -> memref<1x8x512xf32, #tpu.memory_space<hbm>>
    %dma_start3A_429 = arith.constant 0 : i32
    %dma_start3A_430 = arith.constant 0 : i32
    %dma_start3A_431 = arith.constant 0 : i32
    %dma_start3A_432 = tpu.memref_slice %arg6[%dma_start3A_420, %dma_start3A_421, %dma_start3A_429, %dma_start3A_430, %dma_start3A_431] : memref<2x9x1x8x512xf32, #tpu.memory_space<vmem>> -> memref<1x1x1x8x512xf32, #tpu.memory_space<vmem>>
    %dma_start3A_433 = tpu.memref_squeeze %dma_start3A_432 : memref<1x1x1x8x512xf32, #tpu.memory_space<vmem>> -> memref<1x8x512xf32, #tpu.memory_space<vmem>>
    %dma_start3A_434 = arith.constant 0 : i32
    %dma_start3A_435 = tpu.memref_slice %arg2[%reduce_min3A_220, %dma_start3A_434, %mul3A_2] : memref<9x105x16384xf32, #tpu.memory_space<hbm>> -> memref<1x8x512xf32, #tpu.memory_space<hbm>>
    tpu.enqueue_dma source(%dma_start3A_435 : memref<1x8x512xf32, #tpu.memory_space<hbm>>) target(%dma_start3A_433 : memref<1x8x512xf32, #tpu.memory_space<vmem>>) target_semaphore(%arg12 : memref<!tpu.dma_semaphore, #tpu.memory_space<semaphore_mem>>)
    %dma_start3A_436 = arith.constant 0 : i32
    %dma_start3A_437 = arith.constant 5 : i32
    %dma_start3A_438 = arith.constant 0 : i32
    %dma_start3A_439 = arith.constant 0 : i32
    %dma_start3A_440 = arith.constant 0 : i32
    %dma_start3A_441 = tpu.memref_slice %arg6[%dma_start3A_436, %dma_start3A_437, %dma_start3A_438, %dma_start3A_439, %dma_start3A_440] : memref<2x9x1x8x512xf32, #tpu.memory_space<vmem>> -> memref<1x1x1x8x512xf32, #tpu.memory_space<vmem>>
    %dma_start3A_442 = tpu.memref_squeeze %dma_start3A_441 : memref<1x1x1x8x512xf32, #tpu.memory_space<vmem>> -> memref<1x8x512xf32, #tpu.memory_space<vmem>>
    %dma_start3A_443 = arith.constant 0 : i32
    %dma_start3A_444 = tpu.memref_slice %arg2[%reduce_min3A_254, %dma_start3A_443, %mul3A_2] : memref<9x105x16384xf32, #tpu.memory_space<hbm>> -> memref<1x8x512xf32, #tpu.memory_space<hbm>>
    %dma_start3A_445 = arith.constant 0 : i32
    %dma_start3A_446 = arith.constant 0 : i32
    %dma_start3A_447 = arith.constant 0 : i32
    %dma_start3A_448 = tpu.memref_slice %arg6[%dma_start3A_436, %dma_start3A_437, %dma_start3A_445, %dma_start3A_446, %dma_start3A_447] : memref<2x9x1x8x512xf32, #tpu.memory_space<vmem>> -> memref<1x1x1x8x512xf32, #tpu.memory_space<vmem>>
    %dma_start3A_449 = tpu.memref_squeeze %dma_start3A_448 : memref<1x1x1x8x512xf32, #tpu.memory_space<vmem>> -> memref<1x8x512xf32, #tpu.memory_space<vmem>>
    %dma_start3A_450 = arith.constant 0 : i32
    %dma_start3A_451 = tpu.memref_slice %arg2[%reduce_min3A_254, %dma_start3A_450, %mul3A_2] : memref<9x105x16384xf32, #tpu.memory_space<hbm>> -> memref<1x8x512xf32, #tpu.memory_space<hbm>>
    tpu.enqueue_dma source(%dma_start3A_451 : memref<1x8x512xf32, #tpu.memory_space<hbm>>) target(%dma_start3A_449 : memref<1x8x512xf32, #tpu.memory_space<vmem>>) target_semaphore(%arg12 : memref<!tpu.dma_semaphore, #tpu.memory_space<semaphore_mem>>)
    %dma_start3A_452 = arith.constant 0 : i32
    %dma_start3A_453 = arith.constant 6 : i32
    %dma_start3A_454 = arith.constant 0 : i32
    %dma_start3A_455 = arith.constant 0 : i32
    %dma_start3A_456 = arith.constant 0 : i32
    %dma_start3A_457 = tpu.memref_slice %arg6[%dma_start3A_452, %dma_start3A_453, %dma_start3A_454, %dma_start3A_455, %dma_start3A_456] : memref<2x9x1x8x512xf32, #tpu.memory_space<vmem>> -> memref<1x1x1x8x512xf32, #tpu.memory_space<vmem>>
    %dma_start3A_458 = tpu.memref_squeeze %dma_start3A_457 : memref<1x1x1x8x512xf32, #tpu.memory_space<vmem>> -> memref<1x8x512xf32, #tpu.memory_space<vmem>>
    %dma_start3A_459 = arith.constant 0 : i32
    %dma_start3A_460 = tpu.memref_slice %arg2[%reduce_min3A_288, %dma_start3A_459, %mul3A_2] : memref<9x105x16384xf32, #tpu.memory_space<hbm>> -> memref<1x8x512xf32, #tpu.memory_space<hbm>>
    %dma_start3A_461 = arith.constant 0 : i32
    %dma_start3A_462 = arith.constant 0 : i32
    %dma_start3A_463 = arith.constant 0 : i32
    %dma_start3A_464 = tpu.memref_slice %arg6[%dma_start3A_452, %dma_start3A_453, %dma_start3A_461, %dma_start3A_462, %dma_start3A_463] : memref<2x9x1x8x512xf32, #tpu.memory_space<vmem>> -> memref<1x1x1x8x512xf32, #tpu.memory_space<vmem>>
    %dma_start3A_465 = tpu.memref_squeeze %dma_start3A_464 : memref<1x1x1x8x512xf32, #tpu.memory_space<vmem>> -> memref<1x8x512xf32, #tpu.memory_space<vmem>>
    %dma_start3A_466 = arith.constant 0 : i32
    %dma_start3A_467 = tpu.memref_slice %arg2[%reduce_min3A_288, %dma_start3A_466, %mul3A_2] : memref<9x105x16384xf32, #tpu.memory_space<hbm>> -> memref<1x8x512xf32, #tpu.memory_space<hbm>>
    tpu.enqueue_dma source(%dma_start3A_467 : memref<1x8x512xf32, #tpu.memory_space<hbm>>) target(%dma_start3A_465 : memref<1x8x512xf32, #tpu.memory_space<vmem>>) target_semaphore(%arg12 : memref<!tpu.dma_semaphore, #tpu.memory_space<semaphore_mem>>)
    %dma_start3A_468 = arith.constant 0 : i32
    %dma_start3A_469 = arith.constant 7 : i32
    %dma_start3A_470 = arith.constant 0 : i32
    %dma_start3A_471 = arith.constant 0 : i32
    %dma_start3A_472 = arith.constant 0 : i32
    %dma_start3A_473 = tpu.memref_slice %arg6[%dma_start3A_468, %dma_start3A_469, %dma_start3A_470, %dma_start3A_471, %dma_start3A_472] : memref<2x9x1x8x512xf32, #tpu.memory_space<vmem>> -> memref<1x1x1x8x512xf32, #tpu.memory_space<vmem>>
    %dma_start3A_474 = tpu.memref_squeeze %dma_start3A_473 : memref<1x1x1x8x512xf32, #tpu.memory_space<vmem>> -> memref<1x8x512xf32, #tpu.memory_space<vmem>>
    %dma_start3A_475 = arith.constant 0 : i32
    %dma_start3A_476 = tpu.memref_slice %arg2[%reduce_min3A_322, %dma_start3A_475, %mul3A_2] : memref<9x105x16384xf32, #tpu.memory_space<hbm>> -> memref<1x8x512xf32, #tpu.memory_space<hbm>>
    %dma_start3A_477 = arith.constant 0 : i32
    %dma_start3A_478 = arith.constant 0 : i32
    %dma_start3A_479 = arith.constant 0 : i32
    %dma_start3A_480 = tpu.memref_slice %arg6[%dma_start3A_468, %dma_start3A_469, %dma_start3A_477, %dma_start3A_478, %dma_start3A_479] : memref<2x9x1x8x512xf32, #tpu.memory_space<vmem>> -> memref<1x1x1x8x512xf32, #tpu.memory_space<vmem>>
    %dma_start3A_481 = tpu.memref_squeeze %dma_start3A_480 : memref<1x1x1x8x512xf32, #tpu.memory_space<vmem>> -> memref<1x8x512xf32, #tpu.memory_space<vmem>>
    %dma_start3A_482 = arith.constant 0 : i32
    %dma_start3A_483 = tpu.memref_slice %arg2[%reduce_min3A_322, %dma_start3A_482, %mul3A_2] : memref<9x105x16384xf32, #tpu.memory_space<hbm>> -> memref<1x8x512xf32, #tpu.memory_space<hbm>>
    tpu.enqueue_dma source(%dma_start3A_483 : memref<1x8x512xf32, #tpu.memory_space<hbm>>) target(%dma_start3A_481 : memref<1x8x512xf32, #tpu.memory_space<vmem>>) target_semaphore(%arg12 : memref<!tpu.dma_semaphore, #tpu.memory_space<semaphore_mem>>)
    %dma_start3A_484 = arith.constant 0 : i32
    %dma_start3A_485 = arith.constant 8 : i32
    %dma_start3A_486 = arith.constant 0 : i32
    %dma_start3A_487 = arith.constant 0 : i32
    %dma_start3A_488 = arith.constant 0 : i32
    %dma_start3A_489 = tpu.memref_slice %arg6[%dma_start3A_484, %dma_start3A_485, %dma_start3A_486, %dma_start3A_487, %dma_start3A_488] : memref<2x9x1x8x512xf32, #tpu.memory_space<vmem>> -> memref<1x1x1x8x512xf32, #tpu.memory_space<vmem>>
    %dma_start3A_490 = tpu.memref_squeeze %dma_start3A_489 : memref<1x1x1x8x512xf32, #tpu.memory_space<vmem>> -> memref<1x8x512xf32, #tpu.memory_space<vmem>>
    %dma_start3A_491 = arith.constant 0 : i32
    %dma_start3A_492 = tpu.memref_slice %arg2[%reduce_min3A_356, %dma_start3A_491, %mul3A_2] : memref<9x105x16384xf32, #tpu.memory_space<hbm>> -> memref<1x8x512xf32, #tpu.memory_space<hbm>>
    %dma_start3A_493 = arith.constant 0 : i32
    %dma_start3A_494 = arith.constant 0 : i32
    %dma_start3A_495 = arith.constant 0 : i32
    %dma_start3A_496 = tpu.memref_slice %arg6[%dma_start3A_484, %dma_start3A_485, %dma_start3A_493, %dma_start3A_494, %dma_start3A_495] : memref<2x9x1x8x512xf32, #tpu.memory_space<vmem>> -> memref<1x1x1x8x512xf32, #tpu.memory_space<vmem>>
    %dma_start3A_497 = tpu.memref_squeeze %dma_start3A_496 : memref<1x1x1x8x512xf32, #tpu.memory_space<vmem>> -> memref<1x8x512xf32, #tpu.memory_space<vmem>>
    %dma_start3A_498 = arith.constant 0 : i32
    %dma_start3A_499 = tpu.memref_slice %arg2[%reduce_min3A_356, %dma_start3A_498, %mul3A_2] : memref<9x105x16384xf32, #tpu.memory_space<hbm>> -> memref<1x8x512xf32, #tpu.memory_space<hbm>>
    tpu.enqueue_dma source(%dma_start3A_499 : memref<1x8x512xf32, #tpu.memory_space<hbm>>) target(%dma_start3A_497 : memref<1x8x512xf32, #tpu.memory_space<vmem>>) target_semaphore(%arg12 : memref<!tpu.dma_semaphore, #tpu.memory_space<semaphore_mem>>)
    %scan3A = arith.constant 0 : i32
    %scan3A_500 = arith.constant 0 : i32
    %scan3A_501 = arith.constant 13 : i32
    %scan3A_502 = arith.addi %scan3A_500, %scan3A_501 : i32
    %scan3A_503 = arith.constant 1 : i32
    scf.for %scan3A_585 = %scan3A_500 to %scan3A_502 step %scan3A_503  : i32 {
      %jit3A_586 = arith.constant 2 : i32
      %eq3A_587 = arith.constant 0 : i32
      %eq3A_588 = arith.cmpi eq, %jit3A_586, %eq3A_587 : i32
      %jit3A_589 = arith.constant 1 : i32
      %select_n3A_590 = arith.select %eq3A_588, %jit3A_589, %jit3A_586 : i32
      %rem3A_591 = arith.remsi %scan3A_585, %select_n3A_590 : i32
      %ne3A_592 = arith.constant 0 : i32
      %ne3A_593 = arith.cmpi ne, %rem3A_591, %ne3A_592 : i32
      %lt3A_594 = arith.constant 0 : i32
      %lt3A_595 = arith.cmpi slt, %rem3A_591, %lt3A_594 : i32
      %lt3A_596 = arith.constant 0 : i32
      %lt3A_597 = arith.cmpi slt, %select_n3A_590, %lt3A_596 : i32
      %ne3A_598 = arith.xori %lt3A_595, %lt3A_597 : i1
      %and3A_599 = arith.andi %ne3A_598, %ne3A_593 : i1
      %add3A_600 = arith.addi %rem3A_591, %select_n3A_590 : i32
      %select_n3A_601 = arith.select %and3A_599, %add3A_600, %rem3A_591 : i32
      %dma_wait3A_602 = arith.constant 0 : i32
      %dma_wait3A_603 = arith.constant 0 : i32
      %dma_wait3A_604 = arith.constant 0 : i32
      %dma_wait3A_605 = arith.constant 0 : i32
      %dma_wait3A_606 = tpu.memref_slice %arg6[%select_n3A_601, %dma_wait3A_602, %dma_wait3A_603, %dma_wait3A_604, %dma_wait3A_605] : memref<2x9x1x8x512xf32, #tpu.memory_space<vmem>> -> memref<1x1x1x8x512xf32, #tpu.memory_space<vmem>>
      %dma_wait3A_607 = tpu.memref_squeeze %dma_wait3A_606 : memref<1x1x1x8x512xf32, #tpu.memory_space<vmem>> -> memref<1x8x512xf32, #tpu.memory_space<vmem>>
      %dma_wait3A_608 = arith.constant 0 : i32
      %dma_wait3A_609 = arith.constant 0 : i32
      %dma_wait3A_610 = tpu.memref_slice %arg2[%dma_wait3A_608, %dma_wait3A_609, %mul3A_2] : memref<9x105x16384xf32, #tpu.memory_space<hbm>> -> memref<1x8x512xf32, #tpu.memory_space<hbm>>
      %dma_wait3A_611 = arith.constant 0 : i32
      %dma_wait3A_612 = arith.constant 0 : i32
      %dma_wait3A_613 = arith.constant 0 : i32
      %dma_wait3A_614 = tpu.memref_slice %arg6[%select_n3A_601, %dma_wait3A_602, %dma_wait3A_611, %dma_wait3A_612, %dma_wait3A_613] : memref<2x9x1x8x512xf32, #tpu.memory_space<vmem>> -> memref<1x1x1x8x512xf32, #tpu.memory_space<vmem>>
      %dma_wait3A_615 = tpu.memref_squeeze %dma_wait3A_614 : memref<1x1x1x8x512xf32, #tpu.memory_space<vmem>> -> memref<1x8x512xf32, #tpu.memory_space<vmem>>
      %dma_wait3A_616 = arith.constant 0 : i32
      %dma_wait3A_617 = arith.constant 0 : i32
      %dma_wait3A_618 = tpu.memref_slice %arg2[%dma_wait3A_616, %dma_wait3A_617, %mul3A_2] : memref<9x105x16384xf32, #tpu.memory_space<hbm>> -> memref<1x8x512xf32, #tpu.memory_space<hbm>>
      tpu.wait_dma2 semaphore(%arg12 : memref<!tpu.dma_semaphore, #tpu.memory_space<semaphore_mem>>) src(%dma_wait3A_618 : memref<1x8x512xf32, #tpu.memory_space<hbm>>) dst(%dma_wait3A_615 : memref<1x8x512xf32, #tpu.memory_space<vmem>>)
      %dma_wait3A_619 = arith.constant 1 : i32
      %dma_wait3A_620 = arith.constant 0 : i32
      %dma_wait3A_621 = arith.constant 0 : i32
      %dma_wait3A_622 = arith.constant 0 : i32
      %dma_wait3A_623 = tpu.memref_slice %arg6[%select_n3A_601, %dma_wait3A_619, %dma_wait3A_620, %dma_wait3A_621, %dma_wait3A_622] : memref<2x9x1x8x512xf32, #tpu.memory_space<vmem>> -> memref<1x1x1x8x512xf32, #tpu.memory_space<vmem>>
      %dma_wait3A_624 = tpu.memref_squeeze %dma_wait3A_623 : memref<1x1x1x8x512xf32, #tpu.memory_space<vmem>> -> memref<1x8x512xf32, #tpu.memory_space<vmem>>
      %dma_wait3A_625 = arith.constant 0 : i32
      %dma_wait3A_626 = arith.constant 0 : i32
      %dma_wait3A_627 = tpu.memref_slice %arg2[%dma_wait3A_625, %dma_wait3A_626, %mul3A_2] : memref<9x105x16384xf32, #tpu.memory_space<hbm>> -> memref<1x8x512xf32, #tpu.memory_space<hbm>>
      %dma_wait3A_628 = arith.constant 0 : i32
      %dma_wait3A_629 = arith.constant 0 : i32
      %dma_wait3A_630 = arith.constant 0 : i32
      %dma_wait3A_631 = tpu.memref_slice %arg6[%select_n3A_601, %dma_wait3A_619, %dma_wait3A_628, %dma_wait3A_629, %dma_wait3A_630] : memref<2x9x1x8x512xf32, #tpu.memory_space<vmem>> -> memref<1x1x1x8x512xf32, #tpu.memory_space<vmem>>
      %dma_wait3A_632 = tpu.memref_squeeze %dma_wait3A_631 : memref<1x1x1x8x512xf32, #tpu.memory_space<vmem>> -> memref<1x8x512xf32, #tpu.memory_space<vmem>>
      %dma_wait3A_633 = arith.constant 0 : i32
      %dma_wait3A_634 = arith.constant 0 : i32
      %dma_wait3A_635 = tpu.memref_slice %arg2[%dma_wait3A_633, %dma_wait3A_634, %mul3A_2] : memref<9x105x16384xf32, #tpu.memory_space<hbm>> -> memref<1x8x512xf32, #tpu.memory_space<hbm>>
      tpu.wait_dma2 semaphore(%arg12 : memref<!tpu.dma_semaphore, #tpu.memory_space<semaphore_mem>>) src(%dma_wait3A_635 : memref<1x8x512xf32, #tpu.memory_space<hbm>>) dst(%dma_wait3A_632 : memref<1x8x512xf32, #tpu.memory_space<vmem>>)
      %dma_wait3A_636 = arith.constant 2 : i32
      %dma_wait3A_637 = arith.constant 0 : i32
      %dma_wait3A_638 = arith.constant 0 : i32
      %dma_wait3A_639 = arith.constant 0 : i32
      %dma_wait3A_640 = tpu.memref_slice %arg6[%select_n3A_601, %dma_wait3A_636, %dma_wait3A_637, %dma_wait3A_638, %dma_wait3A_639] : memref<2x9x1x8x512xf32, #tpu.memory_space<vmem>> -> memref<1x1x1x8x512xf32, #tpu.memory_space<vmem>>
      %dma_wait3A_641 = tpu.memref_squeeze %dma_wait3A_640 : memref<1x1x1x8x512xf32, #tpu.memory_space<vmem>> -> memref<1x8x512xf32, #tpu.memory_space<vmem>>
      %dma_wait3A_642 = arith.constant 0 : i32
      %dma_wait3A_643 = arith.constant 0 : i32
      %dma_wait3A_644 = tpu.memref_slice %arg2[%dma_wait3A_642, %dma_wait3A_643, %mul3A_2] : memref<9x105x16384xf32, #tpu.memory_space<hbm>> -> memref<1x8x512xf32, #tpu.memory_space<hbm>>
      %dma_wait3A_645 = arith.constant 0 : i32
      %dma_wait3A_646 = arith.constant 0 : i32
      %dma_wait3A_647 = arith.constant 0 : i32
      %dma_wait3A_648 = tpu.memref_slice %arg6[%select_n3A_601, %dma_wait3A_636, %dma_wait3A_645, %dma_wait3A_646, %dma_wait3A_647] : memref<2x9x1x8x512xf32, #tpu.memory_space<vmem>> -> memref<1x1x1x8x512xf32, #tpu.memory_space<vmem>>
      %dma_wait3A_649 = tpu.memref_squeeze %dma_wait3A_648 : memref<1x1x1x8x512xf32, #tpu.memory_space<vmem>> -> memref<1x8x512xf32, #tpu.memory_space<vmem>>
      %dma_wait3A_650 = arith.constant 0 : i32
      %dma_wait3A_651 = arith.constant 0 : i32
      %dma_wait3A_652 = tpu.memref_slice %arg2[%dma_wait3A_650, %dma_wait3A_651, %mul3A_2] : memref<9x105x16384xf32, #tpu.memory_space<hbm>> -> memref<1x8x512xf32, #tpu.memory_space<hbm>>
      tpu.wait_dma2 semaphore(%arg12 : memref<!tpu.dma_semaphore, #tpu.memory_space<semaphore_mem>>) src(%dma_wait3A_652 : memref<1x8x512xf32, #tpu.memory_space<hbm>>) dst(%dma_wait3A_649 : memref<1x8x512xf32, #tpu.memory_space<vmem>>)
      %dma_wait3A_653 = arith.constant 3 : i32
      %dma_wait3A_654 = arith.constant 0 : i32
      %dma_wait3A_655 = arith.constant 0 : i32
      %dma_wait3A_656 = arith.constant 0 : i32
      %dma_wait3A_657 = tpu.memref_slice %arg6[%select_n3A_601, %dma_wait3A_653, %dma_wait3A_654, %dma_wait3A_655, %dma_wait3A_656] : memref<2x9x1x8x512xf32, #tpu.memory_space<vmem>> -> memref<1x1x1x8x512xf32, #tpu.memory_space<vmem>>
      %dma_wait3A_658 = tpu.memref_squeeze %dma_wait3A_657 : memref<1x1x1x8x512xf32, #tpu.memory_space<vmem>> -> memref<1x8x512xf32, #tpu.memory_space<vmem>>
      %dma_wait3A_659 = arith.constant 0 : i32
      %dma_wait3A_660 = arith.constant 0 : i32
      %dma_wait3A_661 = tpu.memref_slice %arg2[%dma_wait3A_659, %dma_wait3A_660, %mul3A_2] : memref<9x105x16384xf32, #tpu.memory_space<hbm>> -> memref<1x8x512xf32, #tpu.memory_space<hbm>>
      %dma_wait3A_662 = arith.constant 0 : i32
      %dma_wait3A_663 = arith.constant 0 : i32
      %dma_wait3A_664 = arith.constant 0 : i32
      %dma_wait3A_665 = tpu.memref_slice %arg6[%select_n3A_601, %dma_wait3A_653, %dma_wait3A_662, %dma_wait3A_663, %dma_wait3A_664] : memref<2x9x1x8x512xf32, #tpu.memory_space<vmem>> -> memref<1x1x1x8x512xf32, #tpu.memory_space<vmem>>
      %dma_wait3A_666 = tpu.memref_squeeze %dma_wait3A_665 : memref<1x1x1x8x512xf32, #tpu.memory_space<vmem>> -> memref<1x8x512xf32, #tpu.memory_space<vmem>>
      %dma_wait3A_667 = arith.constant 0 : i32
      %dma_wait3A_668 = arith.constant 0 : i32
      %dma_wait3A_669 = tpu.memref_slice %arg2[%dma_wait3A_667, %dma_wait3A_668, %mul3A_2] : memref<9x105x16384xf32, #tpu.memory_space<hbm>> -> memref<1x8x512xf32, #tpu.memory_space<hbm>>
      tpu.wait_dma2 semaphore(%arg12 : memref<!tpu.dma_semaphore, #tpu.memory_space<semaphore_mem>>) src(%dma_wait3A_669 : memref<1x8x512xf32, #tpu.memory_space<hbm>>) dst(%dma_wait3A_666 : memref<1x8x512xf32, #tpu.memory_space<vmem>>)
      %dma_wait3A_670 = arith.constant 4 : i32
      %dma_wait3A_671 = arith.constant 0 : i32
      %dma_wait3A_672 = arith.constant 0 : i32
      %dma_wait3A_673 = arith.constant 0 : i32
      %dma_wait3A_674 = tpu.memref_slice %arg6[%select_n3A_601, %dma_wait3A_670, %dma_wait3A_671, %dma_wait3A_672, %dma_wait3A_673] : memref<2x9x1x8x512xf32, #tpu.memory_space<vmem>> -> memref<1x1x1x8x512xf32, #tpu.memory_space<vmem>>
      %dma_wait3A_675 = tpu.memref_squeeze %dma_wait3A_674 : memref<1x1x1x8x512xf32, #tpu.memory_space<vmem>> -> memref<1x8x512xf32, #tpu.memory_space<vmem>>
      %dma_wait3A_676 = arith.constant 0 : i32
      %dma_wait3A_677 = arith.constant 0 : i32
      %dma_wait3A_678 = tpu.memref_slice %arg2[%dma_wait3A_676, %dma_wait3A_677, %mul3A_2] : memref<9x105x16384xf32, #tpu.memory_space<hbm>> -> memref<1x8x512xf32, #tpu.memory_space<hbm>>
      %dma_wait3A_679 = arith.constant 0 : i32
      %dma_wait3A_680 = arith.constant 0 : i32
      %dma_wait3A_681 = arith.constant 0 : i32
      %dma_wait3A_682 = tpu.memref_slice %arg6[%select_n3A_601, %dma_wait3A_670, %dma_wait3A_679, %dma_wait3A_680, %dma_wait3A_681] : memref<2x9x1x8x512xf32, #tpu.memory_space<vmem>> -> memref<1x1x1x8x512xf32, #tpu.memory_space<vmem>>
      %dma_wait3A_683 = tpu.memref_squeeze %dma_wait3A_682 : memref<1x1x1x8x512xf32, #tpu.memory_space<vmem>> -> memref<1x8x512xf32, #tpu.memory_space<vmem>>
      %dma_wait3A_684 = arith.constant 0 : i32
      %dma_wait3A_685 = arith.constant 0 : i32
      %dma_wait3A_686 = tpu.memref_slice %arg2[%dma_wait3A_684, %dma_wait3A_685, %mul3A_2] : memref<9x105x16384xf32, #tpu.memory_space<hbm>> -> memref<1x8x512xf32, #tpu.memory_space<hbm>>
      tpu.wait_dma2 semaphore(%arg12 : memref<!tpu.dma_semaphore, #tpu.memory_space<semaphore_mem>>) src(%dma_wait3A_686 : memref<1x8x512xf32, #tpu.memory_space<hbm>>) dst(%dma_wait3A_683 : memref<1x8x512xf32, #tpu.memory_space<vmem>>)
      %dma_wait3A_687 = arith.constant 5 : i32
      %dma_wait3A_688 = arith.constant 0 : i32
      %dma_wait3A_689 = arith.constant 0 : i32
      %dma_wait3A_690 = arith.constant 0 : i32
      %dma_wait3A_691 = tpu.memref_slice %arg6[%select_n3A_601, %dma_wait3A_687, %dma_wait3A_688, %dma_wait3A_689, %dma_wait3A_690] : memref<2x9x1x8x512xf32, #tpu.memory_space<vmem>> -> memref<1x1x1x8x512xf32, #tpu.memory_space<vmem>>
      %dma_wait3A_692 = tpu.memref_squeeze %dma_wait3A_691 : memref<1x1x1x8x512xf32, #tpu.memory_space<vmem>> -> memref<1x8x512xf32, #tpu.memory_space<vmem>>
      %dma_wait3A_693 = arith.constant 0 : i32
      %dma_wait3A_694 = arith.constant 0 : i32
      %dma_wait3A_695 = tpu.memref_slice %arg2[%dma_wait3A_693, %dma_wait3A_694, %mul3A_2] : memref<9x105x16384xf32, #tpu.memory_space<hbm>> -> memref<1x8x512xf32, #tpu.memory_space<hbm>>
      %dma_wait3A_696 = arith.constant 0 : i32
      %dma_wait3A_697 = arith.constant 0 : i32
      %dma_wait3A_698 = arith.constant 0 : i32
      %dma_wait3A_699 = tpu.memref_slice %arg6[%select_n3A_601, %dma_wait3A_687, %dma_wait3A_696, %dma_wait3A_697, %dma_wait3A_698] : memref<2x9x1x8x512xf32, #tpu.memory_space<vmem>> -> memref<1x1x1x8x512xf32, #tpu.memory_space<vmem>>
      %dma_wait3A_700 = tpu.memref_squeeze %dma_wait3A_699 : memref<1x1x1x8x512xf32, #tpu.memory_space<vmem>> -> memref<1x8x512xf32, #tpu.memory_space<vmem>>
      %dma_wait3A_701 = arith.constant 0 : i32
      %dma_wait3A_702 = arith.constant 0 : i32
      %dma_wait3A_703 = tpu.memref_slice %arg2[%dma_wait3A_701, %dma_wait3A_702, %mul3A_2] : memref<9x105x16384xf32, #tpu.memory_space<hbm>> -> memref<1x8x512xf32, #tpu.memory_space<hbm>>
      tpu.wait_dma2 semaphore(%arg12 : memref<!tpu.dma_semaphore, #tpu.memory_space<semaphore_mem>>) src(%dma_wait3A_703 : memref<1x8x512xf32, #tpu.memory_space<hbm>>) dst(%dma_wait3A_700 : memref<1x8x512xf32, #tpu.memory_space<vmem>>)
      %dma_wait3A_704 = arith.constant 6 : i32
      %dma_wait3A_705 = arith.constant 0 : i32
      %dma_wait3A_706 = arith.constant 0 : i32
      %dma_wait3A_707 = arith.constant 0 : i32
      %dma_wait3A_708 = tpu.memref_slice %arg6[%select_n3A_601, %dma_wait3A_704, %dma_wait3A_705, %dma_wait3A_706, %dma_wait3A_707] : memref<2x9x1x8x512xf32, #tpu.memory_space<vmem>> -> memref<1x1x1x8x512xf32, #tpu.memory_space<vmem>>
      %dma_wait3A_709 = tpu.memref_squeeze %dma_wait3A_708 : memref<1x1x1x8x512xf32, #tpu.memory_space<vmem>> -> memref<1x8x512xf32, #tpu.memory_space<vmem>>
      %dma_wait3A_710 = arith.constant 0 : i32
      %dma_wait3A_711 = arith.constant 0 : i32
      %dma_wait3A_712 = tpu.memref_slice %arg2[%dma_wait3A_710, %dma_wait3A_711, %mul3A_2] : memref<9x105x16384xf32, #tpu.memory_space<hbm>> -> memref<1x8x512xf32, #tpu.memory_space<hbm>>
      %dma_wait3A_713 = arith.constant 0 : i32
      %dma_wait3A_714 = arith.constant 0 : i32
      %dma_wait3A_715 = arith.constant 0 : i32
      %dma_wait3A_716 = tpu.memref_slice %arg6[%select_n3A_601, %dma_wait3A_704, %dma_wait3A_713, %dma_wait3A_714, %dma_wait3A_715] : memref<2x9x1x8x512xf32, #tpu.memory_space<vmem>> -> memref<1x1x1x8x512xf32, #tpu.memory_space<vmem>>
      %dma_wait3A_717 = tpu.memref_squeeze %dma_wait3A_716 : memref<1x1x1x8x512xf32, #tpu.memory_space<vmem>> -> memref<1x8x512xf32, #tpu.memory_space<vmem>>
      %dma_wait3A_718 = arith.constant 0 : i32
      %dma_wait3A_719 = arith.constant 0 : i32
      %dma_wait3A_720 = tpu.memref_slice %arg2[%dma_wait3A_718, %dma_wait3A_719, %mul3A_2] : memref<9x105x16384xf32, #tpu.memory_space<hbm>> -> memref<1x8x512xf32, #tpu.memory_space<hbm>>
      tpu.wait_dma2 semaphore(%arg12 : memref<!tpu.dma_semaphore, #tpu.memory_space<semaphore_mem>>) src(%dma_wait3A_720 : memref<1x8x512xf32, #tpu.memory_space<hbm>>) dst(%dma_wait3A_717 : memref<1x8x512xf32, #tpu.memory_space<vmem>>)
      %dma_wait3A_721 = arith.constant 7 : i32
      %dma_wait3A_722 = arith.constant 0 : i32
      %dma_wait3A_723 = arith.constant 0 : i32
      %dma_wait3A_724 = arith.constant 0 : i32
      %dma_wait3A_725 = tpu.memref_slice %arg6[%select_n3A_601, %dma_wait3A_721, %dma_wait3A_722, %dma_wait3A_723, %dma_wait3A_724] : memref<2x9x1x8x512xf32, #tpu.memory_space<vmem>> -> memref<1x1x1x8x512xf32, #tpu.memory_space<vmem>>
      %dma_wait3A_726 = tpu.memref_squeeze %dma_wait3A_725 : memref<1x1x1x8x512xf32, #tpu.memory_space<vmem>> -> memref<1x8x512xf32, #tpu.memory_space<vmem>>
      %dma_wait3A_727 = arith.constant 0 : i32
      %dma_wait3A_728 = arith.constant 0 : i32
      %dma_wait3A_729 = tpu.memref_slice %arg2[%dma_wait3A_727, %dma_wait3A_728, %mul3A_2] : memref<9x105x16384xf32, #tpu.memory_space<hbm>> -> memref<1x8x512xf32, #tpu.memory_space<hbm>>
      %dma_wait3A_730 = arith.constant 0 : i32
      %dma_wait3A_731 = arith.constant 0 : i32
      %dma_wait3A_732 = arith.constant 0 : i32
      %dma_wait3A_733 = tpu.memref_slice %arg6[%select_n3A_601, %dma_wait3A_721, %dma_wait3A_730, %dma_wait3A_731, %dma_wait3A_732] : memref<2x9x1x8x512xf32, #tpu.memory_space<vmem>> -> memref<1x1x1x8x512xf32, #tpu.memory_space<vmem>>
      %dma_wait3A_734 = tpu.memref_squeeze %dma_wait3A_733 : memref<1x1x1x8x512xf32, #tpu.memory_space<vmem>> -> memref<1x8x512xf32, #tpu.memory_space<vmem>>
      %dma_wait3A_735 = arith.constant 0 : i32
      %dma_wait3A_736 = arith.constant 0 : i32
      %dma_wait3A_737 = tpu.memref_slice %arg2[%dma_wait3A_735, %dma_wait3A_736, %mul3A_2] : memref<9x105x16384xf32, #tpu.memory_space<hbm>> -> memref<1x8x512xf32, #tpu.memory_space<hbm>>
      tpu.wait_dma2 semaphore(%arg12 : memref<!tpu.dma_semaphore, #tpu.memory_space<semaphore_mem>>) src(%dma_wait3A_737 : memref<1x8x512xf32, #tpu.memory_space<hbm>>) dst(%dma_wait3A_734 : memref<1x8x512xf32, #tpu.memory_space<vmem>>)
      %dma_wait3A_738 = arith.constant 8 : i32
      %dma_wait3A_739 = arith.constant 0 : i32
      %dma_wait3A_740 = arith.constant 0 : i32
      %dma_wait3A_741 = arith.constant 0 : i32
      %dma_wait3A_742 = tpu.memref_slice %arg6[%select_n3A_601, %dma_wait3A_738, %dma_wait3A_739, %dma_wait3A_740, %dma_wait3A_741] : memref<2x9x1x8x512xf32, #tpu.memory_space<vmem>> -> memref<1x1x1x8x512xf32, #tpu.memory_space<vmem>>
      %dma_wait3A_743 = tpu.memref_squeeze %dma_wait3A_742 : memref<1x1x1x8x512xf32, #tpu.memory_space<vmem>> -> memref<1x8x512xf32, #tpu.memory_space<vmem>>
      %dma_wait3A_744 = arith.constant 0 : i32
      %dma_wait3A_745 = arith.constant 0 : i32
      %dma_wait3A_746 = tpu.memref_slice %arg2[%dma_wait3A_744, %dma_wait3A_745, %mul3A_2] : memref<9x105x16384xf32, #tpu.memory_space<hbm>> -> memref<1x8x512xf32, #tpu.memory_space<hbm>>
      %dma_wait3A_747 = arith.constant 0 : i32
      %dma_wait3A_748 = arith.constant 0 : i32
      %dma_wait3A_749 = arith.constant 0 : i32
      %dma_wait3A_750 = tpu.memref_slice %arg6[%select_n3A_601, %dma_wait3A_738, %dma_wait3A_747, %dma_wait3A_748, %dma_wait3A_749] : memref<2x9x1x8x512xf32, #tpu.memory_space<vmem>> -> memref<1x1x1x8x512xf32, #tpu.memory_space<vmem>>
      %dma_wait3A_751 = tpu.memref_squeeze %dma_wait3A_750 : memref<1x1x1x8x512xf32, #tpu.memory_space<vmem>> -> memref<1x8x512xf32, #tpu.memory_space<vmem>>
      %dma_wait3A_752 = arith.constant 0 : i32
      %dma_wait3A_753 = arith.constant 0 : i32
      %dma_wait3A_754 = tpu.memref_slice %arg2[%dma_wait3A_752, %dma_wait3A_753, %mul3A_2] : memref<9x105x16384xf32, #tpu.memory_space<hbm>> -> memref<1x8x512xf32, #tpu.memory_space<hbm>>
      tpu.wait_dma2 semaphore(%arg12 : memref<!tpu.dma_semaphore, #tpu.memory_space<semaphore_mem>>) src(%dma_wait3A_754 : memref<1x8x512xf32, #tpu.memory_space<hbm>>) dst(%dma_wait3A_751 : memref<1x8x512xf32, #tpu.memory_space<vmem>>)
      %lt3A_755 = arith.constant 12 : i32
      %lt3A_756 = arith.cmpi slt, %scan3A_585, %lt3A_755 : i32
      %convert_element_type3A = arith.extui %lt3A_756 : i1 to i32
      %cond3A = arith.constant 0 : i32
      %cond3A_757 = arith.cmpi ne, %convert_element_type3A, %cond3A : i32
      scf.if %cond3A_757 {
        %add3A_1462 = arith.constant 1 : i32
        %add3A_1463 = arith.addi %scan3A_585, %add3A_1462 : i32
        %sub3A_1464 = arith.constant 1 : i32
        %sub3A_1465 = arith.subi %sub3A_1464, %select_n3A_601 : i32
        %mul3A_1466 = arith.constant 8 : i32
        %mul3A_1467 = arith.muli %mul3A_1466, %add3A_1463 : i32
        %dma_start3A_1468 = arith.constant 0 : i32
        %dma_start3A_1469 = arith.constant 0 : i32
        %dma_start3A_1470 = arith.constant 0 : i32
        %dma_start3A_1471 = arith.constant 0 : i32
        %dma_start3A_1472 = tpu.memref_slice %arg6[%sub3A_1465, %dma_start3A_1468, %dma_start3A_1469, %dma_start3A_1470, %dma_start3A_1471] : memref<2x9x1x8x512xf32, #tpu.memory_space<vmem>> -> memref<1x1x1x8x512xf32, #tpu.memory_space<vmem>>
        %dma_start3A_1473 = tpu.memref_squeeze %dma_start3A_1472 : memref<1x1x1x8x512xf32, #tpu.memory_space<vmem>> -> memref<1x8x512xf32, #tpu.memory_space<vmem>>
        %dma_start3A_1474 = tpu.memref_slice %arg2[%reduce_min3A_84, %mul3A_1467, %mul3A_2] : memref<9x105x16384xf32, #tpu.memory_space<hbm>> -> memref<1x8x512xf32, #tpu.memory_space<hbm>>
        %dma_start3A_1475 = arith.constant 0 : i32
        %dma_start3A_1476 = arith.constant 0 : i32
        %dma_start3A_1477 = arith.constant 0 : i32
        %dma_start3A_1478 = tpu.memref_slice %arg6[%sub3A_1465, %dma_start3A_1468, %dma_start3A_1475, %dma_start3A_1476, %dma_start3A_1477] : memref<2x9x1x8x512xf32, #tpu.memory_space<vmem>> -> memref<1x1x1x8x512xf32, #tpu.memory_space<vmem>>
        %dma_start3A_1479 = tpu.memref_squeeze %dma_start3A_1478 : memref<1x1x1x8x512xf32, #tpu.memory_space<vmem>> -> memref<1x8x512xf32, #tpu.memory_space<vmem>>
        %dma_start3A_1480 = tpu.memref_slice %arg2[%reduce_min3A_84, %mul3A_1467, %mul3A_2] : memref<9x105x16384xf32, #tpu.memory_space<hbm>> -> memref<1x8x512xf32, #tpu.memory_space<hbm>>
        tpu.enqueue_dma source(%dma_start3A_1480 : memref<1x8x512xf32, #tpu.memory_space<hbm>>) target(%dma_start3A_1479 : memref<1x8x512xf32, #tpu.memory_space<vmem>>) target_semaphore(%arg12 : memref<!tpu.dma_semaphore, #tpu.memory_space<semaphore_mem>>)
        %mul3A_1481 = arith.constant 8 : i32
        %mul3A_1482 = arith.muli %mul3A_1481, %add3A_1463 : i32
        %dma_start3A_1483 = arith.constant 1 : i32
        %dma_start3A_1484 = arith.constant 0 : i32
        %dma_start3A_1485 = arith.constant 0 : i32
        %dma_start3A_1486 = arith.constant 0 : i32
        %dma_start3A_1487 = tpu.memref_slice %arg6[%sub3A_1465, %dma_start3A_1483, %dma_start3A_1484, %dma_start3A_1485, %dma_start3A_1486] : memref<2x9x1x8x512xf32, #tpu.memory_space<vmem>> -> memref<1x1x1x8x512xf32, #tpu.memory_space<vmem>>
        %dma_start3A_1488 = tpu.memref_squeeze %dma_start3A_1487 : memref<1x1x1x8x512xf32, #tpu.memory_space<vmem>> -> memref<1x8x512xf32, #tpu.memory_space<vmem>>
        %dma_start3A_1489 = tpu.memref_slice %arg2[%reduce_min3A_118, %mul3A_1482, %mul3A_2] : memref<9x105x16384xf32, #tpu.memory_space<hbm>> -> memref<1x8x512xf32, #tpu.memory_space<hbm>>
        %dma_start3A_1490 = arith.constant 0 : i32
        %dma_start3A_1491 = arith.constant 0 : i32
        %dma_start3A_1492 = arith.constant 0 : i32
        %dma_start3A_1493 = tpu.memref_slice %arg6[%sub3A_1465, %dma_start3A_1483, %dma_start3A_1490, %dma_start3A_1491, %dma_start3A_1492] : memref<2x9x1x8x512xf32, #tpu.memory_space<vmem>> -> memref<1x1x1x8x512xf32, #tpu.memory_space<vmem>>
        %dma_start3A_1494 = tpu.memref_squeeze %dma_start3A_1493 : memref<1x1x1x8x512xf32, #tpu.memory_space<vmem>> -> memref<1x8x512xf32, #tpu.memory_space<vmem>>
        %dma_start3A_1495 = tpu.memref_slice %arg2[%reduce_min3A_118, %mul3A_1482, %mul3A_2] : memref<9x105x16384xf32, #tpu.memory_space<hbm>> -> memref<1x8x512xf32, #tpu.memory_space<hbm>>
        tpu.enqueue_dma source(%dma_start3A_1495 : memref<1x8x512xf32, #tpu.memory_space<hbm>>) target(%dma_start3A_1494 : memref<1x8x512xf32, #tpu.memory_space<vmem>>) target_semaphore(%arg12 : memref<!tpu.dma_semaphore, #tpu.memory_space<semaphore_mem>>)
        %mul3A_1496 = arith.constant 8 : i32
        %mul3A_1497 = arith.muli %mul3A_1496, %add3A_1463 : i32
        %dma_start3A_1498 = arith.constant 2 : i32
        %dma_start3A_1499 = arith.constant 0 : i32
        %dma_start3A_1500 = arith.constant 0 : i32
        %dma_start3A_1501 = arith.constant 0 : i32
        %dma_start3A_1502 = tpu.memref_slice %arg6[%sub3A_1465, %dma_start3A_1498, %dma_start3A_1499, %dma_start3A_1500, %dma_start3A_1501] : memref<2x9x1x8x512xf32, #tpu.memory_space<vmem>> -> memref<1x1x1x8x512xf32, #tpu.memory_space<vmem>>
        %dma_start3A_1503 = tpu.memref_squeeze %dma_start3A_1502 : memref<1x1x1x8x512xf32, #tpu.memory_space<vmem>> -> memref<1x8x512xf32, #tpu.memory_space<vmem>>
        %dma_start3A_1504 = tpu.memref_slice %arg2[%reduce_min3A_152, %mul3A_1497, %mul3A_2] : memref<9x105x16384xf32, #tpu.memory_space<hbm>> -> memref<1x8x512xf32, #tpu.memory_space<hbm>>
        %dma_start3A_1505 = arith.constant 0 : i32
        %dma_start3A_1506 = arith.constant 0 : i32
        %dma_start3A_1507 = arith.constant 0 : i32
        %dma_start3A_1508 = tpu.memref_slice %arg6[%sub3A_1465, %dma_start3A_1498, %dma_start3A_1505, %dma_start3A_1506, %dma_start3A_1507] : memref<2x9x1x8x512xf32, #tpu.memory_space<vmem>> -> memref<1x1x1x8x512xf32, #tpu.memory_space<vmem>>
        %dma_start3A_1509 = tpu.memref_squeeze %dma_start3A_1508 : memref<1x1x1x8x512xf32, #tpu.memory_space<vmem>> -> memref<1x8x512xf32, #tpu.memory_space<vmem>>
        %dma_start3A_1510 = tpu.memref_slice %arg2[%reduce_min3A_152, %mul3A_1497, %mul3A_2] : memref<9x105x16384xf32, #tpu.memory_space<hbm>> -> memref<1x8x512xf32, #tpu.memory_space<hbm>>
        tpu.enqueue_dma source(%dma_start3A_1510 : memref<1x8x512xf32, #tpu.memory_space<hbm>>) target(%dma_start3A_1509 : memref<1x8x512xf32, #tpu.memory_space<vmem>>) target_semaphore(%arg12 : memref<!tpu.dma_semaphore, #tpu.memory_space<semaphore_mem>>)
        %mul3A_1511 = arith.constant 8 : i32
        %mul3A_1512 = arith.muli %mul3A_1511, %add3A_1463 : i32
        %dma_start3A_1513 = arith.constant 3 : i32
        %dma_start3A_1514 = arith.constant 0 : i32
        %dma_start3A_1515 = arith.constant 0 : i32
        %dma_start3A_1516 = arith.constant 0 : i32
        %dma_start3A_1517 = tpu.memref_slice %arg6[%sub3A_1465, %dma_start3A_1513, %dma_start3A_1514, %dma_start3A_1515, %dma_start3A_1516] : memref<2x9x1x8x512xf32, #tpu.memory_space<vmem>> -> memref<1x1x1x8x512xf32, #tpu.memory_space<vmem>>
        %dma_start3A_1518 = tpu.memref_squeeze %dma_start3A_1517 : memref<1x1x1x8x512xf32, #tpu.memory_space<vmem>> -> memref<1x8x512xf32, #tpu.memory_space<vmem>>
        %dma_start3A_1519 = tpu.memref_slice %arg2[%reduce_min3A_186, %mul3A_1512, %mul3A_2] : memref<9x105x16384xf32, #tpu.memory_space<hbm>> -> memref<1x8x512xf32, #tpu.memory_space<hbm>>
        %dma_start3A_1520 = arith.constant 0 : i32
        %dma_start3A_1521 = arith.constant 0 : i32
        %dma_start3A_1522 = arith.constant 0 : i32
        %dma_start3A_1523 = tpu.memref_slice %arg6[%sub3A_1465, %dma_start3A_1513, %dma_start3A_1520, %dma_start3A_1521, %dma_start3A_1522] : memref<2x9x1x8x512xf32, #tpu.memory_space<vmem>> -> memref<1x1x1x8x512xf32, #tpu.memory_space<vmem>>
        %dma_start3A_1524 = tpu.memref_squeeze %dma_start3A_1523 : memref<1x1x1x8x512xf32, #tpu.memory_space<vmem>> -> memref<1x8x512xf32, #tpu.memory_space<vmem>>
        %dma_start3A_1525 = tpu.memref_slice %arg2[%reduce_min3A_186, %mul3A_1512, %mul3A_2] : memref<9x105x16384xf32, #tpu.memory_space<hbm>> -> memref<1x8x512xf32, #tpu.memory_space<hbm>>
        tpu.enqueue_dma source(%dma_start3A_1525 : memref<1x8x512xf32, #tpu.memory_space<hbm>>) target(%dma_start3A_1524 : memref<1x8x512xf32, #tpu.memory_space<vmem>>) target_semaphore(%arg12 : memref<!tpu.dma_semaphore, #tpu.memory_space<semaphore_mem>>)
        %mul3A_1526 = arith.constant 8 : i32
        %mul3A_1527 = arith.muli %mul3A_1526, %add3A_1463 : i32
        %dma_start3A_1528 = arith.constant 4 : i32
        %dma_start3A_1529 = arith.constant 0 : i32
        %dma_start3A_1530 = arith.constant 0 : i32
        %dma_start3A_1531 = arith.constant 0 : i32
        %dma_start3A_1532 = tpu.memref_slice %arg6[%sub3A_1465, %dma_start3A_1528, %dma_start3A_1529, %dma_start3A_1530, %dma_start3A_1531] : memref<2x9x1x8x512xf32, #tpu.memory_space<vmem>> -> memref<1x1x1x8x512xf32, #tpu.memory_space<vmem>>
        %dma_start3A_1533 = tpu.memref_squeeze %dma_start3A_1532 : memref<1x1x1x8x512xf32, #tpu.memory_space<vmem>> -> memref<1x8x512xf32, #tpu.memory_space<vmem>>
        %dma_start3A_1534 = tpu.memref_slice %arg2[%reduce_min3A_220, %mul3A_1527, %mul3A_2] : memref<9x105x16384xf32, #tpu.memory_space<hbm>> -> memref<1x8x512xf32, #tpu.memory_space<hbm>>
        %dma_start3A_1535 = arith.constant 0 : i32
        %dma_start3A_1536 = arith.constant 0 : i32
        %dma_start3A_1537 = arith.constant 0 : i32
        %dma_start3A_1538 = tpu.memref_slice %arg6[%sub3A_1465, %dma_start3A_1528, %dma_start3A_1535, %dma_start3A_1536, %dma_start3A_1537] : memref<2x9x1x8x512xf32, #tpu.memory_space<vmem>> -> memref<1x1x1x8x512xf32, #tpu.memory_space<vmem>>
        %dma_start3A_1539 = tpu.memref_squeeze %dma_start3A_1538 : memref<1x1x1x8x512xf32, #tpu.memory_space<vmem>> -> memref<1x8x512xf32, #tpu.memory_space<vmem>>
        %dma_start3A_1540 = tpu.memref_slice %arg2[%reduce_min3A_220, %mul3A_1527, %mul3A_2] : memref<9x105x16384xf32, #tpu.memory_space<hbm>> -> memref<1x8x512xf32, #tpu.memory_space<hbm>>
        tpu.enqueue_dma source(%dma_start3A_1540 : memref<1x8x512xf32, #tpu.memory_space<hbm>>) target(%dma_start3A_1539 : memref<1x8x512xf32, #tpu.memory_space<vmem>>) target_semaphore(%arg12 : memref<!tpu.dma_semaphore, #tpu.memory_space<semaphore_mem>>)
        %mul3A_1541 = arith.constant 8 : i32
        %mul3A_1542 = arith.muli %mul3A_1541, %add3A_1463 : i32
        %dma_start3A_1543 = arith.constant 5 : i32
        %dma_start3A_1544 = arith.constant 0 : i32
        %dma_start3A_1545 = arith.constant 0 : i32
        %dma_start3A_1546 = arith.constant 0 : i32
        %dma_start3A_1547 = tpu.memref_slice %arg6[%sub3A_1465, %dma_start3A_1543, %dma_start3A_1544, %dma_start3A_1545, %dma_start3A_1546] : memref<2x9x1x8x512xf32, #tpu.memory_space<vmem>> -> memref<1x1x1x8x512xf32, #tpu.memory_space<vmem>>
        %dma_start3A_1548 = tpu.memref_squeeze %dma_start3A_1547 : memref<1x1x1x8x512xf32, #tpu.memory_space<vmem>> -> memref<1x8x512xf32, #tpu.memory_space<vmem>>
        %dma_start3A_1549 = tpu.memref_slice %arg2[%reduce_min3A_254, %mul3A_1542, %mul3A_2] : memref<9x105x16384xf32, #tpu.memory_space<hbm>> -> memref<1x8x512xf32, #tpu.memory_space<hbm>>
        %dma_start3A_1550 = arith.constant 0 : i32
        %dma_start3A_1551 = arith.constant 0 : i32
        %dma_start3A_1552 = arith.constant 0 : i32
        %dma_start3A_1553 = tpu.memref_slice %arg6[%sub3A_1465, %dma_start3A_1543, %dma_start3A_1550, %dma_start3A_1551, %dma_start3A_1552] : memref<2x9x1x8x512xf32, #tpu.memory_space<vmem>> -> memref<1x1x1x8x512xf32, #tpu.memory_space<vmem>>
        %dma_start3A_1554 = tpu.memref_squeeze %dma_start3A_1553 : memref<1x1x1x8x512xf32, #tpu.memory_space<vmem>> -> memref<1x8x512xf32, #tpu.memory_space<vmem>>
        %dma_start3A_1555 = tpu.memref_slice %arg2[%reduce_min3A_254, %mul3A_1542, %mul3A_2] : memref<9x105x16384xf32, #tpu.memory_space<hbm>> -> memref<1x8x512xf32, #tpu.memory_space<hbm>>
        tpu.enqueue_dma source(%dma_start3A_1555 : memref<1x8x512xf32, #tpu.memory_space<hbm>>) target(%dma_start3A_1554 : memref<1x8x512xf32, #tpu.memory_space<vmem>>) target_semaphore(%arg12 : memref<!tpu.dma_semaphore, #tpu.memory_space<semaphore_mem>>)
        %mul3A_1556 = arith.constant 8 : i32
        %mul3A_1557 = arith.muli %mul3A_1556, %add3A_1463 : i32
        %dma_start3A_1558 = arith.constant 6 : i32
        %dma_start3A_1559 = arith.constant 0 : i32
        %dma_start3A_1560 = arith.constant 0 : i32
        %dma_start3A_1561 = arith.constant 0 : i32
        %dma_start3A_1562 = tpu.memref_slice %arg6[%sub3A_1465, %dma_start3A_1558, %dma_start3A_1559, %dma_start3A_1560, %dma_start3A_1561] : memref<2x9x1x8x512xf32, #tpu.memory_space<vmem>> -> memref<1x1x1x8x512xf32, #tpu.memory_space<vmem>>
        %dma_start3A_1563 = tpu.memref_squeeze %dma_start3A_1562 : memref<1x1x1x8x512xf32, #tpu.memory_space<vmem>> -> memref<1x8x512xf32, #tpu.memory_space<vmem>>
        %dma_start3A_1564 = tpu.memref_slice %arg2[%reduce_min3A_288, %mul3A_1557, %mul3A_2] : memref<9x105x16384xf32, #tpu.memory_space<hbm>> -> memref<1x8x512xf32, #tpu.memory_space<hbm>>
        %dma_start3A_1565 = arith.constant 0 : i32
        %dma_start3A_1566 = arith.constant 0 : i32
        %dma_start3A_1567 = arith.constant 0 : i32
        %dma_start3A_1568 = tpu.memref_slice %arg6[%sub3A_1465, %dma_start3A_1558, %dma_start3A_1565, %dma_start3A_1566, %dma_start3A_1567] : memref<2x9x1x8x512xf32, #tpu.memory_space<vmem>> -> memref<1x1x1x8x512xf32, #tpu.memory_space<vmem>>
        %dma_start3A_1569 = tpu.memref_squeeze %dma_start3A_1568 : memref<1x1x1x8x512xf32, #tpu.memory_space<vmem>> -> memref<1x8x512xf32, #tpu.memory_space<vmem>>
        %dma_start3A_1570 = tpu.memref_slice %arg2[%reduce_min3A_288, %mul3A_1557, %mul3A_2] : memref<9x105x16384xf32, #tpu.memory_space<hbm>> -> memref<1x8x512xf32, #tpu.memory_space<hbm>>
        tpu.enqueue_dma source(%dma_start3A_1570 : memref<1x8x512xf32, #tpu.memory_space<hbm>>) target(%dma_start3A_1569 : memref<1x8x512xf32, #tpu.memory_space<vmem>>) target_semaphore(%arg12 : memref<!tpu.dma_semaphore, #tpu.memory_space<semaphore_mem>>)
        %mul3A_1571 = arith.constant 8 : i32
        %mul3A_1572 = arith.muli %mul3A_1571, %add3A_1463 : i32
        %dma_start3A_1573 = arith.constant 7 : i32
        %dma_start3A_1574 = arith.constant 0 : i32
        %dma_start3A_1575 = arith.constant 0 : i32
        %dma_start3A_1576 = arith.constant 0 : i32
        %dma_start3A_1577 = tpu.memref_slice %arg6[%sub3A_1465, %dma_start3A_1573, %dma_start3A_1574, %dma_start3A_1575, %dma_start3A_1576] : memref<2x9x1x8x512xf32, #tpu.memory_space<vmem>> -> memref<1x1x1x8x512xf32, #tpu.memory_space<vmem>>
        %dma_start3A_1578 = tpu.memref_squeeze %dma_start3A_1577 : memref<1x1x1x8x512xf32, #tpu.memory_space<vmem>> -> memref<1x8x512xf32, #tpu.memory_space<vmem>>
        %dma_start3A_1579 = tpu.memref_slice %arg2[%reduce_min3A_322, %mul3A_1572, %mul3A_2] : memref<9x105x16384xf32, #tpu.memory_space<hbm>> -> memref<1x8x512xf32, #tpu.memory_space<hbm>>
        %dma_start3A_1580 = arith.constant 0 : i32
        %dma_start3A_1581 = arith.constant 0 : i32
        %dma_start3A_1582 = arith.constant 0 : i32
        %dma_start3A_1583 = tpu.memref_slice %arg6[%sub3A_1465, %dma_start3A_1573, %dma_start3A_1580, %dma_start3A_1581, %dma_start3A_1582] : memref<2x9x1x8x512xf32, #tpu.memory_space<vmem>> -> memref<1x1x1x8x512xf32, #tpu.memory_space<vmem>>
        %dma_start3A_1584 = tpu.memref_squeeze %dma_start3A_1583 : memref<1x1x1x8x512xf32, #tpu.memory_space<vmem>> -> memref<1x8x512xf32, #tpu.memory_space<vmem>>
        %dma_start3A_1585 = tpu.memref_slice %arg2[%reduce_min3A_322, %mul3A_1572, %mul3A_2] : memref<9x105x16384xf32, #tpu.memory_space<hbm>> -> memref<1x8x512xf32, #tpu.memory_space<hbm>>
        tpu.enqueue_dma source(%dma_start3A_1585 : memref<1x8x512xf32, #tpu.memory_space<hbm>>) target(%dma_start3A_1584 : memref<1x8x512xf32, #tpu.memory_space<vmem>>) target_semaphore(%arg12 : memref<!tpu.dma_semaphore, #tpu.memory_space<semaphore_mem>>)
        %mul3A_1586 = arith.constant 8 : i32
        %mul3A_1587 = arith.muli %mul3A_1586, %add3A_1463 : i32
        %dma_start3A_1588 = arith.constant 8 : i32
        %dma_start3A_1589 = arith.constant 0 : i32
        %dma_start3A_1590 = arith.constant 0 : i32
        %dma_start3A_1591 = arith.constant 0 : i32
        %dma_start3A_1592 = tpu.memref_slice %arg6[%sub3A_1465, %dma_start3A_1588, %dma_start3A_1589, %dma_start3A_1590, %dma_start3A_1591] : memref<2x9x1x8x512xf32, #tpu.memory_space<vmem>> -> memref<1x1x1x8x512xf32, #tpu.memory_space<vmem>>
        %dma_start3A_1593 = tpu.memref_squeeze %dma_start3A_1592 : memref<1x1x1x8x512xf32, #tpu.memory_space<vmem>> -> memref<1x8x512xf32, #tpu.memory_space<vmem>>
        %dma_start3A_1594 = tpu.memref_slice %arg2[%reduce_min3A_356, %mul3A_1587, %mul3A_2] : memref<9x105x16384xf32, #tpu.memory_space<hbm>> -> memref<1x8x512xf32, #tpu.memory_space<hbm>>
        %dma_start3A_1595 = arith.constant 0 : i32
        %dma_start3A_1596 = arith.constant 0 : i32
        %dma_start3A_1597 = arith.constant 0 : i32
        %dma_start3A_1598 = tpu.memref_slice %arg6[%sub3A_1465, %dma_start3A_1588, %dma_start3A_1595, %dma_start3A_1596, %dma_start3A_1597] : memref<2x9x1x8x512xf32, #tpu.memory_space<vmem>> -> memref<1x1x1x8x512xf32, #tpu.memory_space<vmem>>
        %dma_start3A_1599 = tpu.memref_squeeze %dma_start3A_1598 : memref<1x1x1x8x512xf32, #tpu.memory_space<vmem>> -> memref<1x8x512xf32, #tpu.memory_space<vmem>>
        %dma_start3A_1600 = tpu.memref_slice %arg2[%reduce_min3A_356, %mul3A_1587, %mul3A_2] : memref<9x105x16384xf32, #tpu.memory_space<hbm>> -> memref<1x8x512xf32, #tpu.memory_space<hbm>>
        tpu.enqueue_dma source(%dma_start3A_1600 : memref<1x8x512xf32, #tpu.memory_space<hbm>>) target(%dma_start3A_1599 : memref<1x8x512xf32, #tpu.memory_space<vmem>>) target_semaphore(%arg12 : memref<!tpu.dma_semaphore, #tpu.memory_space<semaphore_mem>>)
      } else {
      }
      %mul3A_758 = arith.constant 8 : i32
      %mul3A_759 = arith.muli %scan3A_585, %mul3A_758 : i32
      %add3A_760 = arith.constant 0 : i32
      %add3A_761 = arith.addi %mul3A_759, %add3A_760 : i32
      %mul3A_762 = arith.constant 4 : i32
      %mul3A_763 = arith.muli %add3A_761, %mul3A_762 : i32
      %add3A_764 = arith.constant 0 : i32
      %add3A_765 = arith.addi %mul3A_763, %add3A_764 : i32
      %broadcast_in_dim3A_766 = vector.broadcast %add3A_765 : i32 to vector<16xi32>
      %gather3A_767 = tpu.vector_load_idx %arg9[%broadcast_in_dim3A_766] : memref<420xf32, #tpu.memory_space<vmem>>[vector<16xi32>], vector<16xf32>,
      %mul3A_768 = arith.constant 4 : i32
      %mul3A_769 = arith.muli %add3A_761, %mul3A_768 : i32
      %add3A_770 = arith.constant 1 : i32
      %add3A_771 = arith.addi %mul3A_769, %add3A_770 : i32
      %broadcast_in_dim3A_772 = vector.broadcast %add3A_771 : i32 to vector<16xi32>
      %gather3A_773 = tpu.vector_load_idx %arg9[%broadcast_in_dim3A_772] : memref<420xf32, #tpu.memory_space<vmem>>[vector<16xi32>], vector<16xf32>,
      %mul3A_774 = arith.constant 4 : i32
      %mul3A_775 = arith.muli %add3A_761, %mul3A_774 : i32
      %add3A_776 = arith.constant 2 : i32
      %add3A_777 = arith.addi %mul3A_775, %add3A_776 : i32
      %broadcast_in_dim3A_778 = vector.broadcast %add3A_777 : i32 to vector<16xi32>
      %gather3A_779 = tpu.vector_load_idx %arg9[%broadcast_in_dim3A_778] : memref<420xf32, #tpu.memory_space<vmem>>[vector<16xi32>], vector<16xf32>,
      %mul3A_780 = arith.constant 4 : i32
      %mul3A_781 = arith.muli %add3A_761, %mul3A_780 : i32
      %add3A_782 = arith.constant 3 : i32
      %add3A_783 = arith.addi %mul3A_781, %add3A_782 : i32
      %broadcast_in_dim3A_784 = vector.broadcast %add3A_783 : i32 to vector<16xi32>
      %gather3A_785 = tpu.vector_load_idx %arg9[%broadcast_in_dim3A_784] : memref<420xf32, #tpu.memory_space<vmem>>[vector<16xi32>], vector<16xf32>,
      %broadcast_in_dim3A_786 = vector.broadcast %add3A_761 : i32 to vector<16xi32>
      %gather3A_787 = tpu.vector_load_idx %arg10[%broadcast_in_dim3A_786] : memref<105xf32, #tpu.memory_space<vmem>>[vector<16xi32>], vector<16xf32>,
      %ge3A_788 = arith.constant 2 : i32
      %ge3A_789 = arith.cmpi sge, %add3A_761, %ge3A_788 : i32
      %convert_element_type3A_790 = arith.extui %ge3A_789 : i1 to i32
      %cond3A_791 = arith.constant 0 : i32
      %cond3A_792 = arith.cmpi ne, %convert_element_type3A_790, %cond3A_791 : i32
      scf.if %cond3A_792 {
        %dma_wait3A_1462 = arith.constant 0 : i32
        %dma_wait3A_1463 = arith.constant 0 : i32
        %dma_wait3A_1464 = arith.constant 0 : i32
        %dma_wait3A_1465 = tpu.memref_slice %arg8[%dma_wait3A_1462, %dma_wait3A_1463, %dma_wait3A_1464] : memref<2x1x512xf32, #tpu.memory_space<vmem>> -> memref<1x1x512xf32, #tpu.memory_space<vmem>>
        %dma_wait3A_1466 = arith.constant 0 : i32
        %dma_wait3A_1467 = arith.constant 0 : i32
        %dma_wait3A_1468 = tpu.memref_slice %arg5[%dma_wait3A_1466, %dma_wait3A_1467, %mul3A_2] : memref<7x15x16384xf32, #tpu.memory_space<hbm>> -> memref<1x1x512xf32, #tpu.memory_space<hbm>>
        %dma_wait3A_1469 = arith.constant 0 : i32
        %dma_wait3A_1470 = arith.constant 0 : i32
        %dma_wait3A_1471 = tpu.memref_slice %arg5[%dma_wait3A_1469, %dma_wait3A_1470, %mul3A_2] : memref<7x15x16384xf32, #tpu.memory_space<hbm>> -> memref<1x1x512xf32, #tpu.memory_space<hbm>>
        %dma_wait3A_1472 = arith.constant 0 : i32
        %dma_wait3A_1473 = arith.constant 0 : i32
        %dma_wait3A_1474 = arith.constant 0 : i32
        %dma_wait3A_1475 = tpu.memref_slice %arg8[%dma_wait3A_1472, %dma_wait3A_1473, %dma_wait3A_1474] : memref<2x1x512xf32, #tpu.memory_space<vmem>> -> memref<1x1x512xf32, #tpu.memory_space<vmem>>
        tpu.wait_dma2 semaphore(%arg13 : memref<!tpu.dma_semaphore, #tpu.memory_space<semaphore_mem>>) src(%dma_wait3A_1475 : memref<1x1x512xf32, #tpu.memory_space<vmem>>) dst(%dma_wait3A_1471 : memref<1x1x512xf32, #tpu.memory_space<hbm>>)
      } else {
      }
      %parallel_loop3A_793 = arith.constant 0 : i32
      %parallel_loop3A_794 = arith.constant 32 : i32
      %parallel_loop3A_795 = arith.constant 1 : i32
      scf.for %parallel_loop3A_1462 = %parallel_loop3A_793 to %parallel_loop3A_794 step %parallel_loop3A_795  : i32 {
        %parallel_loop3A_1463 = arith.constant 16 : i32
        %parallel_loop3A_1464 = arith.muli %parallel_loop3A_1462, %parallel_loop3A_1463 : i32
        %parallel_loop3A_1465 = arith.constant 0 : i32
        %parallel_loop3A_1466 = arith.constant 0 : i32
        %parallel_loop3A_1467 = arith.constant 0 : i32
        %parallel_loop3A_1468 = arith.index_cast %select_n3A_601 : i32 to index
        %parallel_loop3A_1469 = arith.index_cast %parallel_loop3A_1465 : i32 to index
        %parallel_loop3A_1470 = arith.index_cast %parallel_loop3A_1466 : i32 to index
        %parallel_loop3A_1471 = arith.index_cast %parallel_loop3A_1467 : i32 to index
        %parallel_loop3A_1472 = arith.index_cast %parallel_loop3A_1464 : i32 to index
        %parallel_loop3A_1473 = tpu.vector_load %arg6[%parallel_loop3A_1468, %parallel_loop3A_1469, %parallel_loop3A_1470, %parallel_loop3A_1471, %parallel_loop3A_1472] {strides = array<i32>} : memref<2x9x1x8x512xf32, #tpu.memory_space<vmem>>, vector<16xf32>,
        %parallel_loop3A_1474 = arith.constant 16 : i32
        %parallel_loop3A_1475 = arith.muli %parallel_loop3A_1462, %parallel_loop3A_1474 : i32
        %parallel_loop3A_1476 = arith.constant 1 : i32
        %parallel_loop3A_1477 = arith.constant 0 : i32
        %parallel_loop3A_1478 = arith.constant 0 : i32
        %parallel_loop3A_1479 = arith.index_cast %select_n3A_601 : i32 to index
        %parallel_loop3A_1480 = arith.index_cast %parallel_loop3A_1476 : i32 to index
        %parallel_loop3A_1481 = arith.index_cast %parallel_loop3A_1477 : i32 to index
        %parallel_loop3A_1482 = arith.index_cast %parallel_loop3A_1478 : i32 to index
        %parallel_loop3A_1483 = arith.index_cast %parallel_loop3A_1475 : i32 to index
        %parallel_loop3A_1484 = tpu.vector_load %arg6[%parallel_loop3A_1479, %parallel_loop3A_1480, %parallel_loop3A_1481, %parallel_loop3A_1482, %parallel_loop3A_1483] {strides = array<i32>} : memref<2x9x1x8x512xf32, #tpu.memory_space<vmem>>, vector<16xf32>,
        %parallel_loop3A_1485 = arith.constant 16 : i32
        %parallel_loop3A_1486 = arith.muli %parallel_loop3A_1462, %parallel_loop3A_1485 : i32
        %parallel_loop3A_1487 = arith.constant 2 : i32
        %parallel_loop3A_1488 = arith.constant 0 : i32
        %parallel_loop3A_1489 = arith.constant 0 : i32
        %parallel_loop3A_1490 = arith.index_cast %select_n3A_601 : i32 to index
        %parallel_loop3A_1491 = arith.index_cast %parallel_loop3A_1487 : i32 to index
        %parallel_loop3A_1492 = arith.index_cast %parallel_loop3A_1488 : i32 to index
        %parallel_loop3A_1493 = arith.index_cast %parallel_loop3A_1489 : i32 to index
        %parallel_loop3A_1494 = arith.index_cast %parallel_loop3A_1486 : i32 to index
        %parallel_loop3A_1495 = tpu.vector_load %arg6[%parallel_loop3A_1490, %parallel_loop3A_1491, %parallel_loop3A_1492, %parallel_loop3A_1493, %parallel_loop3A_1494] {strides = array<i32>} : memref<2x9x1x8x512xf32, #tpu.memory_space<vmem>>, vector<16xf32>,
        %parallel_loop3A_1496 = arith.constant 16 : i32
        %parallel_loop3A_1497 = arith.muli %parallel_loop3A_1462, %parallel_loop3A_1496 : i32
        %parallel_loop3A_1498 = arith.constant 3 : i32
        %parallel_loop3A_1499 = arith.constant 0 : i32
        %parallel_loop3A_1500 = arith.constant 0 : i32
        %parallel_loop3A_1501 = arith.index_cast %select_n3A_601 : i32 to index
        %parallel_loop3A_1502 = arith.index_cast %parallel_loop3A_1498 : i32 to index
        %parallel_loop3A_1503 = arith.index_cast %parallel_loop3A_1499 : i32 to index
        %parallel_loop3A_1504 = arith.index_cast %parallel_loop3A_1500 : i32 to index
        %parallel_loop3A_1505 = arith.index_cast %parallel_loop3A_1497 : i32 to index
        %parallel_loop3A_1506 = tpu.vector_load %arg6[%parallel_loop3A_1501, %parallel_loop3A_1502, %parallel_loop3A_1503, %parallel_loop3A_1504, %parallel_loop3A_1505] {strides = array<i32>} : memref<2x9x1x8x512xf32, #tpu.memory_space<vmem>>, vector<16xf32>,
        %parallel_loop3A_1507 = arith.constant 16 : i32
        %parallel_loop3A_1508 = arith.muli %parallel_loop3A_1462, %parallel_loop3A_1507 : i32
        %parallel_loop3A_1509 = arith.constant 4 : i32
        %parallel_loop3A_1510 = arith.constant 0 : i32
        %parallel_loop3A_1511 = arith.constant 0 : i32
        %parallel_loop3A_1512 = arith.index_cast %select_n3A_601 : i32 to index
        %parallel_loop3A_1513 = arith.index_cast %parallel_loop3A_1509 : i32 to index
        %parallel_loop3A_1514 = arith.index_cast %parallel_loop3A_1510 : i32 to index
        %parallel_loop3A_1515 = arith.index_cast %parallel_loop3A_1511 : i32 to index
        %parallel_loop3A_1516 = arith.index_cast %parallel_loop3A_1508 : i32 to index
        %parallel_loop3A_1517 = tpu.vector_load %arg6[%parallel_loop3A_1512, %parallel_loop3A_1513, %parallel_loop3A_1514, %parallel_loop3A_1515, %parallel_loop3A_1516] {strides = array<i32>} : memref<2x9x1x8x512xf32, #tpu.memory_space<vmem>>, vector<16xf32>,
        %parallel_loop3A_1518 = arith.constant 16 : i32
        %parallel_loop3A_1519 = arith.muli %parallel_loop3A_1462, %parallel_loop3A_1518 : i32
        %parallel_loop3A_1520 = arith.constant 5 : i32
        %parallel_loop3A_1521 = arith.constant 0 : i32
        %parallel_loop3A_1522 = arith.constant 0 : i32
        %parallel_loop3A_1523 = arith.index_cast %select_n3A_601 : i32 to index
        %parallel_loop3A_1524 = arith.index_cast %parallel_loop3A_1520 : i32 to index
        %parallel_loop3A_1525 = arith.index_cast %parallel_loop3A_1521 : i32 to index
        %parallel_loop3A_1526 = arith.index_cast %parallel_loop3A_1522 : i32 to index
        %parallel_loop3A_1527 = arith.index_cast %parallel_loop3A_1519 : i32 to index
        %parallel_loop3A_1528 = tpu.vector_load %arg6[%parallel_loop3A_1523, %parallel_loop3A_1524, %parallel_loop3A_1525, %parallel_loop3A_1526, %parallel_loop3A_1527] {strides = array<i32>} : memref<2x9x1x8x512xf32, #tpu.memory_space<vmem>>, vector<16xf32>,
        %parallel_loop3A_1529 = arith.constant 16 : i32
        %parallel_loop3A_1530 = arith.muli %parallel_loop3A_1462, %parallel_loop3A_1529 : i32
        %parallel_loop3A_1531 = arith.constant 6 : i32
        %parallel_loop3A_1532 = arith.constant 0 : i32
        %parallel_loop3A_1533 = arith.constant 0 : i32
        %parallel_loop3A_1534 = arith.index_cast %select_n3A_601 : i32 to index
        %parallel_loop3A_1535 = arith.index_cast %parallel_loop3A_1531 : i32 to index
        %parallel_loop3A_1536 = arith.index_cast %parallel_loop3A_1532 : i32 to index
        %parallel_loop3A_1537 = arith.index_cast %parallel_loop3A_1533 : i32 to index
        %parallel_loop3A_1538 = arith.index_cast %parallel_loop3A_1530 : i32 to index
        %parallel_loop3A_1539 = tpu.vector_load %arg6[%parallel_loop3A_1534, %parallel_loop3A_1535, %parallel_loop3A_1536, %parallel_loop3A_1537, %parallel_loop3A_1538] {strides = array<i32>} : memref<2x9x1x8x512xf32, #tpu.memory_space<vmem>>, vector<16xf32>,
        %parallel_loop3A_1540 = arith.constant 16 : i32
        %parallel_loop3A_1541 = arith.muli %parallel_loop3A_1462, %parallel_loop3A_1540 : i32
        %parallel_loop3A_1542 = arith.constant 7 : i32
        %parallel_loop3A_1543 = arith.constant 0 : i32
        %parallel_loop3A_1544 = arith.constant 0 : i32
        %parallel_loop3A_1545 = arith.index_cast %select_n3A_601 : i32 to index
        %parallel_loop3A_1546 = arith.index_cast %parallel_loop3A_1542 : i32 to index
        %parallel_loop3A_1547 = arith.index_cast %parallel_loop3A_1543 : i32 to index
        %parallel_loop3A_1548 = arith.index_cast %parallel_loop3A_1544 : i32 to index
        %parallel_loop3A_1549 = arith.index_cast %parallel_loop3A_1541 : i32 to index
        %parallel_loop3A_1550 = tpu.vector_load %arg6[%parallel_loop3A_1545, %parallel_loop3A_1546, %parallel_loop3A_1547, %parallel_loop3A_1548, %parallel_loop3A_1549] {strides = array<i32>} : memref<2x9x1x8x512xf32, #tpu.memory_space<vmem>>, vector<16xf32>,
        %parallel_loop3A_1551 = arith.constant 16 : i32
        %parallel_loop3A_1552 = arith.muli %parallel_loop3A_1462, %parallel_loop3A_1551 : i32
        %parallel_loop3A_1553 = arith.constant 8 : i32
        %parallel_loop3A_1554 = arith.constant 0 : i32
        %parallel_loop3A_1555 = arith.constant 0 : i32
        %parallel_loop3A_1556 = arith.index_cast %select_n3A_601 : i32 to index
        %parallel_loop3A_1557 = arith.index_cast %parallel_loop3A_1553 : i32 to index
        %parallel_loop3A_1558 = arith.index_cast %parallel_loop3A_1554 : i32 to index
        %parallel_loop3A_1559 = arith.index_cast %parallel_loop3A_1555 : i32 to index
        %parallel_loop3A_1560 = arith.index_cast %parallel_loop3A_1552 : i32 to index
        %parallel_loop3A_1561 = tpu.vector_load %arg6[%parallel_loop3A_1556, %parallel_loop3A_1557, %parallel_loop3A_1558, %parallel_loop3A_1559, %parallel_loop3A_1560] {strides = array<i32>} : memref<2x9x1x8x512xf32, #tpu.memory_space<vmem>>, vector<16xf32>,
        %parallel_loop3A_1562 = arith.mulf %parallel_loop3A_1473, %gather3A_767 : vector<16xf32>
        %parallel_loop3A_1563 = arith.mulf %parallel_loop3A_1484, %gather3A_773 : vector<16xf32>
        %parallel_loop3A_1564 = arith.addf %parallel_loop3A_1562, %parallel_loop3A_1563 : vector<16xf32>
        %parallel_loop3A_1565 = arith.mulf %parallel_loop3A_1506, %gather3A_779 : vector<16xf32>
        %parallel_loop3A_1566 = arith.addf %parallel_loop3A_1564, %parallel_loop3A_1565 : vector<16xf32>
        %parallel_loop3A_1567 = arith.mulf %parallel_loop3A_1517, %gather3A_785 : vector<16xf32>
        %parallel_loop3A_1568 = arith.addf %parallel_loop3A_1566, %parallel_loop3A_1567 : vector<16xf32>
        %parallel_loop3A_1569 = arith.mulf %parallel_loop3A_1484, %gather3A_767 : vector<16xf32>
        %parallel_loop3A_1570 = arith.mulf %parallel_loop3A_1495, %gather3A_773 : vector<16xf32>
        %parallel_loop3A_1571 = arith.addf %parallel_loop3A_1569, %parallel_loop3A_1570 : vector<16xf32>
        %parallel_loop3A_1572 = arith.mulf %parallel_loop3A_1517, %gather3A_779 : vector<16xf32>
        %parallel_loop3A_1573 = arith.addf %parallel_loop3A_1571, %parallel_loop3A_1572 : vector<16xf32>
        %parallel_loop3A_1574 = arith.mulf %parallel_loop3A_1528, %gather3A_785 : vector<16xf32>
        %parallel_loop3A_1575 = arith.addf %parallel_loop3A_1573, %parallel_loop3A_1574 : vector<16xf32>
        %parallel_loop3A_1576 = arith.mulf %parallel_loop3A_1506, %gather3A_767 : vector<16xf32>
        %parallel_loop3A_1577 = arith.mulf %parallel_loop3A_1517, %gather3A_773 : vector<16xf32>
        %parallel_loop3A_1578 = arith.addf %parallel_loop3A_1576, %parallel_loop3A_1577 : vector<16xf32>
        %parallel_loop3A_1579 = arith.mulf %parallel_loop3A_1539, %gather3A_779 : vector<16xf32>
        %parallel_loop3A_1580 = arith.addf %parallel_loop3A_1578, %parallel_loop3A_1579 : vector<16xf32>
        %parallel_loop3A_1581 = arith.mulf %parallel_loop3A_1550, %gather3A_785 : vector<16xf32>
        %parallel_loop3A_1582 = arith.addf %parallel_loop3A_1580, %parallel_loop3A_1581 : vector<16xf32>
        %parallel_loop3A_1583 = arith.mulf %parallel_loop3A_1517, %gather3A_767 : vector<16xf32>
        %parallel_loop3A_1584 = arith.mulf %parallel_loop3A_1528, %gather3A_773 : vector<16xf32>
        %parallel_loop3A_1585 = arith.addf %parallel_loop3A_1583, %parallel_loop3A_1584 : vector<16xf32>
        %parallel_loop3A_1586 = arith.mulf %parallel_loop3A_1550, %gather3A_779 : vector<16xf32>
        %parallel_loop3A_1587 = arith.addf %parallel_loop3A_1585, %parallel_loop3A_1586 : vector<16xf32>
        %parallel_loop3A_1588 = arith.mulf %parallel_loop3A_1561, %gather3A_785 : vector<16xf32>
        %parallel_loop3A_1589 = arith.addf %parallel_loop3A_1587, %parallel_loop3A_1588 : vector<16xf32>
        %parallel_loop3A_1590 = arith.maximumf %parallel_loop3A_1568, %parallel_loop3A_1575 : vector<16xf32>
        %parallel_loop3A_1591 = arith.maximumf %parallel_loop3A_1582, %parallel_loop3A_1589 : vector<16xf32>
        %parallel_loop3A_1592 = arith.maximumf %parallel_loop3A_1590, %parallel_loop3A_1591 : vector<16xf32>
        %parallel_loop3A_1593 = arith.addf %parallel_loop3A_1592, %gather3A_787 : vector<16xf32>
        %parallel_loop3A_1594 = arith.constant 2.000000e-01 : f32
        %parallel_loop3A_1595 = vector.broadcast %parallel_loop3A_1594 : f32 to vector<16xf32>
        %parallel_loop3A_1596 = arith.mulf %parallel_loop3A_1595, %parallel_loop3A_1593 : vector<16xf32>
        %parallel_loop3A_1597 = arith.maximumf %parallel_loop3A_1593, %parallel_loop3A_1596 : vector<16xf32>
        %parallel_loop3A_1598 = arith.addf %parallel_loop3A_1597, %parallel_loop3A_1517 : vector<16xf32>
        %parallel_loop3A_1599 = arith.constant 16 : i32
        %parallel_loop3A_1600 = arith.muli %parallel_loop3A_1462, %parallel_loop3A_1599 : i32
        %parallel_loop3A_1601 = arith.constant 0 : i32
        %parallel_loop3A_1602 = arith.constant 0 : i32
        %parallel_loop3A_1603 = arith.index_cast %parallel_loop3A_1601 : i32 to index
        %parallel_loop3A_1604 = arith.index_cast %parallel_loop3A_1602 : i32 to index
        %parallel_loop3A_1605 = arith.index_cast %parallel_loop3A_1600 : i32 to index
        %parallel_loop3A_1606 = tpu.vector_load %arg8[%parallel_loop3A_1603, %parallel_loop3A_1604, %parallel_loop3A_1605] {strides = array<i32>} : memref<2x1x512xf32, #tpu.memory_space<vmem>>, vector<16xf32>,
        tpu.vector_store %arg8[%parallel_loop3A_1603, %parallel_loop3A_1604, %parallel_loop3A_1605], %parallel_loop3A_1598 {strides = array<i32>} : memref<2x1x512xf32, #tpu.memory_space<vmem>>, vector<16xf32>,
      } {sc.loop_unroll_factor = 2 : i64, sc.parallel_access}
      %jit3A_796 = arith.constant 7 : i32
      %eq3A_797 = arith.constant 0 : i32
      %eq3A_798 = arith.cmpi eq, %jit3A_796, %eq3A_797 : i32
      %jit3A_799 = arith.constant 1 : i32
      %select_n3A_800 = arith.select %eq3A_798, %jit3A_799, %jit3A_796 : i32
      %rem3A_801 = arith.remsi %add3A_761, %select_n3A_800 : i32
      %ne3A_802 = arith.constant 0 : i32
      %ne3A_803 = arith.cmpi ne, %rem3A_801, %ne3A_802 : i32
      %lt3A_804 = arith.constant 0 : i32
      %lt3A_805 = arith.cmpi slt, %rem3A_801, %lt3A_804 : i32
      %lt3A_806 = arith.constant 0 : i32
      %lt3A_807 = arith.cmpi slt, %select_n3A_800, %lt3A_806 : i32
      %ne3A_808 = arith.xori %lt3A_805, %lt3A_807 : i1
      %and3A_809 = arith.andi %ne3A_808, %ne3A_803 : i1
      %add3A_810 = arith.addi %rem3A_801, %select_n3A_800 : i32
      %select_n3A_811 = arith.select %and3A_809, %add3A_810, %rem3A_801 : i32
      %jit3A_812 = arith.constant 7 : i32
      %div3A_813 = arith.divsi %add3A_761, %jit3A_812 : i32
      %sign3A_814 = arith.constant 0 : i32
      %sign3A_815 = arith.cmpi sgt, %add3A_761, %sign3A_814 : i32
      %sign3A_816 = arith.extui %sign3A_815 : i1 to i32
      %sign3A_817 = arith.constant 0 : i32
      %sign3A_818 = arith.cmpi slt, %add3A_761, %sign3A_817 : i32
      %sign3A_819 = arith.extui %sign3A_818 : i1 to i32
      %sign3A_820 = arith.subi %sign3A_816, %sign3A_819 : i32
      %sign3A_821 = arith.constant 0 : i32
      %sign3A_822 = arith.cmpi sgt, %jit3A_812, %sign3A_821 : i32
      %sign3A_823 = arith.extui %sign3A_822 : i1 to i32
      %sign3A_824 = arith.constant 0 : i32
      %sign3A_825 = arith.cmpi slt, %jit3A_812, %sign3A_824 : i32
      %sign3A_826 = arith.extui %sign3A_825 : i1 to i32
      %sign3A_827 = arith.subi %sign3A_823, %sign3A_826 : i32
      %ne3A_828 = arith.cmpi ne, %sign3A_820, %sign3A_827 : i32
      %rem3A_829 = arith.remsi %add3A_761, %jit3A_812 : i32
      %ne3A_830 = arith.constant 0 : i32
      %ne3A_831 = arith.cmpi ne, %rem3A_829, %ne3A_830 : i32
      %and3A_832 = arith.andi %ne3A_828, %ne3A_831 : i1
      %sub3A_833 = arith.constant 1 : i32
      %sub3A_834 = arith.subi %div3A_813, %sub3A_833 : i32
      %select_n3A_835 = arith.select %and3A_832, %sub3A_834, %div3A_813 : i32
      %dma_start3A_836 = arith.constant 0 : i32
      %dma_start3A_837 = arith.constant 0 : i32
      %dma_start3A_838 = arith.constant 0 : i32
      %dma_start3A_839 = tpu.memref_slice %arg8[%dma_start3A_836, %dma_start3A_837, %dma_start3A_838] : memref<2x1x512xf32, #tpu.memory_space<vmem>> -> memref<1x1x512xf32, #tpu.memory_space<vmem>>
      %dma_start3A_840 = tpu.memref_slice %arg5[%select_n3A_811, %select_n3A_835, %mul3A_2] : memref<7x15x16384xf32, #tpu.memory_space<hbm>> -> memref<1x1x512xf32, #tpu.memory_space<hbm>>
      %dma_start3A_841 = tpu.memref_slice %arg5[%select_n3A_811, %select_n3A_835, %mul3A_2] : memref<7x15x16384xf32, #tpu.memory_space<hbm>> -> memref<1x1x512xf32, #tpu.memory_space<hbm>>
      %dma_start3A_842 = arith.constant 0 : i32
      %dma_start3A_843 = arith.constant 0 : i32
      %dma_start3A_844 = arith.constant 0 : i32
      %dma_start3A_845 = tpu.memref_slice %arg8[%dma_start3A_842, %dma_start3A_843, %dma_start3A_844] : memref<2x1x512xf32, #tpu.memory_space<vmem>> -> memref<1x1x512xf32, #tpu.memory_space<vmem>>
      tpu.enqueue_dma source(%dma_start3A_845 : memref<1x1x512xf32, #tpu.memory_space<vmem>>) target(%dma_start3A_841 : memref<1x1x512xf32, #tpu.memory_space<hbm>>) target_semaphore(%arg13 : memref<!tpu.dma_semaphore, #tpu.memory_space<semaphore_mem>>)
      %mul3A_846 = arith.constant 8 : i32
      %mul3A_847 = arith.muli %scan3A_585, %mul3A_846 : i32
      %add3A_848 = arith.constant 1 : i32
      %add3A_849 = arith.addi %mul3A_847, %add3A_848 : i32
      %mul3A_850 = arith.constant 4 : i32
      %mul3A_851 = arith.muli %add3A_849, %mul3A_850 : i32
      %add3A_852 = arith.constant 0 : i32
      %add3A_853 = arith.addi %mul3A_851, %add3A_852 : i32
      %broadcast_in_dim3A_854 = vector.broadcast %add3A_853 : i32 to vector<16xi32>
      %gather3A_855 = tpu.vector_load_idx %arg9[%broadcast_in_dim3A_854] : memref<420xf32, #tpu.memory_space<vmem>>[vector<16xi32>], vector<16xf32>,
      %mul3A_856 = arith.constant 4 : i32
      %mul3A_857 = arith.muli %add3A_849, %mul3A_856 : i32
      %add3A_858 = arith.constant 1 : i32
      %add3A_859 = arith.addi %mul3A_857, %add3A_858 : i32
      %broadcast_in_dim3A_860 = vector.broadcast %add3A_859 : i32 to vector<16xi32>
      %gather3A_861 = tpu.vector_load_idx %arg9[%broadcast_in_dim3A_860] : memref<420xf32, #tpu.memory_space<vmem>>[vector<16xi32>], vector<16xf32>,
      %mul3A_862 = arith.constant 4 : i32
      %mul3A_863 = arith.muli %add3A_849, %mul3A_862 : i32
      %add3A_864 = arith.constant 2 : i32
      %add3A_865 = arith.addi %mul3A_863, %add3A_864 : i32
      %broadcast_in_dim3A_866 = vector.broadcast %add3A_865 : i32 to vector<16xi32>
      %gather3A_867 = tpu.vector_load_idx %arg9[%broadcast_in_dim3A_866] : memref<420xf32, #tpu.memory_space<vmem>>[vector<16xi32>], vector<16xf32>,
      %mul3A_868 = arith.constant 4 : i32
      %mul3A_869 = arith.muli %add3A_849, %mul3A_868 : i32
      %add3A_870 = arith.constant 3 : i32
      %add3A_871 = arith.addi %mul3A_869, %add3A_870 : i32
      %broadcast_in_dim3A_872 = vector.broadcast %add3A_871 : i32 to vector<16xi32>
      %gather3A_873 = tpu.vector_load_idx %arg9[%broadcast_in_dim3A_872] : memref<420xf32, #tpu.memory_space<vmem>>[vector<16xi32>], vector<16xf32>,
      %broadcast_in_dim3A_874 = vector.broadcast %add3A_849 : i32 to vector<16xi32>
      %gather3A_875 = tpu.vector_load_idx %arg10[%broadcast_in_dim3A_874] : memref<105xf32, #tpu.memory_space<vmem>>[vector<16xi32>], vector<16xf32>,
      %ge3A_876 = arith.constant 2 : i32
      %ge3A_877 = arith.cmpi sge, %add3A_849, %ge3A_876 : i32
      %convert_element_type3A_878 = arith.extui %ge3A_877 : i1 to i32
      %cond3A_879 = arith.constant 0 : i32
      %cond3A_880 = arith.cmpi ne, %convert_element_type3A_878, %cond3A_879 : i32
      scf.if %cond3A_880 {
        %dma_wait3A_1462 = arith.constant 0 : i32
        %dma_wait3A_1463 = arith.constant 0 : i32
        %dma_wait3A_1464 = arith.constant 0 : i32
        %dma_wait3A_1465 = tpu.memref_slice %arg8[%dma_wait3A_1462, %dma_wait3A_1463, %dma_wait3A_1464] : memref<2x1x512xf32, #tpu.memory_space<vmem>> -> memref<1x1x512xf32, #tpu.memory_space<vmem>>
        %dma_wait3A_1466 = arith.constant 0 : i32
        %dma_wait3A_1467 = arith.constant 0 : i32
        %dma_wait3A_1468 = tpu.memref_slice %arg5[%dma_wait3A_1466, %dma_wait3A_1467, %mul3A_2] : memref<7x15x16384xf32, #tpu.memory_space<hbm>> -> memref<1x1x512xf32, #tpu.memory_space<hbm>>
        %dma_wait3A_1469 = arith.constant 0 : i32
        %dma_wait3A_1470 = arith.constant 0 : i32
        %dma_wait3A_1471 = tpu.memref_slice %arg5[%dma_wait3A_1469, %dma_wait3A_1470, %mul3A_2] : memref<7x15x16384xf32, #tpu.memory_space<hbm>> -> memref<1x1x512xf32, #tpu.memory_space<hbm>>
        %dma_wait3A_1472 = arith.constant 0 : i32
        %dma_wait3A_1473 = arith.constant 0 : i32
        %dma_wait3A_1474 = arith.constant 0 : i32
        %dma_wait3A_1475 = tpu.memref_slice %arg8[%dma_wait3A_1472, %dma_wait3A_1473, %dma_wait3A_1474] : memref<2x1x512xf32, #tpu.memory_space<vmem>> -> memref<1x1x512xf32, #tpu.memory_space<vmem>>
        tpu.wait_dma2 semaphore(%arg13 : memref<!tpu.dma_semaphore, #tpu.memory_space<semaphore_mem>>) src(%dma_wait3A_1475 : memref<1x1x512xf32, #tpu.memory_space<vmem>>) dst(%dma_wait3A_1471 : memref<1x1x512xf32, #tpu.memory_space<hbm>>)
      } else {
      }
      %parallel_loop3A_881 = arith.constant 0 : i32
      %parallel_loop3A_882 = arith.constant 32 : i32
      %parallel_loop3A_883 = arith.constant 1 : i32
      scf.for %parallel_loop3A_1462 = %parallel_loop3A_881 to %parallel_loop3A_882 step %parallel_loop3A_883  : i32 {
        %parallel_loop3A_1463 = arith.constant 16 : i32
        %parallel_loop3A_1464 = arith.muli %parallel_loop3A_1462, %parallel_loop3A_1463 : i32
        %parallel_loop3A_1465 = arith.constant 0 : i32
        %parallel_loop3A_1466 = arith.constant 0 : i32
        %parallel_loop3A_1467 = arith.constant 1 : i32
        %parallel_loop3A_1468 = arith.index_cast %select_n3A_601 : i32 to index
        %parallel_loop3A_1469 = arith.index_cast %parallel_loop3A_1465 : i32 to index
        %parallel_loop3A_1470 = arith.index_cast %parallel_loop3A_1466 : i32 to index
        %parallel_loop3A_1471 = arith.index_cast %parallel_loop3A_1467 : i32 to index
        %parallel_loop3A_1472 = arith.index_cast %parallel_loop3A_1464 : i32 to index
        %parallel_loop3A_1473 = tpu.vector_load %arg6[%parallel_loop3A_1468, %parallel_loop3A_1469, %parallel_loop3A_1470, %parallel_loop3A_1471, %parallel_loop3A_1472] {strides = array<i32>} : memref<2x9x1x8x512xf32, #tpu.memory_space<vmem>>, vector<16xf32>,
        %parallel_loop3A_1474 = arith.constant 16 : i32
        %parallel_loop3A_1475 = arith.muli %parallel_loop3A_1462, %parallel_loop3A_1474 : i32
        %parallel_loop3A_1476 = arith.constant 1 : i32
        %parallel_loop3A_1477 = arith.constant 0 : i32
        %parallel_loop3A_1478 = arith.constant 1 : i32
        %parallel_loop3A_1479 = arith.index_cast %select_n3A_601 : i32 to index
        %parallel_loop3A_1480 = arith.index_cast %parallel_loop3A_1476 : i32 to index
        %parallel_loop3A_1481 = arith.index_cast %parallel_loop3A_1477 : i32 to index
        %parallel_loop3A_1482 = arith.index_cast %parallel_loop3A_1478 : i32 to index
        %parallel_loop3A_1483 = arith.index_cast %parallel_loop3A_1475 : i32 to index
        %parallel_loop3A_1484 = tpu.vector_load %arg6[%parallel_loop3A_1479, %parallel_loop3A_1480, %parallel_loop3A_1481, %parallel_loop3A_1482, %parallel_loop3A_1483] {strides = array<i32>} : memref<2x9x1x8x512xf32, #tpu.memory_space<vmem>>, vector<16xf32>,
        %parallel_loop3A_1485 = arith.constant 16 : i32
        %parallel_loop3A_1486 = arith.muli %parallel_loop3A_1462, %parallel_loop3A_1485 : i32
        %parallel_loop3A_1487 = arith.constant 2 : i32
        %parallel_loop3A_1488 = arith.constant 0 : i32
        %parallel_loop3A_1489 = arith.constant 1 : i32
        %parallel_loop3A_1490 = arith.index_cast %select_n3A_601 : i32 to index
        %parallel_loop3A_1491 = arith.index_cast %parallel_loop3A_1487 : i32 to index
        %parallel_loop3A_1492 = arith.index_cast %parallel_loop3A_1488 : i32 to index
        %parallel_loop3A_1493 = arith.index_cast %parallel_loop3A_1489 : i32 to index
        %parallel_loop3A_1494 = arith.index_cast %parallel_loop3A_1486 : i32 to index
        %parallel_loop3A_1495 = tpu.vector_load %arg6[%parallel_loop3A_1490, %parallel_loop3A_1491, %parallel_loop3A_1492, %parallel_loop3A_1493, %parallel_loop3A_1494] {strides = array<i32>} : memref<2x9x1x8x512xf32, #tpu.memory_space<vmem>>, vector<16xf32>,
        %parallel_loop3A_1496 = arith.constant 16 : i32
        %parallel_loop3A_1497 = arith.muli %parallel_loop3A_1462, %parallel_loop3A_1496 : i32
        %parallel_loop3A_1498 = arith.constant 3 : i32
        %parallel_loop3A_1499 = arith.constant 0 : i32
        %parallel_loop3A_1500 = arith.constant 1 : i32
        %parallel_loop3A_1501 = arith.index_cast %select_n3A_601 : i32 to index
        %parallel_loop3A_1502 = arith.index_cast %parallel_loop3A_1498 : i32 to index
        %parallel_loop3A_1503 = arith.index_cast %parallel_loop3A_1499 : i32 to index
        %parallel_loop3A_1504 = arith.index_cast %parallel_loop3A_1500 : i32 to index
        %parallel_loop3A_1505 = arith.index_cast %parallel_loop3A_1497 : i32 to index
        %parallel_loop3A_1506 = tpu.vector_load %arg6[%parallel_loop3A_1501, %parallel_loop3A_1502, %parallel_loop3A_1503, %parallel_loop3A_1504, %parallel_loop3A_1505] {strides = array<i32>} : memref<2x9x1x8x512xf32, #tpu.memory_space<vmem>>, vector<16xf32>,
        %parallel_loop3A_1507 = arith.constant 16 : i32
        %parallel_loop3A_1508 = arith.muli %parallel_loop3A_1462, %parallel_loop3A_1507 : i32
        %parallel_loop3A_1509 = arith.constant 4 : i32
        %parallel_loop3A_1510 = arith.constant 0 : i32
        %parallel_loop3A_1511 = arith.constant 1 : i32
        %parallel_loop3A_1512 = arith.index_cast %select_n3A_601 : i32 to index
        %parallel_loop3A_1513 = arith.index_cast %parallel_loop3A_1509 : i32 to index
        %parallel_loop3A_1514 = arith.index_cast %parallel_loop3A_1510 : i32 to index
        %parallel_loop3A_1515 = arith.index_cast %parallel_loop3A_1511 : i32 to index
        %parallel_loop3A_1516 = arith.index_cast %parallel_loop3A_1508 : i32 to index
        %parallel_loop3A_1517 = tpu.vector_load %arg6[%parallel_loop3A_1512, %parallel_loop3A_1513, %parallel_loop3A_1514, %parallel_loop3A_1515, %parallel_loop3A_1516] {strides = array<i32>} : memref<2x9x1x8x512xf32, #tpu.memory_space<vmem>>, vector<16xf32>,
        %parallel_loop3A_1518 = arith.constant 16 : i32
        %parallel_loop3A_1519 = arith.muli %parallel_loop3A_1462, %parallel_loop3A_1518 : i32
        %parallel_loop3A_1520 = arith.constant 5 : i32
        %parallel_loop3A_1521 = arith.constant 0 : i32
        %parallel_loop3A_1522 = arith.constant 1 : i32
        %parallel_loop3A_1523 = arith.index_cast %select_n3A_601 : i32 to index
        %parallel_loop3A_1524 = arith.index_cast %parallel_loop3A_1520 : i32 to index
        %parallel_loop3A_1525 = arith.index_cast %parallel_loop3A_1521 : i32 to index
        %parallel_loop3A_1526 = arith.index_cast %parallel_loop3A_1522 : i32 to index
        %parallel_loop3A_1527 = arith.index_cast %parallel_loop3A_1519 : i32 to index
        %parallel_loop3A_1528 = tpu.vector_load %arg6[%parallel_loop3A_1523, %parallel_loop3A_1524, %parallel_loop3A_1525, %parallel_loop3A_1526, %parallel_loop3A_1527] {strides = array<i32>} : memref<2x9x1x8x512xf32, #tpu.memory_space<vmem>>, vector<16xf32>,
        %parallel_loop3A_1529 = arith.constant 16 : i32
        %parallel_loop3A_1530 = arith.muli %parallel_loop3A_1462, %parallel_loop3A_1529 : i32
        %parallel_loop3A_1531 = arith.constant 6 : i32
        %parallel_loop3A_1532 = arith.constant 0 : i32
        %parallel_loop3A_1533 = arith.constant 1 : i32
        %parallel_loop3A_1534 = arith.index_cast %select_n3A_601 : i32 to index
        %parallel_loop3A_1535 = arith.index_cast %parallel_loop3A_1531 : i32 to index
        %parallel_loop3A_1536 = arith.index_cast %parallel_loop3A_1532 : i32 to index
        %parallel_loop3A_1537 = arith.index_cast %parallel_loop3A_1533 : i32 to index
        %parallel_loop3A_1538 = arith.index_cast %parallel_loop3A_1530 : i32 to index
        %parallel_loop3A_1539 = tpu.vector_load %arg6[%parallel_loop3A_1534, %parallel_loop3A_1535, %parallel_loop3A_1536, %parallel_loop3A_1537, %parallel_loop3A_1538] {strides = array<i32>} : memref<2x9x1x8x512xf32, #tpu.memory_space<vmem>>, vector<16xf32>,
        %parallel_loop3A_1540 = arith.constant 16 : i32
        %parallel_loop3A_1541 = arith.muli %parallel_loop3A_1462, %parallel_loop3A_1540 : i32
        %parallel_loop3A_1542 = arith.constant 7 : i32
        %parallel_loop3A_1543 = arith.constant 0 : i32
        %parallel_loop3A_1544 = arith.constant 1 : i32
        %parallel_loop3A_1545 = arith.index_cast %select_n3A_601 : i32 to index
        %parallel_loop3A_1546 = arith.index_cast %parallel_loop3A_1542 : i32 to index
        %parallel_loop3A_1547 = arith.index_cast %parallel_loop3A_1543 : i32 to index
        %parallel_loop3A_1548 = arith.index_cast %parallel_loop3A_1544 : i32 to index
        %parallel_loop3A_1549 = arith.index_cast %parallel_loop3A_1541 : i32 to index
        %parallel_loop3A_1550 = tpu.vector_load %arg6[%parallel_loop3A_1545, %parallel_loop3A_1546, %parallel_loop3A_1547, %parallel_loop3A_1548, %parallel_loop3A_1549] {strides = array<i32>} : memref<2x9x1x8x512xf32, #tpu.memory_space<vmem>>, vector<16xf32>,
        %parallel_loop3A_1551 = arith.constant 16 : i32
        %parallel_loop3A_1552 = arith.muli %parallel_loop3A_1462, %parallel_loop3A_1551 : i32
        %parallel_loop3A_1553 = arith.constant 8 : i32
        %parallel_loop3A_1554 = arith.constant 0 : i32
        %parallel_loop3A_1555 = arith.constant 1 : i32
        %parallel_loop3A_1556 = arith.index_cast %select_n3A_601 : i32 to index
        %parallel_loop3A_1557 = arith.index_cast %parallel_loop3A_1553 : i32 to index
        %parallel_loop3A_1558 = arith.index_cast %parallel_loop3A_1554 : i32 to index
        %parallel_loop3A_1559 = arith.index_cast %parallel_loop3A_1555 : i32 to index
        %parallel_loop3A_1560 = arith.index_cast %parallel_loop3A_1552 : i32 to index
        %parallel_loop3A_1561 = tpu.vector_load %arg6[%parallel_loop3A_1556, %parallel_loop3A_1557, %parallel_loop3A_1558, %parallel_loop3A_1559, %parallel_loop3A_1560] {strides = array<i32>} : memref<2x9x1x8x512xf32, #tpu.memory_space<vmem>>, vector<16xf32>,
        %parallel_loop3A_1562 = arith.mulf %parallel_loop3A_1473, %gather3A_855 : vector<16xf32>
        %parallel_loop3A_1563 = arith.mulf %parallel_loop3A_1484, %gather3A_861 : vector<16xf32>
        %parallel_loop3A_1564 = arith.addf %parallel_loop3A_1562, %parallel_loop3A_1563 : vector<16xf32>
        %parallel_loop3A_1565 = arith.mulf %parallel_loop3A_1506, %gather3A_867 : vector<16xf32>
        %parallel_loop3A_1566 = arith.addf %parallel_loop3A_1564, %parallel_loop3A_1565 : vector<16xf32>
        %parallel_loop3A_1567 = arith.mulf %parallel_loop3A_1517, %gather3A_873 : vector<16xf32>
        %parallel_loop3A_1568 = arith.addf %parallel_loop3A_1566, %parallel_loop3A_1567 : vector<16xf32>
        %parallel_loop3A_1569 = arith.mulf %parallel_loop3A_1484, %gather3A_855 : vector<16xf32>
        %parallel_loop3A_1570 = arith.mulf %parallel_loop3A_1495, %gather3A_861 : vector<16xf32>
        %parallel_loop3A_1571 = arith.addf %parallel_loop3A_1569, %parallel_loop3A_1570 : vector<16xf32>
        %parallel_loop3A_1572 = arith.mulf %parallel_loop3A_1517, %gather3A_867 : vector<16xf32>
        %parallel_loop3A_1573 = arith.addf %parallel_loop3A_1571, %parallel_loop3A_1572 : vector<16xf32>
        %parallel_loop3A_1574 = arith.mulf %parallel_loop3A_1528, %gather3A_873 : vector<16xf32>
        %parallel_loop3A_1575 = arith.addf %parallel_loop3A_1573, %parallel_loop3A_1574 : vector<16xf32>
        %parallel_loop3A_1576 = arith.mulf %parallel_loop3A_1506, %gather3A_855 : vector<16xf32>
        %parallel_loop3A_1577 = arith.mulf %parallel_loop3A_1517, %gather3A_861 : vector<16xf32>
        %parallel_loop3A_1578 = arith.addf %parallel_loop3A_1576, %parallel_loop3A_1577 : vector<16xf32>
        %parallel_loop3A_1579 = arith.mulf %parallel_loop3A_1539, %gather3A_867 : vector<16xf32>
        %parallel_loop3A_1580 = arith.addf %parallel_loop3A_1578, %parallel_loop3A_1579 : vector<16xf32>
        %parallel_loop3A_1581 = arith.mulf %parallel_loop3A_1550, %gather3A_873 : vector<16xf32>
        %parallel_loop3A_1582 = arith.addf %parallel_loop3A_1580, %parallel_loop3A_1581 : vector<16xf32>
        %parallel_loop3A_1583 = arith.mulf %parallel_loop3A_1517, %gather3A_855 : vector<16xf32>
        %parallel_loop3A_1584 = arith.mulf %parallel_loop3A_1528, %gather3A_861 : vector<16xf32>
        %parallel_loop3A_1585 = arith.addf %parallel_loop3A_1583, %parallel_loop3A_1584 : vector<16xf32>
        %parallel_loop3A_1586 = arith.mulf %parallel_loop3A_1550, %gather3A_867 : vector<16xf32>
        %parallel_loop3A_1587 = arith.addf %parallel_loop3A_1585, %parallel_loop3A_1586 : vector<16xf32>
        %parallel_loop3A_1588 = arith.mulf %parallel_loop3A_1561, %gather3A_873 : vector<16xf32>
        %parallel_loop3A_1589 = arith.addf %parallel_loop3A_1587, %parallel_loop3A_1588 : vector<16xf32>
        %parallel_loop3A_1590 = arith.maximumf %parallel_loop3A_1568, %parallel_loop3A_1575 : vector<16xf32>
        %parallel_loop3A_1591 = arith.maximumf %parallel_loop3A_1582, %parallel_loop3A_1589 : vector<16xf32>
        %parallel_loop3A_1592 = arith.maximumf %parallel_loop3A_1590, %parallel_loop3A_1591 : vector<16xf32>
        %parallel_loop3A_1593 = arith.addf %parallel_loop3A_1592, %gather3A_875 : vector<16xf32>
        %parallel_loop3A_1594 = arith.constant 2.000000e-01 : f32
        %parallel_loop3A_1595 = vector.broadcast %parallel_loop3A_1594 : f32 to vector<16xf32>
        %parallel_loop3A_1596 = arith.mulf %parallel_loop3A_1595, %parallel_loop3A_1593 : vector<16xf32>
        %parallel_loop3A_1597 = arith.maximumf %parallel_loop3A_1593, %parallel_loop3A_1596 : vector<16xf32>
        %parallel_loop3A_1598 = arith.addf %parallel_loop3A_1597, %parallel_loop3A_1517 : vector<16xf32>
        %parallel_loop3A_1599 = arith.constant 16 : i32
        %parallel_loop3A_1600 = arith.muli %parallel_loop3A_1462, %parallel_loop3A_1599 : i32
        %parallel_loop3A_1601 = arith.constant 1 : i32
        %parallel_loop3A_1602 = arith.constant 0 : i32
        %parallel_loop3A_1603 = arith.index_cast %parallel_loop3A_1601 : i32 to index
        %parallel_loop3A_1604 = arith.index_cast %parallel_loop3A_1602 : i32 to index
        %parallel_loop3A_1605 = arith.index_cast %parallel_loop3A_1600 : i32 to index
        %parallel_loop3A_1606 = tpu.vector_load %arg8[%parallel_loop3A_1603, %parallel_loop3A_1604, %parallel_loop3A_1605] {strides = array<i32>} : memref<2x1x512xf32, #tpu.memory_space<vmem>>, vector<16xf32>,
        tpu.vector_store %arg8[%parallel_loop3A_1603, %parallel_loop3A_1604, %parallel_loop3A_1605], %parallel_loop3A_1598 {strides = array<i32>} : memref<2x1x512xf32, #tpu.memory_space<vmem>>, vector<16xf32>,
      } {sc.loop_unroll_factor = 2 : i64, sc.parallel_access}
      %jit3A_884 = arith.constant 7 : i32
      %eq3A_885 = arith.constant 0 : i32
      %eq3A_886 = arith.cmpi eq, %jit3A_884, %eq3A_885 : i32
      %jit3A_887 = arith.constant 1 : i32
      %select_n3A_888 = arith.select %eq3A_886, %jit3A_887, %jit3A_884 : i32
      %rem3A_889 = arith.remsi %add3A_849, %select_n3A_888 : i32
      %ne3A_890 = arith.constant 0 : i32
      %ne3A_891 = arith.cmpi ne, %rem3A_889, %ne3A_890 : i32
      %lt3A_892 = arith.constant 0 : i32
      %lt3A_893 = arith.cmpi slt, %rem3A_889, %lt3A_892 : i32
      %lt3A_894 = arith.constant 0 : i32
      %lt3A_895 = arith.cmpi slt, %select_n3A_888, %lt3A_894 : i32
      %ne3A_896 = arith.xori %lt3A_893, %lt3A_895 : i1
      %and3A_897 = arith.andi %ne3A_896, %ne3A_891 : i1
      %add3A_898 = arith.addi %rem3A_889, %select_n3A_888 : i32
      %select_n3A_899 = arith.select %and3A_897, %add3A_898, %rem3A_889 : i32
      %jit3A_900 = arith.constant 7 : i32
      %div3A_901 = arith.divsi %add3A_849, %jit3A_900 : i32
      %sign3A_902 = arith.constant 0 : i32
      %sign3A_903 = arith.cmpi sgt, %add3A_849, %sign3A_902 : i32
      %sign3A_904 = arith.extui %sign3A_903 : i1 to i32
      %sign3A_905 = arith.constant 0 : i32
      %sign3A_906 = arith.cmpi slt, %add3A_849, %sign3A_905 : i32
      %sign3A_907 = arith.extui %sign3A_906 : i1 to i32
      %sign3A_908 = arith.subi %sign3A_904, %sign3A_907 : i32
      %sign3A_909 = arith.constant 0 : i32
      %sign3A_910 = arith.cmpi sgt, %jit3A_900, %sign3A_909 : i32
      %sign3A_911 = arith.extui %sign3A_910 : i1 to i32
      %sign3A_912 = arith.constant 0 : i32
      %sign3A_913 = arith.cmpi slt, %jit3A_900, %sign3A_912 : i32
      %sign3A_914 = arith.extui %sign3A_913 : i1 to i32
      %sign3A_915 = arith.subi %sign3A_911, %sign3A_914 : i32
      %ne3A_916 = arith.cmpi ne, %sign3A_908, %sign3A_915 : i32
      %rem3A_917 = arith.remsi %add3A_849, %jit3A_900 : i32
      %ne3A_918 = arith.constant 0 : i32
      %ne3A_919 = arith.cmpi ne, %rem3A_917, %ne3A_918 : i32
      %and3A_920 = arith.andi %ne3A_916, %ne3A_919 : i1
      %sub3A_921 = arith.constant 1 : i32
      %sub3A_922 = arith.subi %div3A_901, %sub3A_921 : i32
      %select_n3A_923 = arith.select %and3A_920, %sub3A_922, %div3A_901 : i32
      %dma_start3A_924 = arith.constant 1 : i32
      %dma_start3A_925 = arith.constant 0 : i32
      %dma_start3A_926 = arith.constant 0 : i32
      %dma_start3A_927 = tpu.memref_slice %arg8[%dma_start3A_924, %dma_start3A_925, %dma_start3A_926] : memref<2x1x512xf32, #tpu.memory_space<vmem>> -> memref<1x1x512xf32, #tpu.memory_space<vmem>>
      %dma_start3A_928 = tpu.memref_slice %arg5[%select_n3A_899, %select_n3A_923, %mul3A_2] : memref<7x15x16384xf32, #tpu.memory_space<hbm>> -> memref<1x1x512xf32, #tpu.memory_space<hbm>>
      %dma_start3A_929 = tpu.memref_slice %arg5[%select_n3A_899, %select_n3A_923, %mul3A_2] : memref<7x15x16384xf32, #tpu.memory_space<hbm>> -> memref<1x1x512xf32, #tpu.memory_space<hbm>>
      %dma_start3A_930 = arith.constant 1 : i32
      %dma_start3A_931 = arith.constant 0 : i32
      %dma_start3A_932 = arith.constant 0 : i32
      %dma_start3A_933 = tpu.memref_slice %arg8[%dma_start3A_930, %dma_start3A_931, %dma_start3A_932] : memref<2x1x512xf32, #tpu.memory_space<vmem>> -> memref<1x1x512xf32, #tpu.memory_space<vmem>>
      tpu.enqueue_dma source(%dma_start3A_933 : memref<1x1x512xf32, #tpu.memory_space<vmem>>) target(%dma_start3A_929 : memref<1x1x512xf32, #tpu.memory_space<hbm>>) target_semaphore(%arg13 : memref<!tpu.dma_semaphore, #tpu.memory_space<semaphore_mem>>)
      %mul3A_934 = arith.constant 8 : i32
      %mul3A_935 = arith.muli %scan3A_585, %mul3A_934 : i32
      %add3A_936 = arith.constant 2 : i32
      %add3A_937 = arith.addi %mul3A_935, %add3A_936 : i32
      %mul3A_938 = arith.constant 4 : i32
      %mul3A_939 = arith.muli %add3A_937, %mul3A_938 : i32
      %add3A_940 = arith.constant 0 : i32
      %add3A_941 = arith.addi %mul3A_939, %add3A_940 : i32
      %broadcast_in_dim3A_942 = vector.broadcast %add3A_941 : i32 to vector<16xi32>
      %gather3A_943 = tpu.vector_load_idx %arg9[%broadcast_in_dim3A_942] : memref<420xf32, #tpu.memory_space<vmem>>[vector<16xi32>], vector<16xf32>,
      %mul3A_944 = arith.constant 4 : i32
      %mul3A_945 = arith.muli %add3A_937, %mul3A_944 : i32
      %add3A_946 = arith.constant 1 : i32
      %add3A_947 = arith.addi %mul3A_945, %add3A_946 : i32
      %broadcast_in_dim3A_948 = vector.broadcast %add3A_947 : i32 to vector<16xi32>
      %gather3A_949 = tpu.vector_load_idx %arg9[%broadcast_in_dim3A_948] : memref<420xf32, #tpu.memory_space<vmem>>[vector<16xi32>], vector<16xf32>,
      %mul3A_950 = arith.constant 4 : i32
      %mul3A_951 = arith.muli %add3A_937, %mul3A_950 : i32
      %add3A_952 = arith.constant 2 : i32
      %add3A_953 = arith.addi %mul3A_951, %add3A_952 : i32
      %broadcast_in_dim3A_954 = vector.broadcast %add3A_953 : i32 to vector<16xi32>
      %gather3A_955 = tpu.vector_load_idx %arg9[%broadcast_in_dim3A_954] : memref<420xf32, #tpu.memory_space<vmem>>[vector<16xi32>], vector<16xf32>,
      %mul3A_956 = arith.constant 4 : i32
      %mul3A_957 = arith.muli %add3A_937, %mul3A_956 : i32
      %add3A_958 = arith.constant 3 : i32
      %add3A_959 = arith.addi %mul3A_957, %add3A_958 : i32
      %broadcast_in_dim3A_960 = vector.broadcast %add3A_959 : i32 to vector<16xi32>
      %gather3A_961 = tpu.vector_load_idx %arg9[%broadcast_in_dim3A_960] : memref<420xf32, #tpu.memory_space<vmem>>[vector<16xi32>], vector<16xf32>,
      %broadcast_in_dim3A_962 = vector.broadcast %add3A_937 : i32 to vector<16xi32>
      %gather3A_963 = tpu.vector_load_idx %arg10[%broadcast_in_dim3A_962] : memref<105xf32, #tpu.memory_space<vmem>>[vector<16xi32>], vector<16xf32>,
      %ge3A_964 = arith.constant 2 : i32
      %ge3A_965 = arith.cmpi sge, %add3A_937, %ge3A_964 : i32
      %convert_element_type3A_966 = arith.extui %ge3A_965 : i1 to i32
      %cond3A_967 = arith.constant 0 : i32
      %cond3A_968 = arith.cmpi ne, %convert_element_type3A_966, %cond3A_967 : i32
      scf.if %cond3A_968 {
        %dma_wait3A_1462 = arith.constant 0 : i32
        %dma_wait3A_1463 = arith.constant 0 : i32
        %dma_wait3A_1464 = arith.constant 0 : i32
        %dma_wait3A_1465 = tpu.memref_slice %arg8[%dma_wait3A_1462, %dma_wait3A_1463, %dma_wait3A_1464] : memref<2x1x512xf32, #tpu.memory_space<vmem>> -> memref<1x1x512xf32, #tpu.memory_space<vmem>>
        %dma_wait3A_1466 = arith.constant 0 : i32
        %dma_wait3A_1467 = arith.constant 0 : i32
        %dma_wait3A_1468 = tpu.memref_slice %arg5[%dma_wait3A_1466, %dma_wait3A_1467, %mul3A_2] : memref<7x15x16384xf32, #tpu.memory_space<hbm>> -> memref<1x1x512xf32, #tpu.memory_space<hbm>>
        %dma_wait3A_1469 = arith.constant 0 : i32
        %dma_wait3A_1470 = arith.constant 0 : i32
        %dma_wait3A_1471 = tpu.memref_slice %arg5[%dma_wait3A_1469, %dma_wait3A_1470, %mul3A_2] : memref<7x15x16384xf32, #tpu.memory_space<hbm>> -> memref<1x1x512xf32, #tpu.memory_space<hbm>>
        %dma_wait3A_1472 = arith.constant 0 : i32
        %dma_wait3A_1473 = arith.constant 0 : i32
        %dma_wait3A_1474 = arith.constant 0 : i32
        %dma_wait3A_1475 = tpu.memref_slice %arg8[%dma_wait3A_1472, %dma_wait3A_1473, %dma_wait3A_1474] : memref<2x1x512xf32, #tpu.memory_space<vmem>> -> memref<1x1x512xf32, #tpu.memory_space<vmem>>
        tpu.wait_dma2 semaphore(%arg13 : memref<!tpu.dma_semaphore, #tpu.memory_space<semaphore_mem>>) src(%dma_wait3A_1475 : memref<1x1x512xf32, #tpu.memory_space<vmem>>) dst(%dma_wait3A_1471 : memref<1x1x512xf32, #tpu.memory_space<hbm>>)
      } else {
      }
      %parallel_loop3A_969 = arith.constant 0 : i32
      %parallel_loop3A_970 = arith.constant 32 : i32
      %parallel_loop3A_971 = arith.constant 1 : i32
      scf.for %parallel_loop3A_1462 = %parallel_loop3A_969 to %parallel_loop3A_970 step %parallel_loop3A_971  : i32 {
        %parallel_loop3A_1463 = arith.constant 16 : i32
        %parallel_loop3A_1464 = arith.muli %parallel_loop3A_1462, %parallel_loop3A_1463 : i32
        %parallel_loop3A_1465 = arith.constant 0 : i32
        %parallel_loop3A_1466 = arith.constant 0 : i32
        %parallel_loop3A_1467 = arith.constant 2 : i32
        %parallel_loop3A_1468 = arith.index_cast %select_n3A_601 : i32 to index
        %parallel_loop3A_1469 = arith.index_cast %parallel_loop3A_1465 : i32 to index
        %parallel_loop3A_1470 = arith.index_cast %parallel_loop3A_1466 : i32 to index
        %parallel_loop3A_1471 = arith.index_cast %parallel_loop3A_1467 : i32 to index
        %parallel_loop3A_1472 = arith.index_cast %parallel_loop3A_1464 : i32 to index
        %parallel_loop3A_1473 = tpu.vector_load %arg6[%parallel_loop3A_1468, %parallel_loop3A_1469, %parallel_loop3A_1470, %parallel_loop3A_1471, %parallel_loop3A_1472] {strides = array<i32>} : memref<2x9x1x8x512xf32, #tpu.memory_space<vmem>>, vector<16xf32>,
        %parallel_loop3A_1474 = arith.constant 16 : i32
        %parallel_loop3A_1475 = arith.muli %parallel_loop3A_1462, %parallel_loop3A_1474 : i32
        %parallel_loop3A_1476 = arith.constant 1 : i32
        %parallel_loop3A_1477 = arith.constant 0 : i32
        %parallel_loop3A_1478 = arith.constant 2 : i32
        %parallel_loop3A_1479 = arith.index_cast %select_n3A_601 : i32 to index
        %parallel_loop3A_1480 = arith.index_cast %parallel_loop3A_1476 : i32 to index
        %parallel_loop3A_1481 = arith.index_cast %parallel_loop3A_1477 : i32 to index
        %parallel_loop3A_1482 = arith.index_cast %parallel_loop3A_1478 : i32 to index
        %parallel_loop3A_1483 = arith.index_cast %parallel_loop3A_1475 : i32 to index
        %parallel_loop3A_1484 = tpu.vector_load %arg6[%parallel_loop3A_1479, %parallel_loop3A_1480, %parallel_loop3A_1481, %parallel_loop3A_1482, %parallel_loop3A_1483] {strides = array<i32>} : memref<2x9x1x8x512xf32, #tpu.memory_space<vmem>>, vector<16xf32>,
        %parallel_loop3A_1485 = arith.constant 16 : i32
        %parallel_loop3A_1486 = arith.muli %parallel_loop3A_1462, %parallel_loop3A_1485 : i32
        %parallel_loop3A_1487 = arith.constant 2 : i32
        %parallel_loop3A_1488 = arith.constant 0 : i32
        %parallel_loop3A_1489 = arith.constant 2 : i32
        %parallel_loop3A_1490 = arith.index_cast %select_n3A_601 : i32 to index
        %parallel_loop3A_1491 = arith.index_cast %parallel_loop3A_1487 : i32 to index
        %parallel_loop3A_1492 = arith.index_cast %parallel_loop3A_1488 : i32 to index
        %parallel_loop3A_1493 = arith.index_cast %parallel_loop3A_1489 : i32 to index
        %parallel_loop3A_1494 = arith.index_cast %parallel_loop3A_1486 : i32 to index
        %parallel_loop3A_1495 = tpu.vector_load %arg6[%parallel_loop3A_1490, %parallel_loop3A_1491, %parallel_loop3A_1492, %parallel_loop3A_1493, %parallel_loop3A_1494] {strides = array<i32>} : memref<2x9x1x8x512xf32, #tpu.memory_space<vmem>>, vector<16xf32>,
        %parallel_loop3A_1496 = arith.constant 16 : i32
        %parallel_loop3A_1497 = arith.muli %parallel_loop3A_1462, %parallel_loop3A_1496 : i32
        %parallel_loop3A_1498 = arith.constant 3 : i32
        %parallel_loop3A_1499 = arith.constant 0 : i32
        %parallel_loop3A_1500 = arith.constant 2 : i32
        %parallel_loop3A_1501 = arith.index_cast %select_n3A_601 : i32 to index
        %parallel_loop3A_1502 = arith.index_cast %parallel_loop3A_1498 : i32 to index
        %parallel_loop3A_1503 = arith.index_cast %parallel_loop3A_1499 : i32 to index
        %parallel_loop3A_1504 = arith.index_cast %parallel_loop3A_1500 : i32 to index
        %parallel_loop3A_1505 = arith.index_cast %parallel_loop3A_1497 : i32 to index
        %parallel_loop3A_1506 = tpu.vector_load %arg6[%parallel_loop3A_1501, %parallel_loop3A_1502, %parallel_loop3A_1503, %parallel_loop3A_1504, %parallel_loop3A_1505] {strides = array<i32>} : memref<2x9x1x8x512xf32, #tpu.memory_space<vmem>>, vector<16xf32>,
        %parallel_loop3A_1507 = arith.constant 16 : i32
        %parallel_loop3A_1508 = arith.muli %parallel_loop3A_1462, %parallel_loop3A_1507 : i32
        %parallel_loop3A_1509 = arith.constant 4 : i32
        %parallel_loop3A_1510 = arith.constant 0 : i32
        %parallel_loop3A_1511 = arith.constant 2 : i32
        %parallel_loop3A_1512 = arith.index_cast %select_n3A_601 : i32 to index
        %parallel_loop3A_1513 = arith.index_cast %parallel_loop3A_1509 : i32 to index
        %parallel_loop3A_1514 = arith.index_cast %parallel_loop3A_1510 : i32 to index
        %parallel_loop3A_1515 = arith.index_cast %parallel_loop3A_1511 : i32 to index
        %parallel_loop3A_1516 = arith.index_cast %parallel_loop3A_1508 : i32 to index
        %parallel_loop3A_1517 = tpu.vector_load %arg6[%parallel_loop3A_1512, %parallel_loop3A_1513, %parallel_loop3A_1514, %parallel_loop3A_1515, %parallel_loop3A_1516] {strides = array<i32>} : memref<2x9x1x8x512xf32, #tpu.memory_space<vmem>>, vector<16xf32>,
        %parallel_loop3A_1518 = arith.constant 16 : i32
        %parallel_loop3A_1519 = arith.muli %parallel_loop3A_1462, %parallel_loop3A_1518 : i32
        %parallel_loop3A_1520 = arith.constant 5 : i32
        %parallel_loop3A_1521 = arith.constant 0 : i32
        %parallel_loop3A_1522 = arith.constant 2 : i32
        %parallel_loop3A_1523 = arith.index_cast %select_n3A_601 : i32 to index
        %parallel_loop3A_1524 = arith.index_cast %parallel_loop3A_1520 : i32 to index
        %parallel_loop3A_1525 = arith.index_cast %parallel_loop3A_1521 : i32 to index
        %parallel_loop3A_1526 = arith.index_cast %parallel_loop3A_1522 : i32 to index
        %parallel_loop3A_1527 = arith.index_cast %parallel_loop3A_1519 : i32 to index
        %parallel_loop3A_1528 = tpu.vector_load %arg6[%parallel_loop3A_1523, %parallel_loop3A_1524, %parallel_loop3A_1525, %parallel_loop3A_1526, %parallel_loop3A_1527] {strides = array<i32>} : memref<2x9x1x8x512xf32, #tpu.memory_space<vmem>>, vector<16xf32>,
        %parallel_loop3A_1529 = arith.constant 16 : i32
        %parallel_loop3A_1530 = arith.muli %parallel_loop3A_1462, %parallel_loop3A_1529 : i32
        %parallel_loop3A_1531 = arith.constant 6 : i32
        %parallel_loop3A_1532 = arith.constant 0 : i32
        %parallel_loop3A_1533 = arith.constant 2 : i32
        %parallel_loop3A_1534 = arith.index_cast %select_n3A_601 : i32 to index
        %parallel_loop3A_1535 = arith.index_cast %parallel_loop3A_1531 : i32 to index
        %parallel_loop3A_1536 = arith.index_cast %parallel_loop3A_1532 : i32 to index
        %parallel_loop3A_1537 = arith.index_cast %parallel_loop3A_1533 : i32 to index
        %parallel_loop3A_1538 = arith.index_cast %parallel_loop3A_1530 : i32 to index
        %parallel_loop3A_1539 = tpu.vector_load %arg6[%parallel_loop3A_1534, %parallel_loop3A_1535, %parallel_loop3A_1536, %parallel_loop3A_1537, %parallel_loop3A_1538] {strides = array<i32>} : memref<2x9x1x8x512xf32, #tpu.memory_space<vmem>>, vector<16xf32>,
        %parallel_loop3A_1540 = arith.constant 16 : i32
        %parallel_loop3A_1541 = arith.muli %parallel_loop3A_1462, %parallel_loop3A_1540 : i32
        %parallel_loop3A_1542 = arith.constant 7 : i32
        %parallel_loop3A_1543 = arith.constant 0 : i32
        %parallel_loop3A_1544 = arith.constant 2 : i32
        %parallel_loop3A_1545 = arith.index_cast %select_n3A_601 : i32 to index
        %parallel_loop3A_1546 = arith.index_cast %parallel_loop3A_1542 : i32 to index
        %parallel_loop3A_1547 = arith.index_cast %parallel_loop3A_1543 : i32 to index
        %parallel_loop3A_1548 = arith.index_cast %parallel_loop3A_1544 : i32 to index
        %parallel_loop3A_1549 = arith.index_cast %parallel_loop3A_1541 : i32 to index
        %parallel_loop3A_1550 = tpu.vector_load %arg6[%parallel_loop3A_1545, %parallel_loop3A_1546, %parallel_loop3A_1547, %parallel_loop3A_1548, %parallel_loop3A_1549] {strides = array<i32>} : memref<2x9x1x8x512xf32, #tpu.memory_space<vmem>>, vector<16xf32>,
        %parallel_loop3A_1551 = arith.constant 16 : i32
        %parallel_loop3A_1552 = arith.muli %parallel_loop3A_1462, %parallel_loop3A_1551 : i32
        %parallel_loop3A_1553 = arith.constant 8 : i32
        %parallel_loop3A_1554 = arith.constant 0 : i32
        %parallel_loop3A_1555 = arith.constant 2 : i32
        %parallel_loop3A_1556 = arith.index_cast %select_n3A_601 : i32 to index
        %parallel_loop3A_1557 = arith.index_cast %parallel_loop3A_1553 : i32 to index
        %parallel_loop3A_1558 = arith.index_cast %parallel_loop3A_1554 : i32 to index
        %parallel_loop3A_1559 = arith.index_cast %parallel_loop3A_1555 : i32 to index
        %parallel_loop3A_1560 = arith.index_cast %parallel_loop3A_1552 : i32 to index
        %parallel_loop3A_1561 = tpu.vector_load %arg6[%parallel_loop3A_1556, %parallel_loop3A_1557, %parallel_loop3A_1558, %parallel_loop3A_1559, %parallel_loop3A_1560] {strides = array<i32>} : memref<2x9x1x8x512xf32, #tpu.memory_space<vmem>>, vector<16xf32>,
        %parallel_loop3A_1562 = arith.mulf %parallel_loop3A_1473, %gather3A_943 : vector<16xf32>
        %parallel_loop3A_1563 = arith.mulf %parallel_loop3A_1484, %gather3A_949 : vector<16xf32>
        %parallel_loop3A_1564 = arith.addf %parallel_loop3A_1562, %parallel_loop3A_1563 : vector<16xf32>
        %parallel_loop3A_1565 = arith.mulf %parallel_loop3A_1506, %gather3A_955 : vector<16xf32>
        %parallel_loop3A_1566 = arith.addf %parallel_loop3A_1564, %parallel_loop3A_1565 : vector<16xf32>
        %parallel_loop3A_1567 = arith.mulf %parallel_loop3A_1517, %gather3A_961 : vector<16xf32>
        %parallel_loop3A_1568 = arith.addf %parallel_loop3A_1566, %parallel_loop3A_1567 : vector<16xf32>
        %parallel_loop3A_1569 = arith.mulf %parallel_loop3A_1484, %gather3A_943 : vector<16xf32>
        %parallel_loop3A_1570 = arith.mulf %parallel_loop3A_1495, %gather3A_949 : vector<16xf32>
        %parallel_loop3A_1571 = arith.addf %parallel_loop3A_1569, %parallel_loop3A_1570 : vector<16xf32>
        %parallel_loop3A_1572 = arith.mulf %parallel_loop3A_1517, %gather3A_955 : vector<16xf32>
        %parallel_loop3A_1573 = arith.addf %parallel_loop3A_1571, %parallel_loop3A_1572 : vector<16xf32>
        %parallel_loop3A_1574 = arith.mulf %parallel_loop3A_1528, %gather3A_961 : vector<16xf32>
        %parallel_loop3A_1575 = arith.addf %parallel_loop3A_1573, %parallel_loop3A_1574 : vector<16xf32>
        %parallel_loop3A_1576 = arith.mulf %parallel_loop3A_1506, %gather3A_943 : vector<16xf32>
        %parallel_loop3A_1577 = arith.mulf %parallel_loop3A_1517, %gather3A_949 : vector<16xf32>
        %parallel_loop3A_1578 = arith.addf %parallel_loop3A_1576, %parallel_loop3A_1577 : vector<16xf32>
        %parallel_loop3A_1579 = arith.mulf %parallel_loop3A_1539, %gather3A_955 : vector<16xf32>
        %parallel_loop3A_1580 = arith.addf %parallel_loop3A_1578, %parallel_loop3A_1579 : vector<16xf32>
        %parallel_loop3A_1581 = arith.mulf %parallel_loop3A_1550, %gather3A_961 : vector<16xf32>
        %parallel_loop3A_1582 = arith.addf %parallel_loop3A_1580, %parallel_loop3A_1581 : vector<16xf32>
        %parallel_loop3A_1583 = arith.mulf %parallel_loop3A_1517, %gather3A_943 : vector<16xf32>
        %parallel_loop3A_1584 = arith.mulf %parallel_loop3A_1528, %gather3A_949 : vector<16xf32>
        %parallel_loop3A_1585 = arith.addf %parallel_loop3A_1583, %parallel_loop3A_1584 : vector<16xf32>
        %parallel_loop3A_1586 = arith.mulf %parallel_loop3A_1550, %gather3A_955 : vector<16xf32>
        %parallel_loop3A_1587 = arith.addf %parallel_loop3A_1585, %parallel_loop3A_1586 : vector<16xf32>
        %parallel_loop3A_1588 = arith.mulf %parallel_loop3A_1561, %gather3A_961 : vector<16xf32>
        %parallel_loop3A_1589 = arith.addf %parallel_loop3A_1587, %parallel_loop3A_1588 : vector<16xf32>
        %parallel_loop3A_1590 = arith.maximumf %parallel_loop3A_1568, %parallel_loop3A_1575 : vector<16xf32>
        %parallel_loop3A_1591 = arith.maximumf %parallel_loop3A_1582, %parallel_loop3A_1589 : vector<16xf32>
        %parallel_loop3A_1592 = arith.maximumf %parallel_loop3A_1590, %parallel_loop3A_1591 : vector<16xf32>
        %parallel_loop3A_1593 = arith.addf %parallel_loop3A_1592, %gather3A_963 : vector<16xf32>
        %parallel_loop3A_1594 = arith.constant 2.000000e-01 : f32
        %parallel_loop3A_1595 = vector.broadcast %parallel_loop3A_1594 : f32 to vector<16xf32>
        %parallel_loop3A_1596 = arith.mulf %parallel_loop3A_1595, %parallel_loop3A_1593 : vector<16xf32>
        %parallel_loop3A_1597 = arith.maximumf %parallel_loop3A_1593, %parallel_loop3A_1596 : vector<16xf32>
        %parallel_loop3A_1598 = arith.addf %parallel_loop3A_1597, %parallel_loop3A_1517 : vector<16xf32>
        %parallel_loop3A_1599 = arith.constant 16 : i32
        %parallel_loop3A_1600 = arith.muli %parallel_loop3A_1462, %parallel_loop3A_1599 : i32
        %parallel_loop3A_1601 = arith.constant 0 : i32
        %parallel_loop3A_1602 = arith.constant 0 : i32
        %parallel_loop3A_1603 = arith.index_cast %parallel_loop3A_1601 : i32 to index
        %parallel_loop3A_1604 = arith.index_cast %parallel_loop3A_1602 : i32 to index
        %parallel_loop3A_1605 = arith.index_cast %parallel_loop3A_1600 : i32 to index
        %parallel_loop3A_1606 = tpu.vector_load %arg8[%parallel_loop3A_1603, %parallel_loop3A_1604, %parallel_loop3A_1605] {strides = array<i32>} : memref<2x1x512xf32, #tpu.memory_space<vmem>>, vector<16xf32>,
        tpu.vector_store %arg8[%parallel_loop3A_1603, %parallel_loop3A_1604, %parallel_loop3A_1605], %parallel_loop3A_1598 {strides = array<i32>} : memref<2x1x512xf32, #tpu.memory_space<vmem>>, vector<16xf32>,
      } {sc.loop_unroll_factor = 2 : i64, sc.parallel_access}
      %jit3A_972 = arith.constant 7 : i32
      %eq3A_973 = arith.constant 0 : i32
      %eq3A_974 = arith.cmpi eq, %jit3A_972, %eq3A_973 : i32
      %jit3A_975 = arith.constant 1 : i32
      %select_n3A_976 = arith.select %eq3A_974, %jit3A_975, %jit3A_972 : i32
      %rem3A_977 = arith.remsi %add3A_937, %select_n3A_976 : i32
      %ne3A_978 = arith.constant 0 : i32
      %ne3A_979 = arith.cmpi ne, %rem3A_977, %ne3A_978 : i32
      %lt3A_980 = arith.constant 0 : i32
      %lt3A_981 = arith.cmpi slt, %rem3A_977, %lt3A_980 : i32
      %lt3A_982 = arith.constant 0 : i32
      %lt3A_983 = arith.cmpi slt, %select_n3A_976, %lt3A_982 : i32
      %ne3A_984 = arith.xori %lt3A_981, %lt3A_983 : i1
      %and3A_985 = arith.andi %ne3A_984, %ne3A_979 : i1
      %add3A_986 = arith.addi %rem3A_977, %select_n3A_976 : i32
      %select_n3A_987 = arith.select %and3A_985, %add3A_986, %rem3A_977 : i32
      %jit3A_988 = arith.constant 7 : i32
      %div3A_989 = arith.divsi %add3A_937, %jit3A_988 : i32
      %sign3A_990 = arith.constant 0 : i32
      %sign3A_991 = arith.cmpi sgt, %add3A_937, %sign3A_990 : i32
      %sign3A_992 = arith.extui %sign3A_991 : i1 to i32
      %sign3A_993 = arith.constant 0 : i32
      %sign3A_994 = arith.cmpi slt, %add3A_937, %sign3A_993 : i32
      %sign3A_995 = arith.extui %sign3A_994 : i1 to i32
      %sign3A_996 = arith.subi %sign3A_992, %sign3A_995 : i32
      %sign3A_997 = arith.constant 0 : i32
      %sign3A_998 = arith.cmpi sgt, %jit3A_988, %sign3A_997 : i32
      %sign3A_999 = arith.extui %sign3A_998 : i1 to i32
      %sign3A_1000 = arith.constant 0 : i32
      %sign3A_1001 = arith.cmpi slt, %jit3A_988, %sign3A_1000 : i32
      %sign3A_1002 = arith.extui %sign3A_1001 : i1 to i32
      %sign3A_1003 = arith.subi %sign3A_999, %sign3A_1002 : i32
      %ne3A_1004 = arith.cmpi ne, %sign3A_996, %sign3A_1003 : i32
      %rem3A_1005 = arith.remsi %add3A_937, %jit3A_988 : i32
      %ne3A_1006 = arith.constant 0 : i32
      %ne3A_1007 = arith.cmpi ne, %rem3A_1005, %ne3A_1006 : i32
      %and3A_1008 = arith.andi %ne3A_1004, %ne3A_1007 : i1
      %sub3A_1009 = arith.constant 1 : i32
      %sub3A_1010 = arith.subi %div3A_989, %sub3A_1009 : i32
      %select_n3A_1011 = arith.select %and3A_1008, %sub3A_1010, %div3A_989 : i32
      %dma_start3A_1012 = arith.constant 0 : i32
      %dma_start3A_1013 = arith.constant 0 : i32
      %dma_start3A_1014 = arith.constant 0 : i32
      %dma_start3A_1015 = tpu.memref_slice %arg8[%dma_start3A_1012, %dma_start3A_1013, %dma_start3A_1014] : memref<2x1x512xf32, #tpu.memory_space<vmem>> -> memref<1x1x512xf32, #tpu.memory_space<vmem>>
      %dma_start3A_1016 = tpu.memref_slice %arg5[%select_n3A_987, %select_n3A_1011, %mul3A_2] : memref<7x15x16384xf32, #tpu.memory_space<hbm>> -> memref<1x1x512xf32, #tpu.memory_space<hbm>>
      %dma_start3A_1017 = tpu.memref_slice %arg5[%select_n3A_987, %select_n3A_1011, %mul3A_2] : memref<7x15x16384xf32, #tpu.memory_space<hbm>> -> memref<1x1x512xf32, #tpu.memory_space<hbm>>
      %dma_start3A_1018 = arith.constant 0 : i32
      %dma_start3A_1019 = arith.constant 0 : i32
      %dma_start3A_1020 = arith.constant 0 : i32
      %dma_start3A_1021 = tpu.memref_slice %arg8[%dma_start3A_1018, %dma_start3A_1019, %dma_start3A_1020] : memref<2x1x512xf32, #tpu.memory_space<vmem>> -> memref<1x1x512xf32, #tpu.memory_space<vmem>>
      tpu.enqueue_dma source(%dma_start3A_1021 : memref<1x1x512xf32, #tpu.memory_space<vmem>>) target(%dma_start3A_1017 : memref<1x1x512xf32, #tpu.memory_space<hbm>>) target_semaphore(%arg13 : memref<!tpu.dma_semaphore, #tpu.memory_space<semaphore_mem>>)
      %mul3A_1022 = arith.constant 8 : i32
      %mul3A_1023 = arith.muli %scan3A_585, %mul3A_1022 : i32
      %add3A_1024 = arith.constant 3 : i32
      %add3A_1025 = arith.addi %mul3A_1023, %add3A_1024 : i32
      %mul3A_1026 = arith.constant 4 : i32
      %mul3A_1027 = arith.muli %add3A_1025, %mul3A_1026 : i32
      %add3A_1028 = arith.constant 0 : i32
      %add3A_1029 = arith.addi %mul3A_1027, %add3A_1028 : i32
      %broadcast_in_dim3A_1030 = vector.broadcast %add3A_1029 : i32 to vector<16xi32>
      %gather3A_1031 = tpu.vector_load_idx %arg9[%broadcast_in_dim3A_1030] : memref<420xf32, #tpu.memory_space<vmem>>[vector<16xi32>], vector<16xf32>,
      %mul3A_1032 = arith.constant 4 : i32
      %mul3A_1033 = arith.muli %add3A_1025, %mul3A_1032 : i32
      %add3A_1034 = arith.constant 1 : i32
      %add3A_1035 = arith.addi %mul3A_1033, %add3A_1034 : i32
      %broadcast_in_dim3A_1036 = vector.broadcast %add3A_1035 : i32 to vector<16xi32>
      %gather3A_1037 = tpu.vector_load_idx %arg9[%broadcast_in_dim3A_1036] : memref<420xf32, #tpu.memory_space<vmem>>[vector<16xi32>], vector<16xf32>,
      %mul3A_1038 = arith.constant 4 : i32
      %mul3A_1039 = arith.muli %add3A_1025, %mul3A_1038 : i32
      %add3A_1040 = arith.constant 2 : i32
      %add3A_1041 = arith.addi %mul3A_1039, %add3A_1040 : i32
      %broadcast_in_dim3A_1042 = vector.broadcast %add3A_1041 : i32 to vector<16xi32>
      %gather3A_1043 = tpu.vector_load_idx %arg9[%broadcast_in_dim3A_1042] : memref<420xf32, #tpu.memory_space<vmem>>[vector<16xi32>], vector<16xf32>,
      %mul3A_1044 = arith.constant 4 : i32
      %mul3A_1045 = arith.muli %add3A_1025, %mul3A_1044 : i32
      %add3A_1046 = arith.constant 3 : i32
      %add3A_1047 = arith.addi %mul3A_1045, %add3A_1046 : i32
      %broadcast_in_dim3A_1048 = vector.broadcast %add3A_1047 : i32 to vector<16xi32>
      %gather3A_1049 = tpu.vector_load_idx %arg9[%broadcast_in_dim3A_1048] : memref<420xf32, #tpu.memory_space<vmem>>[vector<16xi32>], vector<16xf32>,
      %broadcast_in_dim3A_1050 = vector.broadcast %add3A_1025 : i32 to vector<16xi32>
      %gather3A_1051 = tpu.vector_load_idx %arg10[%broadcast_in_dim3A_1050] : memref<105xf32, #tpu.memory_space<vmem>>[vector<16xi32>], vector<16xf32>,
      %ge3A_1052 = arith.constant 2 : i32
      %ge3A_1053 = arith.cmpi sge, %add3A_1025, %ge3A_1052 : i32
      %convert_element_type3A_1054 = arith.extui %ge3A_1053 : i1 to i32
      %cond3A_1055 = arith.constant 0 : i32
      %cond3A_1056 = arith.cmpi ne, %convert_element_type3A_1054, %cond3A_1055 : i32
      scf.if %cond3A_1056 {
        %dma_wait3A_1462 = arith.constant 0 : i32
        %dma_wait3A_1463 = arith.constant 0 : i32
        %dma_wait3A_1464 = arith.constant 0 : i32
        %dma_wait3A_1465 = tpu.memref_slice %arg8[%dma_wait3A_1462, %dma_wait3A_1463, %dma_wait3A_1464] : memref<2x1x512xf32, #tpu.memory_space<vmem>> -> memref<1x1x512xf32, #tpu.memory_space<vmem>>
        %dma_wait3A_1466 = arith.constant 0 : i32
        %dma_wait3A_1467 = arith.constant 0 : i32
        %dma_wait3A_1468 = tpu.memref_slice %arg5[%dma_wait3A_1466, %dma_wait3A_1467, %mul3A_2] : memref<7x15x16384xf32, #tpu.memory_space<hbm>> -> memref<1x1x512xf32, #tpu.memory_space<hbm>>
        %dma_wait3A_1469 = arith.constant 0 : i32
        %dma_wait3A_1470 = arith.constant 0 : i32
        %dma_wait3A_1471 = tpu.memref_slice %arg5[%dma_wait3A_1469, %dma_wait3A_1470, %mul3A_2] : memref<7x15x16384xf32, #tpu.memory_space<hbm>> -> memref<1x1x512xf32, #tpu.memory_space<hbm>>
        %dma_wait3A_1472 = arith.constant 0 : i32
        %dma_wait3A_1473 = arith.constant 0 : i32
        %dma_wait3A_1474 = arith.constant 0 : i32
        %dma_wait3A_1475 = tpu.memref_slice %arg8[%dma_wait3A_1472, %dma_wait3A_1473, %dma_wait3A_1474] : memref<2x1x512xf32, #tpu.memory_space<vmem>> -> memref<1x1x512xf32, #tpu.memory_space<vmem>>
        tpu.wait_dma2 semaphore(%arg13 : memref<!tpu.dma_semaphore, #tpu.memory_space<semaphore_mem>>) src(%dma_wait3A_1475 : memref<1x1x512xf32, #tpu.memory_space<vmem>>) dst(%dma_wait3A_1471 : memref<1x1x512xf32, #tpu.memory_space<hbm>>)
      } else {
      }
      %parallel_loop3A_1057 = arith.constant 0 : i32
      %parallel_loop3A_1058 = arith.constant 32 : i32
      %parallel_loop3A_1059 = arith.constant 1 : i32
      scf.for %parallel_loop3A_1462 = %parallel_loop3A_1057 to %parallel_loop3A_1058 step %parallel_loop3A_1059  : i32 {
        %parallel_loop3A_1463 = arith.constant 16 : i32
        %parallel_loop3A_1464 = arith.muli %parallel_loop3A_1462, %parallel_loop3A_1463 : i32
        %parallel_loop3A_1465 = arith.constant 0 : i32
        %parallel_loop3A_1466 = arith.constant 0 : i32
        %parallel_loop3A_1467 = arith.constant 3 : i32
        %parallel_loop3A_1468 = arith.index_cast %select_n3A_601 : i32 to index
        %parallel_loop3A_1469 = arith.index_cast %parallel_loop3A_1465 : i32 to index
        %parallel_loop3A_1470 = arith.index_cast %parallel_loop3A_1466 : i32 to index
        %parallel_loop3A_1471 = arith.index_cast %parallel_loop3A_1467 : i32 to index
        %parallel_loop3A_1472 = arith.index_cast %parallel_loop3A_1464 : i32 to index
        %parallel_loop3A_1473 = tpu.vector_load %arg6[%parallel_loop3A_1468, %parallel_loop3A_1469, %parallel_loop3A_1470, %parallel_loop3A_1471, %parallel_loop3A_1472] {strides = array<i32>} : memref<2x9x1x8x512xf32, #tpu.memory_space<vmem>>, vector<16xf32>,
        %parallel_loop3A_1474 = arith.constant 16 : i32
        %parallel_loop3A_1475 = arith.muli %parallel_loop3A_1462, %parallel_loop3A_1474 : i32
        %parallel_loop3A_1476 = arith.constant 1 : i32
        %parallel_loop3A_1477 = arith.constant 0 : i32
        %parallel_loop3A_1478 = arith.constant 3 : i32
        %parallel_loop3A_1479 = arith.index_cast %select_n3A_601 : i32 to index
        %parallel_loop3A_1480 = arith.index_cast %parallel_loop3A_1476 : i32 to index
        %parallel_loop3A_1481 = arith.index_cast %parallel_loop3A_1477 : i32 to index
        %parallel_loop3A_1482 = arith.index_cast %parallel_loop3A_1478 : i32 to index
        %parallel_loop3A_1483 = arith.index_cast %parallel_loop3A_1475 : i32 to index
        %parallel_loop3A_1484 = tpu.vector_load %arg6[%parallel_loop3A_1479, %parallel_loop3A_1480, %parallel_loop3A_1481, %parallel_loop3A_1482, %parallel_loop3A_1483] {strides = array<i32>} : memref<2x9x1x8x512xf32, #tpu.memory_space<vmem>>, vector<16xf32>,
        %parallel_loop3A_1485 = arith.constant 16 : i32
        %parallel_loop3A_1486 = arith.muli %parallel_loop3A_1462, %parallel_loop3A_1485 : i32
        %parallel_loop3A_1487 = arith.constant 2 : i32
        %parallel_loop3A_1488 = arith.constant 0 : i32
        %parallel_loop3A_1489 = arith.constant 3 : i32
        %parallel_loop3A_1490 = arith.index_cast %select_n3A_601 : i32 to index
        %parallel_loop3A_1491 = arith.index_cast %parallel_loop3A_1487 : i32 to index
        %parallel_loop3A_1492 = arith.index_cast %parallel_loop3A_1488 : i32 to index
        %parallel_loop3A_1493 = arith.index_cast %parallel_loop3A_1489 : i32 to index
        %parallel_loop3A_1494 = arith.index_cast %parallel_loop3A_1486 : i32 to index
        %parallel_loop3A_1495 = tpu.vector_load %arg6[%parallel_loop3A_1490, %parallel_loop3A_1491, %parallel_loop3A_1492, %parallel_loop3A_1493, %parallel_loop3A_1494] {strides = array<i32>} : memref<2x9x1x8x512xf32, #tpu.memory_space<vmem>>, vector<16xf32>,
        %parallel_loop3A_1496 = arith.constant 16 : i32
        %parallel_loop3A_1497 = arith.muli %parallel_loop3A_1462, %parallel_loop3A_1496 : i32
        %parallel_loop3A_1498 = arith.constant 3 : i32
        %parallel_loop3A_1499 = arith.constant 0 : i32
        %parallel_loop3A_1500 = arith.constant 3 : i32
        %parallel_loop3A_1501 = arith.index_cast %select_n3A_601 : i32 to index
        %parallel_loop3A_1502 = arith.index_cast %parallel_loop3A_1498 : i32 to index
        %parallel_loop3A_1503 = arith.index_cast %parallel_loop3A_1499 : i32 to index
        %parallel_loop3A_1504 = arith.index_cast %parallel_loop3A_1500 : i32 to index
        %parallel_loop3A_1505 = arith.index_cast %parallel_loop3A_1497 : i32 to index
        %parallel_loop3A_1506 = tpu.vector_load %arg6[%parallel_loop3A_1501, %parallel_loop3A_1502, %parallel_loop3A_1503, %parallel_loop3A_1504, %parallel_loop3A_1505] {strides = array<i32>} : memref<2x9x1x8x512xf32, #tpu.memory_space<vmem>>, vector<16xf32>,
        %parallel_loop3A_1507 = arith.constant 16 : i32
        %parallel_loop3A_1508 = arith.muli %parallel_loop3A_1462, %parallel_loop3A_1507 : i32
        %parallel_loop3A_1509 = arith.constant 4 : i32
        %parallel_loop3A_1510 = arith.constant 0 : i32
        %parallel_loop3A_1511 = arith.constant 3 : i32
        %parallel_loop3A_1512 = arith.index_cast %select_n3A_601 : i32 to index
        %parallel_loop3A_1513 = arith.index_cast %parallel_loop3A_1509 : i32 to index
        %parallel_loop3A_1514 = arith.index_cast %parallel_loop3A_1510 : i32 to index
        %parallel_loop3A_1515 = arith.index_cast %parallel_loop3A_1511 : i32 to index
        %parallel_loop3A_1516 = arith.index_cast %parallel_loop3A_1508 : i32 to index
        %parallel_loop3A_1517 = tpu.vector_load %arg6[%parallel_loop3A_1512, %parallel_loop3A_1513, %parallel_loop3A_1514, %parallel_loop3A_1515, %parallel_loop3A_1516] {strides = array<i32>} : memref<2x9x1x8x512xf32, #tpu.memory_space<vmem>>, vector<16xf32>,
        %parallel_loop3A_1518 = arith.constant 16 : i32
        %parallel_loop3A_1519 = arith.muli %parallel_loop3A_1462, %parallel_loop3A_1518 : i32
        %parallel_loop3A_1520 = arith.constant 5 : i32
        %parallel_loop3A_1521 = arith.constant 0 : i32
        %parallel_loop3A_1522 = arith.constant 3 : i32
        %parallel_loop3A_1523 = arith.index_cast %select_n3A_601 : i32 to index
        %parallel_loop3A_1524 = arith.index_cast %parallel_loop3A_1520 : i32 to index
        %parallel_loop3A_1525 = arith.index_cast %parallel_loop3A_1521 : i32 to index
        %parallel_loop3A_1526 = arith.index_cast %parallel_loop3A_1522 : i32 to index
        %parallel_loop3A_1527 = arith.index_cast %parallel_loop3A_1519 : i32 to index
        %parallel_loop3A_1528 = tpu.vector_load %arg6[%parallel_loop3A_1523, %parallel_loop3A_1524, %parallel_loop3A_1525, %parallel_loop3A_1526, %parallel_loop3A_1527] {strides = array<i32>} : memref<2x9x1x8x512xf32, #tpu.memory_space<vmem>>, vector<16xf32>,
        %parallel_loop3A_1529 = arith.constant 16 : i32
        %parallel_loop3A_1530 = arith.muli %parallel_loop3A_1462, %parallel_loop3A_1529 : i32
        %parallel_loop3A_1531 = arith.constant 6 : i32
        %parallel_loop3A_1532 = arith.constant 0 : i32
        %parallel_loop3A_1533 = arith.constant 3 : i32
        %parallel_loop3A_1534 = arith.index_cast %select_n3A_601 : i32 to index
        %parallel_loop3A_1535 = arith.index_cast %parallel_loop3A_1531 : i32 to index
        %parallel_loop3A_1536 = arith.index_cast %parallel_loop3A_1532 : i32 to index
        %parallel_loop3A_1537 = arith.index_cast %parallel_loop3A_1533 : i32 to index
        %parallel_loop3A_1538 = arith.index_cast %parallel_loop3A_1530 : i32 to index
        %parallel_loop3A_1539 = tpu.vector_load %arg6[%parallel_loop3A_1534, %parallel_loop3A_1535, %parallel_loop3A_1536, %parallel_loop3A_1537, %parallel_loop3A_1538] {strides = array<i32>} : memref<2x9x1x8x512xf32, #tpu.memory_space<vmem>>, vector<16xf32>,
        %parallel_loop3A_1540 = arith.constant 16 : i32
        %parallel_loop3A_1541 = arith.muli %parallel_loop3A_1462, %parallel_loop3A_1540 : i32
        %parallel_loop3A_1542 = arith.constant 7 : i32
        %parallel_loop3A_1543 = arith.constant 0 : i32
        %parallel_loop3A_1544 = arith.constant 3 : i32
        %parallel_loop3A_1545 = arith.index_cast %select_n3A_601 : i32 to index
        %parallel_loop3A_1546 = arith.index_cast %parallel_loop3A_1542 : i32 to index
        %parallel_loop3A_1547 = arith.index_cast %parallel_loop3A_1543 : i32 to index
        %parallel_loop3A_1548 = arith.index_cast %parallel_loop3A_1544 : i32 to index
        %parallel_loop3A_1549 = arith.index_cast %parallel_loop3A_1541 : i32 to index
        %parallel_loop3A_1550 = tpu.vector_load %arg6[%parallel_loop3A_1545, %parallel_loop3A_1546, %parallel_loop3A_1547, %parallel_loop3A_1548, %parallel_loop3A_1549] {strides = array<i32>} : memref<2x9x1x8x512xf32, #tpu.memory_space<vmem>>, vector<16xf32>,
        %parallel_loop3A_1551 = arith.constant 16 : i32
        %parallel_loop3A_1552 = arith.muli %parallel_loop3A_1462, %parallel_loop3A_1551 : i32
        %parallel_loop3A_1553 = arith.constant 8 : i32
        %parallel_loop3A_1554 = arith.constant 0 : i32
        %parallel_loop3A_1555 = arith.constant 3 : i32
        %parallel_loop3A_1556 = arith.index_cast %select_n3A_601 : i32 to index
        %parallel_loop3A_1557 = arith.index_cast %parallel_loop3A_1553 : i32 to index
        %parallel_loop3A_1558 = arith.index_cast %parallel_loop3A_1554 : i32 to index
        %parallel_loop3A_1559 = arith.index_cast %parallel_loop3A_1555 : i32 to index
        %parallel_loop3A_1560 = arith.index_cast %parallel_loop3A_1552 : i32 to index
        %parallel_loop3A_1561 = tpu.vector_load %arg6[%parallel_loop3A_1556, %parallel_loop3A_1557, %parallel_loop3A_1558, %parallel_loop3A_1559, %parallel_loop3A_1560] {strides = array<i32>} : memref<2x9x1x8x512xf32, #tpu.memory_space<vmem>>, vector<16xf32>,
        %parallel_loop3A_1562 = arith.mulf %parallel_loop3A_1473, %gather3A_1031 : vector<16xf32>
        %parallel_loop3A_1563 = arith.mulf %parallel_loop3A_1484, %gather3A_1037 : vector<16xf32>
        %parallel_loop3A_1564 = arith.addf %parallel_loop3A_1562, %parallel_loop3A_1563 : vector<16xf32>
        %parallel_loop3A_1565 = arith.mulf %parallel_loop3A_1506, %gather3A_1043 : vector<16xf32>
        %parallel_loop3A_1566 = arith.addf %parallel_loop3A_1564, %parallel_loop3A_1565 : vector<16xf32>
        %parallel_loop3A_1567 = arith.mulf %parallel_loop3A_1517, %gather3A_1049 : vector<16xf32>
        %parallel_loop3A_1568 = arith.addf %parallel_loop3A_1566, %parallel_loop3A_1567 : vector<16xf32>
        %parallel_loop3A_1569 = arith.mulf %parallel_loop3A_1484, %gather3A_1031 : vector<16xf32>
        %parallel_loop3A_1570 = arith.mulf %parallel_loop3A_1495, %gather3A_1037 : vector<16xf32>
        %parallel_loop3A_1571 = arith.addf %parallel_loop3A_1569, %parallel_loop3A_1570 : vector<16xf32>
        %parallel_loop3A_1572 = arith.mulf %parallel_loop3A_1517, %gather3A_1043 : vector<16xf32>
        %parallel_loop3A_1573 = arith.addf %parallel_loop3A_1571, %parallel_loop3A_1572 : vector<16xf32>
        %parallel_loop3A_1574 = arith.mulf %parallel_loop3A_1528, %gather3A_1049 : vector<16xf32>
        %parallel_loop3A_1575 = arith.addf %parallel_loop3A_1573, %parallel_loop3A_1574 : vector<16xf32>
        %parallel_loop3A_1576 = arith.mulf %parallel_loop3A_1506, %gather3A_1031 : vector<16xf32>
        %parallel_loop3A_1577 = arith.mulf %parallel_loop3A_1517, %gather3A_1037 : vector<16xf32>
        %parallel_loop3A_1578 = arith.addf %parallel_loop3A_1576, %parallel_loop3A_1577 : vector<16xf32>
        %parallel_loop3A_1579 = arith.mulf %parallel_loop3A_1539, %gather3A_1043 : vector<16xf32>
        %parallel_loop3A_1580 = arith.addf %parallel_loop3A_1578, %parallel_loop3A_1579 : vector<16xf32>
        %parallel_loop3A_1581 = arith.mulf %parallel_loop3A_1550, %gather3A_1049 : vector<16xf32>
        %parallel_loop3A_1582 = arith.addf %parallel_loop3A_1580, %parallel_loop3A_1581 : vector<16xf32>
        %parallel_loop3A_1583 = arith.mulf %parallel_loop3A_1517, %gather3A_1031 : vector<16xf32>
        %parallel_loop3A_1584 = arith.mulf %parallel_loop3A_1528, %gather3A_1037 : vector<16xf32>
        %parallel_loop3A_1585 = arith.addf %parallel_loop3A_1583, %parallel_loop3A_1584 : vector<16xf32>
        %parallel_loop3A_1586 = arith.mulf %parallel_loop3A_1550, %gather3A_1043 : vector<16xf32>
        %parallel_loop3A_1587 = arith.addf %parallel_loop3A_1585, %parallel_loop3A_1586 : vector<16xf32>
        %parallel_loop3A_1588 = arith.mulf %parallel_loop3A_1561, %gather3A_1049 : vector<16xf32>
        %parallel_loop3A_1589 = arith.addf %parallel_loop3A_1587, %parallel_loop3A_1588 : vector<16xf32>
        %parallel_loop3A_1590 = arith.maximumf %parallel_loop3A_1568, %parallel_loop3A_1575 : vector<16xf32>
        %parallel_loop3A_1591 = arith.maximumf %parallel_loop3A_1582, %parallel_loop3A_1589 : vector<16xf32>
        %parallel_loop3A_1592 = arith.maximumf %parallel_loop3A_1590, %parallel_loop3A_1591 : vector<16xf32>
        %parallel_loop3A_1593 = arith.addf %parallel_loop3A_1592, %gather3A_1051 : vector<16xf32>
        %parallel_loop3A_1594 = arith.constant 2.000000e-01 : f32
        %parallel_loop3A_1595 = vector.broadcast %parallel_loop3A_1594 : f32 to vector<16xf32>
        %parallel_loop3A_1596 = arith.mulf %parallel_loop3A_1595, %parallel_loop3A_1593 : vector<16xf32>
        %parallel_loop3A_1597 = arith.maximumf %parallel_loop3A_1593, %parallel_loop3A_1596 : vector<16xf32>
        %parallel_loop3A_1598 = arith.addf %parallel_loop3A_1597, %parallel_loop3A_1517 : vector<16xf32>
        %parallel_loop3A_1599 = arith.constant 16 : i32
        %parallel_loop3A_1600 = arith.muli %parallel_loop3A_1462, %parallel_loop3A_1599 : i32
        %parallel_loop3A_1601 = arith.constant 1 : i32
        %parallel_loop3A_1602 = arith.constant 0 : i32
        %parallel_loop3A_1603 = arith.index_cast %parallel_loop3A_1601 : i32 to index
        %parallel_loop3A_1604 = arith.index_cast %parallel_loop3A_1602 : i32 to index
        %parallel_loop3A_1605 = arith.index_cast %parallel_loop3A_1600 : i32 to index
        %parallel_loop3A_1606 = tpu.vector_load %arg8[%parallel_loop3A_1603, %parallel_loop3A_1604, %parallel_loop3A_1605] {strides = array<i32>} : memref<2x1x512xf32, #tpu.memory_space<vmem>>, vector<16xf32>,
        tpu.vector_store %arg8[%parallel_loop3A_1603, %parallel_loop3A_1604, %parallel_loop3A_1605], %parallel_loop3A_1598 {strides = array<i32>} : memref<2x1x512xf32, #tpu.memory_space<vmem>>, vector<16xf32>,
      } {sc.loop_unroll_factor = 2 : i64, sc.parallel_access}
      %jit3A_1060 = arith.constant 7 : i32
      %eq3A_1061 = arith.constant 0 : i32
      %eq3A_1062 = arith.cmpi eq, %jit3A_1060, %eq3A_1061 : i32
      %jit3A_1063 = arith.constant 1 : i32
      %select_n3A_1064 = arith.select %eq3A_1062, %jit3A_1063, %jit3A_1060 : i32
      %rem3A_1065 = arith.remsi %add3A_1025, %select_n3A_1064 : i32
      %ne3A_1066 = arith.constant 0 : i32
      %ne3A_1067 = arith.cmpi ne, %rem3A_1065, %ne3A_1066 : i32
      %lt3A_1068 = arith.constant 0 : i32
      %lt3A_1069 = arith.cmpi slt, %rem3A_1065, %lt3A_1068 : i32
      %lt3A_1070 = arith.constant 0 : i32
      %lt3A_1071 = arith.cmpi slt, %select_n3A_1064, %lt3A_1070 : i32
      %ne3A_1072 = arith.xori %lt3A_1069, %lt3A_1071 : i1
      %and3A_1073 = arith.andi %ne3A_1072, %ne3A_1067 : i1
      %add3A_1074 = arith.addi %rem3A_1065, %select_n3A_1064 : i32
      %select_n3A_1075 = arith.select %and3A_1073, %add3A_1074, %rem3A_1065 : i32
      %jit3A_1076 = arith.constant 7 : i32
      %div3A_1077 = arith.divsi %add3A_1025, %jit3A_1076 : i32
      %sign3A_1078 = arith.constant 0 : i32
      %sign3A_1079 = arith.cmpi sgt, %add3A_1025, %sign3A_1078 : i32
      %sign3A_1080 = arith.extui %sign3A_1079 : i1 to i32
      %sign3A_1081 = arith.constant 0 : i32
      %sign3A_1082 = arith.cmpi slt, %add3A_1025, %sign3A_1081 : i32
      %sign3A_1083 = arith.extui %sign3A_1082 : i1 to i32
      %sign3A_1084 = arith.subi %sign3A_1080, %sign3A_1083 : i32
      %sign3A_1085 = arith.constant 0 : i32
      %sign3A_1086 = arith.cmpi sgt, %jit3A_1076, %sign3A_1085 : i32
      %sign3A_1087 = arith.extui %sign3A_1086 : i1 to i32
      %sign3A_1088 = arith.constant 0 : i32
      %sign3A_1089 = arith.cmpi slt, %jit3A_1076, %sign3A_1088 : i32
      %sign3A_1090 = arith.extui %sign3A_1089 : i1 to i32
      %sign3A_1091 = arith.subi %sign3A_1087, %sign3A_1090 : i32
      %ne3A_1092 = arith.cmpi ne, %sign3A_1084, %sign3A_1091 : i32
      %rem3A_1093 = arith.remsi %add3A_1025, %jit3A_1076 : i32
      %ne3A_1094 = arith.constant 0 : i32
      %ne3A_1095 = arith.cmpi ne, %rem3A_1093, %ne3A_1094 : i32
      %and3A_1096 = arith.andi %ne3A_1092, %ne3A_1095 : i1
      %sub3A_1097 = arith.constant 1 : i32
      %sub3A_1098 = arith.subi %div3A_1077, %sub3A_1097 : i32
      %select_n3A_1099 = arith.select %and3A_1096, %sub3A_1098, %div3A_1077 : i32
      %dma_start3A_1100 = arith.constant 1 : i32
      %dma_start3A_1101 = arith.constant 0 : i32
      %dma_start3A_1102 = arith.constant 0 : i32
      %dma_start3A_1103 = tpu.memref_slice %arg8[%dma_start3A_1100, %dma_start3A_1101, %dma_start3A_1102] : memref<2x1x512xf32, #tpu.memory_space<vmem>> -> memref<1x1x512xf32, #tpu.memory_space<vmem>>
      %dma_start3A_1104 = tpu.memref_slice %arg5[%select_n3A_1075, %select_n3A_1099, %mul3A_2] : memref<7x15x16384xf32, #tpu.memory_space<hbm>> -> memref<1x1x512xf32, #tpu.memory_space<hbm>>
      %dma_start3A_1105 = tpu.memref_slice %arg5[%select_n3A_1075, %select_n3A_1099, %mul3A_2] : memref<7x15x16384xf32, #tpu.memory_space<hbm>> -> memref<1x1x512xf32, #tpu.memory_space<hbm>>
      %dma_start3A_1106 = arith.constant 1 : i32
      %dma_start3A_1107 = arith.constant 0 : i32
      %dma_start3A_1108 = arith.constant 0 : i32
      %dma_start3A_1109 = tpu.memref_slice %arg8[%dma_start3A_1106, %dma_start3A_1107, %dma_start3A_1108] : memref<2x1x512xf32, #tpu.memory_space<vmem>> -> memref<1x1x512xf32, #tpu.memory_space<vmem>>
      tpu.enqueue_dma source(%dma_start3A_1109 : memref<1x1x512xf32, #tpu.memory_space<vmem>>) target(%dma_start3A_1105 : memref<1x1x512xf32, #tpu.memory_space<hbm>>) target_semaphore(%arg13 : memref<!tpu.dma_semaphore, #tpu.memory_space<semaphore_mem>>)
      %mul3A_1110 = arith.constant 8 : i32
      %mul3A_1111 = arith.muli %scan3A_585, %mul3A_1110 : i32
      %add3A_1112 = arith.constant 4 : i32
      %add3A_1113 = arith.addi %mul3A_1111, %add3A_1112 : i32
      %mul3A_1114 = arith.constant 4 : i32
      %mul3A_1115 = arith.muli %add3A_1113, %mul3A_1114 : i32
      %add3A_1116 = arith.constant 0 : i32
      %add3A_1117 = arith.addi %mul3A_1115, %add3A_1116 : i32
      %broadcast_in_dim3A_1118 = vector.broadcast %add3A_1117 : i32 to vector<16xi32>
      %gather3A_1119 = tpu.vector_load_idx %arg9[%broadcast_in_dim3A_1118] : memref<420xf32, #tpu.memory_space<vmem>>[vector<16xi32>], vector<16xf32>,
      %mul3A_1120 = arith.constant 4 : i32
      %mul3A_1121 = arith.muli %add3A_1113, %mul3A_1120 : i32
      %add3A_1122 = arith.constant 1 : i32
      %add3A_1123 = arith.addi %mul3A_1121, %add3A_1122 : i32
      %broadcast_in_dim3A_1124 = vector.broadcast %add3A_1123 : i32 to vector<16xi32>
      %gather3A_1125 = tpu.vector_load_idx %arg9[%broadcast_in_dim3A_1124] : memref<420xf32, #tpu.memory_space<vmem>>[vector<16xi32>], vector<16xf32>,
      %mul3A_1126 = arith.constant 4 : i32
      %mul3A_1127 = arith.muli %add3A_1113, %mul3A_1126 : i32
      %add3A_1128 = arith.constant 2 : i32
      %add3A_1129 = arith.addi %mul3A_1127, %add3A_1128 : i32
      %broadcast_in_dim3A_1130 = vector.broadcast %add3A_1129 : i32 to vector<16xi32>
      %gather3A_1131 = tpu.vector_load_idx %arg9[%broadcast_in_dim3A_1130] : memref<420xf32, #tpu.memory_space<vmem>>[vector<16xi32>], vector<16xf32>,
      %mul3A_1132 = arith.constant 4 : i32
      %mul3A_1133 = arith.muli %add3A_1113, %mul3A_1132 : i32
      %add3A_1134 = arith.constant 3 : i32
      %add3A_1135 = arith.addi %mul3A_1133, %add3A_1134 : i32
      %broadcast_in_dim3A_1136 = vector.broadcast %add3A_1135 : i32 to vector<16xi32>
      %gather3A_1137 = tpu.vector_load_idx %arg9[%broadcast_in_dim3A_1136] : memref<420xf32, #tpu.memory_space<vmem>>[vector<16xi32>], vector<16xf32>,
      %broadcast_in_dim3A_1138 = vector.broadcast %add3A_1113 : i32 to vector<16xi32>
      %gather3A_1139 = tpu.vector_load_idx %arg10[%broadcast_in_dim3A_1138] : memref<105xf32, #tpu.memory_space<vmem>>[vector<16xi32>], vector<16xf32>,
      %ge3A_1140 = arith.constant 2 : i32
      %ge3A_1141 = arith.cmpi sge, %add3A_1113, %ge3A_1140 : i32
      %convert_element_type3A_1142 = arith.extui %ge3A_1141 : i1 to i32
      %cond3A_1143 = arith.constant 0 : i32
      %cond3A_1144 = arith.cmpi ne, %convert_element_type3A_1142, %cond3A_1143 : i32
      scf.if %cond3A_1144 {
        %dma_wait3A_1462 = arith.constant 0 : i32
        %dma_wait3A_1463 = arith.constant 0 : i32
        %dma_wait3A_1464 = arith.constant 0 : i32
        %dma_wait3A_1465 = tpu.memref_slice %arg8[%dma_wait3A_1462, %dma_wait3A_1463, %dma_wait3A_1464] : memref<2x1x512xf32, #tpu.memory_space<vmem>> -> memref<1x1x512xf32, #tpu.memory_space<vmem>>
        %dma_wait3A_1466 = arith.constant 0 : i32
        %dma_wait3A_1467 = arith.constant 0 : i32
        %dma_wait3A_1468 = tpu.memref_slice %arg5[%dma_wait3A_1466, %dma_wait3A_1467, %mul3A_2] : memref<7x15x16384xf32, #tpu.memory_space<hbm>> -> memref<1x1x512xf32, #tpu.memory_space<hbm>>
        %dma_wait3A_1469 = arith.constant 0 : i32
        %dma_wait3A_1470 = arith.constant 0 : i32
        %dma_wait3A_1471 = tpu.memref_slice %arg5[%dma_wait3A_1469, %dma_wait3A_1470, %mul3A_2] : memref<7x15x16384xf32, #tpu.memory_space<hbm>> -> memref<1x1x512xf32, #tpu.memory_space<hbm>>
        %dma_wait3A_1472 = arith.constant 0 : i32
        %dma_wait3A_1473 = arith.constant 0 : i32
        %dma_wait3A_1474 = arith.constant 0 : i32
        %dma_wait3A_1475 = tpu.memref_slice %arg8[%dma_wait3A_1472, %dma_wait3A_1473, %dma_wait3A_1474] : memref<2x1x512xf32, #tpu.memory_space<vmem>> -> memref<1x1x512xf32, #tpu.memory_space<vmem>>
        tpu.wait_dma2 semaphore(%arg13 : memref<!tpu.dma_semaphore, #tpu.memory_space<semaphore_mem>>) src(%dma_wait3A_1475 : memref<1x1x512xf32, #tpu.memory_space<vmem>>) dst(%dma_wait3A_1471 : memref<1x1x512xf32, #tpu.memory_space<hbm>>)
      } else {
      }
      %parallel_loop3A_1145 = arith.constant 0 : i32
      %parallel_loop3A_1146 = arith.constant 32 : i32
      %parallel_loop3A_1147 = arith.constant 1 : i32
      scf.for %parallel_loop3A_1462 = %parallel_loop3A_1145 to %parallel_loop3A_1146 step %parallel_loop3A_1147  : i32 {
        %parallel_loop3A_1463 = arith.constant 16 : i32
        %parallel_loop3A_1464 = arith.muli %parallel_loop3A_1462, %parallel_loop3A_1463 : i32
        %parallel_loop3A_1465 = arith.constant 0 : i32
        %parallel_loop3A_1466 = arith.constant 0 : i32
        %parallel_loop3A_1467 = arith.constant 4 : i32
        %parallel_loop3A_1468 = arith.index_cast %select_n3A_601 : i32 to index
        %parallel_loop3A_1469 = arith.index_cast %parallel_loop3A_1465 : i32 to index
        %parallel_loop3A_1470 = arith.index_cast %parallel_loop3A_1466 : i32 to index
        %parallel_loop3A_1471 = arith.index_cast %parallel_loop3A_1467 : i32 to index
        %parallel_loop3A_1472 = arith.index_cast %parallel_loop3A_1464 : i32 to index
        %parallel_loop3A_1473 = tpu.vector_load %arg6[%parallel_loop3A_1468, %parallel_loop3A_1469, %parallel_loop3A_1470, %parallel_loop3A_1471, %parallel_loop3A_1472] {strides = array<i32>} : memref<2x9x1x8x512xf32, #tpu.memory_space<vmem>>, vector<16xf32>,
        %parallel_loop3A_1474 = arith.constant 16 : i32
        %parallel_loop3A_1475 = arith.muli %parallel_loop3A_1462, %parallel_loop3A_1474 : i32
        %parallel_loop3A_1476 = arith.constant 1 : i32
        %parallel_loop3A_1477 = arith.constant 0 : i32
        %parallel_loop3A_1478 = arith.constant 4 : i32
        %parallel_loop3A_1479 = arith.index_cast %select_n3A_601 : i32 to index
        %parallel_loop3A_1480 = arith.index_cast %parallel_loop3A_1476 : i32 to index
        %parallel_loop3A_1481 = arith.index_cast %parallel_loop3A_1477 : i32 to index
        %parallel_loop3A_1482 = arith.index_cast %parallel_loop3A_1478 : i32 to index
        %parallel_loop3A_1483 = arith.index_cast %parallel_loop3A_1475 : i32 to index
        %parallel_loop3A_1484 = tpu.vector_load %arg6[%parallel_loop3A_1479, %parallel_loop3A_1480, %parallel_loop3A_1481, %parallel_loop3A_1482, %parallel_loop3A_1483] {strides = array<i32>} : memref<2x9x1x8x512xf32, #tpu.memory_space<vmem>>, vector<16xf32>,
        %parallel_loop3A_1485 = arith.constant 16 : i32
        %parallel_loop3A_1486 = arith.muli %parallel_loop3A_1462, %parallel_loop3A_1485 : i32
        %parallel_loop3A_1487 = arith.constant 2 : i32
        %parallel_loop3A_1488 = arith.constant 0 : i32
        %parallel_loop3A_1489 = arith.constant 4 : i32
        %parallel_loop3A_1490 = arith.index_cast %select_n3A_601 : i32 to index
        %parallel_loop3A_1491 = arith.index_cast %parallel_loop3A_1487 : i32 to index
        %parallel_loop3A_1492 = arith.index_cast %parallel_loop3A_1488 : i32 to index
        %parallel_loop3A_1493 = arith.index_cast %parallel_loop3A_1489 : i32 to index
        %parallel_loop3A_1494 = arith.index_cast %parallel_loop3A_1486 : i32 to index
        %parallel_loop3A_1495 = tpu.vector_load %arg6[%parallel_loop3A_1490, %parallel_loop3A_1491, %parallel_loop3A_1492, %parallel_loop3A_1493, %parallel_loop3A_1494] {strides = array<i32>} : memref<2x9x1x8x512xf32, #tpu.memory_space<vmem>>, vector<16xf32>,
        %parallel_loop3A_1496 = arith.constant 16 : i32
        %parallel_loop3A_1497 = arith.muli %parallel_loop3A_1462, %parallel_loop3A_1496 : i32
        %parallel_loop3A_1498 = arith.constant 3 : i32
        %parallel_loop3A_1499 = arith.constant 0 : i32
        %parallel_loop3A_1500 = arith.constant 4 : i32
        %parallel_loop3A_1501 = arith.index_cast %select_n3A_601 : i32 to index
        %parallel_loop3A_1502 = arith.index_cast %parallel_loop3A_1498 : i32 to index
        %parallel_loop3A_1503 = arith.index_cast %parallel_loop3A_1499 : i32 to index
        %parallel_loop3A_1504 = arith.index_cast %parallel_loop3A_1500 : i32 to index
        %parallel_loop3A_1505 = arith.index_cast %parallel_loop3A_1497 : i32 to index
        %parallel_loop3A_1506 = tpu.vector_load %arg6[%parallel_loop3A_1501, %parallel_loop3A_1502, %parallel_loop3A_1503, %parallel_loop3A_1504, %parallel_loop3A_1505] {strides = array<i32>} : memref<2x9x1x8x512xf32, #tpu.memory_space<vmem>>, vector<16xf32>,
        %parallel_loop3A_1507 = arith.constant 16 : i32
        %parallel_loop3A_1508 = arith.muli %parallel_loop3A_1462, %parallel_loop3A_1507 : i32
        %parallel_loop3A_1509 = arith.constant 4 : i32
        %parallel_loop3A_1510 = arith.constant 0 : i32
        %parallel_loop3A_1511 = arith.constant 4 : i32
        %parallel_loop3A_1512 = arith.index_cast %select_n3A_601 : i32 to index
        %parallel_loop3A_1513 = arith.index_cast %parallel_loop3A_1509 : i32 to index
        %parallel_loop3A_1514 = arith.index_cast %parallel_loop3A_1510 : i32 to index
        %parallel_loop3A_1515 = arith.index_cast %parallel_loop3A_1511 : i32 to index
        %parallel_loop3A_1516 = arith.index_cast %parallel_loop3A_1508 : i32 to index
        %parallel_loop3A_1517 = tpu.vector_load %arg6[%parallel_loop3A_1512, %parallel_loop3A_1513, %parallel_loop3A_1514, %parallel_loop3A_1515, %parallel_loop3A_1516] {strides = array<i32>} : memref<2x9x1x8x512xf32, #tpu.memory_space<vmem>>, vector<16xf32>,
        %parallel_loop3A_1518 = arith.constant 16 : i32
        %parallel_loop3A_1519 = arith.muli %parallel_loop3A_1462, %parallel_loop3A_1518 : i32
        %parallel_loop3A_1520 = arith.constant 5 : i32
        %parallel_loop3A_1521 = arith.constant 0 : i32
        %parallel_loop3A_1522 = arith.constant 4 : i32
        %parallel_loop3A_1523 = arith.index_cast %select_n3A_601 : i32 to index
        %parallel_loop3A_1524 = arith.index_cast %parallel_loop3A_1520 : i32 to index
        %parallel_loop3A_1525 = arith.index_cast %parallel_loop3A_1521 : i32 to index
        %parallel_loop3A_1526 = arith.index_cast %parallel_loop3A_1522 : i32 to index
        %parallel_loop3A_1527 = arith.index_cast %parallel_loop3A_1519 : i32 to index
        %parallel_loop3A_1528 = tpu.vector_load %arg6[%parallel_loop3A_1523, %parallel_loop3A_1524, %parallel_loop3A_1525, %parallel_loop3A_1526, %parallel_loop3A_1527] {strides = array<i32>} : memref<2x9x1x8x512xf32, #tpu.memory_space<vmem>>, vector<16xf32>,
        %parallel_loop3A_1529 = arith.constant 16 : i32
        %parallel_loop3A_1530 = arith.muli %parallel_loop3A_1462, %parallel_loop3A_1529 : i32
        %parallel_loop3A_1531 = arith.constant 6 : i32
        %parallel_loop3A_1532 = arith.constant 0 : i32
        %parallel_loop3A_1533 = arith.constant 4 : i32
        %parallel_loop3A_1534 = arith.index_cast %select_n3A_601 : i32 to index
        %parallel_loop3A_1535 = arith.index_cast %parallel_loop3A_1531 : i32 to index
        %parallel_loop3A_1536 = arith.index_cast %parallel_loop3A_1532 : i32 to index
        %parallel_loop3A_1537 = arith.index_cast %parallel_loop3A_1533 : i32 to index
        %parallel_loop3A_1538 = arith.index_cast %parallel_loop3A_1530 : i32 to index
        %parallel_loop3A_1539 = tpu.vector_load %arg6[%parallel_loop3A_1534, %parallel_loop3A_1535, %parallel_loop3A_1536, %parallel_loop3A_1537, %parallel_loop3A_1538] {strides = array<i32>} : memref<2x9x1x8x512xf32, #tpu.memory_space<vmem>>, vector<16xf32>,
        %parallel_loop3A_1540 = arith.constant 16 : i32
        %parallel_loop3A_1541 = arith.muli %parallel_loop3A_1462, %parallel_loop3A_1540 : i32
        %parallel_loop3A_1542 = arith.constant 7 : i32
        %parallel_loop3A_1543 = arith.constant 0 : i32
        %parallel_loop3A_1544 = arith.constant 4 : i32
        %parallel_loop3A_1545 = arith.index_cast %select_n3A_601 : i32 to index
        %parallel_loop3A_1546 = arith.index_cast %parallel_loop3A_1542 : i32 to index
        %parallel_loop3A_1547 = arith.index_cast %parallel_loop3A_1543 : i32 to index
        %parallel_loop3A_1548 = arith.index_cast %parallel_loop3A_1544 : i32 to index
        %parallel_loop3A_1549 = arith.index_cast %parallel_loop3A_1541 : i32 to index
        %parallel_loop3A_1550 = tpu.vector_load %arg6[%parallel_loop3A_1545, %parallel_loop3A_1546, %parallel_loop3A_1547, %parallel_loop3A_1548, %parallel_loop3A_1549] {strides = array<i32>} : memref<2x9x1x8x512xf32, #tpu.memory_space<vmem>>, vector<16xf32>,
        %parallel_loop3A_1551 = arith.constant 16 : i32
        %parallel_loop3A_1552 = arith.muli %parallel_loop3A_1462, %parallel_loop3A_1551 : i32
        %parallel_loop3A_1553 = arith.constant 8 : i32
        %parallel_loop3A_1554 = arith.constant 0 : i32
        %parallel_loop3A_1555 = arith.constant 4 : i32
        %parallel_loop3A_1556 = arith.index_cast %select_n3A_601 : i32 to index
        %parallel_loop3A_1557 = arith.index_cast %parallel_loop3A_1553 : i32 to index
        %parallel_loop3A_1558 = arith.index_cast %parallel_loop3A_1554 : i32 to index
        %parallel_loop3A_1559 = arith.index_cast %parallel_loop3A_1555 : i32 to index
        %parallel_loop3A_1560 = arith.index_cast %parallel_loop3A_1552 : i32 to index
        %parallel_loop3A_1561 = tpu.vector_load %arg6[%parallel_loop3A_1556, %parallel_loop3A_1557, %parallel_loop3A_1558, %parallel_loop3A_1559, %parallel_loop3A_1560] {strides = array<i32>} : memref<2x9x1x8x512xf32, #tpu.memory_space<vmem>>, vector<16xf32>,
        %parallel_loop3A_1562 = arith.mulf %parallel_loop3A_1473, %gather3A_1119 : vector<16xf32>
        %parallel_loop3A_1563 = arith.mulf %parallel_loop3A_1484, %gather3A_1125 : vector<16xf32>
        %parallel_loop3A_1564 = arith.addf %parallel_loop3A_1562, %parallel_loop3A_1563 : vector<16xf32>
        %parallel_loop3A_1565 = arith.mulf %parallel_loop3A_1506, %gather3A_1131 : vector<16xf32>
        %parallel_loop3A_1566 = arith.addf %parallel_loop3A_1564, %parallel_loop3A_1565 : vector<16xf32>
        %parallel_loop3A_1567 = arith.mulf %parallel_loop3A_1517, %gather3A_1137 : vector<16xf32>
        %parallel_loop3A_1568 = arith.addf %parallel_loop3A_1566, %parallel_loop3A_1567 : vector<16xf32>
        %parallel_loop3A_1569 = arith.mulf %parallel_loop3A_1484, %gather3A_1119 : vector<16xf32>
        %parallel_loop3A_1570 = arith.mulf %parallel_loop3A_1495, %gather3A_1125 : vector<16xf32>
        %parallel_loop3A_1571 = arith.addf %parallel_loop3A_1569, %parallel_loop3A_1570 : vector<16xf32>
        %parallel_loop3A_1572 = arith.mulf %parallel_loop3A_1517, %gather3A_1131 : vector<16xf32>
        %parallel_loop3A_1573 = arith.addf %parallel_loop3A_1571, %parallel_loop3A_1572 : vector<16xf32>
        %parallel_loop3A_1574 = arith.mulf %parallel_loop3A_1528, %gather3A_1137 : vector<16xf32>
        %parallel_loop3A_1575 = arith.addf %parallel_loop3A_1573, %parallel_loop3A_1574 : vector<16xf32>
        %parallel_loop3A_1576 = arith.mulf %parallel_loop3A_1506, %gather3A_1119 : vector<16xf32>
        %parallel_loop3A_1577 = arith.mulf %parallel_loop3A_1517, %gather3A_1125 : vector<16xf32>
        %parallel_loop3A_1578 = arith.addf %parallel_loop3A_1576, %parallel_loop3A_1577 : vector<16xf32>
        %parallel_loop3A_1579 = arith.mulf %parallel_loop3A_1539, %gather3A_1131 : vector<16xf32>
        %parallel_loop3A_1580 = arith.addf %parallel_loop3A_1578, %parallel_loop3A_1579 : vector<16xf32>
        %parallel_loop3A_1581 = arith.mulf %parallel_loop3A_1550, %gather3A_1137 : vector<16xf32>
        %parallel_loop3A_1582 = arith.addf %parallel_loop3A_1580, %parallel_loop3A_1581 : vector<16xf32>
        %parallel_loop3A_1583 = arith.mulf %parallel_loop3A_1517, %gather3A_1119 : vector<16xf32>
        %parallel_loop3A_1584 = arith.mulf %parallel_loop3A_1528, %gather3A_1125 : vector<16xf32>
        %parallel_loop3A_1585 = arith.addf %parallel_loop3A_1583, %parallel_loop3A_1584 : vector<16xf32>
        %parallel_loop3A_1586 = arith.mulf %parallel_loop3A_1550, %gather3A_1131 : vector<16xf32>
        %parallel_loop3A_1587 = arith.addf %parallel_loop3A_1585, %parallel_loop3A_1586 : vector<16xf32>
        %parallel_loop3A_1588 = arith.mulf %parallel_loop3A_1561, %gather3A_1137 : vector<16xf32>
        %parallel_loop3A_1589 = arith.addf %parallel_loop3A_1587, %parallel_loop3A_1588 : vector<16xf32>
        %parallel_loop3A_1590 = arith.maximumf %parallel_loop3A_1568, %parallel_loop3A_1575 : vector<16xf32>
        %parallel_loop3A_1591 = arith.maximumf %parallel_loop3A_1582, %parallel_loop3A_1589 : vector<16xf32>
        %parallel_loop3A_1592 = arith.maximumf %parallel_loop3A_1590, %parallel_loop3A_1591 : vector<16xf32>
        %parallel_loop3A_1593 = arith.addf %parallel_loop3A_1592, %gather3A_1139 : vector<16xf32>
        %parallel_loop3A_1594 = arith.constant 2.000000e-01 : f32
        %parallel_loop3A_1595 = vector.broadcast %parallel_loop3A_1594 : f32 to vector<16xf32>
        %parallel_loop3A_1596 = arith.mulf %parallel_loop3A_1595, %parallel_loop3A_1593 : vector<16xf32>
        %parallel_loop3A_1597 = arith.maximumf %parallel_loop3A_1593, %parallel_loop3A_1596 : vector<16xf32>
        %parallel_loop3A_1598 = arith.addf %parallel_loop3A_1597, %parallel_loop3A_1517 : vector<16xf32>
        %parallel_loop3A_1599 = arith.constant 16 : i32
        %parallel_loop3A_1600 = arith.muli %parallel_loop3A_1462, %parallel_loop3A_1599 : i32
        %parallel_loop3A_1601 = arith.constant 0 : i32
        %parallel_loop3A_1602 = arith.constant 0 : i32
        %parallel_loop3A_1603 = arith.index_cast %parallel_loop3A_1601 : i32 to index
        %parallel_loop3A_1604 = arith.index_cast %parallel_loop3A_1602 : i32 to index
        %parallel_loop3A_1605 = arith.index_cast %parallel_loop3A_1600 : i32 to index
        %parallel_loop3A_1606 = tpu.vector_load %arg8[%parallel_loop3A_1603, %parallel_loop3A_1604, %parallel_loop3A_1605] {strides = array<i32>} : memref<2x1x512xf32, #tpu.memory_space<vmem>>, vector<16xf32>,
        tpu.vector_store %arg8[%parallel_loop3A_1603, %parallel_loop3A_1604, %parallel_loop3A_1605], %parallel_loop3A_1598 {strides = array<i32>} : memref<2x1x512xf32, #tpu.memory_space<vmem>>, vector<16xf32>,
      } {sc.loop_unroll_factor = 2 : i64, sc.parallel_access}
      %jit3A_1148 = arith.constant 7 : i32
      %eq3A_1149 = arith.constant 0 : i32
      %eq3A_1150 = arith.cmpi eq, %jit3A_1148, %eq3A_1149 : i32
      %jit3A_1151 = arith.constant 1 : i32
      %select_n3A_1152 = arith.select %eq3A_1150, %jit3A_1151, %jit3A_1148 : i32
      %rem3A_1153 = arith.remsi %add3A_1113, %select_n3A_1152 : i32
      %ne3A_1154 = arith.constant 0 : i32
      %ne3A_1155 = arith.cmpi ne, %rem3A_1153, %ne3A_1154 : i32
      %lt3A_1156 = arith.constant 0 : i32
      %lt3A_1157 = arith.cmpi slt, %rem3A_1153, %lt3A_1156 : i32
      %lt3A_1158 = arith.constant 0 : i32
      %lt3A_1159 = arith.cmpi slt, %select_n3A_1152, %lt3A_1158 : i32
      %ne3A_1160 = arith.xori %lt3A_1157, %lt3A_1159 : i1
      %and3A_1161 = arith.andi %ne3A_1160, %ne3A_1155 : i1
      %add3A_1162 = arith.addi %rem3A_1153, %select_n3A_1152 : i32
      %select_n3A_1163 = arith.select %and3A_1161, %add3A_1162, %rem3A_1153 : i32
      %jit3A_1164 = arith.constant 7 : i32
      %div3A_1165 = arith.divsi %add3A_1113, %jit3A_1164 : i32
      %sign3A_1166 = arith.constant 0 : i32
      %sign3A_1167 = arith.cmpi sgt, %add3A_1113, %sign3A_1166 : i32
      %sign3A_1168 = arith.extui %sign3A_1167 : i1 to i32
      %sign3A_1169 = arith.constant 0 : i32
      %sign3A_1170 = arith.cmpi slt, %add3A_1113, %sign3A_1169 : i32
      %sign3A_1171 = arith.extui %sign3A_1170 : i1 to i32
      %sign3A_1172 = arith.subi %sign3A_1168, %sign3A_1171 : i32
      %sign3A_1173 = arith.constant 0 : i32
      %sign3A_1174 = arith.cmpi sgt, %jit3A_1164, %sign3A_1173 : i32
      %sign3A_1175 = arith.extui %sign3A_1174 : i1 to i32
      %sign3A_1176 = arith.constant 0 : i32
      %sign3A_1177 = arith.cmpi slt, %jit3A_1164, %sign3A_1176 : i32
      %sign3A_1178 = arith.extui %sign3A_1177 : i1 to i32
      %sign3A_1179 = arith.subi %sign3A_1175, %sign3A_1178 : i32
      %ne3A_1180 = arith.cmpi ne, %sign3A_1172, %sign3A_1179 : i32
      %rem3A_1181 = arith.remsi %add3A_1113, %jit3A_1164 : i32
      %ne3A_1182 = arith.constant 0 : i32
      %ne3A_1183 = arith.cmpi ne, %rem3A_1181, %ne3A_1182 : i32
      %and3A_1184 = arith.andi %ne3A_1180, %ne3A_1183 : i1
      %sub3A_1185 = arith.constant 1 : i32
      %sub3A_1186 = arith.subi %div3A_1165, %sub3A_1185 : i32
      %select_n3A_1187 = arith.select %and3A_1184, %sub3A_1186, %div3A_1165 : i32
      %dma_start3A_1188 = arith.constant 0 : i32
      %dma_start3A_1189 = arith.constant 0 : i32
      %dma_start3A_1190 = arith.constant 0 : i32
      %dma_start3A_1191 = tpu.memref_slice %arg8[%dma_start3A_1188, %dma_start3A_1189, %dma_start3A_1190] : memref<2x1x512xf32, #tpu.memory_space<vmem>> -> memref<1x1x512xf32, #tpu.memory_space<vmem>>
      %dma_start3A_1192 = tpu.memref_slice %arg5[%select_n3A_1163, %select_n3A_1187, %mul3A_2] : memref<7x15x16384xf32, #tpu.memory_space<hbm>> -> memref<1x1x512xf32, #tpu.memory_space<hbm>>
      %dma_start3A_1193 = tpu.memref_slice %arg5[%select_n3A_1163, %select_n3A_1187, %mul3A_2] : memref<7x15x16384xf32, #tpu.memory_space<hbm>> -> memref<1x1x512xf32, #tpu.memory_space<hbm>>
      %dma_start3A_1194 = arith.constant 0 : i32
      %dma_start3A_1195 = arith.constant 0 : i32
      %dma_start3A_1196 = arith.constant 0 : i32
      %dma_start3A_1197 = tpu.memref_slice %arg8[%dma_start3A_1194, %dma_start3A_1195, %dma_start3A_1196] : memref<2x1x512xf32, #tpu.memory_space<vmem>> -> memref<1x1x512xf32, #tpu.memory_space<vmem>>
      tpu.enqueue_dma source(%dma_start3A_1197 : memref<1x1x512xf32, #tpu.memory_space<vmem>>) target(%dma_start3A_1193 : memref<1x1x512xf32, #tpu.memory_space<hbm>>) target_semaphore(%arg13 : memref<!tpu.dma_semaphore, #tpu.memory_space<semaphore_mem>>)
      %mul3A_1198 = arith.constant 8 : i32
      %mul3A_1199 = arith.muli %scan3A_585, %mul3A_1198 : i32
      %add3A_1200 = arith.constant 5 : i32
      %add3A_1201 = arith.addi %mul3A_1199, %add3A_1200 : i32
      %mul3A_1202 = arith.constant 4 : i32
      %mul3A_1203 = arith.muli %add3A_1201, %mul3A_1202 : i32
      %add3A_1204 = arith.constant 0 : i32
      %add3A_1205 = arith.addi %mul3A_1203, %add3A_1204 : i32
      %broadcast_in_dim3A_1206 = vector.broadcast %add3A_1205 : i32 to vector<16xi32>
      %gather3A_1207 = tpu.vector_load_idx %arg9[%broadcast_in_dim3A_1206] : memref<420xf32, #tpu.memory_space<vmem>>[vector<16xi32>], vector<16xf32>,
      %mul3A_1208 = arith.constant 4 : i32
      %mul3A_1209 = arith.muli %add3A_1201, %mul3A_1208 : i32
      %add3A_1210 = arith.constant 1 : i32
      %add3A_1211 = arith.addi %mul3A_1209, %add3A_1210 : i32
      %broadcast_in_dim3A_1212 = vector.broadcast %add3A_1211 : i32 to vector<16xi32>
      %gather3A_1213 = tpu.vector_load_idx %arg9[%broadcast_in_dim3A_1212] : memref<420xf32, #tpu.memory_space<vmem>>[vector<16xi32>], vector<16xf32>,
      %mul3A_1214 = arith.constant 4 : i32
      %mul3A_1215 = arith.muli %add3A_1201, %mul3A_1214 : i32
      %add3A_1216 = arith.constant 2 : i32
      %add3A_1217 = arith.addi %mul3A_1215, %add3A_1216 : i32
      %broadcast_in_dim3A_1218 = vector.broadcast %add3A_1217 : i32 to vector<16xi32>
      %gather3A_1219 = tpu.vector_load_idx %arg9[%broadcast_in_dim3A_1218] : memref<420xf32, #tpu.memory_space<vmem>>[vector<16xi32>], vector<16xf32>,
      %mul3A_1220 = arith.constant 4 : i32
      %mul3A_1221 = arith.muli %add3A_1201, %mul3A_1220 : i32
      %add3A_1222 = arith.constant 3 : i32
      %add3A_1223 = arith.addi %mul3A_1221, %add3A_1222 : i32
      %broadcast_in_dim3A_1224 = vector.broadcast %add3A_1223 : i32 to vector<16xi32>
      %gather3A_1225 = tpu.vector_load_idx %arg9[%broadcast_in_dim3A_1224] : memref<420xf32, #tpu.memory_space<vmem>>[vector<16xi32>], vector<16xf32>,
      %broadcast_in_dim3A_1226 = vector.broadcast %add3A_1201 : i32 to vector<16xi32>
      %gather3A_1227 = tpu.vector_load_idx %arg10[%broadcast_in_dim3A_1226] : memref<105xf32, #tpu.memory_space<vmem>>[vector<16xi32>], vector<16xf32>,
      %ge3A_1228 = arith.constant 2 : i32
      %ge3A_1229 = arith.cmpi sge, %add3A_1201, %ge3A_1228 : i32
      %convert_element_type3A_1230 = arith.extui %ge3A_1229 : i1 to i32
      %cond3A_1231 = arith.constant 0 : i32
      %cond3A_1232 = arith.cmpi ne, %convert_element_type3A_1230, %cond3A_1231 : i32
      scf.if %cond3A_1232 {
        %dma_wait3A_1462 = arith.constant 0 : i32
        %dma_wait3A_1463 = arith.constant 0 : i32
        %dma_wait3A_1464 = arith.constant 0 : i32
        %dma_wait3A_1465 = tpu.memref_slice %arg8[%dma_wait3A_1462, %dma_wait3A_1463, %dma_wait3A_1464] : memref<2x1x512xf32, #tpu.memory_space<vmem>> -> memref<1x1x512xf32, #tpu.memory_space<vmem>>
        %dma_wait3A_1466 = arith.constant 0 : i32
        %dma_wait3A_1467 = arith.constant 0 : i32
        %dma_wait3A_1468 = tpu.memref_slice %arg5[%dma_wait3A_1466, %dma_wait3A_1467, %mul3A_2] : memref<7x15x16384xf32, #tpu.memory_space<hbm>> -> memref<1x1x512xf32, #tpu.memory_space<hbm>>
        %dma_wait3A_1469 = arith.constant 0 : i32
        %dma_wait3A_1470 = arith.constant 0 : i32
        %dma_wait3A_1471 = tpu.memref_slice %arg5[%dma_wait3A_1469, %dma_wait3A_1470, %mul3A_2] : memref<7x15x16384xf32, #tpu.memory_space<hbm>> -> memref<1x1x512xf32, #tpu.memory_space<hbm>>
        %dma_wait3A_1472 = arith.constant 0 : i32
        %dma_wait3A_1473 = arith.constant 0 : i32
        %dma_wait3A_1474 = arith.constant 0 : i32
        %dma_wait3A_1475 = tpu.memref_slice %arg8[%dma_wait3A_1472, %dma_wait3A_1473, %dma_wait3A_1474] : memref<2x1x512xf32, #tpu.memory_space<vmem>> -> memref<1x1x512xf32, #tpu.memory_space<vmem>>
        tpu.wait_dma2 semaphore(%arg13 : memref<!tpu.dma_semaphore, #tpu.memory_space<semaphore_mem>>) src(%dma_wait3A_1475 : memref<1x1x512xf32, #tpu.memory_space<vmem>>) dst(%dma_wait3A_1471 : memref<1x1x512xf32, #tpu.memory_space<hbm>>)
      } else {
      }
      %parallel_loop3A_1233 = arith.constant 0 : i32
      %parallel_loop3A_1234 = arith.constant 32 : i32
      %parallel_loop3A_1235 = arith.constant 1 : i32
      scf.for %parallel_loop3A_1462 = %parallel_loop3A_1233 to %parallel_loop3A_1234 step %parallel_loop3A_1235  : i32 {
        %parallel_loop3A_1463 = arith.constant 16 : i32
        %parallel_loop3A_1464 = arith.muli %parallel_loop3A_1462, %parallel_loop3A_1463 : i32
        %parallel_loop3A_1465 = arith.constant 0 : i32
        %parallel_loop3A_1466 = arith.constant 0 : i32
        %parallel_loop3A_1467 = arith.constant 5 : i32
        %parallel_loop3A_1468 = arith.index_cast %select_n3A_601 : i32 to index
        %parallel_loop3A_1469 = arith.index_cast %parallel_loop3A_1465 : i32 to index
        %parallel_loop3A_1470 = arith.index_cast %parallel_loop3A_1466 : i32 to index
        %parallel_loop3A_1471 = arith.index_cast %parallel_loop3A_1467 : i32 to index
        %parallel_loop3A_1472 = arith.index_cast %parallel_loop3A_1464 : i32 to index
        %parallel_loop3A_1473 = tpu.vector_load %arg6[%parallel_loop3A_1468, %parallel_loop3A_1469, %parallel_loop3A_1470, %parallel_loop3A_1471, %parallel_loop3A_1472] {strides = array<i32>} : memref<2x9x1x8x512xf32, #tpu.memory_space<vmem>>, vector<16xf32>,
        %parallel_loop3A_1474 = arith.constant 16 : i32
        %parallel_loop3A_1475 = arith.muli %parallel_loop3A_1462, %parallel_loop3A_1474 : i32
        %parallel_loop3A_1476 = arith.constant 1 : i32
        %parallel_loop3A_1477 = arith.constant 0 : i32
        %parallel_loop3A_1478 = arith.constant 5 : i32
        %parallel_loop3A_1479 = arith.index_cast %select_n3A_601 : i32 to index
        %parallel_loop3A_1480 = arith.index_cast %parallel_loop3A_1476 : i32 to index
        %parallel_loop3A_1481 = arith.index_cast %parallel_loop3A_1477 : i32 to index
        %parallel_loop3A_1482 = arith.index_cast %parallel_loop3A_1478 : i32 to index
        %parallel_loop3A_1483 = arith.index_cast %parallel_loop3A_1475 : i32 to index
        %parallel_loop3A_1484 = tpu.vector_load %arg6[%parallel_loop3A_1479, %parallel_loop3A_1480, %parallel_loop3A_1481, %parallel_loop3A_1482, %parallel_loop3A_1483] {strides = array<i32>} : memref<2x9x1x8x512xf32, #tpu.memory_space<vmem>>, vector<16xf32>,
        %parallel_loop3A_1485 = arith.constant 16 : i32
        %parallel_loop3A_1486 = arith.muli %parallel_loop3A_1462, %parallel_loop3A_1485 : i32
        %parallel_loop3A_1487 = arith.constant 2 : i32
        %parallel_loop3A_1488 = arith.constant 0 : i32
        %parallel_loop3A_1489 = arith.constant 5 : i32
        %parallel_loop3A_1490 = arith.index_cast %select_n3A_601 : i32 to index
        %parallel_loop3A_1491 = arith.index_cast %parallel_loop3A_1487 : i32 to index
        %parallel_loop3A_1492 = arith.index_cast %parallel_loop3A_1488 : i32 to index
        %parallel_loop3A_1493 = arith.index_cast %parallel_loop3A_1489 : i32 to index
        %parallel_loop3A_1494 = arith.index_cast %parallel_loop3A_1486 : i32 to index
        %parallel_loop3A_1495 = tpu.vector_load %arg6[%parallel_loop3A_1490, %parallel_loop3A_1491, %parallel_loop3A_1492, %parallel_loop3A_1493, %parallel_loop3A_1494] {strides = array<i32>} : memref<2x9x1x8x512xf32, #tpu.memory_space<vmem>>, vector<16xf32>,
        %parallel_loop3A_1496 = arith.constant 16 : i32
        %parallel_loop3A_1497 = arith.muli %parallel_loop3A_1462, %parallel_loop3A_1496 : i32
        %parallel_loop3A_1498 = arith.constant 3 : i32
        %parallel_loop3A_1499 = arith.constant 0 : i32
        %parallel_loop3A_1500 = arith.constant 5 : i32
        %parallel_loop3A_1501 = arith.index_cast %select_n3A_601 : i32 to index
        %parallel_loop3A_1502 = arith.index_cast %parallel_loop3A_1498 : i32 to index
        %parallel_loop3A_1503 = arith.index_cast %parallel_loop3A_1499 : i32 to index
        %parallel_loop3A_1504 = arith.index_cast %parallel_loop3A_1500 : i32 to index
        %parallel_loop3A_1505 = arith.index_cast %parallel_loop3A_1497 : i32 to index
        %parallel_loop3A_1506 = tpu.vector_load %arg6[%parallel_loop3A_1501, %parallel_loop3A_1502, %parallel_loop3A_1503, %parallel_loop3A_1504, %parallel_loop3A_1505] {strides = array<i32>} : memref<2x9x1x8x512xf32, #tpu.memory_space<vmem>>, vector<16xf32>,
        %parallel_loop3A_1507 = arith.constant 16 : i32
        %parallel_loop3A_1508 = arith.muli %parallel_loop3A_1462, %parallel_loop3A_1507 : i32
        %parallel_loop3A_1509 = arith.constant 4 : i32
        %parallel_loop3A_1510 = arith.constant 0 : i32
        %parallel_loop3A_1511 = arith.constant 5 : i32
        %parallel_loop3A_1512 = arith.index_cast %select_n3A_601 : i32 to index
        %parallel_loop3A_1513 = arith.index_cast %parallel_loop3A_1509 : i32 to index
        %parallel_loop3A_1514 = arith.index_cast %parallel_loop3A_1510 : i32 to index
        %parallel_loop3A_1515 = arith.index_cast %parallel_loop3A_1511 : i32 to index
        %parallel_loop3A_1516 = arith.index_cast %parallel_loop3A_1508 : i32 to index
        %parallel_loop3A_1517 = tpu.vector_load %arg6[%parallel_loop3A_1512, %parallel_loop3A_1513, %parallel_loop3A_1514, %parallel_loop3A_1515, %parallel_loop3A_1516] {strides = array<i32>} : memref<2x9x1x8x512xf32, #tpu.memory_space<vmem>>, vector<16xf32>,
        %parallel_loop3A_1518 = arith.constant 16 : i32
        %parallel_loop3A_1519 = arith.muli %parallel_loop3A_1462, %parallel_loop3A_1518 : i32
        %parallel_loop3A_1520 = arith.constant 5 : i32
        %parallel_loop3A_1521 = arith.constant 0 : i32
        %parallel_loop3A_1522 = arith.constant 5 : i32
        %parallel_loop3A_1523 = arith.index_cast %select_n3A_601 : i32 to index
        %parallel_loop3A_1524 = arith.index_cast %parallel_loop3A_1520 : i32 to index
        %parallel_loop3A_1525 = arith.index_cast %parallel_loop3A_1521 : i32 to index
        %parallel_loop3A_1526 = arith.index_cast %parallel_loop3A_1522 : i32 to index
        %parallel_loop3A_1527 = arith.index_cast %parallel_loop3A_1519 : i32 to index
        %parallel_loop3A_1528 = tpu.vector_load %arg6[%parallel_loop3A_1523, %parallel_loop3A_1524, %parallel_loop3A_1525, %parallel_loop3A_1526, %parallel_loop3A_1527] {strides = array<i32>} : memref<2x9x1x8x512xf32, #tpu.memory_space<vmem>>, vector<16xf32>,
        %parallel_loop3A_1529 = arith.constant 16 : i32
        %parallel_loop3A_1530 = arith.muli %parallel_loop3A_1462, %parallel_loop3A_1529 : i32
        %parallel_loop3A_1531 = arith.constant 6 : i32
        %parallel_loop3A_1532 = arith.constant 0 : i32
        %parallel_loop3A_1533 = arith.constant 5 : i32
        %parallel_loop3A_1534 = arith.index_cast %select_n3A_601 : i32 to index
        %parallel_loop3A_1535 = arith.index_cast %parallel_loop3A_1531 : i32 to index
        %parallel_loop3A_1536 = arith.index_cast %parallel_loop3A_1532 : i32 to index
        %parallel_loop3A_1537 = arith.index_cast %parallel_loop3A_1533 : i32 to index
        %parallel_loop3A_1538 = arith.index_cast %parallel_loop3A_1530 : i32 to index
        %parallel_loop3A_1539 = tpu.vector_load %arg6[%parallel_loop3A_1534, %parallel_loop3A_1535, %parallel_loop3A_1536, %parallel_loop3A_1537, %parallel_loop3A_1538] {strides = array<i32>} : memref<2x9x1x8x512xf32, #tpu.memory_space<vmem>>, vector<16xf32>,
        %parallel_loop3A_1540 = arith.constant 16 : i32
        %parallel_loop3A_1541 = arith.muli %parallel_loop3A_1462, %parallel_loop3A_1540 : i32
        %parallel_loop3A_1542 = arith.constant 7 : i32
        %parallel_loop3A_1543 = arith.constant 0 : i32
        %parallel_loop3A_1544 = arith.constant 5 : i32
        %parallel_loop3A_1545 = arith.index_cast %select_n3A_601 : i32 to index
        %parallel_loop3A_1546 = arith.index_cast %parallel_loop3A_1542 : i32 to index
        %parallel_loop3A_1547 = arith.index_cast %parallel_loop3A_1543 : i32 to index
        %parallel_loop3A_1548 = arith.index_cast %parallel_loop3A_1544 : i32 to index
        %parallel_loop3A_1549 = arith.index_cast %parallel_loop3A_1541 : i32 to index
        %parallel_loop3A_1550 = tpu.vector_load %arg6[%parallel_loop3A_1545, %parallel_loop3A_1546, %parallel_loop3A_1547, %parallel_loop3A_1548, %parallel_loop3A_1549] {strides = array<i32>} : memref<2x9x1x8x512xf32, #tpu.memory_space<vmem>>, vector<16xf32>,
        %parallel_loop3A_1551 = arith.constant 16 : i32
        %parallel_loop3A_1552 = arith.muli %parallel_loop3A_1462, %parallel_loop3A_1551 : i32
        %parallel_loop3A_1553 = arith.constant 8 : i32
        %parallel_loop3A_1554 = arith.constant 0 : i32
        %parallel_loop3A_1555 = arith.constant 5 : i32
        %parallel_loop3A_1556 = arith.index_cast %select_n3A_601 : i32 to index
        %parallel_loop3A_1557 = arith.index_cast %parallel_loop3A_1553 : i32 to index
        %parallel_loop3A_1558 = arith.index_cast %parallel_loop3A_1554 : i32 to index
        %parallel_loop3A_1559 = arith.index_cast %parallel_loop3A_1555 : i32 to index
        %parallel_loop3A_1560 = arith.index_cast %parallel_loop3A_1552 : i32 to index
        %parallel_loop3A_1561 = tpu.vector_load %arg6[%parallel_loop3A_1556, %parallel_loop3A_1557, %parallel_loop3A_1558, %parallel_loop3A_1559, %parallel_loop3A_1560] {strides = array<i32>} : memref<2x9x1x8x512xf32, #tpu.memory_space<vmem>>, vector<16xf32>,
        %parallel_loop3A_1562 = arith.mulf %parallel_loop3A_1473, %gather3A_1207 : vector<16xf32>
        %parallel_loop3A_1563 = arith.mulf %parallel_loop3A_1484, %gather3A_1213 : vector<16xf32>
        %parallel_loop3A_1564 = arith.addf %parallel_loop3A_1562, %parallel_loop3A_1563 : vector<16xf32>
        %parallel_loop3A_1565 = arith.mulf %parallel_loop3A_1506, %gather3A_1219 : vector<16xf32>
        %parallel_loop3A_1566 = arith.addf %parallel_loop3A_1564, %parallel_loop3A_1565 : vector<16xf32>
        %parallel_loop3A_1567 = arith.mulf %parallel_loop3A_1517, %gather3A_1225 : vector<16xf32>
        %parallel_loop3A_1568 = arith.addf %parallel_loop3A_1566, %parallel_loop3A_1567 : vector<16xf32>
        %parallel_loop3A_1569 = arith.mulf %parallel_loop3A_1484, %gather3A_1207 : vector<16xf32>
        %parallel_loop3A_1570 = arith.mulf %parallel_loop3A_1495, %gather3A_1213 : vector<16xf32>
        %parallel_loop3A_1571 = arith.addf %parallel_loop3A_1569, %parallel_loop3A_1570 : vector<16xf32>
        %parallel_loop3A_1572 = arith.mulf %parallel_loop3A_1517, %gather3A_1219 : vector<16xf32>
        %parallel_loop3A_1573 = arith.addf %parallel_loop3A_1571, %parallel_loop3A_1572 : vector<16xf32>
        %parallel_loop3A_1574 = arith.mulf %parallel_loop3A_1528, %gather3A_1225 : vector<16xf32>
        %parallel_loop3A_1575 = arith.addf %parallel_loop3A_1573, %parallel_loop3A_1574 : vector<16xf32>
        %parallel_loop3A_1576 = arith.mulf %parallel_loop3A_1506, %gather3A_1207 : vector<16xf32>
        %parallel_loop3A_1577 = arith.mulf %parallel_loop3A_1517, %gather3A_1213 : vector<16xf32>
        %parallel_loop3A_1578 = arith.addf %parallel_loop3A_1576, %parallel_loop3A_1577 : vector<16xf32>
        %parallel_loop3A_1579 = arith.mulf %parallel_loop3A_1539, %gather3A_1219 : vector<16xf32>
        %parallel_loop3A_1580 = arith.addf %parallel_loop3A_1578, %parallel_loop3A_1579 : vector<16xf32>
        %parallel_loop3A_1581 = arith.mulf %parallel_loop3A_1550, %gather3A_1225 : vector<16xf32>
        %parallel_loop3A_1582 = arith.addf %parallel_loop3A_1580, %parallel_loop3A_1581 : vector<16xf32>
        %parallel_loop3A_1583 = arith.mulf %parallel_loop3A_1517, %gather3A_1207 : vector<16xf32>
        %parallel_loop3A_1584 = arith.mulf %parallel_loop3A_1528, %gather3A_1213 : vector<16xf32>
        %parallel_loop3A_1585 = arith.addf %parallel_loop3A_1583, %parallel_loop3A_1584 : vector<16xf32>
        %parallel_loop3A_1586 = arith.mulf %parallel_loop3A_1550, %gather3A_1219 : vector<16xf32>
        %parallel_loop3A_1587 = arith.addf %parallel_loop3A_1585, %parallel_loop3A_1586 : vector<16xf32>
        %parallel_loop3A_1588 = arith.mulf %parallel_loop3A_1561, %gather3A_1225 : vector<16xf32>
        %parallel_loop3A_1589 = arith.addf %parallel_loop3A_1587, %parallel_loop3A_1588 : vector<16xf32>
        %parallel_loop3A_1590 = arith.maximumf %parallel_loop3A_1568, %parallel_loop3A_1575 : vector<16xf32>
        %parallel_loop3A_1591 = arith.maximumf %parallel_loop3A_1582, %parallel_loop3A_1589 : vector<16xf32>
        %parallel_loop3A_1592 = arith.maximumf %parallel_loop3A_1590, %parallel_loop3A_1591 : vector<16xf32>
        %parallel_loop3A_1593 = arith.addf %parallel_loop3A_1592, %gather3A_1227 : vector<16xf32>
        %parallel_loop3A_1594 = arith.constant 2.000000e-01 : f32
        %parallel_loop3A_1595 = vector.broadcast %parallel_loop3A_1594 : f32 to vector<16xf32>
        %parallel_loop3A_1596 = arith.mulf %parallel_loop3A_1595, %parallel_loop3A_1593 : vector<16xf32>
        %parallel_loop3A_1597 = arith.maximumf %parallel_loop3A_1593, %parallel_loop3A_1596 : vector<16xf32>
        %parallel_loop3A_1598 = arith.addf %parallel_loop3A_1597, %parallel_loop3A_1517 : vector<16xf32>
        %parallel_loop3A_1599 = arith.constant 16 : i32
        %parallel_loop3A_1600 = arith.muli %parallel_loop3A_1462, %parallel_loop3A_1599 : i32
        %parallel_loop3A_1601 = arith.constant 1 : i32
        %parallel_loop3A_1602 = arith.constant 0 : i32
        %parallel_loop3A_1603 = arith.index_cast %parallel_loop3A_1601 : i32 to index
        %parallel_loop3A_1604 = arith.index_cast %parallel_loop3A_1602 : i32 to index
        %parallel_loop3A_1605 = arith.index_cast %parallel_loop3A_1600 : i32 to index
        %parallel_loop3A_1606 = tpu.vector_load %arg8[%parallel_loop3A_1603, %parallel_loop3A_1604, %parallel_loop3A_1605] {strides = array<i32>} : memref<2x1x512xf32, #tpu.memory_space<vmem>>, vector<16xf32>,
        tpu.vector_store %arg8[%parallel_loop3A_1603, %parallel_loop3A_1604, %parallel_loop3A_1605], %parallel_loop3A_1598 {strides = array<i32>} : memref<2x1x512xf32, #tpu.memory_space<vmem>>, vector<16xf32>,
      } {sc.loop_unroll_factor = 2 : i64, sc.parallel_access}
      %jit3A_1236 = arith.constant 7 : i32
      %eq3A_1237 = arith.constant 0 : i32
      %eq3A_1238 = arith.cmpi eq, %jit3A_1236, %eq3A_1237 : i32
      %jit3A_1239 = arith.constant 1 : i32
      %select_n3A_1240 = arith.select %eq3A_1238, %jit3A_1239, %jit3A_1236 : i32
      %rem3A_1241 = arith.remsi %add3A_1201, %select_n3A_1240 : i32
      %ne3A_1242 = arith.constant 0 : i32
      %ne3A_1243 = arith.cmpi ne, %rem3A_1241, %ne3A_1242 : i32
      %lt3A_1244 = arith.constant 0 : i32
      %lt3A_1245 = arith.cmpi slt, %rem3A_1241, %lt3A_1244 : i32
      %lt3A_1246 = arith.constant 0 : i32
      %lt3A_1247 = arith.cmpi slt, %select_n3A_1240, %lt3A_1246 : i32
      %ne3A_1248 = arith.xori %lt3A_1245, %lt3A_1247 : i1
      %and3A_1249 = arith.andi %ne3A_1248, %ne3A_1243 : i1
      %add3A_1250 = arith.addi %rem3A_1241, %select_n3A_1240 : i32
      %select_n3A_1251 = arith.select %and3A_1249, %add3A_1250, %rem3A_1241 : i32
      %jit3A_1252 = arith.constant 7 : i32
      %div3A_1253 = arith.divsi %add3A_1201, %jit3A_1252 : i32
      %sign3A_1254 = arith.constant 0 : i32
      %sign3A_1255 = arith.cmpi sgt, %add3A_1201, %sign3A_1254 : i32
      %sign3A_1256 = arith.extui %sign3A_1255 : i1 to i32
      %sign3A_1257 = arith.constant 0 : i32
      %sign3A_1258 = arith.cmpi slt, %add3A_1201, %sign3A_1257 : i32
      %sign3A_1259 = arith.extui %sign3A_1258 : i1 to i32
      %sign3A_1260 = arith.subi %sign3A_1256, %sign3A_1259 : i32
      %sign3A_1261 = arith.constant 0 : i32
      %sign3A_1262 = arith.cmpi sgt, %jit3A_1252, %sign3A_1261 : i32
      %sign3A_1263 = arith.extui %sign3A_1262 : i1 to i32
      %sign3A_1264 = arith.constant 0 : i32
      %sign3A_1265 = arith.cmpi slt, %jit3A_1252, %sign3A_1264 : i32
      %sign3A_1266 = arith.extui %sign3A_1265 : i1 to i32
      %sign3A_1267 = arith.subi %sign3A_1263, %sign3A_1266 : i32
      %ne3A_1268 = arith.cmpi ne, %sign3A_1260, %sign3A_1267 : i32
      %rem3A_1269 = arith.remsi %add3A_1201, %jit3A_1252 : i32
      %ne3A_1270 = arith.constant 0 : i32
      %ne3A_1271 = arith.cmpi ne, %rem3A_1269, %ne3A_1270 : i32
      %and3A_1272 = arith.andi %ne3A_1268, %ne3A_1271 : i1
      %sub3A_1273 = arith.constant 1 : i32
      %sub3A_1274 = arith.subi %div3A_1253, %sub3A_1273 : i32
      %select_n3A_1275 = arith.select %and3A_1272, %sub3A_1274, %div3A_1253 : i32
      %dma_start3A_1276 = arith.constant 1 : i32
      %dma_start3A_1277 = arith.constant 0 : i32
      %dma_start3A_1278 = arith.constant 0 : i32
      %dma_start3A_1279 = tpu.memref_slice %arg8[%dma_start3A_1276, %dma_start3A_1277, %dma_start3A_1278] : memref<2x1x512xf32, #tpu.memory_space<vmem>> -> memref<1x1x512xf32, #tpu.memory_space<vmem>>
      %dma_start3A_1280 = tpu.memref_slice %arg5[%select_n3A_1251, %select_n3A_1275, %mul3A_2] : memref<7x15x16384xf32, #tpu.memory_space<hbm>> -> memref<1x1x512xf32, #tpu.memory_space<hbm>>
      %dma_start3A_1281 = tpu.memref_slice %arg5[%select_n3A_1251, %select_n3A_1275, %mul3A_2] : memref<7x15x16384xf32, #tpu.memory_space<hbm>> -> memref<1x1x512xf32, #tpu.memory_space<hbm>>
      %dma_start3A_1282 = arith.constant 1 : i32
      %dma_start3A_1283 = arith.constant 0 : i32
      %dma_start3A_1284 = arith.constant 0 : i32
      %dma_start3A_1285 = tpu.memref_slice %arg8[%dma_start3A_1282, %dma_start3A_1283, %dma_start3A_1284] : memref<2x1x512xf32, #tpu.memory_space<vmem>> -> memref<1x1x512xf32, #tpu.memory_space<vmem>>
      tpu.enqueue_dma source(%dma_start3A_1285 : memref<1x1x512xf32, #tpu.memory_space<vmem>>) target(%dma_start3A_1281 : memref<1x1x512xf32, #tpu.memory_space<hbm>>) target_semaphore(%arg13 : memref<!tpu.dma_semaphore, #tpu.memory_space<semaphore_mem>>)
      %mul3A_1286 = arith.constant 8 : i32
      %mul3A_1287 = arith.muli %scan3A_585, %mul3A_1286 : i32
      %add3A_1288 = arith.constant 6 : i32
      %add3A_1289 = arith.addi %mul3A_1287, %add3A_1288 : i32
      %mul3A_1290 = arith.constant 4 : i32
      %mul3A_1291 = arith.muli %add3A_1289, %mul3A_1290 : i32
      %add3A_1292 = arith.constant 0 : i32
      %add3A_1293 = arith.addi %mul3A_1291, %add3A_1292 : i32
      %broadcast_in_dim3A_1294 = vector.broadcast %add3A_1293 : i32 to vector<16xi32>
      %gather3A_1295 = tpu.vector_load_idx %arg9[%broadcast_in_dim3A_1294] : memref<420xf32, #tpu.memory_space<vmem>>[vector<16xi32>], vector<16xf32>,
      %mul3A_1296 = arith.constant 4 : i32
      %mul3A_1297 = arith.muli %add3A_1289, %mul3A_1296 : i32
      %add3A_1298 = arith.constant 1 : i32
      %add3A_1299 = arith.addi %mul3A_1297, %add3A_1298 : i32
      %broadcast_in_dim3A_1300 = vector.broadcast %add3A_1299 : i32 to vector<16xi32>
      %gather3A_1301 = tpu.vector_load_idx %arg9[%broadcast_in_dim3A_1300] : memref<420xf32, #tpu.memory_space<vmem>>[vector<16xi32>], vector<16xf32>,
      %mul3A_1302 = arith.constant 4 : i32
      %mul3A_1303 = arith.muli %add3A_1289, %mul3A_1302 : i32
      %add3A_1304 = arith.constant 2 : i32
      %add3A_1305 = arith.addi %mul3A_1303, %add3A_1304 : i32
      %broadcast_in_dim3A_1306 = vector.broadcast %add3A_1305 : i32 to vector<16xi32>
      %gather3A_1307 = tpu.vector_load_idx %arg9[%broadcast_in_dim3A_1306] : memref<420xf32, #tpu.memory_space<vmem>>[vector<16xi32>], vector<16xf32>,
      %mul3A_1308 = arith.constant 4 : i32
      %mul3A_1309 = arith.muli %add3A_1289, %mul3A_1308 : i32
      %add3A_1310 = arith.constant 3 : i32
      %add3A_1311 = arith.addi %mul3A_1309, %add3A_1310 : i32
      %broadcast_in_dim3A_1312 = vector.broadcast %add3A_1311 : i32 to vector<16xi32>
      %gather3A_1313 = tpu.vector_load_idx %arg9[%broadcast_in_dim3A_1312] : memref<420xf32, #tpu.memory_space<vmem>>[vector<16xi32>], vector<16xf32>,
      %broadcast_in_dim3A_1314 = vector.broadcast %add3A_1289 : i32 to vector<16xi32>
      %gather3A_1315 = tpu.vector_load_idx %arg10[%broadcast_in_dim3A_1314] : memref<105xf32, #tpu.memory_space<vmem>>[vector<16xi32>], vector<16xf32>,
      %ge3A_1316 = arith.constant 2 : i32
      %ge3A_1317 = arith.cmpi sge, %add3A_1289, %ge3A_1316 : i32
      %convert_element_type3A_1318 = arith.extui %ge3A_1317 : i1 to i32
      %cond3A_1319 = arith.constant 0 : i32
      %cond3A_1320 = arith.cmpi ne, %convert_element_type3A_1318, %cond3A_1319 : i32
      scf.if %cond3A_1320 {
        %dma_wait3A_1462 = arith.constant 0 : i32
        %dma_wait3A_1463 = arith.constant 0 : i32
        %dma_wait3A_1464 = arith.constant 0 : i32
        %dma_wait3A_1465 = tpu.memref_slice %arg8[%dma_wait3A_1462, %dma_wait3A_1463, %dma_wait3A_1464] : memref<2x1x512xf32, #tpu.memory_space<vmem>> -> memref<1x1x512xf32, #tpu.memory_space<vmem>>
        %dma_wait3A_1466 = arith.constant 0 : i32
        %dma_wait3A_1467 = arith.constant 0 : i32
        %dma_wait3A_1468 = tpu.memref_slice %arg5[%dma_wait3A_1466, %dma_wait3A_1467, %mul3A_2] : memref<7x15x16384xf32, #tpu.memory_space<hbm>> -> memref<1x1x512xf32, #tpu.memory_space<hbm>>
        %dma_wait3A_1469 = arith.constant 0 : i32
        %dma_wait3A_1470 = arith.constant 0 : i32
        %dma_wait3A_1471 = tpu.memref_slice %arg5[%dma_wait3A_1469, %dma_wait3A_1470, %mul3A_2] : memref<7x15x16384xf32, #tpu.memory_space<hbm>> -> memref<1x1x512xf32, #tpu.memory_space<hbm>>
        %dma_wait3A_1472 = arith.constant 0 : i32
        %dma_wait3A_1473 = arith.constant 0 : i32
        %dma_wait3A_1474 = arith.constant 0 : i32
        %dma_wait3A_1475 = tpu.memref_slice %arg8[%dma_wait3A_1472, %dma_wait3A_1473, %dma_wait3A_1474] : memref<2x1x512xf32, #tpu.memory_space<vmem>> -> memref<1x1x512xf32, #tpu.memory_space<vmem>>
        tpu.wait_dma2 semaphore(%arg13 : memref<!tpu.dma_semaphore, #tpu.memory_space<semaphore_mem>>) src(%dma_wait3A_1475 : memref<1x1x512xf32, #tpu.memory_space<vmem>>) dst(%dma_wait3A_1471 : memref<1x1x512xf32, #tpu.memory_space<hbm>>)
      } else {
      }
      %parallel_loop3A_1321 = arith.constant 0 : i32
      %parallel_loop3A_1322 = arith.constant 32 : i32
      %parallel_loop3A_1323 = arith.constant 1 : i32
      scf.for %parallel_loop3A_1462 = %parallel_loop3A_1321 to %parallel_loop3A_1322 step %parallel_loop3A_1323  : i32 {
        %parallel_loop3A_1463 = arith.constant 16 : i32
        %parallel_loop3A_1464 = arith.muli %parallel_loop3A_1462, %parallel_loop3A_1463 : i32
        %parallel_loop3A_1465 = arith.constant 0 : i32
        %parallel_loop3A_1466 = arith.constant 0 : i32
        %parallel_loop3A_1467 = arith.constant 6 : i32
        %parallel_loop3A_1468 = arith.index_cast %select_n3A_601 : i32 to index
        %parallel_loop3A_1469 = arith.index_cast %parallel_loop3A_1465 : i32 to index
        %parallel_loop3A_1470 = arith.index_cast %parallel_loop3A_1466 : i32 to index
        %parallel_loop3A_1471 = arith.index_cast %parallel_loop3A_1467 : i32 to index
        %parallel_loop3A_1472 = arith.index_cast %parallel_loop3A_1464 : i32 to index
        %parallel_loop3A_1473 = tpu.vector_load %arg6[%parallel_loop3A_1468, %parallel_loop3A_1469, %parallel_loop3A_1470, %parallel_loop3A_1471, %parallel_loop3A_1472] {strides = array<i32>} : memref<2x9x1x8x512xf32, #tpu.memory_space<vmem>>, vector<16xf32>,
        %parallel_loop3A_1474 = arith.constant 16 : i32
        %parallel_loop3A_1475 = arith.muli %parallel_loop3A_1462, %parallel_loop3A_1474 : i32
        %parallel_loop3A_1476 = arith.constant 1 : i32
        %parallel_loop3A_1477 = arith.constant 0 : i32
        %parallel_loop3A_1478 = arith.constant 6 : i32
        %parallel_loop3A_1479 = arith.index_cast %select_n3A_601 : i32 to index
        %parallel_loop3A_1480 = arith.index_cast %parallel_loop3A_1476 : i32 to index
        %parallel_loop3A_1481 = arith.index_cast %parallel_loop3A_1477 : i32 to index
        %parallel_loop3A_1482 = arith.index_cast %parallel_loop3A_1478 : i32 to index
        %parallel_loop3A_1483 = arith.index_cast %parallel_loop3A_1475 : i32 to index
        %parallel_loop3A_1484 = tpu.vector_load %arg6[%parallel_loop3A_1479, %parallel_loop3A_1480, %parallel_loop3A_1481, %parallel_loop3A_1482, %parallel_loop3A_1483] {strides = array<i32>} : memref<2x9x1x8x512xf32, #tpu.memory_space<vmem>>, vector<16xf32>,
        %parallel_loop3A_1485 = arith.constant 16 : i32
        %parallel_loop3A_1486 = arith.muli %parallel_loop3A_1462, %parallel_loop3A_1485 : i32
        %parallel_loop3A_1487 = arith.constant 2 : i32
        %parallel_loop3A_1488 = arith.constant 0 : i32
        %parallel_loop3A_1489 = arith.constant 6 : i32
        %parallel_loop3A_1490 = arith.index_cast %select_n3A_601 : i32 to index
        %parallel_loop3A_1491 = arith.index_cast %parallel_loop3A_1487 : i32 to index
        %parallel_loop3A_1492 = arith.index_cast %parallel_loop3A_1488 : i32 to index
        %parallel_loop3A_1493 = arith.index_cast %parallel_loop3A_1489 : i32 to index
        %parallel_loop3A_1494 = arith.index_cast %parallel_loop3A_1486 : i32 to index
        %parallel_loop3A_1495 = tpu.vector_load %arg6[%parallel_loop3A_1490, %parallel_loop3A_1491, %parallel_loop3A_1492, %parallel_loop3A_1493, %parallel_loop3A_1494] {strides = array<i32>} : memref<2x9x1x8x512xf32, #tpu.memory_space<vmem>>, vector<16xf32>,
        %parallel_loop3A_1496 = arith.constant 16 : i32
        %parallel_loop3A_1497 = arith.muli %parallel_loop3A_1462, %parallel_loop3A_1496 : i32
        %parallel_loop3A_1498 = arith.constant 3 : i32
        %parallel_loop3A_1499 = arith.constant 0 : i32
        %parallel_loop3A_1500 = arith.constant 6 : i32
        %parallel_loop3A_1501 = arith.index_cast %select_n3A_601 : i32 to index
        %parallel_loop3A_1502 = arith.index_cast %parallel_loop3A_1498 : i32 to index
        %parallel_loop3A_1503 = arith.index_cast %parallel_loop3A_1499 : i32 to index
        %parallel_loop3A_1504 = arith.index_cast %parallel_loop3A_1500 : i32 to index
        %parallel_loop3A_1505 = arith.index_cast %parallel_loop3A_1497 : i32 to index
        %parallel_loop3A_1506 = tpu.vector_load %arg6[%parallel_loop3A_1501, %parallel_loop3A_1502, %parallel_loop3A_1503, %parallel_loop3A_1504, %parallel_loop3A_1505] {strides = array<i32>} : memref<2x9x1x8x512xf32, #tpu.memory_space<vmem>>, vector<16xf32>,
        %parallel_loop3A_1507 = arith.constant 16 : i32
        %parallel_loop3A_1508 = arith.muli %parallel_loop3A_1462, %parallel_loop3A_1507 : i32
        %parallel_loop3A_1509 = arith.constant 4 : i32
        %parallel_loop3A_1510 = arith.constant 0 : i32
        %parallel_loop3A_1511 = arith.constant 6 : i32
        %parallel_loop3A_1512 = arith.index_cast %select_n3A_601 : i32 to index
        %parallel_loop3A_1513 = arith.index_cast %parallel_loop3A_1509 : i32 to index
        %parallel_loop3A_1514 = arith.index_cast %parallel_loop3A_1510 : i32 to index
        %parallel_loop3A_1515 = arith.index_cast %parallel_loop3A_1511 : i32 to index
        %parallel_loop3A_1516 = arith.index_cast %parallel_loop3A_1508 : i32 to index
        %parallel_loop3A_1517 = tpu.vector_load %arg6[%parallel_loop3A_1512, %parallel_loop3A_1513, %parallel_loop3A_1514, %parallel_loop3A_1515, %parallel_loop3A_1516] {strides = array<i32>} : memref<2x9x1x8x512xf32, #tpu.memory_space<vmem>>, vector<16xf32>,
        %parallel_loop3A_1518 = arith.constant 16 : i32
        %parallel_loop3A_1519 = arith.muli %parallel_loop3A_1462, %parallel_loop3A_1518 : i32
        %parallel_loop3A_1520 = arith.constant 5 : i32
        %parallel_loop3A_1521 = arith.constant 0 : i32
        %parallel_loop3A_1522 = arith.constant 6 : i32
        %parallel_loop3A_1523 = arith.index_cast %select_n3A_601 : i32 to index
        %parallel_loop3A_1524 = arith.index_cast %parallel_loop3A_1520 : i32 to index
        %parallel_loop3A_1525 = arith.index_cast %parallel_loop3A_1521 : i32 to index
        %parallel_loop3A_1526 = arith.index_cast %parallel_loop3A_1522 : i32 to index
        %parallel_loop3A_1527 = arith.index_cast %parallel_loop3A_1519 : i32 to index
        %parallel_loop3A_1528 = tpu.vector_load %arg6[%parallel_loop3A_1523, %parallel_loop3A_1524, %parallel_loop3A_1525, %parallel_loop3A_1526, %parallel_loop3A_1527] {strides = array<i32>} : memref<2x9x1x8x512xf32, #tpu.memory_space<vmem>>, vector<16xf32>,
        %parallel_loop3A_1529 = arith.constant 16 : i32
        %parallel_loop3A_1530 = arith.muli %parallel_loop3A_1462, %parallel_loop3A_1529 : i32
        %parallel_loop3A_1531 = arith.constant 6 : i32
        %parallel_loop3A_1532 = arith.constant 0 : i32
        %parallel_loop3A_1533 = arith.constant 6 : i32
        %parallel_loop3A_1534 = arith.index_cast %select_n3A_601 : i32 to index
        %parallel_loop3A_1535 = arith.index_cast %parallel_loop3A_1531 : i32 to index
        %parallel_loop3A_1536 = arith.index_cast %parallel_loop3A_1532 : i32 to index
        %parallel_loop3A_1537 = arith.index_cast %parallel_loop3A_1533 : i32 to index
        %parallel_loop3A_1538 = arith.index_cast %parallel_loop3A_1530 : i32 to index
        %parallel_loop3A_1539 = tpu.vector_load %arg6[%parallel_loop3A_1534, %parallel_loop3A_1535, %parallel_loop3A_1536, %parallel_loop3A_1537, %parallel_loop3A_1538] {strides = array<i32>} : memref<2x9x1x8x512xf32, #tpu.memory_space<vmem>>, vector<16xf32>,
        %parallel_loop3A_1540 = arith.constant 16 : i32
        %parallel_loop3A_1541 = arith.muli %parallel_loop3A_1462, %parallel_loop3A_1540 : i32
        %parallel_loop3A_1542 = arith.constant 7 : i32
        %parallel_loop3A_1543 = arith.constant 0 : i32
        %parallel_loop3A_1544 = arith.constant 6 : i32
        %parallel_loop3A_1545 = arith.index_cast %select_n3A_601 : i32 to index
        %parallel_loop3A_1546 = arith.index_cast %parallel_loop3A_1542 : i32 to index
        %parallel_loop3A_1547 = arith.index_cast %parallel_loop3A_1543 : i32 to index
        %parallel_loop3A_1548 = arith.index_cast %parallel_loop3A_1544 : i32 to index
        %parallel_loop3A_1549 = arith.index_cast %parallel_loop3A_1541 : i32 to index
        %parallel_loop3A_1550 = tpu.vector_load %arg6[%parallel_loop3A_1545, %parallel_loop3A_1546, %parallel_loop3A_1547, %parallel_loop3A_1548, %parallel_loop3A_1549] {strides = array<i32>} : memref<2x9x1x8x512xf32, #tpu.memory_space<vmem>>, vector<16xf32>,
        %parallel_loop3A_1551 = arith.constant 16 : i32
        %parallel_loop3A_1552 = arith.muli %parallel_loop3A_1462, %parallel_loop3A_1551 : i32
        %parallel_loop3A_1553 = arith.constant 8 : i32
        %parallel_loop3A_1554 = arith.constant 0 : i32
        %parallel_loop3A_1555 = arith.constant 6 : i32
        %parallel_loop3A_1556 = arith.index_cast %select_n3A_601 : i32 to index
        %parallel_loop3A_1557 = arith.index_cast %parallel_loop3A_1553 : i32 to index
        %parallel_loop3A_1558 = arith.index_cast %parallel_loop3A_1554 : i32 to index
        %parallel_loop3A_1559 = arith.index_cast %parallel_loop3A_1555 : i32 to index
        %parallel_loop3A_1560 = arith.index_cast %parallel_loop3A_1552 : i32 to index
        %parallel_loop3A_1561 = tpu.vector_load %arg6[%parallel_loop3A_1556, %parallel_loop3A_1557, %parallel_loop3A_1558, %parallel_loop3A_1559, %parallel_loop3A_1560] {strides = array<i32>} : memref<2x9x1x8x512xf32, #tpu.memory_space<vmem>>, vector<16xf32>,
        %parallel_loop3A_1562 = arith.mulf %parallel_loop3A_1473, %gather3A_1295 : vector<16xf32>
        %parallel_loop3A_1563 = arith.mulf %parallel_loop3A_1484, %gather3A_1301 : vector<16xf32>
        %parallel_loop3A_1564 = arith.addf %parallel_loop3A_1562, %parallel_loop3A_1563 : vector<16xf32>
        %parallel_loop3A_1565 = arith.mulf %parallel_loop3A_1506, %gather3A_1307 : vector<16xf32>
        %parallel_loop3A_1566 = arith.addf %parallel_loop3A_1564, %parallel_loop3A_1565 : vector<16xf32>
        %parallel_loop3A_1567 = arith.mulf %parallel_loop3A_1517, %gather3A_1313 : vector<16xf32>
        %parallel_loop3A_1568 = arith.addf %parallel_loop3A_1566, %parallel_loop3A_1567 : vector<16xf32>
        %parallel_loop3A_1569 = arith.mulf %parallel_loop3A_1484, %gather3A_1295 : vector<16xf32>
        %parallel_loop3A_1570 = arith.mulf %parallel_loop3A_1495, %gather3A_1301 : vector<16xf32>
        %parallel_loop3A_1571 = arith.addf %parallel_loop3A_1569, %parallel_loop3A_1570 : vector<16xf32>
        %parallel_loop3A_1572 = arith.mulf %parallel_loop3A_1517, %gather3A_1307 : vector<16xf32>
        %parallel_loop3A_1573 = arith.addf %parallel_loop3A_1571, %parallel_loop3A_1572 : vector<16xf32>
        %parallel_loop3A_1574 = arith.mulf %parallel_loop3A_1528, %gather3A_1313 : vector<16xf32>
        %parallel_loop3A_1575 = arith.addf %parallel_loop3A_1573, %parallel_loop3A_1574 : vector<16xf32>
        %parallel_loop3A_1576 = arith.mulf %parallel_loop3A_1506, %gather3A_1295 : vector<16xf32>
        %parallel_loop3A_1577 = arith.mulf %parallel_loop3A_1517, %gather3A_1301 : vector<16xf32>
        %parallel_loop3A_1578 = arith.addf %parallel_loop3A_1576, %parallel_loop3A_1577 : vector<16xf32>
        %parallel_loop3A_1579 = arith.mulf %parallel_loop3A_1539, %gather3A_1307 : vector<16xf32>
        %parallel_loop3A_1580 = arith.addf %parallel_loop3A_1578, %parallel_loop3A_1579 : vector<16xf32>
        %parallel_loop3A_1581 = arith.mulf %parallel_loop3A_1550, %gather3A_1313 : vector<16xf32>
        %parallel_loop3A_1582 = arith.addf %parallel_loop3A_1580, %parallel_loop3A_1581 : vector<16xf32>
        %parallel_loop3A_1583 = arith.mulf %parallel_loop3A_1517, %gather3A_1295 : vector<16xf32>
        %parallel_loop3A_1584 = arith.mulf %parallel_loop3A_1528, %gather3A_1301 : vector<16xf32>
        %parallel_loop3A_1585 = arith.addf %parallel_loop3A_1583, %parallel_loop3A_1584 : vector<16xf32>
        %parallel_loop3A_1586 = arith.mulf %parallel_loop3A_1550, %gather3A_1307 : vector<16xf32>
        %parallel_loop3A_1587 = arith.addf %parallel_loop3A_1585, %parallel_loop3A_1586 : vector<16xf32>
        %parallel_loop3A_1588 = arith.mulf %parallel_loop3A_1561, %gather3A_1313 : vector<16xf32>
        %parallel_loop3A_1589 = arith.addf %parallel_loop3A_1587, %parallel_loop3A_1588 : vector<16xf32>
        %parallel_loop3A_1590 = arith.maximumf %parallel_loop3A_1568, %parallel_loop3A_1575 : vector<16xf32>
        %parallel_loop3A_1591 = arith.maximumf %parallel_loop3A_1582, %parallel_loop3A_1589 : vector<16xf32>
        %parallel_loop3A_1592 = arith.maximumf %parallel_loop3A_1590, %parallel_loop3A_1591 : vector<16xf32>
        %parallel_loop3A_1593 = arith.addf %parallel_loop3A_1592, %gather3A_1315 : vector<16xf32>
        %parallel_loop3A_1594 = arith.constant 2.000000e-01 : f32
        %parallel_loop3A_1595 = vector.broadcast %parallel_loop3A_1594 : f32 to vector<16xf32>
        %parallel_loop3A_1596 = arith.mulf %parallel_loop3A_1595, %parallel_loop3A_1593 : vector<16xf32>
        %parallel_loop3A_1597 = arith.maximumf %parallel_loop3A_1593, %parallel_loop3A_1596 : vector<16xf32>
        %parallel_loop3A_1598 = arith.addf %parallel_loop3A_1597, %parallel_loop3A_1517 : vector<16xf32>
        %parallel_loop3A_1599 = arith.constant 16 : i32
        %parallel_loop3A_1600 = arith.muli %parallel_loop3A_1462, %parallel_loop3A_1599 : i32
        %parallel_loop3A_1601 = arith.constant 0 : i32
        %parallel_loop3A_1602 = arith.constant 0 : i32
        %parallel_loop3A_1603 = arith.index_cast %parallel_loop3A_1601 : i32 to index
        %parallel_loop3A_1604 = arith.index_cast %parallel_loop3A_1602 : i32 to index
        %parallel_loop3A_1605 = arith.index_cast %parallel_loop3A_1600 : i32 to index
        %parallel_loop3A_1606 = tpu.vector_load %arg8[%parallel_loop3A_1603, %parallel_loop3A_1604, %parallel_loop3A_1605] {strides = array<i32>} : memref<2x1x512xf32, #tpu.memory_space<vmem>>, vector<16xf32>,
        tpu.vector_store %arg8[%parallel_loop3A_1603, %parallel_loop3A_1604, %parallel_loop3A_1605], %parallel_loop3A_1598 {strides = array<i32>} : memref<2x1x512xf32, #tpu.memory_space<vmem>>, vector<16xf32>,
      } {sc.loop_unroll_factor = 2 : i64, sc.parallel_access}
      %jit3A_1324 = arith.constant 7 : i32
      %eq3A_1325 = arith.constant 0 : i32
      %eq3A_1326 = arith.cmpi eq, %jit3A_1324, %eq3A_1325 : i32
      %jit3A_1327 = arith.constant 1 : i32
      %select_n3A_1328 = arith.select %eq3A_1326, %jit3A_1327, %jit3A_1324 : i32
      %rem3A_1329 = arith.remsi %add3A_1289, %select_n3A_1328 : i32
      %ne3A_1330 = arith.constant 0 : i32
      %ne3A_1331 = arith.cmpi ne, %rem3A_1329, %ne3A_1330 : i32
      %lt3A_1332 = arith.constant 0 : i32
      %lt3A_1333 = arith.cmpi slt, %rem3A_1329, %lt3A_1332 : i32
      %lt3A_1334 = arith.constant 0 : i32
      %lt3A_1335 = arith.cmpi slt, %select_n3A_1328, %lt3A_1334 : i32
      %ne3A_1336 = arith.xori %lt3A_1333, %lt3A_1335 : i1
      %and3A_1337 = arith.andi %ne3A_1336, %ne3A_1331 : i1
      %add3A_1338 = arith.addi %rem3A_1329, %select_n3A_1328 : i32
      %select_n3A_1339 = arith.select %and3A_1337, %add3A_1338, %rem3A_1329 : i32
      %jit3A_1340 = arith.constant 7 : i32
      %div3A_1341 = arith.divsi %add3A_1289, %jit3A_1340 : i32
      %sign3A_1342 = arith.constant 0 : i32
      %sign3A_1343 = arith.cmpi sgt, %add3A_1289, %sign3A_1342 : i32
      %sign3A_1344 = arith.extui %sign3A_1343 : i1 to i32
      %sign3A_1345 = arith.constant 0 : i32
      %sign3A_1346 = arith.cmpi slt, %add3A_1289, %sign3A_1345 : i32
      %sign3A_1347 = arith.extui %sign3A_1346 : i1 to i32
      %sign3A_1348 = arith.subi %sign3A_1344, %sign3A_1347 : i32
      %sign3A_1349 = arith.constant 0 : i32
      %sign3A_1350 = arith.cmpi sgt, %jit3A_1340, %sign3A_1349 : i32
      %sign3A_1351 = arith.extui %sign3A_1350 : i1 to i32
      %sign3A_1352 = arith.constant 0 : i32
      %sign3A_1353 = arith.cmpi slt, %jit3A_1340, %sign3A_1352 : i32
      %sign3A_1354 = arith.extui %sign3A_1353 : i1 to i32
      %sign3A_1355 = arith.subi %sign3A_1351, %sign3A_1354 : i32
      %ne3A_1356 = arith.cmpi ne, %sign3A_1348, %sign3A_1355 : i32
      %rem3A_1357 = arith.remsi %add3A_1289, %jit3A_1340 : i32
      %ne3A_1358 = arith.constant 0 : i32
      %ne3A_1359 = arith.cmpi ne, %rem3A_1357, %ne3A_1358 : i32
      %and3A_1360 = arith.andi %ne3A_1356, %ne3A_1359 : i1
      %sub3A_1361 = arith.constant 1 : i32
      %sub3A_1362 = arith.subi %div3A_1341, %sub3A_1361 : i32
      %select_n3A_1363 = arith.select %and3A_1360, %sub3A_1362, %div3A_1341 : i32
      %dma_start3A_1364 = arith.constant 0 : i32
      %dma_start3A_1365 = arith.constant 0 : i32
      %dma_start3A_1366 = arith.constant 0 : i32
      %dma_start3A_1367 = tpu.memref_slice %arg8[%dma_start3A_1364, %dma_start3A_1365, %dma_start3A_1366] : memref<2x1x512xf32, #tpu.memory_space<vmem>> -> memref<1x1x512xf32, #tpu.memory_space<vmem>>
      %dma_start3A_1368 = tpu.memref_slice %arg5[%select_n3A_1339, %select_n3A_1363, %mul3A_2] : memref<7x15x16384xf32, #tpu.memory_space<hbm>> -> memref<1x1x512xf32, #tpu.memory_space<hbm>>
      %dma_start3A_1369 = tpu.memref_slice %arg5[%select_n3A_1339, %select_n3A_1363, %mul3A_2] : memref<7x15x16384xf32, #tpu.memory_space<hbm>> -> memref<1x1x512xf32, #tpu.memory_space<hbm>>
      %dma_start3A_1370 = arith.constant 0 : i32
      %dma_start3A_1371 = arith.constant 0 : i32
      %dma_start3A_1372 = arith.constant 0 : i32
      %dma_start3A_1373 = tpu.memref_slice %arg8[%dma_start3A_1370, %dma_start3A_1371, %dma_start3A_1372] : memref<2x1x512xf32, #tpu.memory_space<vmem>> -> memref<1x1x512xf32, #tpu.memory_space<vmem>>
      tpu.enqueue_dma source(%dma_start3A_1373 : memref<1x1x512xf32, #tpu.memory_space<vmem>>) target(%dma_start3A_1369 : memref<1x1x512xf32, #tpu.memory_space<hbm>>) target_semaphore(%arg13 : memref<!tpu.dma_semaphore, #tpu.memory_space<semaphore_mem>>)
      %mul3A_1374 = arith.constant 8 : i32
      %mul3A_1375 = arith.muli %scan3A_585, %mul3A_1374 : i32
      %add3A_1376 = arith.constant 7 : i32
      %add3A_1377 = arith.addi %mul3A_1375, %add3A_1376 : i32
      %mul3A_1378 = arith.constant 4 : i32
      %mul3A_1379 = arith.muli %add3A_1377, %mul3A_1378 : i32
      %add3A_1380 = arith.constant 0 : i32
      %add3A_1381 = arith.addi %mul3A_1379, %add3A_1380 : i32
      %broadcast_in_dim3A_1382 = vector.broadcast %add3A_1381 : i32 to vector<16xi32>
      %gather3A_1383 = tpu.vector_load_idx %arg9[%broadcast_in_dim3A_1382] : memref<420xf32, #tpu.memory_space<vmem>>[vector<16xi32>], vector<16xf32>,
      %mul3A_1384 = arith.constant 4 : i32
      %mul3A_1385 = arith.muli %add3A_1377, %mul3A_1384 : i32
      %add3A_1386 = arith.constant 1 : i32
      %add3A_1387 = arith.addi %mul3A_1385, %add3A_1386 : i32
      %broadcast_in_dim3A_1388 = vector.broadcast %add3A_1387 : i32 to vector<16xi32>
      %gather3A_1389 = tpu.vector_load_idx %arg9[%broadcast_in_dim3A_1388] : memref<420xf32, #tpu.memory_space<vmem>>[vector<16xi32>], vector<16xf32>,
      %mul3A_1390 = arith.constant 4 : i32
      %mul3A_1391 = arith.muli %add3A_1377, %mul3A_1390 : i32
      %add3A_1392 = arith.constant 2 : i32
      %add3A_1393 = arith.addi %mul3A_1391, %add3A_1392 : i32
      %broadcast_in_dim3A_1394 = vector.broadcast %add3A_1393 : i32 to vector<16xi32>
      %gather3A_1395 = tpu.vector_load_idx %arg9[%broadcast_in_dim3A_1394] : memref<420xf32, #tpu.memory_space<vmem>>[vector<16xi32>], vector<16xf32>,
      %mul3A_1396 = arith.constant 4 : i32
      %mul3A_1397 = arith.muli %add3A_1377, %mul3A_1396 : i32
      %add3A_1398 = arith.constant 3 : i32
      %add3A_1399 = arith.addi %mul3A_1397, %add3A_1398 : i32
      %broadcast_in_dim3A_1400 = vector.broadcast %add3A_1399 : i32 to vector<16xi32>
      %gather3A_1401 = tpu.vector_load_idx %arg9[%broadcast_in_dim3A_1400] : memref<420xf32, #tpu.memory_space<vmem>>[vector<16xi32>], vector<16xf32>,
      %broadcast_in_dim3A_1402 = vector.broadcast %add3A_1377 : i32 to vector<16xi32>
      %gather3A_1403 = tpu.vector_load_idx %arg10[%broadcast_in_dim3A_1402] : memref<105xf32, #tpu.memory_space<vmem>>[vector<16xi32>], vector<16xf32>,
      %ge3A_1404 = arith.constant 2 : i32
      %ge3A_1405 = arith.cmpi sge, %add3A_1377, %ge3A_1404 : i32
      %convert_element_type3A_1406 = arith.extui %ge3A_1405 : i1 to i32
      %cond3A_1407 = arith.constant 0 : i32
      %cond3A_1408 = arith.cmpi ne, %convert_element_type3A_1406, %cond3A_1407 : i32
      scf.if %cond3A_1408 {
        %dma_wait3A_1462 = arith.constant 0 : i32
        %dma_wait3A_1463 = arith.constant 0 : i32
        %dma_wait3A_1464 = arith.constant 0 : i32
        %dma_wait3A_1465 = tpu.memref_slice %arg8[%dma_wait3A_1462, %dma_wait3A_1463, %dma_wait3A_1464] : memref<2x1x512xf32, #tpu.memory_space<vmem>> -> memref<1x1x512xf32, #tpu.memory_space<vmem>>
        %dma_wait3A_1466 = arith.constant 0 : i32
        %dma_wait3A_1467 = arith.constant 0 : i32
        %dma_wait3A_1468 = tpu.memref_slice %arg5[%dma_wait3A_1466, %dma_wait3A_1467, %mul3A_2] : memref<7x15x16384xf32, #tpu.memory_space<hbm>> -> memref<1x1x512xf32, #tpu.memory_space<hbm>>
        %dma_wait3A_1469 = arith.constant 0 : i32
        %dma_wait3A_1470 = arith.constant 0 : i32
        %dma_wait3A_1471 = tpu.memref_slice %arg5[%dma_wait3A_1469, %dma_wait3A_1470, %mul3A_2] : memref<7x15x16384xf32, #tpu.memory_space<hbm>> -> memref<1x1x512xf32, #tpu.memory_space<hbm>>
        %dma_wait3A_1472 = arith.constant 0 : i32
        %dma_wait3A_1473 = arith.constant 0 : i32
        %dma_wait3A_1474 = arith.constant 0 : i32
        %dma_wait3A_1475 = tpu.memref_slice %arg8[%dma_wait3A_1472, %dma_wait3A_1473, %dma_wait3A_1474] : memref<2x1x512xf32, #tpu.memory_space<vmem>> -> memref<1x1x512xf32, #tpu.memory_space<vmem>>
        tpu.wait_dma2 semaphore(%arg13 : memref<!tpu.dma_semaphore, #tpu.memory_space<semaphore_mem>>) src(%dma_wait3A_1475 : memref<1x1x512xf32, #tpu.memory_space<vmem>>) dst(%dma_wait3A_1471 : memref<1x1x512xf32, #tpu.memory_space<hbm>>)
      } else {
      }
      %parallel_loop3A_1409 = arith.constant 0 : i32
      %parallel_loop3A_1410 = arith.constant 32 : i32
      %parallel_loop3A_1411 = arith.constant 1 : i32
      scf.for %parallel_loop3A_1462 = %parallel_loop3A_1409 to %parallel_loop3A_1410 step %parallel_loop3A_1411  : i32 {
        %parallel_loop3A_1463 = arith.constant 16 : i32
        %parallel_loop3A_1464 = arith.muli %parallel_loop3A_1462, %parallel_loop3A_1463 : i32
        %parallel_loop3A_1465 = arith.constant 0 : i32
        %parallel_loop3A_1466 = arith.constant 0 : i32
        %parallel_loop3A_1467 = arith.constant 7 : i32
        %parallel_loop3A_1468 = arith.index_cast %select_n3A_601 : i32 to index
        %parallel_loop3A_1469 = arith.index_cast %parallel_loop3A_1465 : i32 to index
        %parallel_loop3A_1470 = arith.index_cast %parallel_loop3A_1466 : i32 to index
        %parallel_loop3A_1471 = arith.index_cast %parallel_loop3A_1467 : i32 to index
        %parallel_loop3A_1472 = arith.index_cast %parallel_loop3A_1464 : i32 to index
        %parallel_loop3A_1473 = tpu.vector_load %arg6[%parallel_loop3A_1468, %parallel_loop3A_1469, %parallel_loop3A_1470, %parallel_loop3A_1471, %parallel_loop3A_1472] {strides = array<i32>} : memref<2x9x1x8x512xf32, #tpu.memory_space<vmem>>, vector<16xf32>,
        %parallel_loop3A_1474 = arith.constant 16 : i32
        %parallel_loop3A_1475 = arith.muli %parallel_loop3A_1462, %parallel_loop3A_1474 : i32
        %parallel_loop3A_1476 = arith.constant 1 : i32
        %parallel_loop3A_1477 = arith.constant 0 : i32
        %parallel_loop3A_1478 = arith.constant 7 : i32
        %parallel_loop3A_1479 = arith.index_cast %select_n3A_601 : i32 to index
        %parallel_loop3A_1480 = arith.index_cast %parallel_loop3A_1476 : i32 to index
        %parallel_loop3A_1481 = arith.index_cast %parallel_loop3A_1477 : i32 to index
        %parallel_loop3A_1482 = arith.index_cast %parallel_loop3A_1478 : i32 to index
        %parallel_loop3A_1483 = arith.index_cast %parallel_loop3A_1475 : i32 to index
        %parallel_loop3A_1484 = tpu.vector_load %arg6[%parallel_loop3A_1479, %parallel_loop3A_1480, %parallel_loop3A_1481, %parallel_loop3A_1482, %parallel_loop3A_1483] {strides = array<i32>} : memref<2x9x1x8x512xf32, #tpu.memory_space<vmem>>, vector<16xf32>,
        %parallel_loop3A_1485 = arith.constant 16 : i32
        %parallel_loop3A_1486 = arith.muli %parallel_loop3A_1462, %parallel_loop3A_1485 : i32
        %parallel_loop3A_1487 = arith.constant 2 : i32
        %parallel_loop3A_1488 = arith.constant 0 : i32
        %parallel_loop3A_1489 = arith.constant 7 : i32
        %parallel_loop3A_1490 = arith.index_cast %select_n3A_601 : i32 to index
        %parallel_loop3A_1491 = arith.index_cast %parallel_loop3A_1487 : i32 to index
        %parallel_loop3A_1492 = arith.index_cast %parallel_loop3A_1488 : i32 to index
        %parallel_loop3A_1493 = arith.index_cast %parallel_loop3A_1489 : i32 to index
        %parallel_loop3A_1494 = arith.index_cast %parallel_loop3A_1486 : i32 to index
        %parallel_loop3A_1495 = tpu.vector_load %arg6[%parallel_loop3A_1490, %parallel_loop3A_1491, %parallel_loop3A_1492, %parallel_loop3A_1493, %parallel_loop3A_1494] {strides = array<i32>} : memref<2x9x1x8x512xf32, #tpu.memory_space<vmem>>, vector<16xf32>,
        %parallel_loop3A_1496 = arith.constant 16 : i32
        %parallel_loop3A_1497 = arith.muli %parallel_loop3A_1462, %parallel_loop3A_1496 : i32
        %parallel_loop3A_1498 = arith.constant 3 : i32
        %parallel_loop3A_1499 = arith.constant 0 : i32
        %parallel_loop3A_1500 = arith.constant 7 : i32
        %parallel_loop3A_1501 = arith.index_cast %select_n3A_601 : i32 to index
        %parallel_loop3A_1502 = arith.index_cast %parallel_loop3A_1498 : i32 to index
        %parallel_loop3A_1503 = arith.index_cast %parallel_loop3A_1499 : i32 to index
        %parallel_loop3A_1504 = arith.index_cast %parallel_loop3A_1500 : i32 to index
        %parallel_loop3A_1505 = arith.index_cast %parallel_loop3A_1497 : i32 to index
        %parallel_loop3A_1506 = tpu.vector_load %arg6[%parallel_loop3A_1501, %parallel_loop3A_1502, %parallel_loop3A_1503, %parallel_loop3A_1504, %parallel_loop3A_1505] {strides = array<i32>} : memref<2x9x1x8x512xf32, #tpu.memory_space<vmem>>, vector<16xf32>,
        %parallel_loop3A_1507 = arith.constant 16 : i32
        %parallel_loop3A_1508 = arith.muli %parallel_loop3A_1462, %parallel_loop3A_1507 : i32
        %parallel_loop3A_1509 = arith.constant 4 : i32
        %parallel_loop3A_1510 = arith.constant 0 : i32
        %parallel_loop3A_1511 = arith.constant 7 : i32
        %parallel_loop3A_1512 = arith.index_cast %select_n3A_601 : i32 to index
        %parallel_loop3A_1513 = arith.index_cast %parallel_loop3A_1509 : i32 to index
        %parallel_loop3A_1514 = arith.index_cast %parallel_loop3A_1510 : i32 to index
        %parallel_loop3A_1515 = arith.index_cast %parallel_loop3A_1511 : i32 to index
        %parallel_loop3A_1516 = arith.index_cast %parallel_loop3A_1508 : i32 to index
        %parallel_loop3A_1517 = tpu.vector_load %arg6[%parallel_loop3A_1512, %parallel_loop3A_1513, %parallel_loop3A_1514, %parallel_loop3A_1515, %parallel_loop3A_1516] {strides = array<i32>} : memref<2x9x1x8x512xf32, #tpu.memory_space<vmem>>, vector<16xf32>,
        %parallel_loop3A_1518 = arith.constant 16 : i32
        %parallel_loop3A_1519 = arith.muli %parallel_loop3A_1462, %parallel_loop3A_1518 : i32
        %parallel_loop3A_1520 = arith.constant 5 : i32
        %parallel_loop3A_1521 = arith.constant 0 : i32
        %parallel_loop3A_1522 = arith.constant 7 : i32
        %parallel_loop3A_1523 = arith.index_cast %select_n3A_601 : i32 to index
        %parallel_loop3A_1524 = arith.index_cast %parallel_loop3A_1520 : i32 to index
        %parallel_loop3A_1525 = arith.index_cast %parallel_loop3A_1521 : i32 to index
        %parallel_loop3A_1526 = arith.index_cast %parallel_loop3A_1522 : i32 to index
        %parallel_loop3A_1527 = arith.index_cast %parallel_loop3A_1519 : i32 to index
        %parallel_loop3A_1528 = tpu.vector_load %arg6[%parallel_loop3A_1523, %parallel_loop3A_1524, %parallel_loop3A_1525, %parallel_loop3A_1526, %parallel_loop3A_1527] {strides = array<i32>} : memref<2x9x1x8x512xf32, #tpu.memory_space<vmem>>, vector<16xf32>,
        %parallel_loop3A_1529 = arith.constant 16 : i32
        %parallel_loop3A_1530 = arith.muli %parallel_loop3A_1462, %parallel_loop3A_1529 : i32
        %parallel_loop3A_1531 = arith.constant 6 : i32
        %parallel_loop3A_1532 = arith.constant 0 : i32
        %parallel_loop3A_1533 = arith.constant 7 : i32
        %parallel_loop3A_1534 = arith.index_cast %select_n3A_601 : i32 to index
        %parallel_loop3A_1535 = arith.index_cast %parallel_loop3A_1531 : i32 to index
        %parallel_loop3A_1536 = arith.index_cast %parallel_loop3A_1532 : i32 to index
        %parallel_loop3A_1537 = arith.index_cast %parallel_loop3A_1533 : i32 to index
        %parallel_loop3A_1538 = arith.index_cast %parallel_loop3A_1530 : i32 to index
        %parallel_loop3A_1539 = tpu.vector_load %arg6[%parallel_loop3A_1534, %parallel_loop3A_1535, %parallel_loop3A_1536, %parallel_loop3A_1537, %parallel_loop3A_1538] {strides = array<i32>} : memref<2x9x1x8x512xf32, #tpu.memory_space<vmem>>, vector<16xf32>,
        %parallel_loop3A_1540 = arith.constant 16 : i32
        %parallel_loop3A_1541 = arith.muli %parallel_loop3A_1462, %parallel_loop3A_1540 : i32
        %parallel_loop3A_1542 = arith.constant 7 : i32
        %parallel_loop3A_1543 = arith.constant 0 : i32
        %parallel_loop3A_1544 = arith.constant 7 : i32
        %parallel_loop3A_1545 = arith.index_cast %select_n3A_601 : i32 to index
        %parallel_loop3A_1546 = arith.index_cast %parallel_loop3A_1542 : i32 to index
        %parallel_loop3A_1547 = arith.index_cast %parallel_loop3A_1543 : i32 to index
        %parallel_loop3A_1548 = arith.index_cast %parallel_loop3A_1544 : i32 to index
        %parallel_loop3A_1549 = arith.index_cast %parallel_loop3A_1541 : i32 to index
        %parallel_loop3A_1550 = tpu.vector_load %arg6[%parallel_loop3A_1545, %parallel_loop3A_1546, %parallel_loop3A_1547, %parallel_loop3A_1548, %parallel_loop3A_1549] {strides = array<i32>} : memref<2x9x1x8x512xf32, #tpu.memory_space<vmem>>, vector<16xf32>,
        %parallel_loop3A_1551 = arith.constant 16 : i32
        %parallel_loop3A_1552 = arith.muli %parallel_loop3A_1462, %parallel_loop3A_1551 : i32
        %parallel_loop3A_1553 = arith.constant 8 : i32
        %parallel_loop3A_1554 = arith.constant 0 : i32
        %parallel_loop3A_1555 = arith.constant 7 : i32
        %parallel_loop3A_1556 = arith.index_cast %select_n3A_601 : i32 to index
        %parallel_loop3A_1557 = arith.index_cast %parallel_loop3A_1553 : i32 to index
        %parallel_loop3A_1558 = arith.index_cast %parallel_loop3A_1554 : i32 to index
        %parallel_loop3A_1559 = arith.index_cast %parallel_loop3A_1555 : i32 to index
        %parallel_loop3A_1560 = arith.index_cast %parallel_loop3A_1552 : i32 to index
        %parallel_loop3A_1561 = tpu.vector_load %arg6[%parallel_loop3A_1556, %parallel_loop3A_1557, %parallel_loop3A_1558, %parallel_loop3A_1559, %parallel_loop3A_1560] {strides = array<i32>} : memref<2x9x1x8x512xf32, #tpu.memory_space<vmem>>, vector<16xf32>,
        %parallel_loop3A_1562 = arith.mulf %parallel_loop3A_1473, %gather3A_1383 : vector<16xf32>
        %parallel_loop3A_1563 = arith.mulf %parallel_loop3A_1484, %gather3A_1389 : vector<16xf32>
        %parallel_loop3A_1564 = arith.addf %parallel_loop3A_1562, %parallel_loop3A_1563 : vector<16xf32>
        %parallel_loop3A_1565 = arith.mulf %parallel_loop3A_1506, %gather3A_1395 : vector<16xf32>
        %parallel_loop3A_1566 = arith.addf %parallel_loop3A_1564, %parallel_loop3A_1565 : vector<16xf32>
        %parallel_loop3A_1567 = arith.mulf %parallel_loop3A_1517, %gather3A_1401 : vector<16xf32>
        %parallel_loop3A_1568 = arith.addf %parallel_loop3A_1566, %parallel_loop3A_1567 : vector<16xf32>
        %parallel_loop3A_1569 = arith.mulf %parallel_loop3A_1484, %gather3A_1383 : vector<16xf32>
        %parallel_loop3A_1570 = arith.mulf %parallel_loop3A_1495, %gather3A_1389 : vector<16xf32>
        %parallel_loop3A_1571 = arith.addf %parallel_loop3A_1569, %parallel_loop3A_1570 : vector<16xf32>
        %parallel_loop3A_1572 = arith.mulf %parallel_loop3A_1517, %gather3A_1395 : vector<16xf32>
        %parallel_loop3A_1573 = arith.addf %parallel_loop3A_1571, %parallel_loop3A_1572 : vector<16xf32>
        %parallel_loop3A_1574 = arith.mulf %parallel_loop3A_1528, %gather3A_1401 : vector<16xf32>
        %parallel_loop3A_1575 = arith.addf %parallel_loop3A_1573, %parallel_loop3A_1574 : vector<16xf32>
        %parallel_loop3A_1576 = arith.mulf %parallel_loop3A_1506, %gather3A_1383 : vector<16xf32>
        %parallel_loop3A_1577 = arith.mulf %parallel_loop3A_1517, %gather3A_1389 : vector<16xf32>
        %parallel_loop3A_1578 = arith.addf %parallel_loop3A_1576, %parallel_loop3A_1577 : vector<16xf32>
        %parallel_loop3A_1579 = arith.mulf %parallel_loop3A_1539, %gather3A_1395 : vector<16xf32>
        %parallel_loop3A_1580 = arith.addf %parallel_loop3A_1578, %parallel_loop3A_1579 : vector<16xf32>
        %parallel_loop3A_1581 = arith.mulf %parallel_loop3A_1550, %gather3A_1401 : vector<16xf32>
        %parallel_loop3A_1582 = arith.addf %parallel_loop3A_1580, %parallel_loop3A_1581 : vector<16xf32>
        %parallel_loop3A_1583 = arith.mulf %parallel_loop3A_1517, %gather3A_1383 : vector<16xf32>
        %parallel_loop3A_1584 = arith.mulf %parallel_loop3A_1528, %gather3A_1389 : vector<16xf32>
        %parallel_loop3A_1585 = arith.addf %parallel_loop3A_1583, %parallel_loop3A_1584 : vector<16xf32>
        %parallel_loop3A_1586 = arith.mulf %parallel_loop3A_1550, %gather3A_1395 : vector<16xf32>
        %parallel_loop3A_1587 = arith.addf %parallel_loop3A_1585, %parallel_loop3A_1586 : vector<16xf32>
        %parallel_loop3A_1588 = arith.mulf %parallel_loop3A_1561, %gather3A_1401 : vector<16xf32>
        %parallel_loop3A_1589 = arith.addf %parallel_loop3A_1587, %parallel_loop3A_1588 : vector<16xf32>
        %parallel_loop3A_1590 = arith.maximumf %parallel_loop3A_1568, %parallel_loop3A_1575 : vector<16xf32>
        %parallel_loop3A_1591 = arith.maximumf %parallel_loop3A_1582, %parallel_loop3A_1589 : vector<16xf32>
        %parallel_loop3A_1592 = arith.maximumf %parallel_loop3A_1590, %parallel_loop3A_1591 : vector<16xf32>
        %parallel_loop3A_1593 = arith.addf %parallel_loop3A_1592, %gather3A_1403 : vector<16xf32>
        %parallel_loop3A_1594 = arith.constant 2.000000e-01 : f32
        %parallel_loop3A_1595 = vector.broadcast %parallel_loop3A_1594 : f32 to vector<16xf32>
        %parallel_loop3A_1596 = arith.mulf %parallel_loop3A_1595, %parallel_loop3A_1593 : vector<16xf32>
        %parallel_loop3A_1597 = arith.maximumf %parallel_loop3A_1593, %parallel_loop3A_1596 : vector<16xf32>
        %parallel_loop3A_1598 = arith.addf %parallel_loop3A_1597, %parallel_loop3A_1517 : vector<16xf32>
        %parallel_loop3A_1599 = arith.constant 16 : i32
        %parallel_loop3A_1600 = arith.muli %parallel_loop3A_1462, %parallel_loop3A_1599 : i32
        %parallel_loop3A_1601 = arith.constant 1 : i32
        %parallel_loop3A_1602 = arith.constant 0 : i32
        %parallel_loop3A_1603 = arith.index_cast %parallel_loop3A_1601 : i32 to index
        %parallel_loop3A_1604 = arith.index_cast %parallel_loop3A_1602 : i32 to index
        %parallel_loop3A_1605 = arith.index_cast %parallel_loop3A_1600 : i32 to index
        %parallel_loop3A_1606 = tpu.vector_load %arg8[%parallel_loop3A_1603, %parallel_loop3A_1604, %parallel_loop3A_1605] {strides = array<i32>} : memref<2x1x512xf32, #tpu.memory_space<vmem>>, vector<16xf32>,
        tpu.vector_store %arg8[%parallel_loop3A_1603, %parallel_loop3A_1604, %parallel_loop3A_1605], %parallel_loop3A_1598 {strides = array<i32>} : memref<2x1x512xf32, #tpu.memory_space<vmem>>, vector<16xf32>,
      } {sc.loop_unroll_factor = 2 : i64, sc.parallel_access}
      %jit3A_1412 = arith.constant 7 : i32
      %eq3A_1413 = arith.constant 0 : i32
      %eq3A_1414 = arith.cmpi eq, %jit3A_1412, %eq3A_1413 : i32
      %jit3A_1415 = arith.constant 1 : i32
      %select_n3A_1416 = arith.select %eq3A_1414, %jit3A_1415, %jit3A_1412 : i32
      %rem3A_1417 = arith.remsi %add3A_1377, %select_n3A_1416 : i32
      %ne3A_1418 = arith.constant 0 : i32
      %ne3A_1419 = arith.cmpi ne, %rem3A_1417, %ne3A_1418 : i32
      %lt3A_1420 = arith.constant 0 : i32
      %lt3A_1421 = arith.cmpi slt, %rem3A_1417, %lt3A_1420 : i32
      %lt3A_1422 = arith.constant 0 : i32
      %lt3A_1423 = arith.cmpi slt, %select_n3A_1416, %lt3A_1422 : i32
      %ne3A_1424 = arith.xori %lt3A_1421, %lt3A_1423 : i1
      %and3A_1425 = arith.andi %ne3A_1424, %ne3A_1419 : i1
      %add3A_1426 = arith.addi %rem3A_1417, %select_n3A_1416 : i32
      %select_n3A_1427 = arith.select %and3A_1425, %add3A_1426, %rem3A_1417 : i32
      %jit3A_1428 = arith.constant 7 : i32
      %div3A_1429 = arith.divsi %add3A_1377, %jit3A_1428 : i32
      %sign3A_1430 = arith.constant 0 : i32
      %sign3A_1431 = arith.cmpi sgt, %add3A_1377, %sign3A_1430 : i32
      %sign3A_1432 = arith.extui %sign3A_1431 : i1 to i32
      %sign3A_1433 = arith.constant 0 : i32
      %sign3A_1434 = arith.cmpi slt, %add3A_1377, %sign3A_1433 : i32
      %sign3A_1435 = arith.extui %sign3A_1434 : i1 to i32
      %sign3A_1436 = arith.subi %sign3A_1432, %sign3A_1435 : i32
      %sign3A_1437 = arith.constant 0 : i32
      %sign3A_1438 = arith.cmpi sgt, %jit3A_1428, %sign3A_1437 : i32
      %sign3A_1439 = arith.extui %sign3A_1438 : i1 to i32
      %sign3A_1440 = arith.constant 0 : i32
      %sign3A_1441 = arith.cmpi slt, %jit3A_1428, %sign3A_1440 : i32
      %sign3A_1442 = arith.extui %sign3A_1441 : i1 to i32
      %sign3A_1443 = arith.subi %sign3A_1439, %sign3A_1442 : i32
      %ne3A_1444 = arith.cmpi ne, %sign3A_1436, %sign3A_1443 : i32
      %rem3A_1445 = arith.remsi %add3A_1377, %jit3A_1428 : i32
      %ne3A_1446 = arith.constant 0 : i32
      %ne3A_1447 = arith.cmpi ne, %rem3A_1445, %ne3A_1446 : i32
      %and3A_1448 = arith.andi %ne3A_1444, %ne3A_1447 : i1
      %sub3A_1449 = arith.constant 1 : i32
      %sub3A_1450 = arith.subi %div3A_1429, %sub3A_1449 : i32
      %select_n3A_1451 = arith.select %and3A_1448, %sub3A_1450, %div3A_1429 : i32
      %dma_start3A_1452 = arith.constant 1 : i32
      %dma_start3A_1453 = arith.constant 0 : i32
      %dma_start3A_1454 = arith.constant 0 : i32
      %dma_start3A_1455 = tpu.memref_slice %arg8[%dma_start3A_1452, %dma_start3A_1453, %dma_start3A_1454] : memref<2x1x512xf32, #tpu.memory_space<vmem>> -> memref<1x1x512xf32, #tpu.memory_space<vmem>>
      %dma_start3A_1456 = tpu.memref_slice %arg5[%select_n3A_1427, %select_n3A_1451, %mul3A_2] : memref<7x15x16384xf32, #tpu.memory_space<hbm>> -> memref<1x1x512xf32, #tpu.memory_space<hbm>>
      %dma_start3A_1457 = tpu.memref_slice %arg5[%select_n3A_1427, %select_n3A_1451, %mul3A_2] : memref<7x15x16384xf32, #tpu.memory_space<hbm>> -> memref<1x1x512xf32, #tpu.memory_space<hbm>>
      %dma_start3A_1458 = arith.constant 1 : i32
      %dma_start3A_1459 = arith.constant 0 : i32
      %dma_start3A_1460 = arith.constant 0 : i32
      %dma_start3A_1461 = tpu.memref_slice %arg8[%dma_start3A_1458, %dma_start3A_1459, %dma_start3A_1460] : memref<2x1x512xf32, #tpu.memory_space<vmem>> -> memref<1x1x512xf32, #tpu.memory_space<vmem>>
      tpu.enqueue_dma source(%dma_start3A_1461 : memref<1x1x512xf32, #tpu.memory_space<vmem>>) target(%dma_start3A_1457 : memref<1x1x512xf32, #tpu.memory_space<hbm>>) target_semaphore(%arg13 : memref<!tpu.dma_semaphore, #tpu.memory_space<semaphore_mem>>)
    }
    %scan3A_504 = arith.constant 13 : i32
    %run_scoped3A = arith.constant 0 : i32
    "tpu.region"() ({
      %run_scoped3A_585 = tpu.sem_alloc : memref<!tpu.dma_semaphore, #tpu.memory_space<semaphore_mem>>
      %dma_start3A_586 = arith.constant 0 : i32
      %dma_start3A_587 = arith.constant 0 : i32
      %dma_start3A_588 = arith.constant 0 : i32
      %dma_start3A_589 = tpu.memref_slice %arg7[%run_scoped3A, %dma_start3A_586, %dma_start3A_587, %dma_start3A_588] : memref<9x1x1x512xf32, #tpu.memory_space<vmem>> -> memref<1x1x1x512xf32, #tpu.memory_space<vmem>>
      %dma_start3A_590 = tpu.memref_squeeze %dma_start3A_589 : memref<1x1x1x512xf32, #tpu.memory_space<vmem>> -> memref<1x1x512xf32, #tpu.memory_space<vmem>>
      %dma_start3A_591 = arith.constant 104 : i32
      %dma_start3A_592 = tpu.memref_slice %arg2[%reduce_min3A_84, %dma_start3A_591, %mul3A_2] : memref<9x105x16384xf32, #tpu.memory_space<hbm>> -> memref<1x1x512xf32, #tpu.memory_space<hbm>>
      %dma_start3A_593 = arith.constant 0 : i32
      %dma_start3A_594 = arith.constant 0 : i32
      %dma_start3A_595 = arith.constant 0 : i32
      %dma_start3A_596 = tpu.memref_slice %arg7[%run_scoped3A, %dma_start3A_593, %dma_start3A_594, %dma_start3A_595] : memref<9x1x1x512xf32, #tpu.memory_space<vmem>> -> memref<1x1x1x512xf32, #tpu.memory_space<vmem>>
      %dma_start3A_597 = tpu.memref_squeeze %dma_start3A_596 : memref<1x1x1x512xf32, #tpu.memory_space<vmem>> -> memref<1x1x512xf32, #tpu.memory_space<vmem>>
      %dma_start3A_598 = arith.constant 104 : i32
      %dma_start3A_599 = tpu.memref_slice %arg2[%reduce_min3A_84, %dma_start3A_598, %mul3A_2] : memref<9x105x16384xf32, #tpu.memory_space<hbm>> -> memref<1x1x512xf32, #tpu.memory_space<hbm>>
      tpu.enqueue_dma source(%dma_start3A_599 : memref<1x1x512xf32, #tpu.memory_space<hbm>>) target(%dma_start3A_597 : memref<1x1x512xf32, #tpu.memory_space<vmem>>) target_semaphore(%run_scoped3A_585 : memref<!tpu.dma_semaphore, #tpu.memory_space<semaphore_mem>>)
      %dma_wait3A_600 = arith.constant 0 : i32
      %dma_wait3A_601 = arith.constant 0 : i32
      %dma_wait3A_602 = arith.constant 0 : i32
      %dma_wait3A_603 = tpu.memref_slice %arg7[%run_scoped3A, %dma_wait3A_600, %dma_wait3A_601, %dma_wait3A_602] : memref<9x1x1x512xf32, #tpu.memory_space<vmem>> -> memref<1x1x1x512xf32, #tpu.memory_space<vmem>>
      %dma_wait3A_604 = tpu.memref_squeeze %dma_wait3A_603 : memref<1x1x1x512xf32, #tpu.memory_space<vmem>> -> memref<1x1x512xf32, #tpu.memory_space<vmem>>
      %dma_wait3A_605 = arith.constant 104 : i32
      %dma_wait3A_606 = tpu.memref_slice %arg2[%reduce_min3A_84, %dma_wait3A_605, %mul3A_2] : memref<9x105x16384xf32, #tpu.memory_space<hbm>> -> memref<1x1x512xf32, #tpu.memory_space<hbm>>
      %dma_wait3A_607 = arith.constant 0 : i32
      %dma_wait3A_608 = arith.constant 0 : i32
      %dma_wait3A_609 = arith.constant 0 : i32
      %dma_wait3A_610 = tpu.memref_slice %arg7[%run_scoped3A, %dma_wait3A_607, %dma_wait3A_608, %dma_wait3A_609] : memref<9x1x1x512xf32, #tpu.memory_space<vmem>> -> memref<1x1x1x512xf32, #tpu.memory_space<vmem>>
      %dma_wait3A_611 = tpu.memref_squeeze %dma_wait3A_610 : memref<1x1x1x512xf32, #tpu.memory_space<vmem>> -> memref<1x1x512xf32, #tpu.memory_space<vmem>>
      %dma_wait3A_612 = arith.constant 104 : i32
      %dma_wait3A_613 = tpu.memref_slice %arg2[%reduce_min3A_84, %dma_wait3A_612, %mul3A_2] : memref<9x105x16384xf32, #tpu.memory_space<hbm>> -> memref<1x1x512xf32, #tpu.memory_space<hbm>>
      tpu.wait_dma2 semaphore(%run_scoped3A_585 : memref<!tpu.dma_semaphore, #tpu.memory_space<semaphore_mem>>) src(%dma_wait3A_613 : memref<1x1x512xf32, #tpu.memory_space<hbm>>) dst(%dma_wait3A_611 : memref<1x1x512xf32, #tpu.memory_space<vmem>>)
      tpu.yield
    }) : () -> ()
    %run_scoped3A_505 = arith.constant 1 : i32
    "tpu.region"() ({
      %run_scoped3A_585 = tpu.sem_alloc : memref<!tpu.dma_semaphore, #tpu.memory_space<semaphore_mem>>
      %dma_start3A_586 = arith.constant 0 : i32
      %dma_start3A_587 = arith.constant 0 : i32
      %dma_start3A_588 = arith.constant 0 : i32
      %dma_start3A_589 = tpu.memref_slice %arg7[%run_scoped3A_505, %dma_start3A_586, %dma_start3A_587, %dma_start3A_588] : memref<9x1x1x512xf32, #tpu.memory_space<vmem>> -> memref<1x1x1x512xf32, #tpu.memory_space<vmem>>
      %dma_start3A_590 = tpu.memref_squeeze %dma_start3A_589 : memref<1x1x1x512xf32, #tpu.memory_space<vmem>> -> memref<1x1x512xf32, #tpu.memory_space<vmem>>
      %dma_start3A_591 = arith.constant 104 : i32
      %dma_start3A_592 = tpu.memref_slice %arg2[%reduce_min3A_118, %dma_start3A_591, %mul3A_2] : memref<9x105x16384xf32, #tpu.memory_space<hbm>> -> memref<1x1x512xf32, #tpu.memory_space<hbm>>
      %dma_start3A_593 = arith.constant 0 : i32
      %dma_start3A_594 = arith.constant 0 : i32
      %dma_start3A_595 = arith.constant 0 : i32
      %dma_start3A_596 = tpu.memref_slice %arg7[%run_scoped3A_505, %dma_start3A_593, %dma_start3A_594, %dma_start3A_595] : memref<9x1x1x512xf32, #tpu.memory_space<vmem>> -> memref<1x1x1x512xf32, #tpu.memory_space<vmem>>
      %dma_start3A_597 = tpu.memref_squeeze %dma_start3A_596 : memref<1x1x1x512xf32, #tpu.memory_space<vmem>> -> memref<1x1x512xf32, #tpu.memory_space<vmem>>
      %dma_start3A_598 = arith.constant 104 : i32
      %dma_start3A_599 = tpu.memref_slice %arg2[%reduce_min3A_118, %dma_start3A_598, %mul3A_2] : memref<9x105x16384xf32, #tpu.memory_space<hbm>> -> memref<1x1x512xf32, #tpu.memory_space<hbm>>
      tpu.enqueue_dma source(%dma_start3A_599 : memref<1x1x512xf32, #tpu.memory_space<hbm>>) target(%dma_start3A_597 : memref<1x1x512xf32, #tpu.memory_space<vmem>>) target_semaphore(%run_scoped3A_585 : memref<!tpu.dma_semaphore, #tpu.memory_space<semaphore_mem>>)
      %dma_wait3A_600 = arith.constant 0 : i32
      %dma_wait3A_601 = arith.constant 0 : i32
      %dma_wait3A_602 = arith.constant 0 : i32
      %dma_wait3A_603 = tpu.memref_slice %arg7[%run_scoped3A_505, %dma_wait3A_600, %dma_wait3A_601, %dma_wait3A_602] : memref<9x1x1x512xf32, #tpu.memory_space<vmem>> -> memref<1x1x1x512xf32, #tpu.memory_space<vmem>>
      %dma_wait3A_604 = tpu.memref_squeeze %dma_wait3A_603 : memref<1x1x1x512xf32, #tpu.memory_space<vmem>> -> memref<1x1x512xf32, #tpu.memory_space<vmem>>
      %dma_wait3A_605 = arith.constant 104 : i32
      %dma_wait3A_606 = tpu.memref_slice %arg2[%reduce_min3A_118, %dma_wait3A_605, %mul3A_2] : memref<9x105x16384xf32, #tpu.memory_space<hbm>> -> memref<1x1x512xf32, #tpu.memory_space<hbm>>
      %dma_wait3A_607 = arith.constant 0 : i32
      %dma_wait3A_608 = arith.constant 0 : i32
      %dma_wait3A_609 = arith.constant 0 : i32
      %dma_wait3A_610 = tpu.memref_slice %arg7[%run_scoped3A_505, %dma_wait3A_607, %dma_wait3A_608, %dma_wait3A_609] : memref<9x1x1x512xf32, #tpu.memory_space<vmem>> -> memref<1x1x1x512xf32, #tpu.memory_space<vmem>>
      %dma_wait3A_611 = tpu.memref_squeeze %dma_wait3A_610 : memref<1x1x1x512xf32, #tpu.memory_space<vmem>> -> memref<1x1x512xf32, #tpu.memory_space<vmem>>
      %dma_wait3A_612 = arith.constant 104 : i32
      %dma_wait3A_613 = tpu.memref_slice %arg2[%reduce_min3A_118, %dma_wait3A_612, %mul3A_2] : memref<9x105x16384xf32, #tpu.memory_space<hbm>> -> memref<1x1x512xf32, #tpu.memory_space<hbm>>
      tpu.wait_dma2 semaphore(%run_scoped3A_585 : memref<!tpu.dma_semaphore, #tpu.memory_space<semaphore_mem>>) src(%dma_wait3A_613 : memref<1x1x512xf32, #tpu.memory_space<hbm>>) dst(%dma_wait3A_611 : memref<1x1x512xf32, #tpu.memory_space<vmem>>)
      tpu.yield
    }) : () -> ()
    %run_scoped3A_506 = arith.constant 2 : i32
    "tpu.region"() ({
      %run_scoped3A_585 = tpu.sem_alloc : memref<!tpu.dma_semaphore, #tpu.memory_space<semaphore_mem>>
      %dma_start3A_586 = arith.constant 0 : i32
      %dma_start3A_587 = arith.constant 0 : i32
      %dma_start3A_588 = arith.constant 0 : i32
      %dma_start3A_589 = tpu.memref_slice %arg7[%run_scoped3A_506, %dma_start3A_586, %dma_start3A_587, %dma_start3A_588] : memref<9x1x1x512xf32, #tpu.memory_space<vmem>> -> memref<1x1x1x512xf32, #tpu.memory_space<vmem>>
      %dma_start3A_590 = tpu.memref_squeeze %dma_start3A_589 : memref<1x1x1x512xf32, #tpu.memory_space<vmem>> -> memref<1x1x512xf32, #tpu.memory_space<vmem>>
      %dma_start3A_591 = arith.constant 104 : i32
      %dma_start3A_592 = tpu.memref_slice %arg2[%reduce_min3A_152, %dma_start3A_591, %mul3A_2] : memref<9x105x16384xf32, #tpu.memory_space<hbm>> -> memref<1x1x512xf32, #tpu.memory_space<hbm>>
      %dma_start3A_593 = arith.constant 0 : i32
      %dma_start3A_594 = arith.constant 0 : i32
      %dma_start3A_595 = arith.constant 0 : i32
      %dma_start3A_596 = tpu.memref_slice %arg7[%run_scoped3A_506, %dma_start3A_593, %dma_start3A_594, %dma_start3A_595] : memref<9x1x1x512xf32, #tpu.memory_space<vmem>> -> memref<1x1x1x512xf32, #tpu.memory_space<vmem>>
      %dma_start3A_597 = tpu.memref_squeeze %dma_start3A_596 : memref<1x1x1x512xf32, #tpu.memory_space<vmem>> -> memref<1x1x512xf32, #tpu.memory_space<vmem>>
      %dma_start3A_598 = arith.constant 104 : i32
      %dma_start3A_599 = tpu.memref_slice %arg2[%reduce_min3A_152, %dma_start3A_598, %mul3A_2] : memref<9x105x16384xf32, #tpu.memory_space<hbm>> -> memref<1x1x512xf32, #tpu.memory_space<hbm>>
      tpu.enqueue_dma source(%dma_start3A_599 : memref<1x1x512xf32, #tpu.memory_space<hbm>>) target(%dma_start3A_597 : memref<1x1x512xf32, #tpu.memory_space<vmem>>) target_semaphore(%run_scoped3A_585 : memref<!tpu.dma_semaphore, #tpu.memory_space<semaphore_mem>>)
      %dma_wait3A_600 = arith.constant 0 : i32
      %dma_wait3A_601 = arith.constant 0 : i32
      %dma_wait3A_602 = arith.constant 0 : i32
      %dma_wait3A_603 = tpu.memref_slice %arg7[%run_scoped3A_506, %dma_wait3A_600, %dma_wait3A_601, %dma_wait3A_602] : memref<9x1x1x512xf32, #tpu.memory_space<vmem>> -> memref<1x1x1x512xf32, #tpu.memory_space<vmem>>
      %dma_wait3A_604 = tpu.memref_squeeze %dma_wait3A_603 : memref<1x1x1x512xf32, #tpu.memory_space<vmem>> -> memref<1x1x512xf32, #tpu.memory_space<vmem>>
      %dma_wait3A_605 = arith.constant 104 : i32
      %dma_wait3A_606 = tpu.memref_slice %arg2[%reduce_min3A_152, %dma_wait3A_605, %mul3A_2] : memref<9x105x16384xf32, #tpu.memory_space<hbm>> -> memref<1x1x512xf32, #tpu.memory_space<hbm>>
      %dma_wait3A_607 = arith.constant 0 : i32
      %dma_wait3A_608 = arith.constant 0 : i32
      %dma_wait3A_609 = arith.constant 0 : i32
      %dma_wait3A_610 = tpu.memref_slice %arg7[%run_scoped3A_506, %dma_wait3A_607, %dma_wait3A_608, %dma_wait3A_609] : memref<9x1x1x512xf32, #tpu.memory_space<vmem>> -> memref<1x1x1x512xf32, #tpu.memory_space<vmem>>
      %dma_wait3A_611 = tpu.memref_squeeze %dma_wait3A_610 : memref<1x1x1x512xf32, #tpu.memory_space<vmem>> -> memref<1x1x512xf32, #tpu.memory_space<vmem>>
      %dma_wait3A_612 = arith.constant 104 : i32
      %dma_wait3A_613 = tpu.memref_slice %arg2[%reduce_min3A_152, %dma_wait3A_612, %mul3A_2] : memref<9x105x16384xf32, #tpu.memory_space<hbm>> -> memref<1x1x512xf32, #tpu.memory_space<hbm>>
      tpu.wait_dma2 semaphore(%run_scoped3A_585 : memref<!tpu.dma_semaphore, #tpu.memory_space<semaphore_mem>>) src(%dma_wait3A_613 : memref<1x1x512xf32, #tpu.memory_space<hbm>>) dst(%dma_wait3A_611 : memref<1x1x512xf32, #tpu.memory_space<vmem>>)
      tpu.yield
    }) : () -> ()
    %run_scoped3A_507 = arith.constant 3 : i32
    "tpu.region"() ({
      %run_scoped3A_585 = tpu.sem_alloc : memref<!tpu.dma_semaphore, #tpu.memory_space<semaphore_mem>>
      %dma_start3A_586 = arith.constant 0 : i32
      %dma_start3A_587 = arith.constant 0 : i32
      %dma_start3A_588 = arith.constant 0 : i32
      %dma_start3A_589 = tpu.memref_slice %arg7[%run_scoped3A_507, %dma_start3A_586, %dma_start3A_587, %dma_start3A_588] : memref<9x1x1x512xf32, #tpu.memory_space<vmem>> -> memref<1x1x1x512xf32, #tpu.memory_space<vmem>>
      %dma_start3A_590 = tpu.memref_squeeze %dma_start3A_589 : memref<1x1x1x512xf32, #tpu.memory_space<vmem>> -> memref<1x1x512xf32, #tpu.memory_space<vmem>>
      %dma_start3A_591 = arith.constant 104 : i32
      %dma_start3A_592 = tpu.memref_slice %arg2[%reduce_min3A_186, %dma_start3A_591, %mul3A_2] : memref<9x105x16384xf32, #tpu.memory_space<hbm>> -> memref<1x1x512xf32, #tpu.memory_space<hbm>>
      %dma_start3A_593 = arith.constant 0 : i32
      %dma_start3A_594 = arith.constant 0 : i32
      %dma_start3A_595 = arith.constant 0 : i32
      %dma_start3A_596 = tpu.memref_slice %arg7[%run_scoped3A_507, %dma_start3A_593, %dma_start3A_594, %dma_start3A_595] : memref<9x1x1x512xf32, #tpu.memory_space<vmem>> -> memref<1x1x1x512xf32, #tpu.memory_space<vmem>>
      %dma_start3A_597 = tpu.memref_squeeze %dma_start3A_596 : memref<1x1x1x512xf32, #tpu.memory_space<vmem>> -> memref<1x1x512xf32, #tpu.memory_space<vmem>>
      %dma_start3A_598 = arith.constant 104 : i32
      %dma_start3A_599 = tpu.memref_slice %arg2[%reduce_min3A_186, %dma_start3A_598, %mul3A_2] : memref<9x105x16384xf32, #tpu.memory_space<hbm>> -> memref<1x1x512xf32, #tpu.memory_space<hbm>>
      tpu.enqueue_dma source(%dma_start3A_599 : memref<1x1x512xf32, #tpu.memory_space<hbm>>) target(%dma_start3A_597 : memref<1x1x512xf32, #tpu.memory_space<vmem>>) target_semaphore(%run_scoped3A_585 : memref<!tpu.dma_semaphore, #tpu.memory_space<semaphore_mem>>)
      %dma_wait3A_600 = arith.constant 0 : i32
      %dma_wait3A_601 = arith.constant 0 : i32
      %dma_wait3A_602 = arith.constant 0 : i32
      %dma_wait3A_603 = tpu.memref_slice %arg7[%run_scoped3A_507, %dma_wait3A_600, %dma_wait3A_601, %dma_wait3A_602] : memref<9x1x1x512xf32, #tpu.memory_space<vmem>> -> memref<1x1x1x512xf32, #tpu.memory_space<vmem>>
      %dma_wait3A_604 = tpu.memref_squeeze %dma_wait3A_603 : memref<1x1x1x512xf32, #tpu.memory_space<vmem>> -> memref<1x1x512xf32, #tpu.memory_space<vmem>>
      %dma_wait3A_605 = arith.constant 104 : i32
      %dma_wait3A_606 = tpu.memref_slice %arg2[%reduce_min3A_186, %dma_wait3A_605, %mul3A_2] : memref<9x105x16384xf32, #tpu.memory_space<hbm>> -> memref<1x1x512xf32, #tpu.memory_space<hbm>>
      %dma_wait3A_607 = arith.constant 0 : i32
      %dma_wait3A_608 = arith.constant 0 : i32
      %dma_wait3A_609 = arith.constant 0 : i32
      %dma_wait3A_610 = tpu.memref_slice %arg7[%run_scoped3A_507, %dma_wait3A_607, %dma_wait3A_608, %dma_wait3A_609] : memref<9x1x1x512xf32, #tpu.memory_space<vmem>> -> memref<1x1x1x512xf32, #tpu.memory_space<vmem>>
      %dma_wait3A_611 = tpu.memref_squeeze %dma_wait3A_610 : memref<1x1x1x512xf32, #tpu.memory_space<vmem>> -> memref<1x1x512xf32, #tpu.memory_space<vmem>>
      %dma_wait3A_612 = arith.constant 104 : i32
      %dma_wait3A_613 = tpu.memref_slice %arg2[%reduce_min3A_186, %dma_wait3A_612, %mul3A_2] : memref<9x105x16384xf32, #tpu.memory_space<hbm>> -> memref<1x1x512xf32, #tpu.memory_space<hbm>>
      tpu.wait_dma2 semaphore(%run_scoped3A_585 : memref<!tpu.dma_semaphore, #tpu.memory_space<semaphore_mem>>) src(%dma_wait3A_613 : memref<1x1x512xf32, #tpu.memory_space<hbm>>) dst(%dma_wait3A_611 : memref<1x1x512xf32, #tpu.memory_space<vmem>>)
      tpu.yield
    }) : () -> ()
    %run_scoped3A_508 = arith.constant 4 : i32
    "tpu.region"() ({
      %run_scoped3A_585 = tpu.sem_alloc : memref<!tpu.dma_semaphore, #tpu.memory_space<semaphore_mem>>
      %dma_start3A_586 = arith.constant 0 : i32
      %dma_start3A_587 = arith.constant 0 : i32
      %dma_start3A_588 = arith.constant 0 : i32
      %dma_start3A_589 = tpu.memref_slice %arg7[%run_scoped3A_508, %dma_start3A_586, %dma_start3A_587, %dma_start3A_588] : memref<9x1x1x512xf32, #tpu.memory_space<vmem>> -> memref<1x1x1x512xf32, #tpu.memory_space<vmem>>
      %dma_start3A_590 = tpu.memref_squeeze %dma_start3A_589 : memref<1x1x1x512xf32, #tpu.memory_space<vmem>> -> memref<1x1x512xf32, #tpu.memory_space<vmem>>
      %dma_start3A_591 = arith.constant 104 : i32
      %dma_start3A_592 = tpu.memref_slice %arg2[%reduce_min3A_220, %dma_start3A_591, %mul3A_2] : memref<9x105x16384xf32, #tpu.memory_space<hbm>> -> memref<1x1x512xf32, #tpu.memory_space<hbm>>
      %dma_start3A_593 = arith.constant 0 : i32
      %dma_start3A_594 = arith.constant 0 : i32
      %dma_start3A_595 = arith.constant 0 : i32
      %dma_start3A_596 = tpu.memref_slice %arg7[%run_scoped3A_508, %dma_start3A_593, %dma_start3A_594, %dma_start3A_595] : memref<9x1x1x512xf32, #tpu.memory_space<vmem>> -> memref<1x1x1x512xf32, #tpu.memory_space<vmem>>
      %dma_start3A_597 = tpu.memref_squeeze %dma_start3A_596 : memref<1x1x1x512xf32, #tpu.memory_space<vmem>> -> memref<1x1x512xf32, #tpu.memory_space<vmem>>
      %dma_start3A_598 = arith.constant 104 : i32
      %dma_start3A_599 = tpu.memref_slice %arg2[%reduce_min3A_220, %dma_start3A_598, %mul3A_2] : memref<9x105x16384xf32, #tpu.memory_space<hbm>> -> memref<1x1x512xf32, #tpu.memory_space<hbm>>
      tpu.enqueue_dma source(%dma_start3A_599 : memref<1x1x512xf32, #tpu.memory_space<hbm>>) target(%dma_start3A_597 : memref<1x1x512xf32, #tpu.memory_space<vmem>>) target_semaphore(%run_scoped3A_585 : memref<!tpu.dma_semaphore, #tpu.memory_space<semaphore_mem>>)
      %dma_wait3A_600 = arith.constant 0 : i32
      %dma_wait3A_601 = arith.constant 0 : i32
      %dma_wait3A_602 = arith.constant 0 : i32
      %dma_wait3A_603 = tpu.memref_slice %arg7[%run_scoped3A_508, %dma_wait3A_600, %dma_wait3A_601, %dma_wait3A_602] : memref<9x1x1x512xf32, #tpu.memory_space<vmem>> -> memref<1x1x1x512xf32, #tpu.memory_space<vmem>>
      %dma_wait3A_604 = tpu.memref_squeeze %dma_wait3A_603 : memref<1x1x1x512xf32, #tpu.memory_space<vmem>> -> memref<1x1x512xf32, #tpu.memory_space<vmem>>
      %dma_wait3A_605 = arith.constant 104 : i32
      %dma_wait3A_606 = tpu.memref_slice %arg2[%reduce_min3A_220, %dma_wait3A_605, %mul3A_2] : memref<9x105x16384xf32, #tpu.memory_space<hbm>> -> memref<1x1x512xf32, #tpu.memory_space<hbm>>
      %dma_wait3A_607 = arith.constant 0 : i32
      %dma_wait3A_608 = arith.constant 0 : i32
      %dma_wait3A_609 = arith.constant 0 : i32
      %dma_wait3A_610 = tpu.memref_slice %arg7[%run_scoped3A_508, %dma_wait3A_607, %dma_wait3A_608, %dma_wait3A_609] : memref<9x1x1x512xf32, #tpu.memory_space<vmem>> -> memref<1x1x1x512xf32, #tpu.memory_space<vmem>>
      %dma_wait3A_611 = tpu.memref_squeeze %dma_wait3A_610 : memref<1x1x1x512xf32, #tpu.memory_space<vmem>> -> memref<1x1x512xf32, #tpu.memory_space<vmem>>
      %dma_wait3A_612 = arith.constant 104 : i32
      %dma_wait3A_613 = tpu.memref_slice %arg2[%reduce_min3A_220, %dma_wait3A_612, %mul3A_2] : memref<9x105x16384xf32, #tpu.memory_space<hbm>> -> memref<1x1x512xf32, #tpu.memory_space<hbm>>
      tpu.wait_dma2 semaphore(%run_scoped3A_585 : memref<!tpu.dma_semaphore, #tpu.memory_space<semaphore_mem>>) src(%dma_wait3A_613 : memref<1x1x512xf32, #tpu.memory_space<hbm>>) dst(%dma_wait3A_611 : memref<1x1x512xf32, #tpu.memory_space<vmem>>)
      tpu.yield
    }) : () -> ()
    %run_scoped3A_509 = arith.constant 5 : i32
    "tpu.region"() ({
      %run_scoped3A_585 = tpu.sem_alloc : memref<!tpu.dma_semaphore, #tpu.memory_space<semaphore_mem>>
      %dma_start3A_586 = arith.constant 0 : i32
      %dma_start3A_587 = arith.constant 0 : i32
      %dma_start3A_588 = arith.constant 0 : i32
      %dma_start3A_589 = tpu.memref_slice %arg7[%run_scoped3A_509, %dma_start3A_586, %dma_start3A_587, %dma_start3A_588] : memref<9x1x1x512xf32, #tpu.memory_space<vmem>> -> memref<1x1x1x512xf32, #tpu.memory_space<vmem>>
      %dma_start3A_590 = tpu.memref_squeeze %dma_start3A_589 : memref<1x1x1x512xf32, #tpu.memory_space<vmem>> -> memref<1x1x512xf32, #tpu.memory_space<vmem>>
      %dma_start3A_591 = arith.constant 104 : i32
      %dma_start3A_592 = tpu.memref_slice %arg2[%reduce_min3A_254, %dma_start3A_591, %mul3A_2] : memref<9x105x16384xf32, #tpu.memory_space<hbm>> -> memref<1x1x512xf32, #tpu.memory_space<hbm>>
      %dma_start3A_593 = arith.constant 0 : i32
      %dma_start3A_594 = arith.constant 0 : i32
      %dma_start3A_595 = arith.constant 0 : i32
      %dma_start3A_596 = tpu.memref_slice %arg7[%run_scoped3A_509, %dma_start3A_593, %dma_start3A_594, %dma_start3A_595] : memref<9x1x1x512xf32, #tpu.memory_space<vmem>> -> memref<1x1x1x512xf32, #tpu.memory_space<vmem>>
      %dma_start3A_597 = tpu.memref_squeeze %dma_start3A_596 : memref<1x1x1x512xf32, #tpu.memory_space<vmem>> -> memref<1x1x512xf32, #tpu.memory_space<vmem>>
      %dma_start3A_598 = arith.constant 104 : i32
      %dma_start3A_599 = tpu.memref_slice %arg2[%reduce_min3A_254, %dma_start3A_598, %mul3A_2] : memref<9x105x16384xf32, #tpu.memory_space<hbm>> -> memref<1x1x512xf32, #tpu.memory_space<hbm>>
      tpu.enqueue_dma source(%dma_start3A_599 : memref<1x1x512xf32, #tpu.memory_space<hbm>>) target(%dma_start3A_597 : memref<1x1x512xf32, #tpu.memory_space<vmem>>) target_semaphore(%run_scoped3A_585 : memref<!tpu.dma_semaphore, #tpu.memory_space<semaphore_mem>>)
      %dma_wait3A_600 = arith.constant 0 : i32
      %dma_wait3A_601 = arith.constant 0 : i32
      %dma_wait3A_602 = arith.constant 0 : i32
      %dma_wait3A_603 = tpu.memref_slice %arg7[%run_scoped3A_509, %dma_wait3A_600, %dma_wait3A_601, %dma_wait3A_602] : memref<9x1x1x512xf32, #tpu.memory_space<vmem>> -> memref<1x1x1x512xf32, #tpu.memory_space<vmem>>
      %dma_wait3A_604 = tpu.memref_squeeze %dma_wait3A_603 : memref<1x1x1x512xf32, #tpu.memory_space<vmem>> -> memref<1x1x512xf32, #tpu.memory_space<vmem>>
      %dma_wait3A_605 = arith.constant 104 : i32
      %dma_wait3A_606 = tpu.memref_slice %arg2[%reduce_min3A_254, %dma_wait3A_605, %mul3A_2] : memref<9x105x16384xf32, #tpu.memory_space<hbm>> -> memref<1x1x512xf32, #tpu.memory_space<hbm>>
      %dma_wait3A_607 = arith.constant 0 : i32
      %dma_wait3A_608 = arith.constant 0 : i32
      %dma_wait3A_609 = arith.constant 0 : i32
      %dma_wait3A_610 = tpu.memref_slice %arg7[%run_scoped3A_509, %dma_wait3A_607, %dma_wait3A_608, %dma_wait3A_609] : memref<9x1x1x512xf32, #tpu.memory_space<vmem>> -> memref<1x1x1x512xf32, #tpu.memory_space<vmem>>
      %dma_wait3A_611 = tpu.memref_squeeze %dma_wait3A_610 : memref<1x1x1x512xf32, #tpu.memory_space<vmem>> -> memref<1x1x512xf32, #tpu.memory_space<vmem>>
      %dma_wait3A_612 = arith.constant 104 : i32
      %dma_wait3A_613 = tpu.memref_slice %arg2[%reduce_min3A_254, %dma_wait3A_612, %mul3A_2] : memref<9x105x16384xf32, #tpu.memory_space<hbm>> -> memref<1x1x512xf32, #tpu.memory_space<hbm>>
      tpu.wait_dma2 semaphore(%run_scoped3A_585 : memref<!tpu.dma_semaphore, #tpu.memory_space<semaphore_mem>>) src(%dma_wait3A_613 : memref<1x1x512xf32, #tpu.memory_space<hbm>>) dst(%dma_wait3A_611 : memref<1x1x512xf32, #tpu.memory_space<vmem>>)
      tpu.yield
    }) : () -> ()
    %run_scoped3A_510 = arith.constant 6 : i32
    "tpu.region"() ({
      %run_scoped3A_585 = tpu.sem_alloc : memref<!tpu.dma_semaphore, #tpu.memory_space<semaphore_mem>>
      %dma_start3A_586 = arith.constant 0 : i32
      %dma_start3A_587 = arith.constant 0 : i32
      %dma_start3A_588 = arith.constant 0 : i32
      %dma_start3A_589 = tpu.memref_slice %arg7[%run_scoped3A_510, %dma_start3A_586, %dma_start3A_587, %dma_start3A_588] : memref<9x1x1x512xf32, #tpu.memory_space<vmem>> -> memref<1x1x1x512xf32, #tpu.memory_space<vmem>>
      %dma_start3A_590 = tpu.memref_squeeze %dma_start3A_589 : memref<1x1x1x512xf32, #tpu.memory_space<vmem>> -> memref<1x1x512xf32, #tpu.memory_space<vmem>>
      %dma_start3A_591 = arith.constant 104 : i32
      %dma_start3A_592 = tpu.memref_slice %arg2[%reduce_min3A_288, %dma_start3A_591, %mul3A_2] : memref<9x105x16384xf32, #tpu.memory_space<hbm>> -> memref<1x1x512xf32, #tpu.memory_space<hbm>>
      %dma_start3A_593 = arith.constant 0 : i32
      %dma_start3A_594 = arith.constant 0 : i32
      %dma_start3A_595 = arith.constant 0 : i32
      %dma_start3A_596 = tpu.memref_slice %arg7[%run_scoped3A_510, %dma_start3A_593, %dma_start3A_594, %dma_start3A_595] : memref<9x1x1x512xf32, #tpu.memory_space<vmem>> -> memref<1x1x1x512xf32, #tpu.memory_space<vmem>>
      %dma_start3A_597 = tpu.memref_squeeze %dma_start3A_596 : memref<1x1x1x512xf32, #tpu.memory_space<vmem>> -> memref<1x1x512xf32, #tpu.memory_space<vmem>>
      %dma_start3A_598 = arith.constant 104 : i32
      %dma_start3A_599 = tpu.memref_slice %arg2[%reduce_min3A_288, %dma_start3A_598, %mul3A_2] : memref<9x105x16384xf32, #tpu.memory_space<hbm>> -> memref<1x1x512xf32, #tpu.memory_space<hbm>>
      tpu.enqueue_dma source(%dma_start3A_599 : memref<1x1x512xf32, #tpu.memory_space<hbm>>) target(%dma_start3A_597 : memref<1x1x512xf32, #tpu.memory_space<vmem>>) target_semaphore(%run_scoped3A_585 : memref<!tpu.dma_semaphore, #tpu.memory_space<semaphore_mem>>)
      %dma_wait3A_600 = arith.constant 0 : i32
      %dma_wait3A_601 = arith.constant 0 : i32
      %dma_wait3A_602 = arith.constant 0 : i32
      %dma_wait3A_603 = tpu.memref_slice %arg7[%run_scoped3A_510, %dma_wait3A_600, %dma_wait3A_601, %dma_wait3A_602] : memref<9x1x1x512xf32, #tpu.memory_space<vmem>> -> memref<1x1x1x512xf32, #tpu.memory_space<vmem>>
      %dma_wait3A_604 = tpu.memref_squeeze %dma_wait3A_603 : memref<1x1x1x512xf32, #tpu.memory_space<vmem>> -> memref<1x1x512xf32, #tpu.memory_space<vmem>>
      %dma_wait3A_605 = arith.constant 104 : i32
      %dma_wait3A_606 = tpu.memref_slice %arg2[%reduce_min3A_288, %dma_wait3A_605, %mul3A_2] : memref<9x105x16384xf32, #tpu.memory_space<hbm>> -> memref<1x1x512xf32, #tpu.memory_space<hbm>>
      %dma_wait3A_607 = arith.constant 0 : i32
      %dma_wait3A_608 = arith.constant 0 : i32
      %dma_wait3A_609 = arith.constant 0 : i32
      %dma_wait3A_610 = tpu.memref_slice %arg7[%run_scoped3A_510, %dma_wait3A_607, %dma_wait3A_608, %dma_wait3A_609] : memref<9x1x1x512xf32, #tpu.memory_space<vmem>> -> memref<1x1x1x512xf32, #tpu.memory_space<vmem>>
      %dma_wait3A_611 = tpu.memref_squeeze %dma_wait3A_610 : memref<1x1x1x512xf32, #tpu.memory_space<vmem>> -> memref<1x1x512xf32, #tpu.memory_space<vmem>>
      %dma_wait3A_612 = arith.constant 104 : i32
      %dma_wait3A_613 = tpu.memref_slice %arg2[%reduce_min3A_288, %dma_wait3A_612, %mul3A_2] : memref<9x105x16384xf32, #tpu.memory_space<hbm>> -> memref<1x1x512xf32, #tpu.memory_space<hbm>>
      tpu.wait_dma2 semaphore(%run_scoped3A_585 : memref<!tpu.dma_semaphore, #tpu.memory_space<semaphore_mem>>) src(%dma_wait3A_613 : memref<1x1x512xf32, #tpu.memory_space<hbm>>) dst(%dma_wait3A_611 : memref<1x1x512xf32, #tpu.memory_space<vmem>>)
      tpu.yield
    }) : () -> ()
    %run_scoped3A_511 = arith.constant 7 : i32
    "tpu.region"() ({
      %run_scoped3A_585 = tpu.sem_alloc : memref<!tpu.dma_semaphore, #tpu.memory_space<semaphore_mem>>
      %dma_start3A_586 = arith.constant 0 : i32
      %dma_start3A_587 = arith.constant 0 : i32
      %dma_start3A_588 = arith.constant 0 : i32
      %dma_start3A_589 = tpu.memref_slice %arg7[%run_scoped3A_511, %dma_start3A_586, %dma_start3A_587, %dma_start3A_588] : memref<9x1x1x512xf32, #tpu.memory_space<vmem>> -> memref<1x1x1x512xf32, #tpu.memory_space<vmem>>
      %dma_start3A_590 = tpu.memref_squeeze %dma_start3A_589 : memref<1x1x1x512xf32, #tpu.memory_space<vmem>> -> memref<1x1x512xf32, #tpu.memory_space<vmem>>
      %dma_start3A_591 = arith.constant 104 : i32
      %dma_start3A_592 = tpu.memref_slice %arg2[%reduce_min3A_322, %dma_start3A_591, %mul3A_2] : memref<9x105x16384xf32, #tpu.memory_space<hbm>> -> memref<1x1x512xf32, #tpu.memory_space<hbm>>
      %dma_start3A_593 = arith.constant 0 : i32
      %dma_start3A_594 = arith.constant 0 : i32
      %dma_start3A_595 = arith.constant 0 : i32
      %dma_start3A_596 = tpu.memref_slice %arg7[%run_scoped3A_511, %dma_start3A_593, %dma_start3A_594, %dma_start3A_595] : memref<9x1x1x512xf32, #tpu.memory_space<vmem>> -> memref<1x1x1x512xf32, #tpu.memory_space<vmem>>
      %dma_start3A_597 = tpu.memref_squeeze %dma_start3A_596 : memref<1x1x1x512xf32, #tpu.memory_space<vmem>> -> memref<1x1x512xf32, #tpu.memory_space<vmem>>
      %dma_start3A_598 = arith.constant 104 : i32
      %dma_start3A_599 = tpu.memref_slice %arg2[%reduce_min3A_322, %dma_start3A_598, %mul3A_2] : memref<9x105x16384xf32, #tpu.memory_space<hbm>> -> memref<1x1x512xf32, #tpu.memory_space<hbm>>
      tpu.enqueue_dma source(%dma_start3A_599 : memref<1x1x512xf32, #tpu.memory_space<hbm>>) target(%dma_start3A_597 : memref<1x1x512xf32, #tpu.memory_space<vmem>>) target_semaphore(%run_scoped3A_585 : memref<!tpu.dma_semaphore, #tpu.memory_space<semaphore_mem>>)
      %dma_wait3A_600 = arith.constant 0 : i32
      %dma_wait3A_601 = arith.constant 0 : i32
      %dma_wait3A_602 = arith.constant 0 : i32
      %dma_wait3A_603 = tpu.memref_slice %arg7[%run_scoped3A_511, %dma_wait3A_600, %dma_wait3A_601, %dma_wait3A_602] : memref<9x1x1x512xf32, #tpu.memory_space<vmem>> -> memref<1x1x1x512xf32, #tpu.memory_space<vmem>>
      %dma_wait3A_604 = tpu.memref_squeeze %dma_wait3A_603 : memref<1x1x1x512xf32, #tpu.memory_space<vmem>> -> memref<1x1x512xf32, #tpu.memory_space<vmem>>
      %dma_wait3A_605 = arith.constant 104 : i32
      %dma_wait3A_606 = tpu.memref_slice %arg2[%reduce_min3A_322, %dma_wait3A_605, %mul3A_2] : memref<9x105x16384xf32, #tpu.memory_space<hbm>> -> memref<1x1x512xf32, #tpu.memory_space<hbm>>
      %dma_wait3A_607 = arith.constant 0 : i32
      %dma_wait3A_608 = arith.constant 0 : i32
      %dma_wait3A_609 = arith.constant 0 : i32
      %dma_wait3A_610 = tpu.memref_slice %arg7[%run_scoped3A_511, %dma_wait3A_607, %dma_wait3A_608, %dma_wait3A_609] : memref<9x1x1x512xf32, #tpu.memory_space<vmem>> -> memref<1x1x1x512xf32, #tpu.memory_space<vmem>>
      %dma_wait3A_611 = tpu.memref_squeeze %dma_wait3A_610 : memref<1x1x1x512xf32, #tpu.memory_space<vmem>> -> memref<1x1x512xf32, #tpu.memory_space<vmem>>
      %dma_wait3A_612 = arith.constant 104 : i32
      %dma_wait3A_613 = tpu.memref_slice %arg2[%reduce_min3A_322, %dma_wait3A_612, %mul3A_2] : memref<9x105x16384xf32, #tpu.memory_space<hbm>> -> memref<1x1x512xf32, #tpu.memory_space<hbm>>
      tpu.wait_dma2 semaphore(%run_scoped3A_585 : memref<!tpu.dma_semaphore, #tpu.memory_space<semaphore_mem>>) src(%dma_wait3A_613 : memref<1x1x512xf32, #tpu.memory_space<hbm>>) dst(%dma_wait3A_611 : memref<1x1x512xf32, #tpu.memory_space<vmem>>)
      tpu.yield
    }) : () -> ()
    %run_scoped3A_512 = arith.constant 8 : i32
    "tpu.region"() ({
      %run_scoped3A_585 = tpu.sem_alloc : memref<!tpu.dma_semaphore, #tpu.memory_space<semaphore_mem>>
      %dma_start3A_586 = arith.constant 0 : i32
      %dma_start3A_587 = arith.constant 0 : i32
      %dma_start3A_588 = arith.constant 0 : i32
      %dma_start3A_589 = tpu.memref_slice %arg7[%run_scoped3A_512, %dma_start3A_586, %dma_start3A_587, %dma_start3A_588] : memref<9x1x1x512xf32, #tpu.memory_space<vmem>> -> memref<1x1x1x512xf32, #tpu.memory_space<vmem>>
      %dma_start3A_590 = tpu.memref_squeeze %dma_start3A_589 : memref<1x1x1x512xf32, #tpu.memory_space<vmem>> -> memref<1x1x512xf32, #tpu.memory_space<vmem>>
      %dma_start3A_591 = arith.constant 104 : i32
      %dma_start3A_592 = tpu.memref_slice %arg2[%reduce_min3A_356, %dma_start3A_591, %mul3A_2] : memref<9x105x16384xf32, #tpu.memory_space<hbm>> -> memref<1x1x512xf32, #tpu.memory_space<hbm>>
      %dma_start3A_593 = arith.constant 0 : i32
      %dma_start3A_594 = arith.constant 0 : i32
      %dma_start3A_595 = arith.constant 0 : i32
      %dma_start3A_596 = tpu.memref_slice %arg7[%run_scoped3A_512, %dma_start3A_593, %dma_start3A_594, %dma_start3A_595] : memref<9x1x1x512xf32, #tpu.memory_space<vmem>> -> memref<1x1x1x512xf32, #tpu.memory_space<vmem>>
      %dma_start3A_597 = tpu.memref_squeeze %dma_start3A_596 : memref<1x1x1x512xf32, #tpu.memory_space<vmem>> -> memref<1x1x512xf32, #tpu.memory_space<vmem>>
      %dma_start3A_598 = arith.constant 104 : i32
      %dma_start3A_599 = tpu.memref_slice %arg2[%reduce_min3A_356, %dma_start3A_598, %mul3A_2] : memref<9x105x16384xf32, #tpu.memory_space<hbm>> -> memref<1x1x512xf32, #tpu.memory_space<hbm>>
      tpu.enqueue_dma source(%dma_start3A_599 : memref<1x1x512xf32, #tpu.memory_space<hbm>>) target(%dma_start3A_597 : memref<1x1x512xf32, #tpu.memory_space<vmem>>) target_semaphore(%run_scoped3A_585 : memref<!tpu.dma_semaphore, #tpu.memory_space<semaphore_mem>>)
      %dma_wait3A_600 = arith.constant 0 : i32
      %dma_wait3A_601 = arith.constant 0 : i32
      %dma_wait3A_602 = arith.constant 0 : i32
      %dma_wait3A_603 = tpu.memref_slice %arg7[%run_scoped3A_512, %dma_wait3A_600, %dma_wait3A_601, %dma_wait3A_602] : memref<9x1x1x512xf32, #tpu.memory_space<vmem>> -> memref<1x1x1x512xf32, #tpu.memory_space<vmem>>
      %dma_wait3A_604 = tpu.memref_squeeze %dma_wait3A_603 : memref<1x1x1x512xf32, #tpu.memory_space<vmem>> -> memref<1x1x512xf32, #tpu.memory_space<vmem>>
      %dma_wait3A_605 = arith.constant 104 : i32
      %dma_wait3A_606 = tpu.memref_slice %arg2[%reduce_min3A_356, %dma_wait3A_605, %mul3A_2] : memref<9x105x16384xf32, #tpu.memory_space<hbm>> -> memref<1x1x512xf32, #tpu.memory_space<hbm>>
      %dma_wait3A_607 = arith.constant 0 : i32
      %dma_wait3A_608 = arith.constant 0 : i32
      %dma_wait3A_609 = arith.constant 0 : i32
      %dma_wait3A_610 = tpu.memref_slice %arg7[%run_scoped3A_512, %dma_wait3A_607, %dma_wait3A_608, %dma_wait3A_609] : memref<9x1x1x512xf32, #tpu.memory_space<vmem>> -> memref<1x1x1x512xf32, #tpu.memory_space<vmem>>
      %dma_wait3A_611 = tpu.memref_squeeze %dma_wait3A_610 : memref<1x1x1x512xf32, #tpu.memory_space<vmem>> -> memref<1x1x512xf32, #tpu.memory_space<vmem>>
      %dma_wait3A_612 = arith.constant 104 : i32
      %dma_wait3A_613 = tpu.memref_slice %arg2[%reduce_min3A_356, %dma_wait3A_612, %mul3A_2] : memref<9x105x16384xf32, #tpu.memory_space<hbm>> -> memref<1x1x512xf32, #tpu.memory_space<hbm>>
      tpu.wait_dma2 semaphore(%run_scoped3A_585 : memref<!tpu.dma_semaphore, #tpu.memory_space<semaphore_mem>>) src(%dma_wait3A_613 : memref<1x1x512xf32, #tpu.memory_space<hbm>>) dst(%dma_wait3A_611 : memref<1x1x512xf32, #tpu.memory_space<vmem>>)
      tpu.yield
    }) : () -> ()
    %broadcast_in_dim3A_513 = arith.constant 416 : i32
    %broadcast_in_dim3A_514 = vector.broadcast %broadcast_in_dim3A_513 : i32 to vector<16xi32>
    %gather3A_515 = tpu.vector_load_idx %arg9[%broadcast_in_dim3A_514] : memref<420xf32, #tpu.memory_space<vmem>>[vector<16xi32>], vector<16xf32>,
    %broadcast_in_dim3A_516 = arith.constant 417 : i32
    %broadcast_in_dim3A_517 = vector.broadcast %broadcast_in_dim3A_516 : i32 to vector<16xi32>
    %gather3A_518 = tpu.vector_load_idx %arg9[%broadcast_in_dim3A_517] : memref<420xf32, #tpu.memory_space<vmem>>[vector<16xi32>], vector<16xf32>,
    %broadcast_in_dim3A_519 = arith.constant 418 : i32
    %broadcast_in_dim3A_520 = vector.broadcast %broadcast_in_dim3A_519 : i32 to vector<16xi32>
    %gather3A_521 = tpu.vector_load_idx %arg9[%broadcast_in_dim3A_520] : memref<420xf32, #tpu.memory_space<vmem>>[vector<16xi32>], vector<16xf32>,
    %broadcast_in_dim3A_522 = arith.constant 419 : i32
    %broadcast_in_dim3A_523 = vector.broadcast %broadcast_in_dim3A_522 : i32 to vector<16xi32>
    %gather3A_524 = tpu.vector_load_idx %arg9[%broadcast_in_dim3A_523] : memref<420xf32, #tpu.memory_space<vmem>>[vector<16xi32>], vector<16xf32>,
    %broadcast_in_dim3A_525 = arith.constant 104 : i32
    %broadcast_in_dim3A_526 = vector.broadcast %broadcast_in_dim3A_525 : i32 to vector<16xi32>
    %gather3A_527 = tpu.vector_load_idx %arg10[%broadcast_in_dim3A_526] : memref<105xf32, #tpu.memory_space<vmem>>[vector<16xi32>], vector<16xf32>,
    %dma_wait3A = arith.constant 0 : i32
    %dma_wait3A_528 = arith.constant 0 : i32
    %dma_wait3A_529 = arith.constant 0 : i32
    %dma_wait3A_530 = tpu.memref_slice %arg8[%dma_wait3A, %dma_wait3A_528, %dma_wait3A_529] : memref<2x1x512xf32, #tpu.memory_space<vmem>> -> memref<1x1x512xf32, #tpu.memory_space<vmem>>
    %dma_wait3A_531 = arith.constant 0 : i32
    %dma_wait3A_532 = arith.constant 0 : i32
    %dma_wait3A_533 = tpu.memref_slice %arg5[%dma_wait3A_531, %dma_wait3A_532, %mul3A_2] : memref<7x15x16384xf32, #tpu.memory_space<hbm>> -> memref<1x1x512xf32, #tpu.memory_space<hbm>>
    %dma_wait3A_534 = arith.constant 0 : i32
    %dma_wait3A_535 = arith.constant 0 : i32
    %dma_wait3A_536 = tpu.memref_slice %arg5[%dma_wait3A_534, %dma_wait3A_535, %mul3A_2] : memref<7x15x16384xf32, #tpu.memory_space<hbm>> -> memref<1x1x512xf32, #tpu.memory_space<hbm>>
    %dma_wait3A_537 = arith.constant 0 : i32
    %dma_wait3A_538 = arith.constant 0 : i32
    %dma_wait3A_539 = arith.constant 0 : i32
    %dma_wait3A_540 = tpu.memref_slice %arg8[%dma_wait3A_537, %dma_wait3A_538, %dma_wait3A_539] : memref<2x1x512xf32, #tpu.memory_space<vmem>> -> memref<1x1x512xf32, #tpu.memory_space<vmem>>
    tpu.wait_dma2 semaphore(%arg13 : memref<!tpu.dma_semaphore, #tpu.memory_space<semaphore_mem>>) src(%dma_wait3A_540 : memref<1x1x512xf32, #tpu.memory_space<vmem>>) dst(%dma_wait3A_536 : memref<1x1x512xf32, #tpu.memory_space<hbm>>)
    %parallel_loop3A = arith.constant 0 : i32
    %parallel_loop3A_541 = arith.constant 32 : i32
    %parallel_loop3A_542 = arith.constant 1 : i32
    scf.for %parallel_loop3A_585 = %parallel_loop3A to %parallel_loop3A_541 step %parallel_loop3A_542  : i32 {
      %parallel_loop3A_586 = arith.constant 16 : i32
      %parallel_loop3A_587 = arith.muli %parallel_loop3A_585, %parallel_loop3A_586 : i32
      %parallel_loop3A_588 = arith.constant 0 : i32
      %parallel_loop3A_589 = arith.constant 0 : i32
      %parallel_loop3A_590 = arith.constant 0 : i32
      %parallel_loop3A_591 = arith.index_cast %parallel_loop3A_588 : i32 to index
      %parallel_loop3A_592 = arith.index_cast %parallel_loop3A_589 : i32 to index
      %parallel_loop3A_593 = arith.index_cast %parallel_loop3A_590 : i32 to index
      %parallel_loop3A_594 = arith.index_cast %parallel_loop3A_587 : i32 to index
      %parallel_loop3A_595 = tpu.vector_load %arg7[%parallel_loop3A_591, %parallel_loop3A_592, %parallel_loop3A_593, %parallel_loop3A_594] {strides = array<i32>} : memref<9x1x1x512xf32, #tpu.memory_space<vmem>>, vector<16xf32>,
      %parallel_loop3A_596 = arith.constant 16 : i32
      %parallel_loop3A_597 = arith.muli %parallel_loop3A_585, %parallel_loop3A_596 : i32
      %parallel_loop3A_598 = arith.constant 1 : i32
      %parallel_loop3A_599 = arith.constant 0 : i32
      %parallel_loop3A_600 = arith.constant 0 : i32
      %parallel_loop3A_601 = arith.index_cast %parallel_loop3A_598 : i32 to index
      %parallel_loop3A_602 = arith.index_cast %parallel_loop3A_599 : i32 to index
      %parallel_loop3A_603 = arith.index_cast %parallel_loop3A_600 : i32 to index
      %parallel_loop3A_604 = arith.index_cast %parallel_loop3A_597 : i32 to index
      %parallel_loop3A_605 = tpu.vector_load %arg7[%parallel_loop3A_601, %parallel_loop3A_602, %parallel_loop3A_603, %parallel_loop3A_604] {strides = array<i32>} : memref<9x1x1x512xf32, #tpu.memory_space<vmem>>, vector<16xf32>,
      %parallel_loop3A_606 = arith.constant 16 : i32
      %parallel_loop3A_607 = arith.muli %parallel_loop3A_585, %parallel_loop3A_606 : i32
      %parallel_loop3A_608 = arith.constant 2 : i32
      %parallel_loop3A_609 = arith.constant 0 : i32
      %parallel_loop3A_610 = arith.constant 0 : i32
      %parallel_loop3A_611 = arith.index_cast %parallel_loop3A_608 : i32 to index
      %parallel_loop3A_612 = arith.index_cast %parallel_loop3A_609 : i32 to index
      %parallel_loop3A_613 = arith.index_cast %parallel_loop3A_610 : i32 to index
      %parallel_loop3A_614 = arith.index_cast %parallel_loop3A_607 : i32 to index
      %parallel_loop3A_615 = tpu.vector_load %arg7[%parallel_loop3A_611, %parallel_loop3A_612, %parallel_loop3A_613, %parallel_loop3A_614] {strides = array<i32>} : memref<9x1x1x512xf32, #tpu.memory_space<vmem>>, vector<16xf32>,
      %parallel_loop3A_616 = arith.constant 16 : i32
      %parallel_loop3A_617 = arith.muli %parallel_loop3A_585, %parallel_loop3A_616 : i32
      %parallel_loop3A_618 = arith.constant 3 : i32
      %parallel_loop3A_619 = arith.constant 0 : i32
      %parallel_loop3A_620 = arith.constant 0 : i32
      %parallel_loop3A_621 = arith.index_cast %parallel_loop3A_618 : i32 to index
      %parallel_loop3A_622 = arith.index_cast %parallel_loop3A_619 : i32 to index
      %parallel_loop3A_623 = arith.index_cast %parallel_loop3A_620 : i32 to index
      %parallel_loop3A_624 = arith.index_cast %parallel_loop3A_617 : i32 to index
      %parallel_loop3A_625 = tpu.vector_load %arg7[%parallel_loop3A_621, %parallel_loop3A_622, %parallel_loop3A_623, %parallel_loop3A_624] {strides = array<i32>} : memref<9x1x1x512xf32, #tpu.memory_space<vmem>>, vector<16xf32>,
      %parallel_loop3A_626 = arith.constant 16 : i32
      %parallel_loop3A_627 = arith.muli %parallel_loop3A_585, %parallel_loop3A_626 : i32
      %parallel_loop3A_628 = arith.constant 4 : i32
      %parallel_loop3A_629 = arith.constant 0 : i32
      %parallel_loop3A_630 = arith.constant 0 : i32
      %parallel_loop3A_631 = arith.index_cast %parallel_loop3A_628 : i32 to index
      %parallel_loop3A_632 = arith.index_cast %parallel_loop3A_629 : i32 to index
      %parallel_loop3A_633 = arith.index_cast %parallel_loop3A_630 : i32 to index
      %parallel_loop3A_634 = arith.index_cast %parallel_loop3A_627 : i32 to index
      %parallel_loop3A_635 = tpu.vector_load %arg7[%parallel_loop3A_631, %parallel_loop3A_632, %parallel_loop3A_633, %parallel_loop3A_634] {strides = array<i32>} : memref<9x1x1x512xf32, #tpu.memory_space<vmem>>, vector<16xf32>,
      %parallel_loop3A_636 = arith.constant 16 : i32
      %parallel_loop3A_637 = arith.muli %parallel_loop3A_585, %parallel_loop3A_636 : i32
      %parallel_loop3A_638 = arith.constant 5 : i32
      %parallel_loop3A_639 = arith.constant 0 : i32
      %parallel_loop3A_640 = arith.constant 0 : i32
      %parallel_loop3A_641 = arith.index_cast %parallel_loop3A_638 : i32 to index
      %parallel_loop3A_642 = arith.index_cast %parallel_loop3A_639 : i32 to index
      %parallel_loop3A_643 = arith.index_cast %parallel_loop3A_640 : i32 to index
      %parallel_loop3A_644 = arith.index_cast %parallel_loop3A_637 : i32 to index
      %parallel_loop3A_645 = tpu.vector_load %arg7[%parallel_loop3A_641, %parallel_loop3A_642, %parallel_loop3A_643, %parallel_loop3A_644] {strides = array<i32>} : memref<9x1x1x512xf32, #tpu.memory_space<vmem>>, vector<16xf32>,
      %parallel_loop3A_646 = arith.constant 16 : i32
      %parallel_loop3A_647 = arith.muli %parallel_loop3A_585, %parallel_loop3A_646 : i32
      %parallel_loop3A_648 = arith.constant 6 : i32
      %parallel_loop3A_649 = arith.constant 0 : i32
      %parallel_loop3A_650 = arith.constant 0 : i32
      %parallel_loop3A_651 = arith.index_cast %parallel_loop3A_648 : i32 to index
      %parallel_loop3A_652 = arith.index_cast %parallel_loop3A_649 : i32 to index
      %parallel_loop3A_653 = arith.index_cast %parallel_loop3A_650 : i32 to index
      %parallel_loop3A_654 = arith.index_cast %parallel_loop3A_647 : i32 to index
      %parallel_loop3A_655 = tpu.vector_load %arg7[%parallel_loop3A_651, %parallel_loop3A_652, %parallel_loop3A_653, %parallel_loop3A_654] {strides = array<i32>} : memref<9x1x1x512xf32, #tpu.memory_space<vmem>>, vector<16xf32>,
      %parallel_loop3A_656 = arith.constant 16 : i32
      %parallel_loop3A_657 = arith.muli %parallel_loop3A_585, %parallel_loop3A_656 : i32
      %parallel_loop3A_658 = arith.constant 7 : i32
      %parallel_loop3A_659 = arith.constant 0 : i32
      %parallel_loop3A_660 = arith.constant 0 : i32
      %parallel_loop3A_661 = arith.index_cast %parallel_loop3A_658 : i32 to index
      %parallel_loop3A_662 = arith.index_cast %parallel_loop3A_659 : i32 to index
      %parallel_loop3A_663 = arith.index_cast %parallel_loop3A_660 : i32 to index
      %parallel_loop3A_664 = arith.index_cast %parallel_loop3A_657 : i32 to index
      %parallel_loop3A_665 = tpu.vector_load %arg7[%parallel_loop3A_661, %parallel_loop3A_662, %parallel_loop3A_663, %parallel_loop3A_664] {strides = array<i32>} : memref<9x1x1x512xf32, #tpu.memory_space<vmem>>, vector<16xf32>,
      %parallel_loop3A_666 = arith.constant 16 : i32
      %parallel_loop3A_667 = arith.muli %parallel_loop3A_585, %parallel_loop3A_666 : i32
      %parallel_loop3A_668 = arith.constant 8 : i32
      %parallel_loop3A_669 = arith.constant 0 : i32
      %parallel_loop3A_670 = arith.constant 0 : i32
      %parallel_loop3A_671 = arith.index_cast %parallel_loop3A_668 : i32 to index
      %parallel_loop3A_672 = arith.index_cast %parallel_loop3A_669 : i32 to index
      %parallel_loop3A_673 = arith.index_cast %parallel_loop3A_670 : i32 to index
      %parallel_loop3A_674 = arith.index_cast %parallel_loop3A_667 : i32 to index
      %parallel_loop3A_675 = tpu.vector_load %arg7[%parallel_loop3A_671, %parallel_loop3A_672, %parallel_loop3A_673, %parallel_loop3A_674] {strides = array<i32>} : memref<9x1x1x512xf32, #tpu.memory_space<vmem>>, vector<16xf32>,
      %parallel_loop3A_676 = arith.mulf %parallel_loop3A_595, %gather3A_515 : vector<16xf32>
      %parallel_loop3A_677 = arith.mulf %parallel_loop3A_605, %gather3A_518 : vector<16xf32>
      %parallel_loop3A_678 = arith.addf %parallel_loop3A_676, %parallel_loop3A_677 : vector<16xf32>
      %parallel_loop3A_679 = arith.mulf %parallel_loop3A_625, %gather3A_521 : vector<16xf32>
      %parallel_loop3A_680 = arith.addf %parallel_loop3A_678, %parallel_loop3A_679 : vector<16xf32>
      %parallel_loop3A_681 = arith.mulf %parallel_loop3A_635, %gather3A_524 : vector<16xf32>
      %parallel_loop3A_682 = arith.addf %parallel_loop3A_680, %parallel_loop3A_681 : vector<16xf32>
      %parallel_loop3A_683 = arith.mulf %parallel_loop3A_605, %gather3A_515 : vector<16xf32>
      %parallel_loop3A_684 = arith.mulf %parallel_loop3A_615, %gather3A_518 : vector<16xf32>
      %parallel_loop3A_685 = arith.addf %parallel_loop3A_683, %parallel_loop3A_684 : vector<16xf32>
      %parallel_loop3A_686 = arith.mulf %parallel_loop3A_635, %gather3A_521 : vector<16xf32>
      %parallel_loop3A_687 = arith.addf %parallel_loop3A_685, %parallel_loop3A_686 : vector<16xf32>
      %parallel_loop3A_688 = arith.mulf %parallel_loop3A_645, %gather3A_524 : vector<16xf32>
      %parallel_loop3A_689 = arith.addf %parallel_loop3A_687, %parallel_loop3A_688 : vector<16xf32>
      %parallel_loop3A_690 = arith.mulf %parallel_loop3A_625, %gather3A_515 : vector<16xf32>
      %parallel_loop3A_691 = arith.mulf %parallel_loop3A_635, %gather3A_518 : vector<16xf32>
      %parallel_loop3A_692 = arith.addf %parallel_loop3A_690, %parallel_loop3A_691 : vector<16xf32>
      %parallel_loop3A_693 = arith.mulf %parallel_loop3A_655, %gather3A_521 : vector<16xf32>
      %parallel_loop3A_694 = arith.addf %parallel_loop3A_692, %parallel_loop3A_693 : vector<16xf32>
      %parallel_loop3A_695 = arith.mulf %parallel_loop3A_665, %gather3A_524 : vector<16xf32>
      %parallel_loop3A_696 = arith.addf %parallel_loop3A_694, %parallel_loop3A_695 : vector<16xf32>
      %parallel_loop3A_697 = arith.mulf %parallel_loop3A_635, %gather3A_515 : vector<16xf32>
      %parallel_loop3A_698 = arith.mulf %parallel_loop3A_645, %gather3A_518 : vector<16xf32>
      %parallel_loop3A_699 = arith.addf %parallel_loop3A_697, %parallel_loop3A_698 : vector<16xf32>
      %parallel_loop3A_700 = arith.mulf %parallel_loop3A_665, %gather3A_521 : vector<16xf32>
      %parallel_loop3A_701 = arith.addf %parallel_loop3A_699, %parallel_loop3A_700 : vector<16xf32>
      %parallel_loop3A_702 = arith.mulf %parallel_loop3A_675, %gather3A_524 : vector<16xf32>
      %parallel_loop3A_703 = arith.addf %parallel_loop3A_701, %parallel_loop3A_702 : vector<16xf32>
      %parallel_loop3A_704 = arith.maximumf %parallel_loop3A_682, %parallel_loop3A_689 : vector<16xf32>
      %parallel_loop3A_705 = arith.maximumf %parallel_loop3A_696, %parallel_loop3A_703 : vector<16xf32>
      %parallel_loop3A_706 = arith.maximumf %parallel_loop3A_704, %parallel_loop3A_705 : vector<16xf32>
      %parallel_loop3A_707 = arith.addf %parallel_loop3A_706, %gather3A_527 : vector<16xf32>
      %parallel_loop3A_708 = arith.constant 2.000000e-01 : f32
      %parallel_loop3A_709 = vector.broadcast %parallel_loop3A_708 : f32 to vector<16xf32>
      %parallel_loop3A_710 = arith.mulf %parallel_loop3A_709, %parallel_loop3A_707 : vector<16xf32>
      %parallel_loop3A_711 = arith.maximumf %parallel_loop3A_707, %parallel_loop3A_710 : vector<16xf32>
      %parallel_loop3A_712 = arith.addf %parallel_loop3A_711, %parallel_loop3A_635 : vector<16xf32>
      %parallel_loop3A_713 = arith.constant 16 : i32
      %parallel_loop3A_714 = arith.muli %parallel_loop3A_585, %parallel_loop3A_713 : i32
      %parallel_loop3A_715 = arith.constant 0 : i32
      %parallel_loop3A_716 = arith.constant 0 : i32
      %parallel_loop3A_717 = arith.index_cast %parallel_loop3A_715 : i32 to index
      %parallel_loop3A_718 = arith.index_cast %parallel_loop3A_716 : i32 to index
      %parallel_loop3A_719 = arith.index_cast %parallel_loop3A_714 : i32 to index
      %parallel_loop3A_720 = tpu.vector_load %arg8[%parallel_loop3A_717, %parallel_loop3A_718, %parallel_loop3A_719] {strides = array<i32>} : memref<2x1x512xf32, #tpu.memory_space<vmem>>, vector<16xf32>,
      tpu.vector_store %arg8[%parallel_loop3A_717, %parallel_loop3A_718, %parallel_loop3A_719], %parallel_loop3A_712 {strides = array<i32>} : memref<2x1x512xf32, #tpu.memory_space<vmem>>, vector<16xf32>,
    } {sc.loop_unroll_factor = 2 : i64, sc.parallel_access}
    %dma_start3A_543 = arith.constant 0 : i32
    %dma_start3A_544 = arith.constant 0 : i32
    %dma_start3A_545 = arith.constant 0 : i32
    %dma_start3A_546 = tpu.memref_slice %arg8[%dma_start3A_543, %dma_start3A_544, %dma_start3A_545] : memref<2x1x512xf32, #tpu.memory_space<vmem>> -> memref<1x1x512xf32, #tpu.memory_space<vmem>>
    %dma_start3A_547 = arith.constant 6 : i32
    %dma_start3A_548 = arith.constant 14 : i32
    %dma_start3A_549 = tpu.memref_slice %arg5[%dma_start3A_547, %dma_start3A_548, %mul3A_2] : memref<7x15x16384xf32, #tpu.memory_space<hbm>> -> memref<1x1x512xf32, #tpu.memory_space<hbm>>
    %dma_start3A_550 = arith.constant 6 : i32
    %dma_start3A_551 = arith.constant 14 : i32
    %dma_start3A_552 = tpu.memref_slice %arg5[%dma_start3A_550, %dma_start3A_551, %mul3A_2] : memref<7x15x16384xf32, #tpu.memory_space<hbm>> -> memref<1x1x512xf32, #tpu.memory_space<hbm>>
    %dma_start3A_553 = arith.constant 0 : i32
    %dma_start3A_554 = arith.constant 0 : i32
    %dma_start3A_555 = arith.constant 0 : i32
    %dma_start3A_556 = tpu.memref_slice %arg8[%dma_start3A_553, %dma_start3A_554, %dma_start3A_555] : memref<2x1x512xf32, #tpu.memory_space<vmem>> -> memref<1x1x512xf32, #tpu.memory_space<vmem>>
    tpu.enqueue_dma source(%dma_start3A_556 : memref<1x1x512xf32, #tpu.memory_space<vmem>>) target(%dma_start3A_552 : memref<1x1x512xf32, #tpu.memory_space<hbm>>) target_semaphore(%arg13 : memref<!tpu.dma_semaphore, #tpu.memory_space<semaphore_mem>>)
    %dma_wait3A_557 = arith.constant 0 : i32
    %dma_wait3A_558 = arith.constant 0 : i32
    %dma_wait3A_559 = arith.constant 0 : i32
    %dma_wait3A_560 = tpu.memref_slice %arg8[%dma_wait3A_557, %dma_wait3A_558, %dma_wait3A_559] : memref<2x1x512xf32, #tpu.memory_space<vmem>> -> memref<1x1x512xf32, #tpu.memory_space<vmem>>
    %dma_wait3A_561 = arith.constant 0 : i32
    %dma_wait3A_562 = arith.constant 0 : i32
    %dma_wait3A_563 = tpu.memref_slice %arg5[%dma_wait3A_561, %dma_wait3A_562, %mul3A_2] : memref<7x15x16384xf32, #tpu.memory_space<hbm>> -> memref<1x1x512xf32, #tpu.memory_space<hbm>>
    %dma_wait3A_564 = arith.constant 0 : i32
    %dma_wait3A_565 = arith.constant 0 : i32
    %dma_wait3A_566 = tpu.memref_slice %arg5[%dma_wait3A_564, %dma_wait3A_565, %mul3A_2] : memref<7x15x16384xf32, #tpu.memory_space<hbm>> -> memref<1x1x512xf32, #tpu.memory_space<hbm>>
    %dma_wait3A_567 = arith.constant 0 : i32
    %dma_wait3A_568 = arith.constant 0 : i32
    %dma_wait3A_569 = arith.constant 0 : i32
    %dma_wait3A_570 = tpu.memref_slice %arg8[%dma_wait3A_567, %dma_wait3A_568, %dma_wait3A_569] : memref<2x1x512xf32, #tpu.memory_space<vmem>> -> memref<1x1x512xf32, #tpu.memory_space<vmem>>
    tpu.wait_dma2 semaphore(%arg13 : memref<!tpu.dma_semaphore, #tpu.memory_space<semaphore_mem>>) src(%dma_wait3A_570 : memref<1x1x512xf32, #tpu.memory_space<vmem>>) dst(%dma_wait3A_566 : memref<1x1x512xf32, #tpu.memory_space<hbm>>)
    %dma_wait3A_571 = arith.constant 0 : i32
    %dma_wait3A_572 = arith.constant 0 : i32
    %dma_wait3A_573 = arith.constant 0 : i32
    %dma_wait3A_574 = tpu.memref_slice %arg8[%dma_wait3A_571, %dma_wait3A_572, %dma_wait3A_573] : memref<2x1x512xf32, #tpu.memory_space<vmem>> -> memref<1x1x512xf32, #tpu.memory_space<vmem>>
    %dma_wait3A_575 = arith.constant 0 : i32
    %dma_wait3A_576 = arith.constant 0 : i32
    %dma_wait3A_577 = tpu.memref_slice %arg5[%dma_wait3A_575, %dma_wait3A_576, %mul3A_2] : memref<7x15x16384xf32, #tpu.memory_space<hbm>> -> memref<1x1x512xf32, #tpu.memory_space<hbm>>
    %dma_wait3A_578 = arith.constant 0 : i32
    %dma_wait3A_579 = arith.constant 0 : i32
    %dma_wait3A_580 = tpu.memref_slice %arg5[%dma_wait3A_578, %dma_wait3A_579, %mul3A_2] : memref<7x15x16384xf32, #tpu.memory_space<hbm>> -> memref<1x1x512xf32, #tpu.memory_space<hbm>>
    %dma_wait3A_581 = arith.constant 0 : i32
    %dma_wait3A_582 = arith.constant 0 : i32
    %dma_wait3A_583 = arith.constant 0 : i32
    %dma_wait3A_584 = tpu.memref_slice %arg8[%dma_wait3A_581, %dma_wait3A_582, %dma_wait3A_583] : memref<2x1x512xf32, #tpu.memory_space<vmem>> -> memref<1x1x512xf32, #tpu.memory_space<vmem>>
    tpu.wait_dma2 semaphore(%arg13 : memref<!tpu.dma_semaphore, #tpu.memory_space<semaphore_mem>>) src(%dma_wait3A_584 : memref<1x1x512xf32, #tpu.memory_space<vmem>>) dst(%dma_wait3A_580 : memref<1x1x512xf32, #tpu.memory_space<hbm>>)
    return
  }
}

</mosaic_0001>

<sc_bundles>
// kernel: _sc_call.3.cloned.1.call-start
scs
__scs_entry_jumppad:
0x0: {  	(pc) =	sbr.rel $0x88, $3  }
0x1: {  	(tag) =	ssettag $0x0;
	lr =	simm.s32 $0x1  }
0x2: {  	[smem:$0x3F9E] =	sst lr;
	_ =	strace $0xD0000000  }
0x3: {  	_ = 	snop  }
0x4: {  	_ = 	snop  }
0x5: {  	_ = 	snop  }
0x6: {  	_ = 	snop  }
0x7: {  	_ = 	snop  }
__scs_overlays_trampoline_lowered:
0x8: {  	[smem:$0x3FAD] =	sst s0  }
0x9: {  	[smem:$0x3FAE] =	sst s1  }
0xa: {  	[smem:$0x3FAF] =	sst s2  }
0xb: {  	[smem:$0x3FB0] =	sst s3  }
0xc: {  	[smem:$0x3FB1] =	sst s4  }
0xd: {  	[smem:$0x3FB2] =	sst s5  }
0xe: {  	[smem:$0x3FB3] =	sst s6  }
0xf: {  	[smem:$0x3FB4] =	sst s7  }
0x10: {  	[smem:$0x3FB5] =	sst s8  }
0x11: {  	[smem:$0x3FB6] =	sst s9;
	s0 =	simm.s32 @!p0 $0x0  }
0x12: {  	s1 =	sld [smem:$0x3F9C];
	s0 =	simm.s32 @p0 $0x1  }
0x13: {  	[smem:$0x3FB7] =	sst s0;
	s0 =	simm.s32 @!p1 $0x0  }
0x14: {  	s2 =	sld [smem:$0x3F9B];
	s0 =	simm.s32 @p1 $0x1  }
0x15: {  	[smem:$0x3FB8] =	sst s0;
	s0 =	simm.s32 @!p2 $0x0  }
0x16: {  	s3 =	sld [smem:$0x3FDB];
	s0 =	simm.s32 @p2 $0x1  }
0x17: {  	s4 =	simm.s32 $0x1BF5;
	[smem:$0x3FBA] =	sst s0  }
0x18: {  	s0 =	sld [smem:$0x3F9D];
	_ =	swait.ge [sflag:s4], $0x0  }
0x19: {  	s7 =	sld [smem:$0x3F9E]  }
0x1a: {  	s8 =	sadd.s32 $0xFFFFE003, lr  }
0x1b: {  	s9 =	sadd.s32 $0xFFFFFEF7, lr;
	s5 =	simm.s32 $0xFFFFFFFF;
	p2 =	slt.u32 s8, $0xFFFFF086  }
0x1c: {  	p1 =	slt.u32 s9, $0xF7A;
	s5 =	simm.s32 @!p2 $0x0  }
0x1d: {  	s5 =	simm.s32 @p1 $0x1;
	p0 =	seq.s32 s7, s2  }
0x1e: {  	s7 =	smul.u32 @!p0 $0xF7A, s2;
	p2 =	seq.s32 @!p0 s5, $0x0  }
0x1f: {  	s9 =	smul.u32 $0xF7A, s1;
	s8 =	simm.s32 @!p0 $0x1BF5;
	p2 =	por !p2, p0  }
0x20: {  	[sflag:s8] =	ssyncset.s32 @!p0 $0xFFFFF086;
	s6 =	sadd.s32 @!p0 s3, s7;
	s7 =	simm.s32 @!p0 $0x108  }
0x21: {  	s3 =	sadd.s32 s3, s9;
	s6 =	sadd.s32 @!p0 $0x88, s6;
	s7 =	simm.s32 @p2 $0x1082  }
0x22: {  	[simem:s7], [sflag:s8] =	dma.local @!p0 [hbm:s6], $0xF7A  }
0x23: {  	s9 =	sor.u32 $0xD0000000, s2;
	s6 =	simm.s32 $0x108;
	_ =	swait.ge @!p0 [sflag:s8], $0x0  }
0x24: {  	s3 =	sadd.s32 $0x88, s3;
	s6 =	simm.s32 @!p1 $0x1082;
	[sflag:s4] =	ssyncset.s32 $0xFFFFF086  }
0x25: {  	[simem:s6], [sflag:s4] =	dma.local [hbm:s3], $0xF7A  }
0x26: {  	[smem:$0x3F9E] =	sst s1;
	(tag) =	ssettag s2;
	_ =	strace s9  }
0x27: {  	s1 =	sld [smem:$0x3FAE]  }
0x28: {  	s2 =	sld [smem:$0x3FAF]  }
0x29: {  	s4 =	sld [smem:$0x3FB1]  }
0x2a: {  	p0 =	seq.s32 s5, $0x0;
	s5 =	sld [smem:$0x3FB2]  }
0x2b: {  	s6 =	sld [smem:$0x3FB3]  }
0x2c: {  	s7 =	sld [smem:$0x3FB4]  }
0x2d: {  	s3 =	simm.s32 $0x108;
	s8 =	sld [smem:$0x3FB5]  }
0x2e: {  	s3 =	simm.s32 @!p0 $0x1082;
	s9 =	sld [smem:$0x3FB6]  }
0x2f: {  	lr =	sadd.s32 s0, s3;
	s0 =	sld [smem:$0x3FAD]  }
0x30: {  	s3 =	sld [smem:$0x3FB0]  }
0x31: {  	[smem:$0x3FB9] =	sst s10  }
0x32: {  	s10 =	sld [smem:$0x3FB7];
	_ =	sdelay $0x3  }
0x33: {  	p0 =	seq.s32 s10, $0x1;
	s10 =	sld [smem:$0x3FB9];
	_ =	sdelay $0x3  }
0x34: {  	[smem:$0x3FB9] =	sst s10  }
0x35: {  	s10 =	sld [smem:$0x3FB8];
	_ =	sdelay $0x3  }
0x36: {  	p1 =	seq.s32 s10, $0x1;
	s10 =	sld [smem:$0x3FB9];
	_ =	sdelay $0x3  }
0x37: {  	[smem:$0x3FB9] =	sst s10  }
0x38: {  	s10 =	sld [smem:$0x3FBA]  }
0x39: {  	_ = 	snop;
	(pc) =	sbr.ind lr, $3  }
0x3a: {  	_ = 	snop  }
0x3b: {  	_ = 	snop  }
0x3c: {  	p2 =	seq.s32 s10, $0x1;
	s10 =	sld [smem:$0x3FB9]  }
0x3d: {  	_ =	shalt  }
0x3e: {  	_ =	shalt  }
0x3f: {  	_ =	shalt  }
0x40: {  	_ =	shalt  }
0x41: {  	_ =	shalt  }
0x42: {  	_ =	shalt  }
0x43: {  	_ =	shalt  }
0x44: {  	_ =	shalt  }
0x45: {  	_ =	shalt  }
0x46: {  	_ =	shalt  }
0x47: {  	_ =	shalt  }
0x48: {  	_ =	shalt  }
0x49: {  	_ =	shalt  }
0x4a: {  	_ =	shalt  }
0x4b: {  	_ =	shalt  }
0x4c: {  	_ =	shalt  }
0x4d: {  	_ =	shalt  }
0x4e: {  	_ =	shalt  }
0x4f: {  	_ =	shalt  }
0x50: {  	_ =	shalt  }
0x51: {  	_ =	shalt  }
0x52: {  	_ =	shalt  }
0x53: {  	_ =	shalt  }
0x54: {  	_ =	shalt  }
0x55: {  	_ =	shalt  }
0x56: {  	_ =	shalt  }
0x57: {  	_ =	shalt  }
0x58: {  	_ =	shalt  }
0x59: {  	_ =	shalt  }
0x5a: {  	_ =	shalt  }
0x5b: {  	_ =	shalt  }
0x5c: {  	_ =	shalt  }
0x5d: {  	_ =	shalt  }
0x5e: {  	_ =	shalt  }
0x5f: {  	_ =	shalt  }
0x60: {  	_ =	shalt  }
0x61: {  	_ =	shalt  }
0x62: {  	_ =	shalt  }
0x63: {  	_ =	shalt  }
0x64: {  	_ =	shalt  }
0x65: {  	_ =	shalt  }
0x66: {  	_ =	shalt  }
0x67: {  	_ =	shalt  }
0x68: {  	_ =	shalt  }
0x69: {  	_ =	shalt  }
0x6a: {  	_ =	shalt  }
0x6b: {  	_ =	shalt  }
0x6c: {  	_ =	shalt  }
0x6d: {  	_ =	shalt  }
0x6e: {  	_ =	shalt  }
0x6f: {  	_ =	shalt  }
0x70: {  	_ =	shalt  }
0x71: {  	_ =	shalt  }
0x72: {  	_ =	shalt  }
0x73: {  	_ =	shalt  }
0x74: {  	_ =	shalt  }
0x75: {  	_ =	shalt  }
0x76: {  	_ =	shalt  }
0x77: {  	_ =	shalt  }
0x78: {  	_ =	shalt  }
0x79: {  	_ =	shalt  }
0x7a: {  	_ =	shalt  }
0x7b: {  	_ =	shalt  }
0x7c: {  	_ =	shalt  }
0x7d: {  	_ =	shalt  }
0x7e: {  	_ =	shalt  }
0x7f: {  	_ =	shalt  }
0x80: {  	_ =	shalt  }
0x81: {  	_ =	shalt  }
0x82: {  	_ =	shalt  }
0x83: {  	_ =	shalt  }
0x84: {  	_ =	shalt  }
0x85: {  	_ =	shalt  }
0x86: {  	_ =	shalt  }
0x87: {  	_ =	shalt  }
.Lfunc_end0:
.L_simem_size_0:
called_computation_lowered:
.L_overlay_start_0:
0x88: {  	s2 =	sld [smem:$0x3FD9]  }
0x89: {  	s3 =	sld [smem:$0x3FFE];
	_ =	sdelay $0x1  }
0x8a: {  	s1 =	srdreg.scid  }
0x8b: {  	s0 =	sand.u32 $0x1, s1  }
0x8c: {  	s18 =	sshll.u32 s0, $0xA;
	s2 =	sadd.s32 s3, s2  }
0x8d: {  	s2 =	sadd.s32 s2, s18  }
0x8e: {  	[smem:$0x3FC5] =	sst s2  }
0x8f: {  	_ = 	snop  }
0x90: {  	s2 =	sld [smem:$0x3FC9]  }
0x91: {  	s19 =	sld [smem:$0x3FC8]  }
0x92: {  	s4 =	sld [smem:$0x3FC7]  }
0x93: {  	s5 =	sld [smem:$0x3FD0];
	(tm) =	ssettm $0x1  }
0x94: {  	s6 =	sld [smem:$0x3FFB];
	_ =	sdelay $0x3  }
0x95: {  	_ =	strace s6  }
0x96: {  	s6 =	sld [smem:$0x3FFC];
	_ =	sdelay $0x3  }
0x97: {  	_ =	strace s6  }
0x98: {  	s6 =	sld [smem:$0x3FFD];
	_ =	sdelay $0x3  }
0x99: {  	_ =	strace s6  }
0x9a: {  	_ =	strace $0x8FFFFFFF  }
0x9b: {  	s20 =	sld [smem:$0x3FDB];
	_ =	sdelay $0x1  }
0x9c: {  	s7 =	simm.s32 $_scs_section_size  }
0x9d: {  	s8 =	simm.s32 $_size__tile_overlayer_lowered;
	s9 =	simm.s32 $_tile_overlayer_lowered  }
0x9e: {  	s23 =	simm.s32 $0x1BFF;
	s22 =	sshll.u32 s9, $0x1;
	s6 =	sadd.s32 s7, s20  }
0x9f: {  	s10 =	simm.s32 $0x0;
	s21 =	sshll.u32 s8, $0x1;
	s8 =	sadd.s32 s22, s6  }
0xa0: {  	[timem:s10], [sflag:s23] =	dma.local [hbm:s8], s21  }
0xa1: {  	_ =	swait.ge [sflag:s23], s21  }
0xa2: {  	s7 =	ssub.s32 $0x0, s21;
	[sflag:s23] =	ssyncset.done $0x0  }
0xa3: {  	[sflag:s23] =	ssyncadd.s32 s7;
	_ =	sdelay $0x1  }
0xa4: {  	s24 =	simm.s32 $0x1B8B  }
0xa5: {  	_ =	swait.ge [sflag:s24], $0x1  }
0xa6: {  	[sflag:s24] =	ssyncset.done $0x0  }
0xa7: {  	s25 =	simm.s32 $0x1B8E;
	[sflag:s24] =	ssyncadd.s32 $0xFFFFFFFF  }
0xa8: {  	s26 =	simm.s32 $execute0_lowered;
	[smem:$0x3FD2] =	sst s25  }
0xa9: {  	s7 =	sshll.u32 s26, $0x1;
	_ =	strace $0x80000046;
	[dreg:$0x1] =	wrdreg $0xFFFFFFFF  }
0xaa: {  	s28 =	simm.s32 $_size_execute0_lowered;
	s6 =	sadd.s32 s6, s7;
	[dreg:$0x0] =	wrdreg $0x0  }
0xab: {  	s7 =	sshll.u32 s28, $0x1;
	[dreg:$0x2] =	wrdreg s6  }
0xac: {  	[dreg:$0x3] =	wrdreg s7  }
0xad: {  	[dreg:$0x4] =	wrdreg $0xC0  }
0xae: {  	_ =	task [dreg:s10], $0x5FFFF  }
0xaf: {  	[dreg:$0x1] =	wrdreg $0xFFFFFFFF  }
0xb0: {  	[dreg:$0x0] =	wrdreg $0x60  }
0xb1: {  	[dreg:$0x2] =	wrdreg s2  }
0xb2: {  	[dreg:$0x3] =	wrdreg s19  }
0xb3: {  	[dreg:$0x4] =	wrdreg s4  }
0xb4: {  	[dreg:$0x5] =	wrdreg s5  }
0xb5: {  	[dreg:$0x6] =	wrdreg $0x9  }
0xb6: {  	_ =	task.clear_ibuf [dreg:s10], $0x7FFFF;
	_ =	strace $0x90000046  }
0xb7: {  	s29 =	simm.s32 $0x9;
	_ =	strace $0x80000048  }
0xb8: {  	_ =	swait.ge [sflag:s29], $0x1  }
0xb9: {  	[sflag:s29] =	ssyncadd.s32 $0xFFFFFFFF  }
0xba: {  	_ =	strace $0x90000048  }
0xbb: {  	_ =	sfence  }
0xbc: {  	s30 =	sld [smem:$0x0];
	_ =	sdelay $0x2  }
0xbd: {  	s31 =	sshll.u32 s1, $0xD;
	s1 =	sshrl.u32 s1, $0x2  }
0xbe: {  	s3 =	sand.u32 $0x4000, s31;
	s1 =	sadd.s32 s1, s30  }
0xbf: {  	s0 =	sor.u32 s3, s0;
	s1 =	sshll.u32 s1, $0x11  }
0xc0: {  	s0 =	sor.u32 s1, s0  }
0xc1: {  	s0 =	sadd.s32 $0x8F2B, s0  }
0xc2: {  	[sflag:s0] =	ssyncadd.remote.s32 $0x1  }
0xc3: {  	_ =	sfence.sel $0xFFFF  }
0xc4: {  	[dreg:$0x0] =	wrdreg $0xFFFFFFFF;
	(pc) =	sbr.abs _section_cstart, $3  }
0xc5: {  	[dreg:$0x1] =	wrdreg $0xFFFFFFFF  }
0xc6: {  	_ =	task.clear_ibuf [dreg:s10], $0x2FFFF;
	_ =	strace $0x9FFFFFFF  }
0xc7: {  	(tm) =	ssettm $0x7FFFFFFF  }
tec
execute0_lowered:
.L_overlay_start_1:
0x0: {  	(tag) =	ssettag $0x1  }
0x1: {  	vm0 =	vcmask $0x704;
	v0 =	vimm.s32 $0x0;
	vm9 =	vcmask $0xB08  }
0x2: {  	vm10 =	vcmask $0xF0C;
	vm11 =	vcmask $0x1310;
	v1 =	vimm.s32 $0x54521410  }
0x3: {  	vm12 =	vcmask $0x1714;
	vm13 =	vcmask $0x1B18;
	vm14 =	vcmask $0x1F1C  }
0x4: {  	vm15 =	vcmask $0x2320;
	v2 =	vimm.s32 $0x58125014;
	vm1 =	vcmask $0x1F00  }
0x5: {  	v3 =	vimm.s32 $0x21410521;
	v5 =	vlaneseq.u32;
	vm2 =	vcmask $0x2300  }
0x6: {  	v7 =	vimm.s32 $0x12101212;
	v8 =	vimm.s32 $0x14125458;
	v9 =	vimm.s32 $0x1212545  }
0x7: {  	v10 =	vimm.s32 $0x45212101;
	v12 =	vimm.s32 $0x1A1;
	v13 =	vimm.s32 $0x1A2  }
0x8: {  	v14 =	vimm.s32 $0x1A3;
	v15 =	vimm.s32 $0x68;
	v0 =	vsel vm0, $0x80, v0  }
0x9: {  	v1 =	vunpack.c.l.s4.s8 v1;
	v2 =	vunpack.c.l.s4.s8 v2;
	v3 =	vunpack.c.l.s4.s8 v3  }
0xa: {  	v8 =	vunpack.c.l.s4.s8 v8;
	v9 =	vunpack.c.l.s4.s8 v9;
	v0 =	vsel vm9, $0x100, v0  }
0xb: {  	v10 =	vunpack.c.l.s4.s8 v10;
	v0 =	vsel vm10, $0x180, v0;
	v1 =	vunpack.c.0.s8.s32 v1  }
0xc: {  	v4 =	vunpack.c.0.s8.s32 v2;
	v2 =	vimm.s32 $0x25014125;
	v3 =	vunpack.c.0.s8.s32 v3  }
0xd: {  	v8 =	vunpack.c.0.s8.s32 v8;
	v9 =	vunpack.c.0.s8.s32 v9;
	v10 =	vunpack.c.0.s8.s32 v10  }
0xe: {  	v0 =	vsel vm11, $0x200, v0;
	v6 =	vunpack.c.l.s4.s8 v2;
	v2 =	vor.u32 $0x80000000, v5  }
0xf: {  	v0 =	vsel vm12, $0x280, v0;
	v1 =	vand.u32 $0xF, v1;
	v4 =	vand.u32 $0xF, v4  }
0x10: {  	s1 =	srdreg.scid;
	s0 =	stileid.u32;
	v5 =	vnsel vm1, $0x3B9ACA00, v3;
	v8 =	vand.u32 $0xF, v8;
	v9 =	vnsel vm1, $0x3B9ACA00, v9  }
0x11: {  	s30 =	rddreg [dreg:$0x3];
	s25 =	simm.s32 $0x0;
	s1 =	sand.u32 $0x1, s1;
	v10 =	vnsel vm1, $0x3B9ACA00, v10;
	v0 =	vsel vm13, $0x300, v0;
	v3 =	vnsel vm2, $0x3B9ACA00, v4  }
0x12: {  	s17 =	simm.s32 $0x3;
	s2 =	sshll.u32 s0, $0xD;
	s3 =	sshll.u32 s1, $0xC;
	v4 =	vsel vm15, $0x5, v5;
	v5 =	vunpack.c.l.s4.s8 v7;
	v7 =	vimm.s32 $0x10521854  }
0x13: {  	[smem:$0x7FF] =	sst s25;
	s1 =	ssub.s32 $0x2, s1;
	s4 =	sor.u32 s3, s2;
	v1 =	vnsel vm1, $0x3B9ACA00, v1;
	v6 =	vunpack.c.0.s8.s32 v6;
	v7 =	vunpack.c.l.s4.s8 v7  }
0x14: {  	_ =	strace $0x80000047;
	s26 =	sshrl.u32 s1, $0x1;
	s2 =	sshrl.u32 s4, $0x3;
	v11 =	vnsel vm1, $0x3B9ACA00, v8;
	v8 =	vsel vm15, $0x1, v9;
	v10 =	vsel vm15, $0x5, v10  }
0x15: {  	s1 =	ssub.s32 s1, s26;
	[dreg:$0x5] =	wrdreg s4;
	s28 =	sor.u32 $0x1A0000, s4;
	v0 =	vsel vm14, $0x380, v0;
	v1 =	vsel vm15, $0x8, v1;
	v7 =	vunpack.c.0.s8.s32 v7  }
0x16: {  	s2 =	sadd.s32 s2, s30;
	[dreg:$0x6] =	wrdreg s28;
	s31 =	smax.u32 s1, $0x1;
	v9 =	vsel vm15, $0x0, v11;
	v11 =	vimm.s32 $0x1A0;
	v5 =	vunpack.c.0.s8.s32 v5  }
0x17: {  	s15 =	simm.s32 $0x13600;
	s29 =	sadd.s32 $0x34060, s2;
	[dreg:$0x8] =	wrdreg s31;
	v0 =	vsel vm15, $0x400, v0;
	v6 =	vnsel vm1, $0x3B9ACA00, v6;
	v7 =	vand.u32 $0xF, v7  }
0x18: {  	s25 =	simm.s32 $0x80;
	s2 =	simm.s32 $0x0;
	[dreg:$0x7] =	wrdreg s29;
	v6 =	vsel vm15, $0x1, v6;
	v5 =	vnsel vm2, $0x3B9ACA00, v5;
	v7 =	vnsel vm2, $0x3B9ACA00, v7  }
.LBB2_1:
0x19: {  	[dreg:$0x9] =	wrdreg s2  }
0x1a: {  	s0 =	rddreg [dreg:$0x0];
	s1 =	simm.s32 $0x1C0000;
	s10 =	simm.s32 $0x13880  }
0x1b: {  	[tilespmem:s10], [sflag:$0x3] =	stream.strided.gather [hbm4b:s0+s25], $0x480, s1, s25, $0x38;
	[tilespmem:$0x13D00] =	vst v63  }
0x1c: {  	_ =	swait.ge [sflag:s17], $0x480  }
0x1d: {  	[sflag:s17] =	ssyncset.done $0x0  }
0x1e: {  	[sflag:s17] =	ssyncadd.s32 $0xFFFFFB80  }
0x1f: {  	v16 =	vld.idx.msk [tilespmem:v0+s10+$0x0], $0xffff;
	_ =	sdelay $0x4  }
0x20: {  	vm0 =	veq.f32 v16, $0.0e+00  }
0x21: {  	v16 =	vsel vm0, $0x3B9ACA00, v1  }
0x22: {  	v17 =	vor.u32 $0x80000000, v16  }
0x23: {  	(xrf0) =	vmin.scan.msk.u32 $0xffff, v17;
	_ =	sdelay $0x5  }
0x24: {  	v17, _, _ =	vpop (xrf0)  }
0x25: {  	(v2sf) =	vpush v17, $0xF;
	_ =	sdelay $0xe  }
0x26: {  	s11 =	spop (v2sf)  }
0x27: {  	s1 =	sxor.u32 $0x80000000, s11  }
0x28: {  	vm1 =	veq.s32 v16, s1  }
0x29: {  	v17 =	vsel vm0, $0x3B9ACA00, v3;
	v16 =	vnsel vm1, $0x80000010, v2  }
0x2a: {  	(xrf0) =	vmin.scan.msk.u32 $0xffff, v16;
	v16 =	vor.u32 $0x80000000, v17  }
0x2b: {  	(xrf0) =	vmin.scan.msk.u32 $0xffff, v16;
	_ =	sdelay $0x4  }
0x2c: {  	v16, _, _ =	vpop (xrf0)  }
0x2d: {  	(v2sf) =	vpush v16, $0xF;
	v16, _, _ =	vpop (xrf0)  }
0x2e: {  	(v2sf) =	vpush v16, $0xF;
	_ =	sdelay $0xd  }
0x2f: {  	s12 =	spop (v2sf)  }
0x30: {  	s13 =	spop (v2sf)  }
0x31: {  	s2 =	sxor.u32 $0x80000000, s13  }
0x32: {  	vm9 =	veq.s32 v17, s2  }
0x33: {  	v17 =	vsel vm0, $0x3B9ACA00, v4;
	v16 =	vnsel vm9, $0x80000010, v2  }
0x34: {  	(xrf0) =	vmin.scan.msk.u32 $0xffff, v16;
	v16 =	vor.u32 $0x80000000, v17  }
0x35: {  	(xrf0) =	vmin.scan.msk.u32 $0xffff, v16;
	_ =	sdelay $0x4  }
0x36: {  	v16, _, _ =	vpop (xrf0)  }
0x37: {  	(v2sf) =	vpush v16, $0xF;
	v16, _, _ =	vpop (xrf0)  }
0x38: {  	(v2sf) =	vpush v16, $0xF;
	_ =	sdelay $0xd  }
0x39: {  	s14 =	spop (v2sf)  }
0x3a: {  	s3 =	spop (v2sf)  }
0x3b: {  	s3 =	sxor.u32 $0x80000000, s3  }
0x3c: {  	vm10 =	veq.s32 v17, s3  }
0x3d: {  	v17 =	vsel vm0, $0x3B9ACA00, v5;
	v16 =	vnsel vm10, $0x80000010, v2  }
0x3e: {  	(xrf0) =	vmin.scan.msk.u32 $0xffff, v16;
	v16 =	vor.u32 $0x80000000, v17  }
0x3f: {  	(xrf0) =	vmin.scan.msk.u32 $0xffff, v16;
	_ =	sdelay $0x4  }
0x40: {  	v16, _, _ =	vpop (xrf0)  }
0x41: {  	(v2sf) =	vpush v16, $0xF;
	v16, _, _ =	vpop (xrf0)  }
0x42: {  	(v2sf) =	vpush v16, $0xF;
	_ =	sdelay $0xd  }
0x43: {  	s16 =	spop (v2sf)  }
0x44: {  	s4 =	spop (v2sf)  }
0x45: {  	s4 =	sxor.u32 $0x80000000, s4  }
0x46: {  	vm11 =	veq.s32 v17, s4  }
0x47: {  	v17 =	vsel vm0, $0x3B9ACA00, v6;
	v16 =	vnsel vm11, $0x80000010, v2  }
0x48: {  	(xrf0) =	vmin.scan.msk.u32 $0xffff, v16;
	v16 =	vor.u32 $0x80000000, v17  }
0x49: {  	(xrf0) =	vmin.scan.msk.u32 $0xffff, v16;
	_ =	sdelay $0x4  }
0x4a: {  	v16, _, _ =	vpop (xrf0)  }
0x4b: {  	(v2sf) =	vpush v16, $0xF;
	v16, _, _ =	vpop (xrf0)  }
0x4c: {  	(v2sf) =	vpush v16, $0xF;
	_ =	sdelay $0xd  }
0x4d: {  	s18 =	spop (v2sf)  }
0x4e: {  	s5 =	spop (v2sf)  }
0x4f: {  	s5 =	sxor.u32 $0x80000000, s5  }
0x50: {  	vm12 =	veq.s32 v17, s5  }
0x51: {  	v17 =	vsel vm0, $0x3B9ACA00, v7;
	v16 =	vnsel vm12, $0x80000010, v2  }
0x52: {  	(xrf0) =	vmin.scan.msk.u32 $0xffff, v16;
	v16 =	vor.u32 $0x80000000, v17  }
0x53: {  	(xrf0) =	vmin.scan.msk.u32 $0xffff, v16;
	_ =	sdelay $0x4  }
0x54: {  	v16, _, _ =	vpop (xrf0)  }
0x55: {  	(v2sf) =	vpush v16, $0xF;
	v16, _, _ =	vpop (xrf0)  }
0x56: {  	(v2sf) =	vpush v16, $0xF;
	_ =	sdelay $0xd  }
0x57: {  	s19 =	spop (v2sf)  }
0x58: {  	s6 =	spop (v2sf)  }
0x59: {  	s6 =	sxor.u32 $0x80000000, s6  }
0x5a: {  	vm13 =	veq.s32 v17, s6  }
0x5b: {  	v17 =	vsel vm0, $0x3B9ACA00, v8;
	v16 =	vnsel vm13, $0x80000010, v2  }
0x5c: {  	(xrf0) =	vmin.scan.msk.u32 $0xffff, v16;
	v16 =	vor.u32 $0x80000000, v17  }
0x5d: {  	(xrf0) =	vmin.scan.msk.u32 $0xffff, v16;
	_ =	sdelay $0x4  }
0x5e: {  	v16, _, _ =	vpop (xrf0)  }
0x5f: {  	(v2sf) =	vpush v16, $0xF;
	v16, _, _ =	vpop (xrf0)  }
0x60: {  	(v2sf) =	vpush v16, $0xF;
	_ =	sdelay $0xd  }
0x61: {  	s20 =	spop (v2sf)  }
0x62: {  	s8 =	spop (v2sf)  }
0x63: {  	s8 =	sxor.u32 $0x80000000, s8  }
0x64: {  	vm14 =	veq.s32 v17, s8  }
0x65: {  	v17 =	vsel vm0, $0x3B9ACA00, v9;
	v16 =	vnsel vm14, $0x80000010, v2  }
0x66: {  	(xrf0) =	vmin.scan.msk.u32 $0xffff, v16;
	v16 =	vor.u32 $0x80000000, v17  }
0x67: {  	(xrf0) =	vmin.scan.msk.u32 $0xffff, v16;
	_ =	sdelay $0x4  }
0x68: {  	v16, _, _ =	vpop (xrf0)  }
0x69: {  	(v2sf) =	vpush v16, $0xF;
	v16, _, _ =	vpop (xrf0)  }
0x6a: {  	(v2sf) =	vpush v16, $0xF;
	_ =	sdelay $0xd  }
0x6b: {  	s8 =	spop (v2sf)  }
0x6c: {  	s9 =	spop (v2sf)  }
0x6d: {  	s9 =	sxor.u32 $0x80000000, s9  }
0x6e: {  	vm15 =	veq.s32 v17, s9  }
0x6f: {  	v16 =	vnsel vm15, $0x80000010, v2  }
0x70: {  	(xrf0) =	vmin.scan.msk.u32 $0xffff, v16;
	_ =	sdelay $0x5  }
0x71: {  	v16, _, _ =	vpop (xrf0)  }
0x72: {  	(v2sf) =	vpush v16, $0xF;
	_ =	sdelay $0xc  }
0x73: {  	s7 =	rddreg [dreg:$0x1];
	s11 =	simm.s32 $0x0  }
0x74: {  	[tilespmem:s15], [sflag:$0x3] =	stream.linear.gather [hbm4b:s7+s11], $0x200, $0x38;
	[tilespmem:$0x13D00] =	vst v63  }
0x75: {  	s9 =	spop (v2sf)  }
0x76: {  	_ =	swait.ge [sflag:s17], $0x200  }
0x77: {  	[sflag:s17] =	ssyncset.done $0x0  }
0x78: {  	[sflag:s17] =	ssyncadd.s32 $0xFFFFFE00  }
0x79: {  	s10 =	simm.s32 $0x13800;
	s21 =	rddreg [dreg:$0x2]  }
0x7a: {  	v16 =	vsel vm0, $0x3B9ACA00, v10;
	[tilespmem:s10], [sflag:$0x3] =	stream.linear.gather [hbm4b:s21+s11], $0x80, $0x38;
	[tilespmem:$0x13D00] =	vst v63  }
0x7b: {  	v17 =	vor.u32 $0x80000000, v16;
	_ =	swait.ge [sflag:s17], $0x80  }
0x7c: {  	(xrf0) =	vmin.scan.msk.u32 $0xffff, v17;
	_ =	sdelay $0x5  }
0x7d: {  	v17, _, _ =	vpop (xrf0)  }
0x7e: {  	(v2sf) =	vpush v17, $0xF;
	_ =	sdelay $0xe  }
0x7f: {  	s22 =	spop (v2sf)  }
0x80: {  	s10 =	sxor.u32 $0x80000000, s22  }
0x81: {  	vm0 =	veq.s32 v16, s10  }
0x82: {  	v16 =	vnsel vm0, $0x80000010, v2  }
0x83: {  	(xrf0) =	vmin.scan.msk.u32 $0xffff, v16;
	_ =	sdelay $0x5  }
0x84: {  	v16, _, _ =	vpop (xrf0)  }
0x85: {  	(v2sf) =	vpush v16, $0xF;
	_ =	sdelay $0x9  }
0x86: {  	s1 =	smul.u32 $0x1C0000, s12  }
0x87: {  	s28 =	simm.s32 $0x1000  }
0x88: {  	s31 =	simm.s32 $0x2000;
	s26 =	smul.u32 $0x1C0000, s14;
	[dreg:$0x11] =	wrdreg s1  }
0x89: {  	s13 =	simm.s32 $0x3000;
	s3 =	smul.u32 $0x1C0000, s16;
	s7 =	rddreg [dreg:$0x5]  }
0x8a: {  	s12 =	smul.u32 $0x1C0000, s18;
	[dreg:$0x10] =	wrdreg s26;
	s23 =	sor.u32 s7, s1  }
0x8b: {  	[sflag:s17] =	ssyncset.done $0x0;
	s10 =	sshrl.u32 s23, $0x3;
	s24 =	spop (v2sf)  }
0x8c: {  	[sflag:s17] =	ssyncadd.s32 $0xFFFFFF80;
	s10 =	sadd.s32 s0, s10;
	s1 =	smul.u32 $0x1C0000, s24  }
0x8d: {  	[tilespmem:s11], [sflag:$0x1] =	stream.linear.gather [hbm4b:s10+s11], $0x1000, $0x38;
	[tilespmem:$0x13D00] =	vst v63  }
0x8e: {  	s16 =	smul.u32 $0x1C0000, s19;
	[dreg:$0x12] =	wrdreg s1;
	s1 =	sor.u32 s7, s1  }
0x8f: {  	s19 =	smul.u32 $0x1C0000, s20;
	[dreg:$0x14] =	wrdreg s1;
	s1 =	sshrl.u32 s1, $0x3  }
0x90: {  	[dreg:$0xf] =	wrdreg s3;
	s29 =	sor.u32 s7, s26;
	s1 =	sadd.s32 s0, s1  }
0x91: {  	[tilespmem:s28], [sflag:$0x1] =	stream.linear.gather [hbm4b:s1+s11], $0x1000, $0x38;
	[tilespmem:$0x13D00] =	vst v63  }
0x92: {  	s20 =	simm.s32 $0x5000;
	[dreg:$0xe] =	wrdreg s12;
	s1 =	sshrl.u32 s29, $0x3  }
0x93: {  	[dreg:$0xd] =	wrdreg s16;
	s10 =	sor.u32 s7, s3;
	s1 =	sadd.s32 s0, s1  }
0x94: {  	[tilespmem:s31], [sflag:$0x1] =	stream.linear.gather [hbm4b:s1+s11], $0x1000, $0x38;
	[tilespmem:$0x13D00] =	vst v63  }
0x95: {  	[dreg:$0xc] =	wrdreg s19;
	s14 =	sor.u32 s7, s12;
	s1 =	sshrl.u32 s10, $0x3  }
0x96: {  	s17 =	simm.s32 $0x4000;
	[dreg:$0x13] =	wrdreg s23;
	s1 =	sadd.s32 s0, s1  }
0x97: {  	[tilespmem:s13], [sflag:$0x1] =	stream.linear.gather [hbm4b:s1+s11], $0x1000, $0x38;
	[tilespmem:$0x13D00] =	vst v63  }
0x98: {  	s18 =	sor.u32 s7, s16;
	[dreg:$0x15] =	wrdreg s29;
	s1 =	sshrl.u32 s14, $0x3  }
0x99: {  	s21 =	sor.u32 s7, s19;
	[dreg:$0x17] =	wrdreg s14;
	s1 =	sadd.s32 s0, s1  }
0x9a: {  	[tilespmem:s17], [sflag:$0x1] =	stream.linear.gather [hbm4b:s1+s11], $0x1000, $0x38;
	[tilespmem:$0x13D00] =	vst v63  }
0x9b: {  	s26 =	smul.u32 $0x1C0000, s9;
	[dreg:$0x18] =	wrdreg s18;
	s1 =	sshrl.u32 s18, $0x3  }
0x9c: {  	[dreg:$0x19] =	wrdreg s21;
	s22 =	smul.u32 $0x1C0000, s8;
	s1 =	sadd.s32 s0, s1  }
0x9d: {  	[tilespmem:s20], [sflag:$0x1] =	stream.linear.gather [hbm4b:s1+s11], $0x1000, $0x38;
	[tilespmem:$0x13D00] =	vst v63  }
0x9e: {  	[dreg:$0xa] =	wrdreg s26;
	s23 =	simm.s32 $0x6000;
	s1 =	sshrl.u32 s21, $0x3  }
0x9f: {  	[dreg:$0xb] =	wrdreg s22;
	s24 =	sor.u32 s7, s22;
	s1 =	sadd.s32 s0, s1  }
0xa0: {  	[tilespmem:s23], [sflag:$0x1] =	stream.linear.gather [hbm4b:s1+s11], $0x1000, $0x38;
	[tilespmem:$0x13D00] =	vst v63  }
0xa1: {  	[dreg:$0x16] =	wrdreg s10;
	s1 =	sshrl.u32 s24, $0x3  }
0xa2: {  	s28 =	simm.s32 $0x7000;
	s29 =	sor.u32 s7, s26;
	s1 =	sadd.s32 s0, s1  }
0xa3: {  	[tilespmem:s28], [sflag:$0x1] =	stream.linear.gather [hbm4b:s1+s11], $0x1000, $0x38;
	[tilespmem:$0x13D00] =	vst v63  }
0xa4: {  	s22 =	simm.s32 $0x0;
	[dreg:$0x1a] =	wrdreg s24;
	s1 =	sshrl.u32 s29, $0x3  }
0xa5: {  	[dreg:$0x1b] =	wrdreg s29;
	s31 =	simm.s32 $0x8000;
	s1 =	sadd.s32 s0, s1  }
0xa6: {  	[tilespmem:s31], [sflag:$0x1] =	stream.linear.gather [hbm4b:s1+s11], $0x1000, $0x38;
	[tilespmem:$0x13D00] =	vst v63  }
.LBB2_2:
0xa7: {  	s0 =	simm.s32 $0x1  }
0xa8: {  	_ =	swait.ge [sflag:s0], $0x1000  }
0xa9: {  	[sflag:s0] =	ssyncset.done $0x0  }
0xaa: {  	[sflag:s0] =	ssyncadd.s32 $0xFFFFF000  }
0xab: {  	_ =	swait.ge [sflag:s0], $0x1000  }
0xac: {  	[sflag:s0] =	ssyncset.done $0x0  }
0xad: {  	[sflag:s0] =	ssyncadd.s32 $0xFFFFF000  }
0xae: {  	_ =	swait.ge [sflag:s0], $0x1000  }
0xaf: {  	[sflag:s0] =	ssyncset.done $0x0  }
0xb0: {  	[sflag:s0] =	ssyncadd.s32 $0xFFFFF000  }
0xb1: {  	_ =	swait.ge [sflag:s0], $0x1000  }
0xb2: {  	[sflag:s0] =	ssyncset.done $0x0  }
0xb3: {  	[sflag:s0] =	ssyncadd.s32 $0xFFFFF000  }
0xb4: {  	_ =	swait.ge [sflag:s0], $0x1000  }
0xb5: {  	[sflag:s0] =	ssyncset.done $0x0  }
0xb6: {  	[sflag:s0] =	ssyncadd.s32 $0xFFFFF000  }
0xb7: {  	_ =	swait.ge [sflag:s0], $0x1000  }
0xb8: {  	[sflag:s0] =	ssyncset.done $0x0  }
0xb9: {  	[sflag:s0] =	ssyncadd.s32 $0xFFFFF000  }
0xba: {  	_ =	swait.ge [sflag:s0], $0x1000  }
0xbb: {  	[sflag:s0] =	ssyncset.done $0x0  }
0xbc: {  	[sflag:s0] =	ssyncadd.s32 $0xFFFFF000  }
0xbd: {  	_ =	swait.ge [sflag:s0], $0x1000  }
0xbe: {  	[sflag:s0] =	ssyncset.done $0x0  }
0xbf: {  	p0 =	seq.s32 s22, $0xC;
	s1 =	sand.u32 $0x1, s22;
	[sflag:s0] =	ssyncadd.s32 $0xFFFFF000  }
0xc0: {  	s2 =	sshll.u32 @!p0 s22, $0x11;
	s3 =	sxor.u32 @!p0 $0x1, s1;
	_ =	swait.ge [sflag:s0], $0x1000  }
0xc1: {  	s2 =	sadd.s32 @!p0 $0x20000, s2;
	[sflag:s0] =	ssyncset.done $0x0;
	s4 =	rddreg [dreg:$0x13]  }
0xc2: {  	s3 =	smul.u32 @!p0 $0x24000, s3;
	s4 =	sadd.s32 @!p0 s4, s2;
	[sflag:s0] =	ssyncadd.s32 $0xFFFFF000  }
0xc3: {  	s4 =	sshrl.u32 @!p0 s4, $0x3;
	s0 =	rddreg [dreg:$0x0]  }
0xc4: {  	s5 =	simm.s32 @!p0 $0x0;
	s3 =	sshrl.u32 @!p0 s3, $0x2;
	s4 =	sadd.s32 @!p0 s0, s4  }
0xc5: {  	[tilespmem:s3], [sflag:$0x1] =	stream.linear.gather @!p0 [hbm4b:s4+s5], $0x1000, $0x38;
	[tilespmem:$0x13D00] =	vst v63  }
0xc6: {  	s4 =	rddreg [dreg:$0x14]  }
0xc7: {  	s4 =	sadd.s32 @!p0 s4, s2  }
0xc8: {  	s4 =	sshrl.u32 @!p0 s4, $0x3  }
0xc9: {  	s6 =	sadd.s32 @!p0 $0x1000, s3;
	s4 =	sadd.s32 @!p0 s0, s4  }
0xca: {  	[tilespmem:s6], [sflag:$0x1] =	stream.linear.gather @!p0 [hbm4b:s4+s5], $0x1000, $0x38;
	[tilespmem:$0x13D00] =	vst v63  }
0xcb: {  	s4 =	rddreg [dreg:$0x15]  }
0xcc: {  	s4 =	sadd.s32 @!p0 s4, s2  }
0xcd: {  	s4 =	sshrl.u32 @!p0 s4, $0x3  }
0xce: {  	s6 =	sadd.s32 @!p0 $0x2000, s3;
	s4 =	sadd.s32 @!p0 s0, s4  }
0xcf: {  	[tilespmem:s6], [sflag:$0x1] =	stream.linear.gather @!p0 [hbm4b:s4+s5], $0x1000, $0x38;
	[tilespmem:$0x13D00] =	vst v63  }
0xd0: {  	s4 =	rddreg [dreg:$0x16]  }
0xd1: {  	s4 =	sadd.s32 @!p0 s4, s2  }
0xd2: {  	s4 =	sshrl.u32 @!p0 s4, $0x3  }
0xd3: {  	s6 =	sadd.s32 @!p0 $0x3000, s3;
	s4 =	sadd.s32 @!p0 s0, s4  }
0xd4: {  	[tilespmem:s6], [sflag:$0x1] =	stream.linear.gather @!p0 [hbm4b:s4+s5], $0x1000, $0x38;
	[tilespmem:$0x13D00] =	vst v63  }
0xd5: {  	s4 =	rddreg [dreg:$0x17]  }
0xd6: {  	s4 =	sadd.s32 @!p0 s4, s2  }
0xd7: {  	s4 =	sshrl.u32 @!p0 s4, $0x3  }
0xd8: {  	s6 =	sadd.s32 @!p0 $0x4000, s3;
	s4 =	sadd.s32 @!p0 s0, s4  }
0xd9: {  	[tilespmem:s6], [sflag:$0x1] =	stream.linear.gather @!p0 [hbm4b:s4+s5], $0x1000, $0x38;
	[tilespmem:$0x13D00] =	vst v63  }
0xda: {  	s4 =	rddreg [dreg:$0x18]  }
0xdb: {  	s4 =	sadd.s32 @!p0 s4, s2  }
0xdc: {  	s4 =	sshrl.u32 @!p0 s4, $0x3  }
0xdd: {  	s6 =	sadd.s32 @!p0 $0x5000, s3;
	s4 =	sadd.s32 @!p0 s0, s4  }
0xde: {  	[tilespmem:s6], [sflag:$0x1] =	stream.linear.gather @!p0 [hbm4b:s4+s5], $0x1000, $0x38;
	[tilespmem:$0x13D00] =	vst v63  }
0xdf: {  	s4 =	rddreg [dreg:$0x19]  }
0xe0: {  	s4 =	sadd.s32 @!p0 s4, s2  }
0xe1: {  	s4 =	sshrl.u32 @!p0 s4, $0x3  }
0xe2: {  	s6 =	sadd.s32 @!p0 $0x6000, s3;
	s4 =	sadd.s32 @!p0 s0, s4  }
0xe3: {  	[tilespmem:s6], [sflag:$0x1] =	stream.linear.gather @!p0 [hbm4b:s4+s5], $0x1000, $0x38;
	[tilespmem:$0x13D00] =	vst v63  }
0xe4: {  	s4 =	rddreg [dreg:$0x1a]  }
0xe5: {  	s24 =	sshll.u32 s22, $0x5;
	s4 =	sadd.s32 @!p0 s4, s2  }
0xe6: {  	s26 =	sor.u32 $0x1, s24;
	s4 =	sshrl.u32 @!p0 s4, $0x3  }
0xe7: {  	v16 =	vmov s24;
	s28 =	sor.u32 $0x2, s24;
	s6 =	sadd.s32 @!p0 $0x7000, s3;
	s4 =	sadd.s32 @!p0 s0, s4  }
0xe8: {  	v16 =	vbroadcast v16, $0x0;
	v17 =	vmov s26;
	[tilespmem:s6], [sflag:$0x1] =	stream.linear.gather @!p0 [hbm4b:s4+s5], $0x1000, $0x38;
	[tilespmem:$0x13D00] =	vst v63  }
0xe9: {  	v18 =	vmov s28;
	v17 =	vbroadcast v17, $0x0;
	s4 =	sor.u32 $0x3, s24;
	s6 =	rddreg [dreg:$0x1b]  }
0xea: {  	s14 =	sshll.u32 s22, $0x3;
	v18 =	vbroadcast v18, $0x0;
	s2 =	sadd.s32 @!p0 s6, s2;
	v19 =	vmov s4  }
0xeb: {  	s2 =	sshrl.u32 @!p0 s2, $0x3;
	v21 =	vbroadcast v19, $0x0;
	v19 =	vmov s14  }
0xec: {  	s3 =	sadd.s32 @!p0 $0x8000, s3;
	s2 =	sadd.s32 @!p0 s0, s2;
	v22 =	vbroadcast v19, $0x0  }
0xed: {  	[tilespmem:s3], [sflag:$0x1] =	stream.linear.gather @!p0 [hbm4b:s2+s5], $0x1000, $0x38;
	[tilespmem:$0x13D00] =	vst v63  }
0xee: {  	v20 =	vld.idx.msk [tilespmem:v16+s15+$0x0], $0xffff  }
0xef: {  	s12 =	simm.s32 $0x0;
	s1 =	smul.u32 $0x24000, s1;
	v19 =	vld.idx.msk [tilespmem:v17+s15+$0x0], $0xffff  }
0xf0: {  	s29 =	simm.s32 $0x13800;
	s9 =	sand.u32 $0x60, s12;
	p0 =	seq.s32 s22, $0x0;
	v18 =	vld.idx.msk [tilespmem:v18+s15+$0x0], $0xffff  }
0xf1: {  	s18 =	sor.u32 $0x10, s9;
	s23 =	sshrl.u32 s1, $0x2;
	s2 =	simm.s32 @!p0 $0x2;
	v17 =	vld.idx.msk [tilespmem:v21+s15+$0x0], $0xffff  }
0xf2: {  	s31 =	sadd.s32 $0x5000, s23;
	s3 =	sand.u32 $0xC00, s12;
	v16 =	vld.idx.msk [tilespmem:v22+s29+$0x0], $0xffff;
	_ =	swait.ge @!p0 [sflag:s2], $0x200  }
0xf3: {  	s24 =	sadd.s32 $0x4000, s23;
	s0 =	sadd.s32 s3, s23;
	[sflag:s2] =	ssyncset.done @!p0 $0x0  }
0xf4: {  	s10 =	sadd.s32 s3, s24;
	s7 =	sadd.s32 s18, s0;
	[sflag:s2] =	ssyncadd.s32 @!p0 $0xFFFFFE00  }
0xf5: {  	s1 =	sadd.s32 $0x2000, s23;
	s13 =	sadd.s32 s3, s31;
	s8 =	sadd.s32 s18, s10;
	v21 =	vld [tilespmem:s7+$0x0]  }
0xf6: {  	s20 =	sadd.s32 s3, s1;
	s11 =	sadd.s32 s18, s13;
	v22 =	vld [tilespmem:s8+$0x0]  }
0xf7: {  	s21 =	sadd.s32 s18, s20;
	v23 =	vld [tilespmem:s11+$0x0]  }
0xf8: {  	s5 =	sadd.s32 s9, s0;
	s2 =	sadd.s32 $0x1000, s23;
	v26 =	vld [tilespmem:s21+$0x0]  }
0xf9: {  	s4 =	sadd.s32 $0x3000, s23;
	s0 =	sadd.s32 s9, s20;
	s17 =	sadd.s32 s3, s2;
	v34 =	vld [tilespmem:s5+$0x0]  }
0xfa: {  	s6 =	sadd.s32 $0x6000, s23;
	s16 =	sadd.s32 s3, s4;
	v54 =	vld [tilespmem:s0+$0x0];
	s19 =	sadd.s32 s18, s17  }
0xfb: {  	s8 =	sadd.s32 s18, s16;
	s21 =	sadd.s32 s3, s6;
	v25 =	vld [tilespmem:s19+$0x0];
	s19 =	sadd.s32 $0x7000, s23  }
0xfc: {  	v24 =	vld [tilespmem:s8+$0x0];
	s29 =	sadd.s32 s18, s21;
	s28 =	sadd.s32 s3, s19;
	v27 =	vmul.f32 v22, v17;
	v28 =	vmul.f32 v23, v17  }
0xfd: {  	s8 =	sadd.s32 $0x8000, s23;
	v29 =	vld [tilespmem:s29+$0x0];
	s26 =	sadd.s32 s18, s28;
	v31 =	vmul.f32 v22, v18;
	v21 =	vmul.f32 v21, v20  }
0xfe: {  	s11 =	sadd.s32 s3, s8;
	s29 =	sadd.s32 s9, s17;
	v32 =	vld [tilespmem:s26+$0x0];
	v26 =	vmul.f32 v26, v19;
	v36 =	vmul.f32 v22, v19  }
0xff: {  	s3 =	sadd.s32 s18, s11;
	v37 =	vld [tilespmem:s29+$0x0];
	v38 =	vmul.f32 v22, v20;
	v23 =	vmul.f32 v23, v19  }
0x100: {  	s17 =	sadd.s32 s9, s21;
	v35 =	vld [tilespmem:s3+$0x0];
	s21 =	sadd.s32 s9, s28;
	v33 =	vmul.f32 v25, v19;
	v25 =	vmul.f32 v25, v20  }
0x101: {  	s26 =	sadd.s32 s9, s11;
	v60 =	vld [tilespmem:s21+$0x0];
	v30 =	vmul.f32 v24, v18;
	v24 =	vmul.f32 v24, v20  }
0x102: {  	s10 =	sadd.s32 s9, s10;
	v34 =	vmul.f32 v34, v20;
	v61 =	vld [tilespmem:s26+$0x0];
	v55 =	vadd.f32 v23, v38;
	v25 =	vadd.f32 v26, v25  }
0x103: {  	s7 =	sadd.s32 s9, s16;
	v23 =	vld [tilespmem:s10+$0x0];
	v24 =	vadd.f32 v36, v24;
	v26 =	vmul.f32 v29, v18;
	v56 =	vmul.f32 v32, v18  }
0x104: {  	s20 =	simm.s32 $0x100;
	s16 =	sadd.s32 s9, s13;
	s13 =	simm.s32 $0x20;
	v58 =	vmul.f32 v54, v19;
	v21 =	vadd.f32 v33, v21;
	v29 =	vld [tilespmem:s7+$0x0];
	v25 =	vadd.f32 v31, v25  }
0x105: {  	s3 =	sand.u32 $0x60, s13;
	v57 =	vmul.f32 v35, v17;
	v24 =	vadd.f32 v26, v24;
	v26 =	vld [tilespmem:s16+$0x0];
	s16 =	sand.u32 $0xC00, s20;
	v31 =	vadd.f32 v56, v55  }
0x106: {  	s9 =	sor.u32 $0x10, s3;
	v40 =	vmul.f32 v60, v18;
	v21 =	vadd.f32 v30, v21;
	v30 =	vmul.f32 v32, v17;
	s11 =	sadd.s32 s16, s23  }
0x107: {  	v44 =	vmul.f32 v61, v17;
	s20 =	sadd.s32 s16, s4;
	v25 =	vadd.f32 v28, v25;
	s28 =	sadd.s32 s9, s11;
	v28 =	vadd.f32 v57, v31;
	v31 =	vld [tilespmem:s17+$0x0]  }
0x108: {  	v63 =	vmul.f32 v23, v18;
	s21 =	sadd.s32 s16, s2;
	v41 =	vmul.f32 v23, v17;
	v21 =	vadd.f32 v27, v21;
	s7 =	sadd.s32 s9, s20;
	v62 =	vld [tilespmem:s28+$0x0]  }
0x109: {  	v27 =	vmul.f32 v37, v19;
	v24 =	vadd.f32 v30, v24;
	v30 =	vmul.f32 v37, v20;
	s26 =	sadd.s32 s9, s21;
	v42 =	vld [tilespmem:s7+$0x0]  }
0x10a: {  	s5 =	sadd.s32 s16, s31;
	s11 =	sadd.s32 s3, s11;
	v59 =	vmul.f32 v29, v20;
	v29 =	vmul.f32 v29, v18;
	v43 =	vld [tilespmem:s26+$0x0];
	v21 =	vmax.f32 v21, v25  }
0x10b: {  	s0 =	sadd.s32 s9, s5;
	s5 =	sadd.s32 s3, s5;
	v39 =	vld [tilespmem:s11+$0x0];
	v25 =	vmul.f32 v23, v19;
	v30 =	vadd.f32 v58, v30;
	v24 =	vmax.f32 v24, v28  }
0x10c: {  	s10 =	sadd.s32 s16, s24;
	v55 =	vld [tilespmem:s5+$0x0];
	v28 =	vmul.f32 v23, v20;
	v21 =	vmax.f32 v21, v24;
	v24 =	vadd.f32 v27, v34  }
0x10d: {  	s29 =	sadd.s32 s9, s10;
	v27 =	vmul.f32 v26, v19;
	v33 =	vadd.f32 v25, v59;
	v26 =	vmul.f32 v26, v17  }
0x10e: {  	v25 =	vld [tilespmem:s29+$0x0];
	v21 =	vadd.f32 v21, v16;
	v29 =	vadd.f32 v29, v24;
	v24 =	vmul.f32 v31, v18  }
0x10f: {  	v30 =	vadd.f32 v63, v30;
	v46 =	vmul.f32 v42, v18;
	v32 =	vmul.f32 v62, v20  }
0x110: {  	v27 =	vadd.f32 v27, v28;
	v48 =	vmul.f32 v43, v19;
	v28 =	vmul.f32 $2.000000030e-01, v21  }
0x111: {  	s17 =	sadd.s32 s16, s1;
	v31 =	vld [tilespmem:s0+$0x0];
	v26 =	vadd.f32 v26, v30;
	v54 =	vmul.f32 v39, v20;
	v36 =	vmul.f32 v55, v17  }
0x112: {  	s28 =	sadd.s32 s16, s6;
	s0 =	sadd.s32 s9, s17;
	v29 =	vadd.f32 v41, v29;
	v21 =	vmax.f32 v21, v28;
	v28 =	vadd.f32 v24, v33  }
0x113: {  	s26 =	sadd.s32 s9, s28;
	s29 =	sadd.s32 s16, s19;
	s16 =	sadd.s32 s16, s8;
	v47 =	vmul.f32 v25, v18;
	v24 =	vadd.f32 v21, v22;
	v22 =	vadd.f32 v40, v27;
	v27 =	vld [tilespmem:s0+$0x0]  }
0x114: {  	v45 =	vld [tilespmem:s26+$0x0];
	s26 =	sadd.s32 s9, s16;
	v32 =	vadd.f32 v48, v32;
	v50 =	vmul.f32 v25, v19;
	v21 =	vmul.f32 v60, v17  }
0x115: {  	s7 =	sadd.s32 s9, s29;
	v49 =	vld [tilespmem:s26+$0x0];
	v41 =	vmul.f32 v25, v20;
	v26 =	vmax.f32 v29, v26;
	v60 =	vmul.f32 v55, v19  }
0x116: {  	v29 =	vld [tilespmem:s7+$0x0];
	v30 =	vmul.f32 v31, v17;
	v21 =	vadd.f32 v21, v28;
	v22 =	vadd.f32 v44, v22  }
0x117: {  	s0 =	sadd.s32 s3, s17;
	v32 =	vadd.f32 v46, v32;
	v31 =	vmul.f32 v31, v19;
	v28 =	vmul.f32 v25, v17  }
0x118: {  	s7 =	sadd.s32 s3, s20;
	v51 =	vld [tilespmem:s0+$0x0];
	v21 =	vmax.f32 v21, v22;
	v22 =	vmul.f32 v43, v20;
	v27 =	vmul.f32 v27, v19  }
0x119: {  	s17 =	sadd.s32 s3, s28;
	v52 =	vld [tilespmem:s7+$0x0];
	v31 =	vadd.f32 v31, v41;
	v26 =	vmax.f32 v26, v21;
	v21 =	vmul.f32 v42, v20  }
0x11a: {  	s20 =	sadd.s32 s3, s29;
	v33 =	vmul.f32 v49, v17;
	v56 =	vld [tilespmem:s17+$0x0];
	v28 =	vadd.f32 v28, v32;
	v22 =	vadd.f32 v27, v22  }
0x11b: {  	v59 =	vld [tilespmem:s20+$0x0];
	v53 =	vmul.f32 v29, v18;
	v27 =	vmul.f32 v45, v18;
	v34 =	vadd.f32 v50, v21  }
0x11c: {  	s21 =	sadd.s32 s3, s21;
	v29 =	vmul.f32 v29, v17;
	v26 =	vadd.f32 v26, v16;
	v22 =	vadd.f32 v47, v22  }
0x11d: {  	s10 =	sadd.s32 s3, s10;
	v40 =	vld [tilespmem:s21+$0x0];
	v57 =	vmul.f32 v51, v19;
	v31 =	vadd.f32 v53, v31;
	v27 =	vadd.f32 v27, v34  }
0x11e: {  	v58 =	vmul.f32 v52, v20;
	v35 =	vmul.f32 v52, v18;
	v21 =	vld [tilespmem:s10+$0x0];
	v22 =	vadd.f32 v30, v22  }
0x11f: {  	s21 =	simm.s32 $0x200;
	s17 =	simm.s32 $0x40;
	v32 =	vmul.f32 v56, v18;
	v27 =	vadd.f32 v29, v27;
	v29 =	vadd.f32 v33, v31  }
0x120: {  	s28 =	sand.u32 $0xC00, s21;
	s10 =	sand.u32 $0x60, s17;
	v45 =	vmul.f32 v59, v18;
	v50 =	vmul.f32 v59, v17  }
0x121: {  	s26 =	sadd.s32 s3, s16;
	s5 =	sadd.s32 s28, s31;
	s3 =	sor.u32 $0x10, s10;
	v52 =	vmul.f32 $2.000000030e-01, v26;
	v22 =	vmax.f32 v28, v22;
	v27 =	vmax.f32 v27, v29  }
0x122: {  	s7 =	sadd.s32 s3, s5;
	v30 =	vmul.f32 v40, v19;
	v31 =	vmul.f32 v40, v20;
	v22 =	vmax.f32 v22, v27  }
0x123: {  	s20 =	sadd.s32 s28, s23;
	v46 =	vld [tilespmem:s7+$0x0];
	v63 =	vmul.f32 v21, v18;
	v28 =	vmul.f32 v21, v19;
	v61 =	vadd.f32 v22, v16  }
0x124: {  	s16 =	sadd.s32 s28, s24;
	s29 =	sadd.s32 s3, s20;
	v29 =	vmul.f32 v21, v20;
	v31 =	vadd.f32 v57, v31;
	v27 =	vadd.f32 v30, v54;
	v30 =	vld [tilespmem:s26+$0x0]  }
0x125: {  	s21 =	sadd.s32 s28, s4;
	s0 =	sadd.s32 s3, s16;
	v62 =	vld [tilespmem:s29+$0x0];
	v26 =	vmax.f32 v26, v52;
	v28 =	vadd.f32 v28, v58;
	v44 =	vmul.f32 $2.000000030e-01, v61  }
0x126: {  	v47 =	vmul.f32 v21, v17;
	s26 =	sadd.s32 s28, s2;
	v29 =	vadd.f32 v60, v29;
	v22 =	vld [tilespmem:s0+$0x0];
	s0 =	sadd.s32 s3, s21;
	v31 =	vadd.f32 v63, v31  }
0x127: {  	s11 =	sadd.s32 s28, s1;
	s7 =	sadd.s32 s3, s26;
	v27 =	vadd.f32 v35, v27;
	v48 =	vld [tilespmem:s0+$0x0];
	v28 =	vadd.f32 v32, v28;
	v34 =	vmax.f32 v61, v44  }
0x128: {  	v54 =	vmul.f32 v46, v17;
	v29 =	vadd.f32 v45, v29;
	v49 =	vadd.f32 v34, v25;
	v25 =	vld [tilespmem:s7+$0x0];
	s7 =	sadd.s32 s3, s11  }
0x129: {  	s0 =	sadd.s32 s28, s6;
	v31 =	vadd.f32 v36, v31;
	v27 =	vadd.f32 v47, v27;
	v30 =	vmul.f32 v30, v17;
	v51 =	vld [tilespmem:s7+$0x0]  }
0x12a: {  	s29 =	sadd.s32 s28, s19;
	v40 =	vmul.f32 v46, v19;
	v28 =	vadd.f32 v50, v28;
	v44 =	vadd.f32 v26, v23;
	s7 =	sadd.s32 s3, s0  }
0x12b: {  	v53 =	vmul.f32 v22, v17;
	v55 =	vmul.f32 v22, v18;
	v29 =	vadd.f32 v30, v29;
	v30 =	vld [tilespmem:s7+$0x0];
	s7 =	sadd.s32 s3, s29  }
0x12c: {  	s26 =	sadd.s32 s10, s26;
	v27 =	vmax.f32 v27, v31;
	v42 =	vmul.f32 v22, v19;
	v37 =	vmul.f32 v48, v20;
	v56 =	vld [tilespmem:s7+$0x0];
	s7 =	sadd.s32 s28, s8  }
0x12d: {  	v45 =	vld [tilespmem:s26+$0x0];
	v28 =	vmax.f32 v28, v29;
	v29 =	vmul.f32 v62, v20;
	s28 =	sadd.s32 s3, s7;
	v57 =	vmul.f32 v25, v19  }
0x12e: {  	s11 =	sadd.s32 s10, s11;
	v27 =	vmax.f32 v27, v28;
	v25 =	vmul.f32 v25, v20;
	v58 =	vld [tilespmem:s28+$0x0];
	s28 =	sadd.s32 s10, s21;
	s21 =	sand.u32 $0x180, s12;
	v28 =	vmul.f32 v51, v19  }
0x12f: {  	v43 =	vmul.f32 v22, v20;
	v60 =	vld [tilespmem:s11+$0x0];
	s11 =	sor.u32 s18, s21;
	v23 =	vadd.f32 v57, v29;
	v29 =	vadd.f32 v42, v37  }
0x130: {  	s20 =	sadd.s32 s10, s20;
	v31 =	vmul.f32 v48, v18;
	[tilespmem:s11+$0x13200] =	vst v24;
	v24 =	vadd.f32 v27, v16;
	v25 =	vadd.f32 v28, v25  }
0x131: {  	v59 =	vld [tilespmem:s20+$0x0];
	v28 =	vmul.f32 v30, v18;
	v30 =	vadd.f32 v40, v43;
	v61 =	vmul.f32 v56, v18  }
0x132: {  	s20 =	sadd.s32 s10, s16;
	v26 =	vld [tilespmem:s28+$0x0];
	v62 =	vmul.f32 v56, v17;
	v31 =	vadd.f32 v31, v23;
	v39 =	vadd.f32 v55, v25  }
0x133: {  	s5 =	sadd.s32 s10, s5;
	v23 =	vld [tilespmem:s20+$0x0];
	v28 =	vadd.f32 v28, v29;
	v37 =	vadd.f32 v61, v30;
	v35 =	vmul.f32 v58, v17  }
0x134: {  	v32 =	vmul.f32 v45, v20;
	s28 =	sadd.s32 s10, s29;
	v25 =	vld [tilespmem:s5+$0x0];
	v34 =	vadd.f32 v53, v31;
	v38 =	vadd.f32 v54, v39  }
0x135: {  	s26 =	sand.u32 $0x180, s13;
	s13 =	simm.s32 $0x13200;
	s0 =	sadd.s32 s10, s0;
	v33 =	vmul.f32 v60, v19;
	v27 =	vld [tilespmem:s28+$0x0];
	v63 =	vadd.f32 v62, v28;
	v35 =	vadd.f32 v35, v37  }
0x136: {  	[tilespmem:s13+$0x0] =	vst v44;
	s29 =	sadd.s32 s10, s7;
	v30 =	vmul.f32 v59, v20;
	s5 =	sor.u32 s9, s26;
	v29 =	vld [tilespmem:s0+$0x0];
	v31 =	vmul.f32 v45, v19  }
0x137: {  	s12 =	simm.s32 $0x60;
	s10 =	simm.s32 $0x300;
	s9 =	simm.s32 $0x4;
	[tilespmem:s5+$0x13200] =	vst v49;
	v36 =	vmul.f32 v26, v20;
	v28 =	vld [tilespmem:s29+$0x0];
	v34 =	vmax.f32 v34, v38;
	v35 =	vmax.f32 v63, v35  }
.LBB2_3:
0x138: {  	s20 =	sand.u32 $0x60, s12;
	s28 =	sand.u32 $0xC00, s10;
	v37 =	vmul.f32 v23, v19;
	v38 =	vmul.f32 v23, v20;
	v34 =	vmax.f32 v34, v35  }
0x139: {  	v30 =	vadd.f32 v31, v30;
	v31 =	vmul.f32 v25, v19;
	s0 =	sadd.s32 s28, s23;
	s16 =	sor.u32 $0x10, s20;
	v34 =	vadd.f32 v34, v16  }
0x13a: {  	v26 =	vmul.f32 v26, v18;
	v32 =	vadd.f32 v33, v32;
	s5 =	sadd.s32 s28, s24;
	s7 =	sadd.s32 s20, s0;
	s0 =	sadd.s32 s16, s0;
	v33 =	vadd.f32 v37, v36  }
0x13b: {  	s11 =	sadd.s32 s28, s31;
	s18 =	sadd.s32 s20, s5;
	v36 =	vmul.f32 v23, v18;
	v31 =	vadd.f32 v31, v38;
	v35 =	vld [tilespmem:s0+$0x0];
	s0 =	sadd.s32 s16, s5;
	v37 =	vmul.f32 $2.000000030e-01, v34  }
0x13c: {  	v29 =	vmul.f32 v29, v18;
	s26 =	sadd.s32 s28, s4;
	s21 =	sadd.s32 s20, s11;
	v26 =	vadd.f32 v26, v30;
	v30 =	vmul.f32 v27, v18;
	v38 =	vld [tilespmem:s0+$0x0];
	s0 =	sadd.s32 s16, s11  }
0x13d: {  	v40 =	vmul.f32 v23, v17;
	s5 =	sadd.s32 s20, s26;
	s26 =	sadd.s32 s16, s26;
	s11 =	sadd.s32 s28, s2;
	v32 =	vadd.f32 v36, v32;
	v39 =	vld [tilespmem:s0+$0x0];
	v34 =	vmax.f32 v34, v37  }
0x13e: {  	v25 =	vmul.f32 v25, v17;
	s17 =	sand.u32 $0x180, s17;
	v29 =	vadd.f32 v29, v33;
	s0 =	sadd.s32 s28, s1;
	s29 =	sadd.s32 s16, s11;
	v36 =	vld [tilespmem:s26+$0x0];
	v37 =	vadd.f32 v34, v22  }
0x13f: {  	s9 =	sadd.s32 $0x2, s9;
	v28 =	vmul.f32 v28, v17;
	s3 =	sor.u32 s3, s17;
	v27 =	vmul.f32 v27, v17;
	v30 =	vadd.f32 v30, v31;
	s26 =	sadd.s32 s16, s0;
	v33 =	vld [tilespmem:s29+$0x0]  }
0x140: {  	p1 =	slt.u32 s9, $0x1E;
	v26 =	vadd.f32 v40, v26;
	s11 =	sadd.s32 s20, s11;
	s0 =	sadd.s32 s20, s0;
	v25 =	vadd.f32 v25, v32;
	v32 =	vmul.f32 $2.000000030e-01, v24;
	v31 =	vld [tilespmem:s26+$0x0];
	[tilespmem:s3+$0x13200] =	vst v37  }
0x141: {  	s17 =	smov.u32 s12;
	v27 =	vadd.f32 v27, v29;
	v28 =	vadd.f32 v28, v30;
	s3 =	smov.u32 s16;
	v34 =	vld [tilespmem:s7+$0x0];
	s7 =	sadd.s32 s28, s6;
	v22 =	vmov v38  }
0x142: {  	s16 =	sadd.s32 s28, s19;
	v25 =	vmax.f32 v26, v25;
	v37 =	vld [tilespmem:s11+$0x0];
	s11 =	sadd.s32 s20, s7;
	s7 =	sadd.s32 s3, s7;
	v38 =	vmul.f32 v22, v17;
	v40 =	vmul.f32 v39, v17  }
0x143: {  	v26 =	vmax.f32 v27, v28;
	s26 =	sadd.s32 s20, s16;
	v41 =	vmul.f32 v22, v18;
	v29 =	vld [tilespmem:s7+$0x0];
	s7 =	sadd.s32 s3, s16;
	v30 =	vmul.f32 v36, v18  }
0x144: {  	v28 =	vmul.f32 v35, v20;
	v25 =	vmax.f32 v25, v26;
	s16 =	sadd.s32 s28, s8;
	v27 =	vld [tilespmem:s7+$0x0];
	v35 =	vmul.f32 v33, v19  }
0x145: {  	v25 =	vadd.f32 v25, v16;
	s7 =	sadd.s32 s3, s16;
	v33 =	vmul.f32 v33, v20;
	v42 =	vld [tilespmem:s0+$0x0];
	s0 =	sadd.s32 s20, s16;
	v31 =	vmul.f32 v31, v19  }
0x146: {  	v46 =	vmax.f32 v24, v32;
	v44 =	vmul.f32 v22, v19;
	v36 =	vmul.f32 v36, v20;
	v43 =	vld [tilespmem:s7+$0x0]  }
0x147: {  	v45 =	vadd.f32 v46, v21;
	v32 =	vmul.f32 v22, v20;
	v39 =	vmul.f32 v39, v19;
	v24 =	vmovc v25;
	v26 =	vld [tilespmem:s5+$0x0]  }
0x148: {  	s13 =	sadd.s32 $0x20, s13;
	v21 =	vmovc v23;
	v28 =	vadd.f32 v35, v28;
	v31 =	vadd.f32 v31, v33;
	v33 =	vmul.f32 v29, v18;
	v23 =	vld [tilespmem:s18+$0x0]  }
0x149: {  	v32 =	vadd.f32 v39, v32;
	v35 =	vadd.f32 v44, v36;
	v25 =	vld [tilespmem:s21+$0x0];
	v36 =	vmul.f32 v27, v18;
	[tilespmem:s13+$0x0] =	vst v45  }
0x14a: {  	v39 =	vadd.f32 v30, v28;
	v31 =	vadd.f32 v41, v31;
	v41 =	vmul.f32 v27, v17;
	v29 =	vld [tilespmem:s11+$0x0]  }
.Ltmp0:
0x14b: {  	v33 =	vadd.f32 v33, v35;
	v27 =	vld [tilespmem:s26+$0x0];
	v32 =	vadd.f32 v36, v32;
	v35 =	vmul.f32 v43, v17;
	(pc) =	sbr.rel @p1 .LBB2_3-.Ltmp0, $4  }
0x14c: {  	v30 =	vmul.f32 v34, v20;
	v34 =	vadd.f32 v38, v39;
	v38 =	vadd.f32 v40, v31;
	v28 =	vld [tilespmem:s0+$0x0]  }
0x14d: {  	v31 =	vmul.f32 v37, v19;
	v39 =	vadd.f32 v41, v33;
	v35 =	vadd.f32 v35, v32  }
0x14e: {  	v33 =	vmul.f32 v42, v19;
	v32 =	vmul.f32 v37, v20  }
0x14f: {  	s10 =	sadd.s32 $0x100, s10;
	s12 =	sadd.s32 $0x20, s12;
	v36 =	vmul.f32 v26, v20;
	v34 =	vmax.f32 v34, v38;
	v35 =	vmax.f32 v39, v35  }
0x150: {  	v37 =	vmul.f32 v23, v19  }
0x151: {  	v20 =	vmul.f32 v23, v20;
	v30 =	vadd.f32 v31, v30;
	v19 =	vmul.f32 v25, v19  }
0x152: {  	v26 =	vmul.f32 v26, v18;
	v31 =	vadd.f32 v33, v32;
	v53 =	vmul.f32 v23, v18  }
0x153: {  	v25 =	vmul.f32 v25, v17;
	v52 =	vadd.f32 v37, v36;
	v19 =	vadd.f32 v19, v20  }
0x154: {  	v20 =	vmul.f32 v29, v18;
	v26 =	vadd.f32 v26, v30;
	v18 =	vmul.f32 v27, v18  }
0x155: {  	v29 =	vmul.f32 v23, v17;
	v30 =	vadd.f32 v53, v31;
	v27 =	vmul.f32 v27, v17  }
0x156: {  	v17 =	vmul.f32 v28, v17;
	v20 =	vadd.f32 v20, v52;
	v18 =	vadd.f32 v18, v19  }
0x157: {  	v19 =	vadd.f32 v29, v26;
	v25 =	vadd.f32 v25, v30  }
0x158: {  	v20 =	vadd.f32 v27, v20;
	v17 =	vadd.f32 v17, v18  }
0x159: {  	v18 =	vmax.f32 v34, v35  }
0x15a: {  	v19 =	vmax.f32 v19, v25;
	v18 =	vadd.f32 v18, v16;
	v17 =	vmax.f32 v20, v17  }
0x15b: {  	s0 =	smulhi.u32 $0x92492493, s14;
	s12 =	sor.u32 $0x1, s14;
	v17 =	vmax.f32 v19, v17  }
0x15c: {  	s10 =	sshll.u32 s12, $0x2;
	v19 =	vmul.f32 $2.000000030e-01, v18;
	v16 =	vadd.f32 v17, v16  }
0x15d: {  	s5 =	sshrl.u32 s0, $0x2;
	s11 =	sor.u32 $0x1, s10  }
0x15e: {  	s7 =	sand.u32 $0x180, s17;
	s5 =	smul.u32 $0x7, s5;
	v20 =	vmov s11;
	v18 =	vmax.f32 v18, v19;
	v19 =	vmul.f32 $2.000000030e-01, v16  }
0x15f: {  	s3 =	sor.u32 s3, s7;
	v20 =	vand.u32 $0xFFFFFFE5, v20;
	v17 =	vmul.f32 $2.000000030e-01, v24  }
0x160: {  	s9 =	sshll.u32 s0, $0x5;
	s0 =	sshll.u32 s0, $0xC;
	s5 =	ssub.s32 s14, s5;
	v18 =	vadd.f32 v18, v22;
	v16 =	vmax.f32 v16, v19;
	v19 =	vmov s10  }
0x161: {  	s0 =	sand.u32 $0x60000, s0;
	s5 =	sshll.u32 s5, $0x12;
	v17 =	vmax.f32 v24, v17;
	v22 =	vbroadcast v20, $0x0;
	s10 =	sor.u32 $0x2, s10;
	v19 =	vand.u32 $0xFFFFFFE4, v19  }
0x162: {  	s29 =	sshllo.u32 s12, $0x2;
	s9 =	sand.u32 $0x380, s9;
	s0 =	sadd.s32 s5, s0;
	v17 =	vadd.f32 v17, v21;
	[tilespmem:s3+$0x13200] =	vst v18;
	v21 =	vmov s10;
	v19 =	vbroadcast v19, $0x0  }
0x163: {  	s0 =	sor.u32 s9, s0;
	v16 =	vadd.f32 v16, v23;
	s10 =	rddreg [dreg:$0x5];
	v20 =	vand.u32 $0xFFFFFFE6, v21;
	v21 =	vmov s29  }
0x164: {  	s9 =	sadd.s32 $0x20, s13;
	s0 =	sor.u32 s10, s0;
	v18 =	vbroadcast v20, $0x0;
	v20 =	vand.u32 $0xFFFFFFE7, v21;
	v21 =	vmov s12  }
0x165: {  	s3 =	sadd.s32 $0x20, s9;
	[tilespmem:s9+$0x0] =	vst v17;
	s0 =	sshrl.u32 s0, $0x3;
	v17 =	vbroadcast v20, $0x0;
	v20 =	vand.u32 $0xFFFFFFF9, v21  }
0x166: {  	s11 =	simm.s32 $0x400;
	s13 =	simm.s32 $0x13200;
	[tilespmem:s3+$0x0] =	vst v16;
	s0 =	sadd.s32 s30, s0;
	v16 =	vbroadcast v20, $0x0  }
0x167: {  	[hbm4b:s0+s25] =	stream.strided.scatter [tilespmem:s13], [sflag:$0x2], $0x200, s11, s25, $0x38;
	[tilespmem:$0x13D00] =	vst v63  }
0x168: {  	v20 =	vld.idx.msk [tilespmem:v19+s15+$0x0], $0xffff  }
0x169: {  	v19 =	vld.idx.msk [tilespmem:v22+s15+$0x0], $0xffff  }
0x16a: {  	v18 =	vld.idx.msk [tilespmem:v18+s15+$0x0], $0xffff  }
0x16b: {  	s16 =	simm.s32 $0x13800;
	s0 =	simm.s32 @!p0 $0x2;
	s13 =	simm.s32 $0x0;
	v17 =	vld.idx.msk [tilespmem:v17+s15+$0x0], $0xffff  }
0x16c: {  	s9 =	sand.u32 $0x60, s13;
	s3 =	sand.u32 $0xC00, s13;
	v16 =	vld.idx.msk [tilespmem:v16+s16+$0x0], $0xffff;
	_ =	swait.ge @!p0 [sflag:s0], $0x200  }
0x16d: {  	s17 =	sadd.s32 s3, s23;
	s10 =	sor.u32 $0x10, s9;
	[sflag:s0] =	ssyncset.done @!p0 $0x0  }
0x16e: {  	s11 =	sadd.s32 s3, s31;
	s25 =	sadd.s32 s10, s17;
	[sflag:s0] =	ssyncadd.s32 @!p0 $0xFFFFFE00  }
0x16f: {  	s28 =	sadd.s32 s10, s11;
	s16 =	sadd.s32 s3, s4;
	v21 =	vld [tilespmem:s25+$0x80]  }
0x170: {  	s29 =	sadd.s32 s3, s2;
	s18 =	sadd.s32 s10, s16;
	v22 =	vld [tilespmem:s28+$0x80]  }
0x171: {  	s7 =	sadd.s32 s3, s1;
	s20 =	sadd.s32 s10, s29;
	v24 =	vld [tilespmem:s18+$0x80]  }
0x172: {  	s30 =	sadd.s32 s10, s7;
	v25 =	vld [tilespmem:s20+$0x80]  }
0x173: {  	s5 =	sadd.s32 s9, s17;
	s0 =	sadd.s32 s3, s24;
	v26 =	vld [tilespmem:s30+$0x80]  }
0x174: {  	s26 =	sadd.s32 s10, s0;
	v56 =	vld [tilespmem:s5+$0x80]  }
0x175: {  	s20 =	sadd.s32 s3, s6;
	v23 =	vld [tilespmem:s26+$0x80]  }
0x176: {  	s30 =	sadd.s32 s9, s7;
	s7 =	sadd.s32 s9, s16;
	s16 =	sadd.s32 s9, s11;
	v28 =	vmul.f32 v22, v17;
	v30 =	vmul.f32 v24, v18  }
0x177: {  	s25 =	sadd.s32 s3, s19;
	s21 =	sadd.s32 s10, s20;
	v63 =	vld [tilespmem:s16+$0x80];
	v21 =	vmul.f32 v21, v20;
	v55 =	vmul.f32 v25, v19  }
0x178: {  	s28 =	sadd.s32 s10, s25;
	v29 =	vld [tilespmem:s21+$0x80];
	v25 =	vmul.f32 v25, v20;
	v26 =	vmul.f32 v26, v19  }
0x179: {  	s26 =	sadd.s32 s3, s8;
	v54 =	vld [tilespmem:s28+$0x80];
	v24 =	vmul.f32 v24, v20;
	v22 =	vmul.f32 v22, v19  }
0x17a: {  	s3 =	sadd.s32 s10, s26;
	v62 =	vmul.f32 v56, v20;
	v27 =	vmul.f32 v23, v17  }
0x17b: {  	s29 =	sadd.s32 s9, s29;
	v57 =	vld [tilespmem:s3+$0x80];
	v31 =	vmul.f32 v23, v18;
	v58 =	vmul.f32 v23, v19  }
0x17c: {  	v59 =	vld [tilespmem:s29+$0x80];
	v38 =	vmul.f32 v23, v20;
	v50 =	vmul.f32 v63, v17;
	v21 =	vadd.f32 v55, v21  }
0x17d: {  	v60 =	vld [tilespmem:s30+$0x80];
	v25 =	vadd.f32 v26, v25;
	v26 =	vmul.f32 v29, v18;
	v24 =	vadd.f32 v58, v24  }
0x17e: {  	s0 =	sadd.s32 s9, s0;
	v29 =	vld [tilespmem:s7+$0x80];
	v61 =	vmul.f32 v54, v18;
	v22 =	vadd.f32 v22, v38;
	v30 =	vadd.f32 v30, v21  }
0x17f: {  	v21 =	vld [tilespmem:s0+$0x80];
	v25 =	vadd.f32 v31, v25;
	v31 =	vmul.f32 v54, v17;
	v24 =	vadd.f32 v26, v24  }
0x180: {  	s18 =	simm.s32 $0x100;
	s17 =	sadd.s32 s9, s20;
	s3 =	simm.s32 $0x20;
	v22 =	vadd.f32 v61, v22;
	v26 =	vmul.f32 v57, v17;
	v27 =	vadd.f32 v27, v30  }
0x181: {  	s20 =	sadd.s32 s9, s25;
	s0 =	sand.u32 $0xC00, s18;
	v25 =	vadd.f32 v28, v25;
	v28 =	vmul.f32 v59, v19;
	v30 =	vld [tilespmem:s17+$0x80];
	s17 =	sand.u32 $0x60, s3;
	v24 =	vadd.f32 v31, v24  }
0x182: {  	s21 =	sadd.s32 s9, s26;
	v43 =	vld [tilespmem:s20+$0x80];
	s20 =	sadd.s32 s0, s23;
	v22 =	vadd.f32 v26, v22;
	v26 =	vmul.f32 v59, v20;
	v31 =	vmul.f32 v60, v19;
	s18 =	sor.u32 $0x10, s17  }
0x183: {  	s16 =	sadd.s32 s0, s31;
	v42 =	vmul.f32 v29, v20;
	v29 =	vmul.f32 v29, v18;
	v25 =	vmax.f32 v27, v25;
	v27 =	vld [tilespmem:s21+$0x80];
	s25 =	sadd.s32 s18, s20  }
0x184: {  	s21 =	sadd.s32 s0, s4;
	s28 =	sadd.s32 s18, s16;
	v22 =	vmax.f32 v24, v22;
	v24 =	vmul.f32 v21, v19;
	v44 =	vmul.f32 v21, v20;
	v46 =	vld [tilespmem:s25+$0x80]  }
0x185: {  	s11 =	sadd.s32 s0, s2;
	v26 =	vadd.f32 v31, v26;
	v31 =	vmul.f32 v21, v18;
	s29 =	sadd.s32 s18, s21;
	v48 =	vld [tilespmem:s28+$0x80];
	v22 =	vmax.f32 v25, v22  }
0x186: {  	s5 =	sadd.s32 s0, s24;
	s28 =	sadd.s32 s18, s11;
	v25 =	vadd.f32 v28, v62;
	v28 =	vmul.f32 v63, v19;
	v39 =	vld [tilespmem:s29+$0x80];
	v45 =	vadd.f32 v22, v16  }
0x187: {  	s26 =	sadd.s32 s18, s5;
	v51 =	vld [tilespmem:s28+$0x80];
	v24 =	vadd.f32 v24, v42;
	v30 =	vmul.f32 v30, v18;
	v26 =	vadd.f32 v31, v26  }
0x188: {  	v22 =	vld [tilespmem:s26+$0x80];
	v28 =	vadd.f32 v28, v44;
	v25 =	vadd.f32 v29, v25;
	v29 =	vmul.f32 v43, v18  }
0x189: {  	s7 =	sadd.s32 s0, s1;
	v49 =	vmul.f32 v21, v17;
	v47 =	vmul.f32 $2.000000030e-01, v45;
	v24 =	vadd.f32 v30, v24  }
0x18a: {  	s30 =	sadd.s32 s18, s7;
	v27 =	vmul.f32 v27, v17;
	v26 =	vadd.f32 v50, v26;
	v28 =	vadd.f32 v29, v28  }
0x18b: {  	s28 =	sadd.s32 s0, s19;
	v30 =	vld [tilespmem:s30+$0x80];
	v25 =	vadd.f32 v49, v25;
	v37 =	vmul.f32 v46, v20;
	v31 =	vmax.f32 v45, v47  }
0x18c: {  	s26 =	sadd.s32 s0, s6;
	s25 =	sadd.s32 s18, s28;
	v53 =	vmul.f32 v39, v18;
	v52 =	vadd.f32 v31, v23;
	v23 =	vmul.f32 v43, v17  }
0x18d: {  	s0 =	sadd.s32 s0, s8;
	s29 =	sadd.s32 s18, s26;
	v55 =	vmul.f32 v51, v19;
	v29 =	vmul.f32 v22, v17;
	v27 =	vadd.f32 v27, v28;
	v28 =	vld [tilespmem:s25+$0x80]  }
0x18e: {  	s30 =	sadd.s32 s18, s0;
	v31 =	vmul.f32 v48, v17;
	v54 =	vmul.f32 v22, v18;
	v23 =	vadd.f32 v23, v24;
	v24 =	vld [tilespmem:s29+$0x80]  }
0x18f: {  	v56 =	vld [tilespmem:s30+$0x80];
	v25 =	vmax.f32 v25, v26;
	v26 =	vmul.f32 v51, v20;
	v57 =	vmul.f32 v22, v19  }
0x190: {  	s11 =	sadd.s32 s17, s11;
	v30 =	vmul.f32 v30, v19;
	v23 =	vmax.f32 v23, v27;
	v27 =	vmul.f32 v39, v20  }
0x191: {  	s20 =	sadd.s32 s17, s20;
	v58 =	vld [tilespmem:s11+$0x80];
	v41 =	vmax.f32 v25, v23;
	v23 =	vmul.f32 v22, v20;
	v25 =	vmul.f32 v48, v19  }
0x192: {  	s7 =	sadd.s32 s17, s7;
	v40 =	vld [tilespmem:s20+$0x80];
	v37 =	vadd.f32 v55, v37;
	v26 =	vadd.f32 v30, v26;
	v60 =	vmul.f32 v28, v18  }
0x193: {  	v59 =	vld [tilespmem:s7+$0x80];
	s20 =	sadd.s32 s17, s21;
	v30 =	vadd.f32 v57, v27;
	v24 =	vmul.f32 v24, v18;
	v25 =	vadd.f32 v25, v23  }
0x194: {  	s5 =	sadd.s32 s17, s5;
	v32 =	vadd.f32 v53, v37;
	v33 =	vmul.f32 v56, v17;
	v27 =	vld [tilespmem:s20+$0x80];
	v26 =	vadd.f32 v54, v26  }
0x195: {  	s21 =	sadd.s32 s17, s16;
	v28 =	vmul.f32 v28, v17;
	v23 =	vld [tilespmem:s5+$0x80];
	v24 =	vadd.f32 v24, v30;
	v61 =	vadd.f32 v60, v25  }
0x196: {  	s26 =	sadd.s32 s17, s26;
	s25 =	sand.u32 $0x180, s13;
	v37 =	vadd.f32 v29, v32;
	v32 =	vmul.f32 v58, v20;
	v62 =	vadd.f32 v31, v26;
	v25 =	vld [tilespmem:s21+$0x80]  }
0x197: {  	s29 =	sadd.s32 s17, s28;
	v29 =	vld [tilespmem:s26+$0x80];
	s5 =	sor.u32 $0x13400, s25;
	v31 =	vmul.f32 v58, v19;
	v63 =	vadd.f32 v28, v24;
	v35 =	vadd.f32 v33, v61  }
0x198: {  	s0 =	sadd.s32 s17, s0;
	s20 =	simm.s32 $0x2;
	v26 =	vld [tilespmem:s29+$0x80];
	s30 =	sor.u32 s10, s5;
	v30 =	vmul.f32 v40, v20;
	v34 =	vmax.f32 v37, v62;
	v24 =	vadd.f32 v41, v16  }
0x199: {  	s13 =	sor.u32 s9, s5;
	s9 =	simm.s32 $0x200;
	s10 =	simm.s32 $0x40;
	[tilespmem:s30+$0x0] =	vst v52;
	v33 =	vmul.f32 v59, v19;
	v28 =	vld [tilespmem:s0+$0x80];
	v36 =	vmul.f32 v27, v20;
	v35 =	vmax.f32 v63, v35  }
.LBB2_5:
0x19a: {  	s5 =	sand.u32 $0x60, s10;
	s28 =	sand.u32 $0xC00, s9;
	v37 =	vmul.f32 v23, v19;
	v38 =	vmul.f32 v23, v20;
	v34 =	vmax.f32 v34, v35  }
0x19b: {  	v30 =	vadd.f32 v31, v30;
	v31 =	vmul.f32 v25, v19;
	s0 =	sadd.s32 s28, s23;
	s16 =	sor.u32 $0x10, s5;
	v34 =	vadd.f32 v34, v16  }
0x19c: {  	v27 =	vmul.f32 v27, v18;
	v32 =	vadd.f32 v33, v32;
	s11 =	sadd.s32 s28, s24;
	s7 =	sadd.s32 s5, s0;
	s0 =	sadd.s32 s16, s0;
	v33 =	vadd.f32 v37, v36  }
0x19d: {  	s26 =	sadd.s32 s28, s31;
	s21 =	sadd.s32 s5, s11;
	v36 =	vmul.f32 v23, v18;
	v31 =	vadd.f32 v31, v38;
	v35 =	vld [tilespmem:s0+$0x80];
	s0 =	sadd.s32 s16, s11;
	v37 =	vmul.f32 $2.000000030e-01, v34  }
0x19e: {  	v29 =	vmul.f32 v29, v18;
	s29 =	sadd.s32 s5, s26;
	v27 =	vadd.f32 v27, v30;
	v30 =	vmul.f32 v26, v18;
	s11 =	sadd.s32 s28, s4;
	v38 =	vld [tilespmem:s0+$0x80];
	s0 =	sadd.s32 s16, s26  }
0x19f: {  	v40 =	vmul.f32 v23, v17;
	s26 =	sadd.s32 s28, s2;
	s30 =	sadd.s32 s16, s11;
	v32 =	vadd.f32 v36, v32;
	v39 =	vld [tilespmem:s0+$0x80];
	s0 =	sand.u32 $0x180, s3;
	v34 =	vmax.f32 v34, v37  }
0x1a0: {  	v25 =	vmul.f32 v25, v17;
	v29 =	vadd.f32 v29, v33;
	s3 =	sadd.s32 s28, s1;
	s25 =	sadd.s32 s16, s26;
	v36 =	vld [tilespmem:s30+$0x80];
	s0 =	sor.u32 $0x13400, s0;
	v37 =	vadd.f32 v34, v22  }
0x1a1: {  	s20 =	sadd.s32 $0x2, s20;
	v28 =	vmul.f32 v28, v17;
	v26 =	vmul.f32 v26, v17;
	v30 =	vadd.f32 v30, v31;
	v33 =	vld [tilespmem:s25+$0x80];
	s25 =	sadd.s32 s16, s3;
	s18 =	sor.u32 s18, s0  }
0x1a2: {  	p0 =	slt.u32 s20, $0x1E;
	v27 =	vadd.f32 v40, v27;
	s26 =	sadd.s32 s5, s26;
	s30 =	sadd.s32 s5, s3;
	v25 =	vadd.f32 v25, v32;
	v32 =	vmul.f32 $2.000000030e-01, v24;
	v31 =	vld [tilespmem:s25+$0x80];
	[tilespmem:s18+$0x0] =	vst v37  }
0x1a3: {  	v26 =	vadd.f32 v26, v29;
	v28 =	vadd.f32 v28, v30;
	s3 =	sadd.s32 s28, s6;
	s0 =	sor.u32 s17, s0;
	v34 =	vld [tilespmem:s7+$0x80];
	s7 =	sadd.s32 s5, s11;
	v22 =	vmov v38  }
0x1a4: {  	s17 =	sadd.s32 s28, s19;
	v25 =	vmax.f32 v27, v25;
	s11 =	sadd.s32 s5, s3;
	s3 =	sadd.s32 s16, s3;
	v37 =	vld [tilespmem:s26+$0x80];
	v38 =	vmul.f32 v22, v17;
	v40 =	vmul.f32 v39, v17  }
0x1a5: {  	s25 =	sadd.s32 s5, s17;
	v26 =	vmax.f32 v26, v28;
	v41 =	vmul.f32 v22, v18;
	v29 =	vld [tilespmem:s3+$0x80];
	s3 =	sadd.s32 s16, s17;
	v30 =	vmul.f32 v36, v18;
	s17 =	smov.u32 s5  }
0x1a6: {  	v35 =	vmul.f32 v35, v20;
	s18 =	smov.u32 s16;
	v25 =	vmax.f32 v25, v26;
	s5 =	sadd.s32 s28, s8;
	v28 =	vld [tilespmem:s3+$0x80];
	v42 =	vmul.f32 v33, v19;
	s3 =	smov.u32 s10  }
0x1a7: {  	v25 =	vadd.f32 v25, v16;
	s16 =	sadd.s32 s17, s5;
	s5 =	sadd.s32 s18, s5;
	v26 =	vmul.f32 v33, v20;
	v43 =	vld [tilespmem:s30+$0x80];
	v31 =	vmul.f32 v31, v19  }
0x1a8: {  	v46 =	vmax.f32 v24, v32;
	v44 =	vmul.f32 v22, v19;
	v36 =	vmul.f32 v36, v20;
	v33 =	vld [tilespmem:s5+$0x80]  }
0x1a9: {  	v45 =	vadd.f32 v46, v21;
	v32 =	vmul.f32 v22, v20;
	v39 =	vmul.f32 v39, v19;
	v24 =	vmovc v25;
	v27 =	vld [tilespmem:s7+$0x80]  }
0x1aa: {  	v21 =	vmovc v23;
	v35 =	vadd.f32 v42, v35;
	v26 =	vadd.f32 v31, v26;
	v31 =	vmul.f32 v29, v18;
	v23 =	vld [tilespmem:s21+$0x80]  }
0x1ab: {  	v32 =	vadd.f32 v39, v32;
	v36 =	vadd.f32 v44, v36;
	v25 =	vld [tilespmem:s29+$0x80];
	v39 =	vmul.f32 v28, v18;
	[tilespmem:s13+$0x0] =	vst v45;
	s13 =	smov.u32 s0  }
0x1ac: {  	v35 =	vadd.f32 v30, v35;
	v41 =	vadd.f32 v41, v26;
	v42 =	vmul.f32 v28, v17;
	v29 =	vld [tilespmem:s11+$0x80]  }
.Ltmp1:
0x1ad: {  	v36 =	vadd.f32 v31, v36;
	v26 =	vld [tilespmem:s25+$0x80];
	v32 =	vadd.f32 v39, v32;
	v33 =	vmul.f32 v33, v17;
	(pc) =	sbr.rel @p0 .LBB2_5-.Ltmp1, $4  }
0x1ae: {  	v30 =	vmul.f32 v34, v20;
	v34 =	vadd.f32 v38, v35;
	v35 =	vadd.f32 v40, v41;
	v28 =	vld [tilespmem:s16+$0x80]  }
0x1af: {  	v31 =	vmul.f32 v37, v19;
	v38 =	vadd.f32 v42, v36;
	v39 =	vadd.f32 v33, v32  }
0x1b0: {  	v32 =	vmul.f32 v37, v20;
	v33 =	vmul.f32 v43, v19  }
0x1b1: {  	s9 =	sadd.s32 $0x100, s9;
	s10 =	sadd.s32 $0x20, s10;
	v36 =	vmul.f32 v27, v20;
	v34 =	vmax.f32 v34, v35;
	v35 =	vmax.f32 v38, v39  }
0x1b2: {  	v37 =	vmul.f32 v23, v19  }
0x1b3: {  	v20 =	vmul.f32 v23, v20;
	v30 =	vadd.f32 v31, v30;
	v19 =	vmul.f32 v25, v19  }
0x1b4: {  	v27 =	vmul.f32 v27, v18;
	v31 =	vadd.f32 v33, v32;
	v47 =	vmul.f32 v23, v18  }
0x1b5: {  	v25 =	vmul.f32 v25, v17;
	v46 =	vadd.f32 v37, v36;
	v19 =	vadd.f32 v19, v20  }
0x1b6: {  	v20 =	vmul.f32 v29, v18;
	v27 =	vadd.f32 v27, v30;
	v18 =	vmul.f32 v26, v18  }
0x1b7: {  	v29 =	vmul.f32 v23, v17;
	v30 =	vadd.f32 v47, v31;
	v26 =	vmul.f32 v26, v17  }
0x1b8: {  	v17 =	vmul.f32 v28, v17;
	v20 =	vadd.f32 v20, v46;
	v18 =	vadd.f32 v18, v19  }
0x1b9: {  	v19 =	vadd.f32 v29, v27;
	v25 =	vadd.f32 v25, v30  }
0x1ba: {  	v20 =	vadd.f32 v26, v20;
	v17 =	vadd.f32 v17, v18  }
0x1bb: {  	v18 =	vmax.f32 v34, v35  }
0x1bc: {  	v19 =	vmax.f32 v19, v25;
	v18 =	vadd.f32 v18, v16;
	v17 =	vmax.f32 v20, v17  }
0x1bd: {  	s0 =	smulhi.u32 $0x92492493, s12;
	s7 =	sand.u32 $0x180, s3;
	s3 =	sor.u32 $0x2, s14;
	v17 =	vmax.f32 v19, v17  }
0x1be: {  	s10 =	sshll.u32 s3, $0x2;
	v19 =	vmul.f32 $2.000000030e-01, v18;
	v16 =	vadd.f32 v17, v16  }
0x1bf: {  	s5 =	sshrl.u32 s0, $0x2;
	s11 =	sor.u32 $0x1, s10  }
0x1c0: {  	s5 =	smul.u32 $0x7, s5;
	v20 =	vmov s11;
	v18 =	vmax.f32 v18, v19;
	v19 =	vmul.f32 $2.000000030e-01, v16  }
0x1c1: {  	s7 =	sor.u32 $0x13400, s7;
	s9 =	sshll.u32 s0, $0x5;
	v20 =	vand.u32 $0xFFFFFFE9, v20;
	v17 =	vmul.f32 $2.000000030e-01, v24  }
0x1c2: {  	s0 =	sshll.u32 s0, $0xC;
	s29 =	sor.u32 s18, s7;
	s5 =	ssub.s32 s12, s5;
	v18 =	vadd.f32 v18, v22;
	v16 =	vmax.f32 v16, v19;
	v19 =	vmov s10  }
0x1c3: {  	s0 =	sand.u32 $0x60000, s0;
	s5 =	sshll.u32 s5, $0x12;
	v17 =	vmax.f32 v24, v17;
	v22 =	vbroadcast v20, $0x0;
	s10 =	sor.u32 $0x2, s10;
	v19 =	vand.u32 $0xFFFFFFE8, v19  }
0x1c4: {  	s28 =	sshllo.u32 s3, $0x2;
	s9 =	sand.u32 $0x380, s9;
	s0 =	sadd.s32 s5, s0;
	v17 =	vadd.f32 v17, v21;
	[tilespmem:s29+$0x0] =	vst v18;
	v21 =	vmov s10;
	v19 =	vbroadcast v19, $0x0  }
0x1c5: {  	s0 =	sor.u32 s9, s0;
	v16 =	vadd.f32 v16, v23;
	s9 =	rddreg [dreg:$0x5];
	v20 =	vand.u32 $0xFFFFFFEA, v21;
	v21 =	vmov s28  }
0x1c6: {  	s30 =	rddreg [dreg:$0x3];
	s0 =	sor.u32 s9, s0;
	v18 =	vbroadcast v20, $0x0;
	v20 =	vand.u32 $0xFFFFFFEB, v21;
	v21 =	vmov s3  }
0x1c7: {  	s12 =	simm.s32 $0x400;
	s10 =	sor.u32 s17, s7;
	[tilespmem:s13+$0x0] =	vst v17;
	s0 =	sshrl.u32 s0, $0x3;
	v17 =	vbroadcast v20, $0x0;
	v20 =	vand.u32 $0xFFFFFFFA, v21  }
0x1c8: {  	s11 =	simm.s32 $0x80;
	s13 =	simm.s32 $0x13400;
	[tilespmem:s10+$0x0] =	vst v16;
	s0 =	sadd.s32 s30, s0;
	v16 =	vbroadcast v20, $0x0  }
0x1c9: {  	[hbm4b:s0+s11] =	stream.strided.scatter [tilespmem:s13], [sflag:$0x2], $0x200, s12, s11, $0x38;
	[tilespmem:$0x13D00] =	vst v63  }
0x1ca: {  	v20 =	vld.idx.msk [tilespmem:v19+s15+$0x0], $0xffff  }
0x1cb: {  	v19 =	vld.idx.msk [tilespmem:v22+s15+$0x0], $0xffff  }
0x1cc: {  	v18 =	vld.idx.msk [tilespmem:v18+s15+$0x0], $0xffff  }
0x1cd: {  	s16 =	simm.s32 $0x13800;
	s17 =	simm.s32 $0x2;
	s12 =	simm.s32 $0x0;
	v17 =	vld.idx.msk [tilespmem:v17+s15+$0x0], $0xffff  }
0x1ce: {  	s5 =	sand.u32 $0x60, s12;
	s0 =	sand.u32 $0xC00, s12;
	v16 =	vld.idx.msk [tilespmem:v16+s16+$0x0], $0xffff;
	_ =	swait.ge [sflag:s17], $0x200  }
0x1cf: {  	s13 =	sor.u32 $0x10, s5;
	s9 =	sadd.s32 s0, s24;
	[sflag:s17] =	ssyncset.done $0x0  }
0x1d0: {  	s11 =	sadd.s32 s0, s31;
	s20 =	sadd.s32 s13, s9;
	[sflag:s17] =	ssyncadd.s32 $0xFFFFFE00  }
0x1d1: {  	s21 =	sadd.s32 s13, s11;
	s16 =	sadd.s32 s0, s4;
	v22 =	vld [tilespmem:s20+$0x100]  }
0x1d2: {  	s7 =	sadd.s32 s0, s23;
	s25 =	sadd.s32 s13, s16;
	v23 =	vld [tilespmem:s21+$0x100]  }
0x1d3: {  	s26 =	sadd.s32 s0, s1;
	s18 =	sadd.s32 s13, s7;
	v24 =	vld [tilespmem:s25+$0x100]  }
0x1d4: {  	s28 =	sadd.s32 s13, s26;
	v21 =	vld [tilespmem:s18+$0x100]  }
0x1d5: {  	s7 =	sadd.s32 s5, s7;
	s17 =	sadd.s32 s0, s2;
	v26 =	vld [tilespmem:s28+$0x100]  }
0x1d6: {  	s20 =	sadd.s32 s13, s17;
	v50 =	vld [tilespmem:s7+$0x100]  }
0x1d7: {  	s18 =	sadd.s32 s0, s6;
	s25 =	sadd.s32 s5, s26;
	v25 =	vld [tilespmem:s20+$0x100];
	v27 =	vmul.f32 v22, v17  }
0x1d8: {  	s20 =	sadd.s32 s0, s19;
	s21 =	sadd.s32 s13, s18;
	v54 =	vld [tilespmem:s25+$0x100];
	v28 =	vmul.f32 v23, v17;
	v30 =	vmul.f32 v24, v18  }
0x1d9: {  	s0 =	sadd.s32 s0, s8;
	v29 =	vld [tilespmem:s21+$0x100];
	s29 =	sadd.s32 s13, s20;
	v31 =	vmul.f32 v22, v18;
	v21 =	vmul.f32 v21, v20  }
0x1da: {  	s21 =	sadd.s32 s13, s0;
	v48 =	vld [tilespmem:s29+$0x100];
	v26 =	vmul.f32 v26, v19;
	v24 =	vmul.f32 v24, v20  }
0x1db: {  	s26 =	sadd.s32 s5, s16;
	s16 =	sadd.s32 s5, s20;
	v51 =	vld [tilespmem:s21+$0x100];
	v52 =	vmul.f32 v22, v19;
	v38 =	vmul.f32 v22, v20  }
0x1dc: {  	v60 =	vld [tilespmem:s16+$0x100];
	v23 =	vmul.f32 v23, v19;
	v49 =	vmul.f32 v25, v19  }
0x1dd: {  	s0 =	sadd.s32 s5, s0;
	v34 =	vmul.f32 v50, v20;
	v25 =	vmul.f32 v25, v20  }
0x1de: {  	s17 =	sadd.s32 s5, s17;
	v61 =	vld [tilespmem:s0+$0x100];
	v58 =	vmul.f32 v54, v19;
	v24 =	vadd.f32 v52, v24;
	v21 =	vadd.f32 v49, v21  }
0x1df: {  	s28 =	sadd.s32 s5, s9;
	v53 =	vld [tilespmem:s17+$0x100];
	v55 =	vadd.f32 v23, v38;
	v25 =	vadd.f32 v26, v25;
	v56 =	vmul.f32 v48, v18  }
0x1e0: {  	v23 =	vld [tilespmem:s28+$0x100];
	v26 =	vmul.f32 v29, v18;
	v57 =	vmul.f32 v51, v17;
	v21 =	vadd.f32 v30, v21  }
0x1e1: {  	s9 =	simm.s32 $0x20;
	s29 =	sadd.s32 s5, s11;
	s11 =	simm.s32 $0x100;
	v29 =	vld [tilespmem:s26+$0x100];
	v40 =	vmul.f32 v60, v18;
	v25 =	vadd.f32 v31, v25;
	v31 =	vadd.f32 v56, v55  }
0x1e2: {  	s10 =	sadd.s32 s5, s18;
	s17 =	sand.u32 $0x60, s9;
	s18 =	sand.u32 $0xC00, s11;
	v30 =	vmul.f32 v48, v17;
	v24 =	vadd.f32 v26, v24;
	v26 =	vld [tilespmem:s29+$0x100];
	v21 =	vadd.f32 v27, v21  }
0x1e3: {  	s7 =	sadd.s32 s18, s23;
	v44 =	vmul.f32 v61, v17;
	v25 =	vadd.f32 v28, v25;
	v28 =	vadd.f32 v57, v31;
	v31 =	vld [tilespmem:s10+$0x100];
	s10 =	sor.u32 $0x10, s17  }
0x1e4: {  	s11 =	sadd.s32 s18, s4;
	v27 =	vmul.f32 v53, v19;
	v24 =	vadd.f32 v30, v24;
	v30 =	vmul.f32 v53, v20;
	s20 =	sadd.s32 s10, s7  }
0x1e5: {  	v63 =	vmul.f32 v23, v18;
	v41 =	vmul.f32 v23, v17;
	s26 =	sadd.s32 s10, s11;
	v62 =	vld [tilespmem:s20+$0x100]  }
0x1e6: {  	s0 =	sadd.s32 s18, s1;
	v59 =	vmul.f32 v29, v20;
	s7 =	sadd.s32 s17, s7;
	v21 =	vmax.f32 v21, v25;
	v24 =	vmax.f32 v24, v28;
	v42 =	vld [tilespmem:s26+$0x100]  }
0x1e7: {  	s28 =	sadd.s32 s10, s0;
	s0 =	sadd.s32 s17, s0;
	v25 =	vmul.f32 v23, v19;
	v28 =	vmul.f32 v23, v20;
	v30 =	vadd.f32 v58, v30;
	v39 =	vld [tilespmem:s7+$0x100]  }
0x1e8: {  	s11 =	sadd.s32 s17, s11;
	v51 =	vld [tilespmem:s0+$0x100];
	v21 =	vmax.f32 v21, v24;
	v24 =	vadd.f32 v27, v34;
	v27 =	vmul.f32 v26, v19  }
0x1e9: {  	s16 =	sadd.s32 s18, s24;
	v29 =	vmul.f32 v29, v18;
	v52 =	vld [tilespmem:s11+$0x100];
	v21 =	vadd.f32 v21, v16;
	v33 =	vadd.f32 v25, v59  }
0x1ea: {  	s5 =	sadd.s32 s18, s31;
	s21 =	sadd.s32 s10, s16;
	v26 =	vmul.f32 v26, v17;
	v30 =	vadd.f32 v63, v30;
	v27 =	vadd.f32 v27, v28  }
0x1eb: {  	s25 =	sadd.s32 s10, s5;
	s20 =	sadd.s32 s18, s2;
	v25 =	vld [tilespmem:s21+$0x100];
	v29 =	vadd.f32 v29, v24;
	v24 =	vmul.f32 v31, v18;
	v28 =	vmul.f32 $2.000000030e-01, v21  }
0x1ec: {  	v31 =	vld [tilespmem:s25+$0x100];
	s25 =	sadd.s32 s10, s20;
	v26 =	vadd.f32 v26, v30;
	v46 =	vmul.f32 v42, v18;
	v32 =	vmul.f32 v62, v20  }
0x1ed: {  	v43 =	vld [tilespmem:s25+$0x100];
	v29 =	vadd.f32 v41, v29;
	v54 =	vmul.f32 v39, v20;
	v57 =	vmul.f32 v51, v19  }
0x1ee: {  	v58 =	vmul.f32 v52, v20;
	v35 =	vmul.f32 v52, v18;
	v21 =	vmax.f32 v21, v28  }
0x1ef: {  	s25 =	sadd.s32 s18, s19;
	v28 =	vadd.f32 v24, v33;
	v24 =	vadd.f32 v21, v22;
	v21 =	vmul.f32 v60, v17  }
0x1f0: {  	s29 =	sadd.s32 s10, s25;
	v22 =	vadd.f32 v40, v27;
	v27 =	vld [tilespmem:s28+$0x100];
	v47 =	vmul.f32 v25, v18;
	v41 =	vmul.f32 v25, v20  }
0x1f1: {  	s21 =	sadd.s32 s18, s6;
	v26 =	vmax.f32 v29, v26;
	v29 =	vld [tilespmem:s29+$0x100];
	s29 =	sadd.s32 s17, s20;
	s20 =	sadd.s32 s17, s5;
	v30 =	vmul.f32 v31, v17;
	v31 =	vmul.f32 v31, v19  }
0x1f2: {  	s26 =	sadd.s32 s10, s21;
	s28 =	sadd.s32 s18, s8;
	v55 =	vld [tilespmem:s20+$0x100];
	v21 =	vadd.f32 v21, v28;
	v22 =	vadd.f32 v44, v22;
	v48 =	vmul.f32 v43, v19  }
0x1f3: {  	v45 =	vld [tilespmem:s26+$0x100];
	v50 =	vmul.f32 v25, v19;
	s26 =	sadd.s32 s10, s28;
	v28 =	vmul.f32 v25, v17;
	v31 =	vadd.f32 v31, v41  }
0x1f4: {  	s25 =	sadd.s32 s17, s25;
	v49 =	vld [tilespmem:s26+$0x100];
	v21 =	vmax.f32 v21, v22;
	v22 =	vmul.f32 v43, v20;
	v32 =	vadd.f32 v48, v32  }
0x1f5: {  	s21 =	sadd.s32 s17, s21;
	v59 =	vld [tilespmem:s25+$0x100];
	v27 =	vmul.f32 v27, v19;
	v26 =	vmax.f32 v26, v21;
	v21 =	vmul.f32 v42, v20  }
0x1f6: {  	v56 =	vld [tilespmem:s21+$0x100];
	v53 =	vmul.f32 v29, v18;
	v29 =	vmul.f32 v29, v17;
	v32 =	vadd.f32 v46, v32  }
0x1f7: {  	v26 =	vadd.f32 v26, v16;
	v60 =	vmul.f32 v55, v19;
	v22 =	vadd.f32 v27, v22  }
0x1f8: {  	s18 =	sadd.s32 s17, s16;
	v40 =	vld [tilespmem:s29+$0x100];
	v36 =	vmul.f32 v55, v17;
	v27 =	vmul.f32 v45, v18;
	v34 =	vadd.f32 v50, v21  }
0x1f9: {  	v21 =	vld [tilespmem:s18+$0x100];
	v31 =	vadd.f32 v53, v31;
	v33 =	vmul.f32 v49, v17;
	v22 =	vadd.f32 v47, v22  }
0x1fa: {  	v45 =	vmul.f32 v59, v18;
	v50 =	vmul.f32 v59, v17;
	v27 =	vadd.f32 v27, v34  }
0x1fb: {  	v28 =	vadd.f32 v28, v32;
	v32 =	vmul.f32 v56, v18;
	v22 =	vadd.f32 v30, v22  }
0x1fc: {  	s26 =	simm.s32 $0x200;
	s18 =	simm.s32 $0x40;
	v52 =	vmul.f32 $2.000000030e-01, v26;
	v27 =	vadd.f32 v29, v27;
	v29 =	vadd.f32 v33, v31  }
0x1fd: {  	s0 =	sand.u32 $0xC00, s26;
	s20 =	sand.u32 $0x60, s18;
	v30 =	vmul.f32 v40, v19;
	v31 =	vmul.f32 v40, v20  }
0x1fe: {  	s28 =	sadd.s32 s17, s28;
	s5 =	sadd.s32 s0, s31;
	s17 =	sor.u32 $0x10, s20;
	v22 =	vmax.f32 v28, v22;
	v27 =	vmax.f32 v27, v29;
	v28 =	vmul.f32 v21, v19  }
0x1ff: {  	s21 =	sadd.s32 s0, s23;
	s25 =	sadd.s32 s17, s5;
	v29 =	vmul.f32 v21, v20;
	v22 =	vmax.f32 v22, v27;
	v27 =	vadd.f32 v30, v54;
	v30 =	vld [tilespmem:s28+$0x100]  }
0x200: {  	s16 =	sadd.s32 s0, s24;
	s29 =	sadd.s32 s17, s21;
	v46 =	vld [tilespmem:s25+$0x100];
	v63 =	vmul.f32 v21, v18;
	v31 =	vadd.f32 v57, v31;
	v61 =	vadd.f32 v22, v16  }
0x201: {  	s11 =	sadd.s32 s17, s16;
	v26 =	vmax.f32 v26, v52;
	v62 =	vld [tilespmem:s29+$0x100];
	s28 =	sadd.s32 s0, s4;
	v28 =	vadd.f32 v28, v58;
	v29 =	vadd.f32 v60, v29  }
0x202: {  	s7 =	sadd.s32 s0, s1;
	v22 =	vld [tilespmem:s11+$0x100];
	s26 =	sadd.s32 s17, s28;
	v31 =	vadd.f32 v63, v31;
	v27 =	vadd.f32 v35, v27;
	v44 =	vmul.f32 $2.000000030e-01, v61  }
0x203: {  	v47 =	vmul.f32 v21, v17;
	s11 =	sadd.s32 s0, s2;
	v48 =	vld [tilespmem:s26+$0x100];
	s26 =	sadd.s32 s17, s7;
	v28 =	vadd.f32 v32, v28;
	v29 =	vadd.f32 v45, v29  }
0x204: {  	s29 =	sadd.s32 s17, s11;
	v51 =	vld [tilespmem:s26+$0x100];
	v31 =	vadd.f32 v36, v31;
	v34 =	vmax.f32 v61, v44;
	v30 =	vmul.f32 v30, v17  }
0x205: {  	s25 =	sadd.s32 s0, s6;
	v54 =	vmul.f32 v46, v17;
	s11 =	sadd.s32 s20, s11;
	v27 =	vadd.f32 v47, v27;
	v49 =	vadd.f32 v34, v25;
	v25 =	vld [tilespmem:s29+$0x100]  }
0x206: {  	v33 =	vmul.f32 v62, v20;
	s26 =	sadd.s32 s0, s19;
	v45 =	vld [tilespmem:s11+$0x100];
	v28 =	vadd.f32 v50, v28;
	s29 =	sadd.s32 s17, s25;
	v29 =	vadd.f32 v30, v29  }
0x207: {  	v40 =	vmul.f32 v46, v19;
	v53 =	vmul.f32 v22, v17;
	v27 =	vmax.f32 v27, v31;
	v30 =	vld [tilespmem:s29+$0x100];
	s29 =	sadd.s32 s17, s26  }
0x208: {  	s7 =	sadd.s32 s20, s7;
	s0 =	sadd.s32 s0, s8;
	v55 =	vmul.f32 v22, v18;
	v42 =	vmul.f32 v22, v19;
	v28 =	vmax.f32 v28, v29;
	v29 =	vld [tilespmem:s29+$0x100]  }
0x209: {  	v59 =	vld [tilespmem:s7+$0x100];
	s11 =	sadd.s32 s20, s16;
	s16 =	sand.u32 $0x180, s12;
	v43 =	vmul.f32 v22, v20;
	s29 =	sadd.s32 s17, s0;
	v27 =	vmax.f32 v27, v28;
	v28 =	vmul.f32 v51, v19  }
0x20a: {  	s7 =	sor.u32 s13, s16;
	v44 =	vadd.f32 v26, v23;
	v57 =	vld [tilespmem:s29+$0x100];
	v56 =	vmul.f32 v25, v19;
	v25 =	vmul.f32 v25, v20  }
0x20b: {  	s21 =	sadd.s32 s20, s21;
	[tilespmem:s7+$0x13200] =	vst v24;
	v37 =	vmul.f32 v48, v20;
	v60 =	vadd.f32 v40, v43;
	v24 =	vadd.f32 v27, v16  }
0x20c: {  	v58 =	vld [tilespmem:s21+$0x100];
	v31 =	vmul.f32 v48, v18;
	s29 =	sadd.s32 s20, s28;
	v23 =	vadd.f32 v56, v33;
	v25 =	vadd.f32 v28, v25  }
0x20d: {  	v26 =	vld [tilespmem:s29+$0x100];
	v28 =	vmul.f32 v30, v18;
	v30 =	vadd.f32 v42, v37;
	v61 =	vmul.f32 v29, v18  }
0x20e: {  	v62 =	vmul.f32 v29, v17;
	v31 =	vadd.f32 v31, v23;
	v39 =	vadd.f32 v55, v25  }
0x20f: {  	s5 =	sadd.s32 s20, s5;
	v23 =	vld [tilespmem:s11+$0x100];
	v28 =	vadd.f32 v28, v30;
	v35 =	vmul.f32 v57, v17;
	v37 =	vadd.f32 v61, v60  }
0x210: {  	v32 =	vmul.f32 v45, v20;
	s29 =	sadd.s32 s20, s26;
	v25 =	vld [tilespmem:s5+$0x100];
	v34 =	vadd.f32 v53, v31;
	v38 =	vadd.f32 v54, v39  }
0x211: {  	s21 =	sand.u32 $0x180, s9;
	s13 =	simm.s32 $0x13200;
	s28 =	sadd.s32 s20, s25;
	v27 =	vld [tilespmem:s29+$0x100];
	v33 =	vmul.f32 v59, v19;
	v63 =	vadd.f32 v62, v28;
	v35 =	vadd.f32 v35, v37  }
0x212: {  	[tilespmem:s13+$0x0] =	vst v44;
	s0 =	sadd.s32 s20, s0;
	v29 =	vld [tilespmem:s28+$0x100];
	v30 =	vmul.f32 v58, v20;
	s5 =	sor.u32 s10, s21;
	v36 =	vmul.f32 v26, v20  }
0x213: {  	s9 =	simm.s32 $0x4;
	s12 =	simm.s32 $0x60;
	s10 =	simm.s32 $0x300;
	[tilespmem:s5+$0x13200] =	vst v49;
	v31 =	vmul.f32 v45, v19;
	v28 =	vld [tilespmem:s0+$0x100];
	v34 =	vmax.f32 v34, v38;
	v35 =	vmax.f32 v63, v35  }
.LBB2_7:
0x214: {  	s21 =	sand.u32 $0x60, s12;
	s5 =	sand.u32 $0xC00, s10;
	v37 =	vmul.f32 v23, v19;
	v38 =	vmul.f32 v23, v20;
	v34 =	vmax.f32 v34, v35  }
0x215: {  	v30 =	vadd.f32 v31, v30;
	v31 =	vmul.f32 v25, v19;
	s0 =	sadd.s32 s5, s23;
	s28 =	sor.u32 $0x10, s21;
	v34 =	vadd.f32 v34, v16  }
0x216: {  	v26 =	vmul.f32 v26, v18;
	v32 =	vadd.f32 v33, v32;
	s11 =	sadd.s32 s5, s24;
	s7 =	sadd.s32 s21, s0;
	s0 =	sadd.s32 s28, s0;
	v33 =	vadd.f32 v37, v36  }
0x217: {  	s16 =	sadd.s32 s5, s31;
	s20 =	sadd.s32 s21, s11;
	v36 =	vmul.f32 v23, v18;
	v31 =	vadd.f32 v31, v38;
	v35 =	vld [tilespmem:s0+$0x100];
	s0 =	sadd.s32 s28, s11;
	v37 =	vmul.f32 $2.000000030e-01, v34  }
0x218: {  	v29 =	vmul.f32 v29, v18;
	s29 =	sadd.s32 s21, s16;
	v26 =	vadd.f32 v26, v30;
	v30 =	vmul.f32 v27, v18;
	s11 =	sadd.s32 s5, s4;
	v38 =	vld [tilespmem:s0+$0x100];
	s0 =	sadd.s32 s28, s16  }
0x219: {  	v40 =	vmul.f32 v23, v17;
	s25 =	sadd.s32 s5, s2;
	s16 =	sadd.s32 s21, s11;
	s11 =	sadd.s32 s28, s11;
	v32 =	vadd.f32 v36, v32;
	v39 =	vld [tilespmem:s0+$0x100];
	v34 =	vmax.f32 v34, v37  }
0x21a: {  	v25 =	vmul.f32 v25, v17;
	s26 =	sadd.s32 s28, s25;
	v29 =	vadd.f32 v29, v33;
	s0 =	sadd.s32 s5, s1;
	v36 =	vld [tilespmem:s11+$0x100];
	v37 =	vadd.f32 v34, v22;
	s11 =	sand.u32 $0x180, s18  }
0x21b: {  	s9 =	sadd.s32 $0x2, s9;
	v28 =	vmul.f32 v28, v17;
	v27 =	vmul.f32 v27, v17;
	v30 =	vadd.f32 v30, v31;
	s18 =	sadd.s32 s28, s0;
	v33 =	vld [tilespmem:s26+$0x100];
	s11 =	sor.u32 s17, s11  }
0x21c: {  	p0 =	slt.u32 s9, $0x1E;
	s25 =	sadd.s32 s21, s25;
	v26 =	vadd.f32 v40, v26;
	s0 =	sadd.s32 s21, s0;
	v25 =	vadd.f32 v25, v32;
	v32 =	vmul.f32 $2.000000030e-01, v24;
	v31 =	vld [tilespmem:s18+$0x100];
	[tilespmem:s11+$0x13200] =	vst v37  }
0x21d: {  	v27 =	vadd.f32 v27, v29;
	v28 =	vadd.f32 v28, v30;
	s17 =	smov.u32 s28;
	s18 =	smov.u32 s12;
	v34 =	vld [tilespmem:s7+$0x100];
	s7 =	sadd.s32 s5, s6;
	v22 =	vmov v38  }
0x21e: {  	v25 =	vmax.f32 v26, v25;
	v37 =	vld [tilespmem:s25+$0x100];
	s11 =	sadd.s32 s21, s7;
	s25 =	sadd.s32 s5, s19;
	s7 =	sadd.s32 s17, s7;
	v38 =	vmul.f32 v22, v17;
	v40 =	vmul.f32 v39, v17  }
0x21f: {  	v26 =	vmax.f32 v27, v28;
	v41 =	vmul.f32 v22, v18;
	s26 =	sadd.s32 s21, s25;
	v29 =	vld [tilespmem:s7+$0x100];
	s7 =	sadd.s32 s17, s25;
	v30 =	vmul.f32 v36, v18  }
0x220: {  	v28 =	vmul.f32 v35, v20;
	v25 =	vmax.f32 v25, v26;
	s5 =	sadd.s32 s5, s8;
	v27 =	vld [tilespmem:s7+$0x100];
	v35 =	vmul.f32 v33, v19  }
0x221: {  	v25 =	vadd.f32 v25, v16;
	v33 =	vmul.f32 v33, v20;
	v42 =	vld [tilespmem:s0+$0x100];
	s0 =	sadd.s32 s21, s5;
	s5 =	sadd.s32 s17, s5;
	v31 =	vmul.f32 v31, v19  }
0x222: {  	v46 =	vmax.f32 v24, v32;
	v44 =	vmul.f32 v22, v19;
	v36 =	vmul.f32 v36, v20;
	v43 =	vld [tilespmem:s5+$0x100]  }
0x223: {  	v45 =	vadd.f32 v46, v21;
	v32 =	vmul.f32 v22, v20;
	v39 =	vmul.f32 v39, v19;
	v24 =	vmovc v25;
	v26 =	vld [tilespmem:s16+$0x100]  }
0x224: {  	s13 =	sadd.s32 $0x20, s13;
	v21 =	vmovc v23;
	v28 =	vadd.f32 v35, v28;
	v31 =	vadd.f32 v31, v33;
	v33 =	vmul.f32 v29, v18;
	v23 =	vld [tilespmem:s20+$0x100]  }
0x225: {  	v32 =	vadd.f32 v39, v32;
	v35 =	vadd.f32 v44, v36;
	v25 =	vld [tilespmem:s29+$0x100];
	v36 =	vmul.f32 v27, v18;
	[tilespmem:s13+$0x0] =	vst v45  }
0x226: {  	v39 =	vadd.f32 v30, v28;
	v31 =	vadd.f32 v41, v31;
	v41 =	vmul.f32 v27, v17;
	v29 =	vld [tilespmem:s11+$0x100]  }
.Ltmp2:
0x227: {  	v33 =	vadd.f32 v33, v35;
	v27 =	vld [tilespmem:s26+$0x100];
	v32 =	vadd.f32 v36, v32;
	v35 =	vmul.f32 v43, v17;
	(pc) =	sbr.rel @p0 .LBB2_7-.Ltmp2, $4  }
0x228: {  	v30 =	vmul.f32 v34, v20;
	v34 =	vadd.f32 v38, v39;
	v38 =	vadd.f32 v40, v31;
	v28 =	vld [tilespmem:s0+$0x100]  }
0x229: {  	v31 =	vmul.f32 v37, v19;
	v39 =	vadd.f32 v41, v33;
	v35 =	vadd.f32 v35, v32  }
0x22a: {  	v33 =	vmul.f32 v42, v19;
	v32 =	vmul.f32 v37, v20  }
0x22b: {  	s10 =	sadd.s32 $0x100, s10;
	s12 =	sadd.s32 $0x20, s12;
	v36 =	vmul.f32 v26, v20;
	v34 =	vmax.f32 v34, v38;
	v35 =	vmax.f32 v39, v35  }
0x22c: {  	v37 =	vmul.f32 v23, v19  }
0x22d: {  	v20 =	vmul.f32 v23, v20;
	v30 =	vadd.f32 v31, v30;
	v19 =	vmul.f32 v25, v19  }
0x22e: {  	v26 =	vmul.f32 v26, v18;
	v31 =	vadd.f32 v33, v32;
	v53 =	vmul.f32 v23, v18  }
0x22f: {  	v25 =	vmul.f32 v25, v17;
	v52 =	vadd.f32 v37, v36;
	v19 =	vadd.f32 v19, v20  }
0x230: {  	v20 =	vmul.f32 v29, v18;
	v26 =	vadd.f32 v26, v30;
	v18 =	vmul.f32 v27, v18  }
0x231: {  	v29 =	vmul.f32 v23, v17;
	v30 =	vadd.f32 v53, v31;
	v27 =	vmul.f32 v27, v17  }
0x232: {  	v17 =	vmul.f32 v28, v17;
	v20 =	vadd.f32 v20, v52;
	v18 =	vadd.f32 v18, v19  }
0x233: {  	v19 =	vadd.f32 v29, v26;
	v25 =	vadd.f32 v25, v30  }
0x234: {  	v20 =	vadd.f32 v27, v20;
	v17 =	vadd.f32 v17, v18;
	v18 =	vmax.f32 v34, v35  }
0x235: {  	s12 =	sor.u32 $0x3, s14;
	v18 =	vadd.f32 v18, v16  }
0x236: {  	s0 =	smulhi.u32 $0x92492493, s3;
	s10 =	sshll.u32 s12, $0x2;
	v19 =	vmax.f32 v19, v25;
	v17 =	vmax.f32 v20, v17  }
0x237: {  	s28 =	sor.u32 $0x1, s10;
	v17 =	vmax.f32 v19, v17;
	v19 =	vmul.f32 $2.000000030e-01, v18  }
0x238: {  	s5 =	sshrl.u32 s0, $0x2;
	v20 =	vmov s28;
	v16 =	vadd.f32 v17, v16;
	v17 =	vmul.f32 $2.000000030e-01, v24  }
0x239: {  	s5 =	smul.u32 $0x7, s5;
	v20 =	vand.u32 $0xFFFFFFED, v20;
	v18 =	vmax.f32 v18, v19  }
0x23a: {  	s7 =	sand.u32 $0x180, s18;
	s29 =	sor.u32 $0x2, s10;
	v19 =	vmul.f32 $2.000000030e-01, v16;
	v18 =	vadd.f32 v18, v22;
	v17 =	vmax.f32 v24, v17  }
0x23b: {  	s9 =	sshll.u32 s0, $0x5;
	s0 =	sshll.u32 s0, $0xC;
	s26 =	ssub.s32 s3, s5;
	v22 =	vbroadcast v20, $0x0;
	v17 =	vadd.f32 v17, v21;
	v21 =	vmov s29  }
0x23c: {  	s0 =	sand.u32 $0x60000, s0;
	s3 =	sshll.u32 s26, $0x12;
	v16 =	vmax.f32 v16, v19;
	v19 =	vmov s10;
	s10 =	sor.u32 s17, s7;
	v20 =	vand.u32 $0xFFFFFFEE, v21  }
0x23d: {  	s9 =	sand.u32 $0x380, s9;
	s5 =	sshllo.u32 s12, $0x2;
	s0 =	sadd.s32 s3, s0;
	v19 =	vand.u32 $0xFFFFFFEC, v19;
	[tilespmem:s10+$0x13200] =	vst v18;
	v18 =	vbroadcast v20, $0x0  }
0x23e: {  	s0 =	sor.u32 s9, s0;
	v21 =	vmov s5;
	v19 =	vbroadcast v19, $0x0;
	s5 =	rddreg [dreg:$0x5]  }
0x23f: {  	s11 =	sadd.s32 $0x20, s13;
	v16 =	vadd.f32 v16, v23;
	v20 =	vand.u32 $0xFFFFFFEF, v21;
	v21 =	vmov s12;
	s0 =	sor.u32 s5, s0  }
0x240: {  	s13 =	simm.s32 $0x80;
	s3 =	sadd.s32 $0x20, s11;
	[tilespmem:s11+$0x0] =	vst v17;
	v17 =	vbroadcast v20, $0x0;
	v20 =	vand.u32 $0xFFFFFFFB, v21;
	s0 =	sshrl.u32 s0, $0x3  }
0x241: {  	s16 =	simm.s32 $0x400;
	s17 =	simm.s32 $0x13200;
	[tilespmem:s3+$0x0] =	vst v16;
	v16 =	vbroadcast v20, $0x0;
	s0 =	sadd.s32 s30, s0  }
0x242: {  	[hbm4b:s0+s13] =	stream.strided.scatter [tilespmem:s17], [sflag:$0x2], $0x200, s16, s13, $0x38;
	[tilespmem:$0x13D00] =	vst v63  }
0x243: {  	v18 =	vld.idx.msk [tilespmem:v18+s15+$0x0], $0xffff  }
0x244: {  	v20 =	vld.idx.msk [tilespmem:v19+s15+$0x0], $0xffff  }
0x245: {  	v19 =	vld.idx.msk [tilespmem:v22+s15+$0x0], $0xffff  }
0x246: {  	s18 =	simm.s32 $0x13800;
	s20 =	simm.s32 $0x2;
	s13 =	simm.s32 $0x0;
	v17 =	vld.idx.msk [tilespmem:v17+s15+$0x0], $0xffff  }
0x247: {  	s9 =	sand.u32 $0x60, s13;
	s0 =	sand.u32 $0xC00, s13;
	v16 =	vld.idx.msk [tilespmem:v16+s18+$0x0], $0xffff;
	_ =	swait.ge [sflag:s20], $0x200  }
0x248: {  	s3 =	sadd.s32 s0, s23;
	s10 =	sor.u32 $0x10, s9;
	[sflag:s20] =	ssyncset.done $0x0  }
0x249: {  	s5 =	sadd.s32 s0, s24;
	s21 =	sadd.s32 s10, s3;
	[sflag:s20] =	ssyncadd.s32 $0xFFFFFE00  }
0x24a: {  	s11 =	sadd.s32 s0, s31;
	s25 =	sadd.s32 s10, s5;
	v21 =	vld [tilespmem:s21+$0x180]  }
0x24b: {  	s16 =	sadd.s32 s0, s4;
	s26 =	sadd.s32 s10, s11;
	v23 =	vld [tilespmem:s25+$0x180]  }
0x24c: {  	s17 =	sadd.s32 s0, s2;
	s28 =	sadd.s32 s10, s16;
	v22 =	vld [tilespmem:s26+$0x180]  }
0x24d: {  	s29 =	sadd.s32 s0, s1;
	s20 =	sadd.s32 s10, s17;
	v24 =	vld [tilespmem:s28+$0x180]  }
0x24e: {  	s30 =	sadd.s32 s10, s29;
	v25 =	vld [tilespmem:s20+$0x180]  }
0x24f: {  	v26 =	vld [tilespmem:s30+$0x180]  }
0x250: {  	s3 =	sadd.s32 s9, s3  }
0x251: {  	s20 =	sadd.s32 s0, s6;
	v56 =	vld [tilespmem:s3+$0x180];
	s30 =	sadd.s32 s9, s16;
	s16 =	sadd.s32 s9, s11;
	v27 =	vmul.f32 v23, v17;
	v28 =	vmul.f32 v22, v17  }
0x252: {  	s25 =	sadd.s32 s0, s19;
	s21 =	sadd.s32 s10, s20;
	v63 =	vld [tilespmem:s16+$0x180];
	v30 =	vmul.f32 v24, v18;
	v31 =	vmul.f32 v23, v18  }
0x253: {  	s26 =	sadd.s32 s10, s25;
	v29 =	vld [tilespmem:s21+$0x180];
	v21 =	vmul.f32 v21, v20;
	v55 =	vmul.f32 v25, v19  }
0x254: {  	s0 =	sadd.s32 s0, s8;
	v54 =	vld [tilespmem:s26+$0x180];
	v25 =	vmul.f32 v25, v20;
	v26 =	vmul.f32 v26, v19  }
0x255: {  	s28 =	sadd.s32 s10, s0;
	v24 =	vmul.f32 v24, v20;
	v58 =	vmul.f32 v23, v19  }
0x256: {  	s17 =	sadd.s32 s9, s17;
	v57 =	vld [tilespmem:s28+$0x180];
	v38 =	vmul.f32 v23, v20;
	v22 =	vmul.f32 v22, v19  }
0x257: {  	s29 =	sadd.s32 s9, s29;
	v59 =	vld [tilespmem:s17+$0x180];
	v62 =	vmul.f32 v56, v20;
	v50 =	vmul.f32 v63, v17;
	v21 =	vadd.f32 v55, v21  }
0x258: {  	v60 =	vld [tilespmem:s29+$0x180];
	v25 =	vadd.f32 v26, v25;
	v26 =	vmul.f32 v29, v18;
	v24 =	vadd.f32 v58, v24  }
0x259: {  	s5 =	sadd.s32 s9, s5;
	v29 =	vld [tilespmem:s30+$0x180];
	v22 =	vadd.f32 v22, v38;
	v61 =	vmul.f32 v54, v18;
	v30 =	vadd.f32 v30, v21  }
0x25a: {  	v21 =	vld [tilespmem:s5+$0x180];
	v25 =	vadd.f32 v31, v25;
	v31 =	vmul.f32 v54, v17;
	v24 =	vadd.f32 v26, v24  }
0x25b: {  	v22 =	vadd.f32 v61, v22;
	v26 =	vmul.f32 v57, v17;
	v27 =	vadd.f32 v27, v30  }
0x25c: {  	s18 =	simm.s32 $0x100;
	s3 =	simm.s32 $0x20;
	s17 =	sadd.s32 s9, s20;
	v25 =	vadd.f32 v28, v25;
	v28 =	vmul.f32 v59, v19;
	v24 =	vadd.f32 v31, v24  }
0x25d: {  	s7 =	sand.u32 $0xC00, s18;
	s21 =	sadd.s32 s9, s25;
	v22 =	vadd.f32 v26, v22;
	v26 =	vmul.f32 v59, v20;
	v30 =	vld [tilespmem:s17+$0x180];
	v31 =	vmul.f32 v60, v19;
	s17 =	sand.u32 $0x60, s3  }
0x25e: {  	s0 =	sadd.s32 s9, s0;
	s20 =	sadd.s32 s7, s23;
	v43 =	vld [tilespmem:s21+$0x180];
	v42 =	vmul.f32 v29, v20;
	s18 =	sor.u32 $0x10, s17;
	v29 =	vmul.f32 v29, v18;
	v25 =	vmax.f32 v27, v25  }
0x25f: {  	s16 =	sadd.s32 s7, s31;
	v22 =	vmax.f32 v24, v22;
	v27 =	vld [tilespmem:s0+$0x180];
	s25 =	sadd.s32 s18, s20;
	v24 =	vmul.f32 v21, v19;
	v44 =	vmul.f32 v21, v20  }
0x260: {  	s5 =	sadd.s32 s7, s24;
	s28 =	sadd.s32 s18, s16;
	v22 =	vmax.f32 v25, v22;
	v25 =	vadd.f32 v28, v62;
	v28 =	vmul.f32 v63, v19;
	v46 =	vld [tilespmem:s25+$0x180]  }
0x261: {  	s21 =	sadd.s32 s7, s4;
	s26 =	sadd.s32 s18, s5;
	v26 =	vadd.f32 v31, v26;
	v31 =	vmul.f32 v21, v18;
	v48 =	vld [tilespmem:s28+$0x180];
	v49 =	vmul.f32 v21, v17  }
0x262: {  	s25 =	sadd.s32 s18, s21;
	v45 =	vadd.f32 v22, v16;
	v22 =	vld [tilespmem:s26+$0x180];
	v24 =	vadd.f32 v24, v42;
	v30 =	vmul.f32 v30, v18  }
0x263: {  	s11 =	sadd.s32 s7, s2;
	v39 =	vld [tilespmem:s25+$0x180];
	v28 =	vadd.f32 v28, v44;
	v25 =	vadd.f32 v29, v25;
	v29 =	vmul.f32 v43, v18  }
0x264: {  	s0 =	sadd.s32 s7, s1;
	s26 =	sadd.s32 s18, s11;
	v26 =	vadd.f32 v31, v26;
	v47 =	vmul.f32 $2.000000030e-01, v45;
	v24 =	vadd.f32 v30, v24  }
0x265: {  	s29 =	sadd.s32 s18, s0;
	v51 =	vld [tilespmem:s26+$0x180];
	v28 =	vadd.f32 v29, v28;
	v27 =	vmul.f32 v27, v17;
	v25 =	vadd.f32 v49, v25  }
0x266: {  	s26 =	sadd.s32 s7, s19;
	v30 =	vld [tilespmem:s29+$0x180];
	v26 =	vadd.f32 v50, v26;
	v31 =	vmax.f32 v45, v47;
	v37 =	vmul.f32 v46, v20  }
0x267: {  	s25 =	sadd.s32 s7, s6;
	s30 =	sadd.s32 s18, s26;
	v52 =	vadd.f32 v31, v23;
	v23 =	vmul.f32 v43, v17;
	v29 =	vmul.f32 v22, v17  }
0x268: {  	s28 =	sadd.s32 s18, s25;
	s7 =	sadd.s32 s7, s8;
	v31 =	vmul.f32 v48, v17;
	v53 =	vmul.f32 v39, v18;
	v27 =	vadd.f32 v27, v28;
	v28 =	vld [tilespmem:s30+$0x180]  }
0x269: {  	s29 =	sadd.s32 s18, s7;
	v54 =	vmul.f32 v22, v18;
	v57 =	vmul.f32 v22, v19;
	v23 =	vadd.f32 v23, v24;
	v24 =	vld [tilespmem:s28+$0x180]  }
0x26a: {  	v56 =	vld [tilespmem:s29+$0x180];
	v25 =	vmax.f32 v25, v26;
	v55 =	vmul.f32 v51, v19;
	v26 =	vmul.f32 v51, v20  }
0x26b: {  	s11 =	sadd.s32 s17, s11;
	v30 =	vmul.f32 v30, v19;
	v23 =	vmax.f32 v23, v27;
	v27 =	vmul.f32 v39, v20  }
0x26c: {  	s20 =	sadd.s32 s17, s20;
	v58 =	vld [tilespmem:s11+$0x180];
	v41 =	vmax.f32 v25, v23;
	v23 =	vmul.f32 v22, v20;
	v25 =	vmul.f32 v48, v19  }
0x26d: {  	v40 =	vld [tilespmem:s20+$0x180];
	s0 =	sadd.s32 s17, s0;
	v37 =	vadd.f32 v55, v37;
	v26 =	vadd.f32 v30, v26;
	v60 =	vmul.f32 v28, v18  }
0x26e: {  	v59 =	vld [tilespmem:s0+$0x180];
	s30 =	sadd.s32 s17, s21;
	v30 =	vadd.f32 v57, v27;
	v24 =	vmul.f32 v24, v18;
	v25 =	vadd.f32 v25, v23  }
0x26f: {  	s11 =	sadd.s32 s17, s5;
	v33 =	vmul.f32 v56, v17;
	v32 =	vadd.f32 v53, v37;
	v27 =	vld [tilespmem:s30+$0x180];
	v26 =	vadd.f32 v54, v26  }
0x270: {  	s20 =	sadd.s32 s17, s16;
	v28 =	vmul.f32 v28, v17;
	v23 =	vld [tilespmem:s11+$0x180];
	v24 =	vadd.f32 v24, v30;
	v61 =	vadd.f32 v60, v25  }
0x271: {  	s21 =	sand.u32 $0x180, s13;
	s28 =	sadd.s32 s17, s25;
	v37 =	vadd.f32 v29, v32;
	v32 =	vmul.f32 v58, v20;
	v25 =	vld [tilespmem:s20+$0x180];
	v62 =	vadd.f32 v31, v26  }
0x272: {  	s29 =	sadd.s32 s17, s26;
	s0 =	sor.u32 $0x13400, s21;
	v29 =	vld [tilespmem:s28+$0x180];
	v30 =	vmul.f32 v40, v20;
	v63 =	vadd.f32 v28, v24;
	v35 =	vadd.f32 v33, v61  }
0x273: {  	s7 =	sadd.s32 s17, s7;
	s13 =	sor.u32 s9, s0;
	s30 =	sor.u32 s10, s0;
	v31 =	vmul.f32 v58, v19;
	v26 =	vld [tilespmem:s29+$0x180];
	v24 =	vadd.f32 v41, v16;
	v33 =	vmul.f32 v59, v19  }
0x274: {  	s9 =	simm.s32 $0x200;
	s10 =	simm.s32 $0x40;
	[tilespmem:s30+$0x0] =	vst v52;
	s20 =	simm.s32 $0x2;
	v28 =	vld [tilespmem:s7+$0x180];
	v36 =	vmul.f32 v27, v20;
	v34 =	vmax.f32 v37, v62;
	v35 =	vmax.f32 v63, v35  }
.LBB2_9:
0x275: {  	s5 =	sand.u32 $0x60, s10;
	s28 =	sand.u32 $0xC00, s9;
	v37 =	vmul.f32 v23, v19;
	v38 =	vmul.f32 v23, v20;
	v34 =	vmax.f32 v34, v35  }
0x276: {  	v30 =	vadd.f32 v31, v30;
	v31 =	vmul.f32 v25, v19;
	s0 =	sadd.s32 s28, s23;
	s16 =	sor.u32 $0x10, s5;
	v34 =	vadd.f32 v34, v16  }
0x277: {  	v27 =	vmul.f32 v27, v18;
	v32 =	vadd.f32 v33, v32;
	s11 =	sadd.s32 s28, s24;
	s7 =	sadd.s32 s5, s0;
	s0 =	sadd.s32 s16, s0;
	v33 =	vadd.f32 v37, v36  }
0x278: {  	s25 =	sadd.s32 s28, s31;
	s21 =	sadd.s32 s5, s11;
	v36 =	vmul.f32 v23, v18;
	v31 =	vadd.f32 v31, v38;
	v35 =	vld [tilespmem:s0+$0x180];
	s0 =	sadd.s32 s16, s11;
	v37 =	vmul.f32 $2.000000030e-01, v34  }
0x279: {  	v29 =	vmul.f32 v29, v18;
	s29 =	sadd.s32 s5, s25;
	v27 =	vadd.f32 v27, v30;
	v30 =	vmul.f32 v26, v18;
	s11 =	sadd.s32 s28, s4;
	v38 =	vld [tilespmem:s0+$0x180];
	s0 =	sadd.s32 s16, s25  }
0x27a: {  	v40 =	vmul.f32 v23, v17;
	s25 =	sadd.s32 s28, s2;
	s26 =	sadd.s32 s16, s11;
	v32 =	vadd.f32 v36, v32;
	v39 =	vld [tilespmem:s0+$0x180];
	s0 =	sand.u32 $0x180, s3;
	v34 =	vmax.f32 v34, v37  }
0x27b: {  	v25 =	vmul.f32 v25, v17;
	v29 =	vadd.f32 v29, v33;
	s3 =	sadd.s32 s28, s1;
	s30 =	sadd.s32 s16, s25;
	v36 =	vld [tilespmem:s26+$0x180];
	s0 =	sor.u32 $0x13400, s0;
	v37 =	vadd.f32 v34, v22  }
0x27c: {  	s20 =	sadd.s32 $0x2, s20;
	v28 =	vmul.f32 v28, v17;
	v26 =	vmul.f32 v26, v17;
	v30 =	vadd.f32 v30, v31;
	s26 =	sadd.s32 s16, s3;
	v33 =	vld [tilespmem:s30+$0x180];
	s18 =	sor.u32 s18, s0  }
0x27d: {  	p0 =	slt.u32 s20, $0x1E;
	v27 =	vadd.f32 v40, v27;
	s25 =	sadd.s32 s5, s25;
	v25 =	vadd.f32 v25, v32;
	v32 =	vmul.f32 $2.000000030e-01, v24;
	s30 =	sadd.s32 s5, s3;
	v31 =	vld [tilespmem:s26+$0x180];
	[tilespmem:s18+$0x0] =	vst v37  }
0x27e: {  	v26 =	vadd.f32 v26, v29;
	v28 =	vadd.f32 v28, v30;
	s3 =	sadd.s32 s28, s6;
	s0 =	sor.u32 s17, s0;
	v34 =	vld [tilespmem:s7+$0x180];
	s7 =	sadd.s32 s5, s11;
	v22 =	vmov v38  }
0x27f: {  	s17 =	sadd.s32 s28, s19;
	v25 =	vmax.f32 v27, v25;
	s11 =	sadd.s32 s5, s3;
	s3 =	sadd.s32 s16, s3;
	v37 =	vld [tilespmem:s25+$0x180];
	v38 =	vmul.f32 v22, v17;
	v40 =	vmul.f32 v39, v17  }
0x280: {  	v26 =	vmax.f32 v26, v28;
	s25 =	sadd.s32 s5, s17;
	v41 =	vmul.f32 v22, v18;
	v29 =	vld [tilespmem:s3+$0x180];
	s3 =	sadd.s32 s16, s17;
	v30 =	vmul.f32 v36, v18;
	s17 =	smov.u32 s5  }
0x281: {  	v35 =	vmul.f32 v35, v20;
	s18 =	smov.u32 s16;
	v25 =	vmax.f32 v25, v26;
	s5 =	sadd.s32 s28, s8;
	v28 =	vld [tilespmem:s3+$0x180];
	v42 =	vmul.f32 v33, v19;
	s3 =	smov.u32 s10  }
0x282: {  	v25 =	vadd.f32 v25, v16;
	s16 =	sadd.s32 s17, s5;
	s5 =	sadd.s32 s18, s5;
	v26 =	vmul.f32 v33, v20;
	v43 =	vld [tilespmem:s30+$0x180];
	v31 =	vmul.f32 v31, v19  }
0x283: {  	v46 =	vmax.f32 v24, v32;
	v44 =	vmul.f32 v22, v19;
	v36 =	vmul.f32 v36, v20;
	v33 =	vld [tilespmem:s5+$0x180]  }
0x284: {  	v45 =	vadd.f32 v46, v21;
	v32 =	vmul.f32 v22, v20;
	v39 =	vmul.f32 v39, v19;
	v24 =	vmovc v25;
	v27 =	vld [tilespmem:s7+$0x180]  }
0x285: {  	v21 =	vmovc v23;
	v35 =	vadd.f32 v42, v35;
	v26 =	vadd.f32 v31, v26;
	v31 =	vmul.f32 v29, v18;
	v23 =	vld [tilespmem:s21+$0x180]  }
0x286: {  	v32 =	vadd.f32 v39, v32;
	v36 =	vadd.f32 v44, v36;
	v25 =	vld [tilespmem:s29+$0x180];
	v39 =	vmul.f32 v28, v18;
	[tilespmem:s13+$0x0] =	vst v45;
	s13 =	smov.u32 s0  }
0x287: {  	v35 =	vadd.f32 v30, v35;
	v41 =	vadd.f32 v41, v26;
	v42 =	vmul.f32 v28, v17;
	v29 =	vld [tilespmem:s11+$0x180]  }
.Ltmp3:
0x288: {  	v36 =	vadd.f32 v31, v36;
	v26 =	vld [tilespmem:s25+$0x180];
	v32 =	vadd.f32 v39, v32;
	v33 =	vmul.f32 v33, v17;
	(pc) =	sbr.rel @p0 .LBB2_9-.Ltmp3, $4  }
0x289: {  	v30 =	vmul.f32 v34, v20;
	v34 =	vadd.f32 v38, v35;
	v35 =	vadd.f32 v40, v41;
	v28 =	vld [tilespmem:s16+$0x180]  }
0x28a: {  	v31 =	vmul.f32 v37, v19;
	v38 =	vadd.f32 v42, v36;
	v39 =	vadd.f32 v33, v32  }
0x28b: {  	v32 =	vmul.f32 v37, v20;
	v33 =	vmul.f32 v43, v19  }
0x28c: {  	s9 =	sadd.s32 $0x100, s9;
	s10 =	sadd.s32 $0x20, s10;
	v36 =	vmul.f32 v27, v20;
	v34 =	vmax.f32 v34, v35;
	v35 =	vmax.f32 v38, v39  }
0x28d: {  	v37 =	vmul.f32 v23, v19  }
0x28e: {  	v20 =	vmul.f32 v23, v20;
	v30 =	vadd.f32 v31, v30;
	v19 =	vmul.f32 v25, v19  }
0x28f: {  	v27 =	vmul.f32 v27, v18;
	v31 =	vadd.f32 v33, v32;
	v47 =	vmul.f32 v23, v18  }
0x290: {  	v25 =	vmul.f32 v25, v17;
	v46 =	vadd.f32 v37, v36;
	v19 =	vadd.f32 v19, v20  }
0x291: {  	v20 =	vmul.f32 v29, v18;
	v27 =	vadd.f32 v27, v30;
	v18 =	vmul.f32 v26, v18  }
0x292: {  	v29 =	vmul.f32 v23, v17;
	v30 =	vadd.f32 v47, v31;
	v26 =	vmul.f32 v26, v17  }
0x293: {  	v17 =	vmul.f32 v28, v17;
	v20 =	vadd.f32 v20, v46;
	v18 =	vadd.f32 v18, v19  }
0x294: {  	v19 =	vadd.f32 v29, v27;
	v25 =	vadd.f32 v25, v30  }
0x295: {  	v20 =	vadd.f32 v26, v20;
	v17 =	vadd.f32 v17, v18  }
0x296: {  	v18 =	vmax.f32 v34, v35  }
0x297: {  	v19 =	vmax.f32 v19, v25;
	v18 =	vadd.f32 v18, v16;
	v17 =	vmax.f32 v20, v17  }
0x298: {  	s0 =	smulhi.u32 $0x92492493, s12;
	s7 =	sand.u32 $0x180, s3;
	s3 =	sor.u32 $0x4, s14;
	v17 =	vmax.f32 v19, v17  }
0x299: {  	s10 =	sshll.u32 s3, $0x2;
	v19 =	vmul.f32 $2.000000030e-01, v18;
	v16 =	vadd.f32 v17, v16  }
0x29a: {  	s5 =	sshrl.u32 s0, $0x2;
	s11 =	sor.u32 $0x1, s10  }
0x29b: {  	s5 =	smul.u32 $0x7, s5;
	v20 =	vmov s11;
	v18 =	vmax.f32 v18, v19;
	v19 =	vmul.f32 $2.000000030e-01, v16  }
0x29c: {  	s7 =	sor.u32 $0x13400, s7;
	s9 =	sshll.u32 s0, $0x5;
	v20 =	vand.u32 $0xFFFFFFF1, v20;
	v17 =	vmul.f32 $2.000000030e-01, v24  }
0x29d: {  	s0 =	sshll.u32 s0, $0xC;
	s29 =	sor.u32 s18, s7;
	s5 =	ssub.s32 s12, s5;
	v18 =	vadd.f32 v18, v22;
	v16 =	vmax.f32 v16, v19;
	v19 =	vmov s10  }
0x29e: {  	s0 =	sand.u32 $0x60000, s0;
	s5 =	sshll.u32 s5, $0x12;
	v17 =	vmax.f32 v24, v17;
	v22 =	vbroadcast v20, $0x0;
	s10 =	sor.u32 $0x2, s10;
	v19 =	vand.u32 $0xFFFFFFF0, v19  }
0x29f: {  	s28 =	sshllo.u32 s3, $0x2;
	s9 =	sand.u32 $0x380, s9;
	s0 =	sadd.s32 s5, s0;
	v17 =	vadd.f32 v17, v21;
	[tilespmem:s29+$0x0] =	vst v18;
	v21 =	vmov s10;
	v19 =	vbroadcast v19, $0x0  }
0x2a0: {  	s0 =	sor.u32 s9, s0;
	v16 =	vadd.f32 v16, v23;
	s9 =	rddreg [dreg:$0x5];
	v20 =	vand.u32 $0xFFFFFFF2, v21;
	v21 =	vmov s28  }
0x2a1: {  	s30 =	rddreg [dreg:$0x3];
	s0 =	sor.u32 s9, s0;
	v18 =	vbroadcast v20, $0x0;
	v20 =	vand.u32 $0xFFFFFFF3, v21;
	v21 =	vmov s3  }
0x2a2: {  	s12 =	simm.s32 $0x400;
	s10 =	sor.u32 s17, s7;
	[tilespmem:s13+$0x0] =	vst v17;
	s0 =	sshrl.u32 s0, $0x3;
	v17 =	vbroadcast v20, $0x0;
	v20 =	vand.u32 $0xFFFFFFFC, v21  }
0x2a3: {  	s11 =	simm.s32 $0x80;
	s13 =	simm.s32 $0x13400;
	[tilespmem:s10+$0x0] =	vst v16;
	s0 =	sadd.s32 s30, s0;
	v16 =	vbroadcast v20, $0x0  }
0x2a4: {  	[hbm4b:s0+s11] =	stream.strided.scatter [tilespmem:s13], [sflag:$0x2], $0x200, s12, s11, $0x38;
	[tilespmem:$0x13D00] =	vst v63  }
0x2a5: {  	v20 =	vld.idx.msk [tilespmem:v19+s15+$0x0], $0xffff  }
0x2a6: {  	v19 =	vld.idx.msk [tilespmem:v22+s15+$0x0], $0xffff  }
0x2a7: {  	v18 =	vld.idx.msk [tilespmem:v18+s15+$0x0], $0xffff  }
0x2a8: {  	s16 =	simm.s32 $0x13800;
	s17 =	simm.s32 $0x2;
	s12 =	simm.s32 $0x0;
	v17 =	vld.idx.msk [tilespmem:v17+s15+$0x0], $0xffff  }
0x2a9: {  	s5 =	sand.u32 $0x60, s12;
	s0 =	sand.u32 $0xC00, s12;
	v16 =	vld.idx.msk [tilespmem:v16+s16+$0x0], $0xffff;
	_ =	swait.ge [sflag:s17], $0x200  }
0x2aa: {  	s13 =	sor.u32 $0x10, s5;
	s9 =	sadd.s32 s0, s24;
	[sflag:s17] =	ssyncset.done $0x0  }
0x2ab: {  	s11 =	sadd.s32 s0, s31;
	s20 =	sadd.s32 s13, s9;
	[sflag:s17] =	ssyncadd.s32 $0xFFFFFE00  }
0x2ac: {  	s21 =	sadd.s32 s13, s11;
	s16 =	sadd.s32 s0, s4;
	v22 =	vld [tilespmem:s20+$0x200]  }
0x2ad: {  	s7 =	sadd.s32 s0, s23;
	s25 =	sadd.s32 s13, s16;
	v23 =	vld [tilespmem:s21+$0x200]  }
0x2ae: {  	s26 =	sadd.s32 s0, s1;
	s18 =	sadd.s32 s13, s7;
	v24 =	vld [tilespmem:s25+$0x200]  }
0x2af: {  	s28 =	sadd.s32 s13, s26;
	v21 =	vld [tilespmem:s18+$0x200]  }
0x2b0: {  	s7 =	sadd.s32 s5, s7;
	s17 =	sadd.s32 s0, s2;
	v26 =	vld [tilespmem:s28+$0x200]  }
0x2b1: {  	s20 =	sadd.s32 s13, s17;
	v50 =	vld [tilespmem:s7+$0x200]  }
0x2b2: {  	s18 =	sadd.s32 s0, s6;
	s25 =	sadd.s32 s5, s26;
	v25 =	vld [tilespmem:s20+$0x200];
	v27 =	vmul.f32 v22, v17  }
0x2b3: {  	s20 =	sadd.s32 s0, s19;
	s21 =	sadd.s32 s13, s18;
	v54 =	vld [tilespmem:s25+$0x200];
	v28 =	vmul.f32 v23, v17;
	v30 =	vmul.f32 v24, v18  }
0x2b4: {  	s0 =	sadd.s32 s0, s8;
	v29 =	vld [tilespmem:s21+$0x200];
	s29 =	sadd.s32 s13, s20;
	v31 =	vmul.f32 v22, v18;
	v21 =	vmul.f32 v21, v20  }
0x2b5: {  	s21 =	sadd.s32 s13, s0;
	v48 =	vld [tilespmem:s29+$0x200];
	v26 =	vmul.f32 v26, v19;
	v24 =	vmul.f32 v24, v20  }
0x2b6: {  	s26 =	sadd.s32 s5, s16;
	s16 =	sadd.s32 s5, s20;
	v51 =	vld [tilespmem:s21+$0x200];
	v52 =	vmul.f32 v22, v19;
	v38 =	vmul.f32 v22, v20  }
0x2b7: {  	v60 =	vld [tilespmem:s16+$0x200];
	v23 =	vmul.f32 v23, v19;
	v49 =	vmul.f32 v25, v19  }
0x2b8: {  	s0 =	sadd.s32 s5, s0;
	v34 =	vmul.f32 v50, v20;
	v25 =	vmul.f32 v25, v20  }
0x2b9: {  	s17 =	sadd.s32 s5, s17;
	v61 =	vld [tilespmem:s0+$0x200];
	v58 =	vmul.f32 v54, v19;
	v24 =	vadd.f32 v52, v24;
	v21 =	vadd.f32 v49, v21  }
0x2ba: {  	s28 =	sadd.s32 s5, s9;
	v53 =	vld [tilespmem:s17+$0x200];
	v55 =	vadd.f32 v23, v38;
	v25 =	vadd.f32 v26, v25;
	v56 =	vmul.f32 v48, v18  }
0x2bb: {  	v23 =	vld [tilespmem:s28+$0x200];
	v26 =	vmul.f32 v29, v18;
	v57 =	vmul.f32 v51, v17;
	v21 =	vadd.f32 v30, v21  }
0x2bc: {  	s9 =	simm.s32 $0x20;
	s29 =	sadd.s32 s5, s11;
	s11 =	simm.s32 $0x100;
	v29 =	vld [tilespmem:s26+$0x200];
	v40 =	vmul.f32 v60, v18;
	v25 =	vadd.f32 v31, v25;
	v31 =	vadd.f32 v56, v55  }
0x2bd: {  	s10 =	sadd.s32 s5, s18;
	s17 =	sand.u32 $0x60, s9;
	s18 =	sand.u32 $0xC00, s11;
	v30 =	vmul.f32 v48, v17;
	v24 =	vadd.f32 v26, v24;
	v26 =	vld [tilespmem:s29+$0x200];
	v21 =	vadd.f32 v27, v21  }
0x2be: {  	s7 =	sadd.s32 s18, s23;
	v44 =	vmul.f32 v61, v17;
	v25 =	vadd.f32 v28, v25;
	v28 =	vadd.f32 v57, v31;
	v31 =	vld [tilespmem:s10+$0x200];
	s10 =	sor.u32 $0x10, s17  }
0x2bf: {  	s11 =	sadd.s32 s18, s4;
	v27 =	vmul.f32 v53, v19;
	v24 =	vadd.f32 v30, v24;
	v30 =	vmul.f32 v53, v20;
	s20 =	sadd.s32 s10, s7  }
0x2c0: {  	v63 =	vmul.f32 v23, v18;
	v41 =	vmul.f32 v23, v17;
	s26 =	sadd.s32 s10, s11;
	v62 =	vld [tilespmem:s20+$0x200]  }
0x2c1: {  	s0 =	sadd.s32 s18, s1;
	v59 =	vmul.f32 v29, v20;
	s7 =	sadd.s32 s17, s7;
	v21 =	vmax.f32 v21, v25;
	v24 =	vmax.f32 v24, v28;
	v42 =	vld [tilespmem:s26+$0x200]  }
0x2c2: {  	s28 =	sadd.s32 s10, s0;
	s0 =	sadd.s32 s17, s0;
	v25 =	vmul.f32 v23, v19;
	v28 =	vmul.f32 v23, v20;
	v30 =	vadd.f32 v58, v30;
	v39 =	vld [tilespmem:s7+$0x200]  }
0x2c3: {  	s11 =	sadd.s32 s17, s11;
	v51 =	vld [tilespmem:s0+$0x200];
	v21 =	vmax.f32 v21, v24;
	v24 =	vadd.f32 v27, v34;
	v27 =	vmul.f32 v26, v19  }
0x2c4: {  	s16 =	sadd.s32 s18, s24;
	v29 =	vmul.f32 v29, v18;
	v52 =	vld [tilespmem:s11+$0x200];
	v21 =	vadd.f32 v21, v16;
	v33 =	vadd.f32 v25, v59  }
0x2c5: {  	s5 =	sadd.s32 s18, s31;
	s21 =	sadd.s32 s10, s16;
	v26 =	vmul.f32 v26, v17;
	v30 =	vadd.f32 v63, v30;
	v27 =	vadd.f32 v27, v28  }
0x2c6: {  	s25 =	sadd.s32 s10, s5;
	s20 =	sadd.s32 s18, s2;
	v25 =	vld [tilespmem:s21+$0x200];
	v29 =	vadd.f32 v29, v24;
	v24 =	vmul.f32 v31, v18;
	v28 =	vmul.f32 $2.000000030e-01, v21  }
0x2c7: {  	v31 =	vld [tilespmem:s25+$0x200];
	s25 =	sadd.s32 s10, s20;
	v26 =	vadd.f32 v26, v30;
	v46 =	vmul.f32 v42, v18;
	v32 =	vmul.f32 v62, v20  }
0x2c8: {  	v43 =	vld [tilespmem:s25+$0x200];
	v29 =	vadd.f32 v41, v29;
	v54 =	vmul.f32 v39, v20;
	v57 =	vmul.f32 v51, v19  }
0x2c9: {  	v58 =	vmul.f32 v52, v20;
	v35 =	vmul.f32 v52, v18;
	v21 =	vmax.f32 v21, v28  }
0x2ca: {  	s25 =	sadd.s32 s18, s19;
	v28 =	vadd.f32 v24, v33;
	v24 =	vadd.f32 v21, v22;
	v21 =	vmul.f32 v60, v17  }
0x2cb: {  	s29 =	sadd.s32 s10, s25;
	v22 =	vadd.f32 v40, v27;
	v27 =	vld [tilespmem:s28+$0x200];
	v47 =	vmul.f32 v25, v18;
	v41 =	vmul.f32 v25, v20  }
0x2cc: {  	s21 =	sadd.s32 s18, s6;
	v26 =	vmax.f32 v29, v26;
	v29 =	vld [tilespmem:s29+$0x200];
	s29 =	sadd.s32 s17, s20;
	s20 =	sadd.s32 s17, s5;
	v30 =	vmul.f32 v31, v17;
	v31 =	vmul.f32 v31, v19  }
0x2cd: {  	s26 =	sadd.s32 s10, s21;
	s28 =	sadd.s32 s18, s8;
	v55 =	vld [tilespmem:s20+$0x200];
	v21 =	vadd.f32 v21, v28;
	v22 =	vadd.f32 v44, v22;
	v48 =	vmul.f32 v43, v19  }
0x2ce: {  	v45 =	vld [tilespmem:s26+$0x200];
	v50 =	vmul.f32 v25, v19;
	s26 =	sadd.s32 s10, s28;
	v28 =	vmul.f32 v25, v17;
	v31 =	vadd.f32 v31, v41  }
0x2cf: {  	s25 =	sadd.s32 s17, s25;
	v49 =	vld [tilespmem:s26+$0x200];
	v21 =	vmax.f32 v21, v22;
	v22 =	vmul.f32 v43, v20;
	v32 =	vadd.f32 v48, v32  }
0x2d0: {  	s21 =	sadd.s32 s17, s21;
	v59 =	vld [tilespmem:s25+$0x200];
	v27 =	vmul.f32 v27, v19;
	v26 =	vmax.f32 v26, v21;
	v21 =	vmul.f32 v42, v20  }
0x2d1: {  	v56 =	vld [tilespmem:s21+$0x200];
	v53 =	vmul.f32 v29, v18;
	v29 =	vmul.f32 v29, v17;
	v32 =	vadd.f32 v46, v32  }
0x2d2: {  	v26 =	vadd.f32 v26, v16;
	v60 =	vmul.f32 v55, v19;
	v22 =	vadd.f32 v27, v22  }
0x2d3: {  	s18 =	sadd.s32 s17, s16;
	v40 =	vld [tilespmem:s29+$0x200];
	v36 =	vmul.f32 v55, v17;
	v27 =	vmul.f32 v45, v18;
	v34 =	vadd.f32 v50, v21  }
0x2d4: {  	v21 =	vld [tilespmem:s18+$0x200];
	v31 =	vadd.f32 v53, v31;
	v33 =	vmul.f32 v49, v17;
	v22 =	vadd.f32 v47, v22  }
0x2d5: {  	v45 =	vmul.f32 v59, v18;
	v50 =	vmul.f32 v59, v17;
	v27 =	vadd.f32 v27, v34  }
0x2d6: {  	v28 =	vadd.f32 v28, v32;
	v32 =	vmul.f32 v56, v18;
	v22 =	vadd.f32 v30, v22  }
0x2d7: {  	s26 =	simm.s32 $0x200;
	s18 =	simm.s32 $0x40;
	v52 =	vmul.f32 $2.000000030e-01, v26;
	v27 =	vadd.f32 v29, v27;
	v29 =	vadd.f32 v33, v31  }
0x2d8: {  	s0 =	sand.u32 $0xC00, s26;
	s20 =	sand.u32 $0x60, s18;
	v30 =	vmul.f32 v40, v19;
	v31 =	vmul.f32 v40, v20  }
0x2d9: {  	s28 =	sadd.s32 s17, s28;
	s5 =	sadd.s32 s0, s31;
	s17 =	sor.u32 $0x10, s20;
	v22 =	vmax.f32 v28, v22;
	v27 =	vmax.f32 v27, v29;
	v28 =	vmul.f32 v21, v19  }
0x2da: {  	s21 =	sadd.s32 s0, s23;
	s25 =	sadd.s32 s17, s5;
	v29 =	vmul.f32 v21, v20;
	v22 =	vmax.f32 v22, v27;
	v27 =	vadd.f32 v30, v54;
	v30 =	vld [tilespmem:s28+$0x200]  }
0x2db: {  	s16 =	sadd.s32 s0, s24;
	s29 =	sadd.s32 s17, s21;
	v46 =	vld [tilespmem:s25+$0x200];
	v63 =	vmul.f32 v21, v18;
	v31 =	vadd.f32 v57, v31;
	v61 =	vadd.f32 v22, v16  }
0x2dc: {  	s11 =	sadd.s32 s17, s16;
	v26 =	vmax.f32 v26, v52;
	v62 =	vld [tilespmem:s29+$0x200];
	s28 =	sadd.s32 s0, s4;
	v28 =	vadd.f32 v28, v58;
	v29 =	vadd.f32 v60, v29  }
0x2dd: {  	s7 =	sadd.s32 s0, s1;
	v22 =	vld [tilespmem:s11+$0x200];
	s26 =	sadd.s32 s17, s28;
	v31 =	vadd.f32 v63, v31;
	v27 =	vadd.f32 v35, v27;
	v44 =	vmul.f32 $2.000000030e-01, v61  }
0x2de: {  	v47 =	vmul.f32 v21, v17;
	s11 =	sadd.s32 s0, s2;
	v48 =	vld [tilespmem:s26+$0x200];
	s26 =	sadd.s32 s17, s7;
	v28 =	vadd.f32 v32, v28;
	v29 =	vadd.f32 v45, v29  }
0x2df: {  	s29 =	sadd.s32 s17, s11;
	v51 =	vld [tilespmem:s26+$0x200];
	v31 =	vadd.f32 v36, v31;
	v34 =	vmax.f32 v61, v44;
	v30 =	vmul.f32 v30, v17  }
0x2e0: {  	s25 =	sadd.s32 s0, s6;
	v54 =	vmul.f32 v46, v17;
	s11 =	sadd.s32 s20, s11;
	v27 =	vadd.f32 v47, v27;
	v49 =	vadd.f32 v34, v25;
	v25 =	vld [tilespmem:s29+$0x200]  }
0x2e1: {  	v33 =	vmul.f32 v62, v20;
	s26 =	sadd.s32 s0, s19;
	v45 =	vld [tilespmem:s11+$0x200];
	v28 =	vadd.f32 v50, v28;
	s29 =	sadd.s32 s17, s25;
	v29 =	vadd.f32 v30, v29  }
0x2e2: {  	v40 =	vmul.f32 v46, v19;
	v53 =	vmul.f32 v22, v17;
	v27 =	vmax.f32 v27, v31;
	v30 =	vld [tilespmem:s29+$0x200];
	s29 =	sadd.s32 s17, s26  }
0x2e3: {  	s7 =	sadd.s32 s20, s7;
	s0 =	sadd.s32 s0, s8;
	v55 =	vmul.f32 v22, v18;
	v42 =	vmul.f32 v22, v19;
	v28 =	vmax.f32 v28, v29;
	v29 =	vld [tilespmem:s29+$0x200]  }
0x2e4: {  	v59 =	vld [tilespmem:s7+$0x200];
	s11 =	sadd.s32 s20, s16;
	s16 =	sand.u32 $0x180, s12;
	v43 =	vmul.f32 v22, v20;
	s29 =	sadd.s32 s17, s0;
	v27 =	vmax.f32 v27, v28;
	v28 =	vmul.f32 v51, v19  }
0x2e5: {  	s7 =	sor.u32 s13, s16;
	v44 =	vadd.f32 v26, v23;
	v57 =	vld [tilespmem:s29+$0x200];
	v56 =	vmul.f32 v25, v19;
	v25 =	vmul.f32 v25, v20  }
0x2e6: {  	s21 =	sadd.s32 s20, s21;
	[tilespmem:s7+$0x13200] =	vst v24;
	v37 =	vmul.f32 v48, v20;
	v60 =	vadd.f32 v40, v43;
	v24 =	vadd.f32 v27, v16  }
0x2e7: {  	v58 =	vld [tilespmem:s21+$0x200];
	v31 =	vmul.f32 v48, v18;
	s29 =	sadd.s32 s20, s28;
	v23 =	vadd.f32 v56, v33;
	v25 =	vadd.f32 v28, v25  }
0x2e8: {  	v26 =	vld [tilespmem:s29+$0x200];
	v28 =	vmul.f32 v30, v18;
	v30 =	vadd.f32 v42, v37;
	v61 =	vmul.f32 v29, v18  }
0x2e9: {  	v62 =	vmul.f32 v29, v17;
	v31 =	vadd.f32 v31, v23;
	v39 =	vadd.f32 v55, v25  }
0x2ea: {  	s5 =	sadd.s32 s20, s5;
	v23 =	vld [tilespmem:s11+$0x200];
	v28 =	vadd.f32 v28, v30;
	v35 =	vmul.f32 v57, v17;
	v37 =	vadd.f32 v61, v60  }
0x2eb: {  	v32 =	vmul.f32 v45, v20;
	s29 =	sadd.s32 s20, s26;
	v25 =	vld [tilespmem:s5+$0x200];
	v34 =	vadd.f32 v53, v31;
	v38 =	vadd.f32 v54, v39  }
0x2ec: {  	s21 =	sand.u32 $0x180, s9;
	s13 =	simm.s32 $0x13200;
	s28 =	sadd.s32 s20, s25;
	v27 =	vld [tilespmem:s29+$0x200];
	v33 =	vmul.f32 v59, v19;
	v63 =	vadd.f32 v62, v28;
	v35 =	vadd.f32 v35, v37  }
0x2ed: {  	[tilespmem:s13+$0x0] =	vst v44;
	s0 =	sadd.s32 s20, s0;
	v29 =	vld [tilespmem:s28+$0x200];
	v30 =	vmul.f32 v58, v20;
	s5 =	sor.u32 s10, s21;
	v36 =	vmul.f32 v26, v20  }
0x2ee: {  	s9 =	simm.s32 $0x4;
	s12 =	simm.s32 $0x60;
	s10 =	simm.s32 $0x300;
	[tilespmem:s5+$0x13200] =	vst v49;
	v31 =	vmul.f32 v45, v19;
	v28 =	vld [tilespmem:s0+$0x200];
	v34 =	vmax.f32 v34, v38;
	v35 =	vmax.f32 v63, v35  }
.LBB2_11:
0x2ef: {  	s21 =	sand.u32 $0x60, s12;
	s5 =	sand.u32 $0xC00, s10;
	v37 =	vmul.f32 v23, v19;
	v38 =	vmul.f32 v23, v20;
	v34 =	vmax.f32 v34, v35  }
0x2f0: {  	v30 =	vadd.f32 v31, v30;
	v31 =	vmul.f32 v25, v19;
	s0 =	sadd.s32 s5, s23;
	s28 =	sor.u32 $0x10, s21;
	v34 =	vadd.f32 v34, v16  }
0x2f1: {  	v26 =	vmul.f32 v26, v18;
	v32 =	vadd.f32 v33, v32;
	s11 =	sadd.s32 s5, s24;
	s7 =	sadd.s32 s21, s0;
	s0 =	sadd.s32 s28, s0;
	v33 =	vadd.f32 v37, v36  }
0x2f2: {  	s16 =	sadd.s32 s5, s31;
	s20 =	sadd.s32 s21, s11;
	v36 =	vmul.f32 v23, v18;
	v31 =	vadd.f32 v31, v38;
	v35 =	vld [tilespmem:s0+$0x200];
	s0 =	sadd.s32 s28, s11;
	v37 =	vmul.f32 $2.000000030e-01, v34  }
0x2f3: {  	v29 =	vmul.f32 v29, v18;
	s29 =	sadd.s32 s21, s16;
	v26 =	vadd.f32 v26, v30;
	v30 =	vmul.f32 v27, v18;
	s11 =	sadd.s32 s5, s4;
	v38 =	vld [tilespmem:s0+$0x200];
	s0 =	sadd.s32 s28, s16  }
0x2f4: {  	v40 =	vmul.f32 v23, v17;
	s25 =	sadd.s32 s5, s2;
	s16 =	sadd.s32 s21, s11;
	s11 =	sadd.s32 s28, s11;
	v32 =	vadd.f32 v36, v32;
	v39 =	vld [tilespmem:s0+$0x200];
	v34 =	vmax.f32 v34, v37  }
0x2f5: {  	v25 =	vmul.f32 v25, v17;
	s26 =	sadd.s32 s28, s25;
	v29 =	vadd.f32 v29, v33;
	s0 =	sadd.s32 s5, s1;
	v36 =	vld [tilespmem:s11+$0x200];
	v37 =	vadd.f32 v34, v22;
	s11 =	sand.u32 $0x180, s18  }
0x2f6: {  	s9 =	sadd.s32 $0x2, s9;
	v28 =	vmul.f32 v28, v17;
	v27 =	vmul.f32 v27, v17;
	v30 =	vadd.f32 v30, v31;
	s18 =	sadd.s32 s28, s0;
	v33 =	vld [tilespmem:s26+$0x200];
	s11 =	sor.u32 s17, s11  }
0x2f7: {  	p0 =	slt.u32 s9, $0x1E;
	s25 =	sadd.s32 s21, s25;
	v26 =	vadd.f32 v40, v26;
	s0 =	sadd.s32 s21, s0;
	v25 =	vadd.f32 v25, v32;
	v32 =	vmul.f32 $2.000000030e-01, v24;
	v31 =	vld [tilespmem:s18+$0x200];
	[tilespmem:s11+$0x13200] =	vst v37  }
0x2f8: {  	v27 =	vadd.f32 v27, v29;
	v28 =	vadd.f32 v28, v30;
	s17 =	smov.u32 s28;
	s18 =	smov.u32 s12;
	v34 =	vld [tilespmem:s7+$0x200];
	s7 =	sadd.s32 s5, s6;
	v22 =	vmov v38  }
0x2f9: {  	v25 =	vmax.f32 v26, v25;
	v37 =	vld [tilespmem:s25+$0x200];
	s11 =	sadd.s32 s21, s7;
	s25 =	sadd.s32 s5, s19;
	s7 =	sadd.s32 s17, s7;
	v38 =	vmul.f32 v22, v17;
	v40 =	vmul.f32 v39, v17  }
0x2fa: {  	v26 =	vmax.f32 v27, v28;
	v41 =	vmul.f32 v22, v18;
	s26 =	sadd.s32 s21, s25;
	v29 =	vld [tilespmem:s7+$0x200];
	s7 =	sadd.s32 s17, s25;
	v30 =	vmul.f32 v36, v18  }
0x2fb: {  	v28 =	vmul.f32 v35, v20;
	v25 =	vmax.f32 v25, v26;
	s5 =	sadd.s32 s5, s8;
	v27 =	vld [tilespmem:s7+$0x200];
	v35 =	vmul.f32 v33, v19  }
0x2fc: {  	v25 =	vadd.f32 v25, v16;
	v33 =	vmul.f32 v33, v20;
	v42 =	vld [tilespmem:s0+$0x200];
	s0 =	sadd.s32 s21, s5;
	s5 =	sadd.s32 s17, s5;
	v31 =	vmul.f32 v31, v19  }
0x2fd: {  	v46 =	vmax.f32 v24, v32;
	v44 =	vmul.f32 v22, v19;
	v36 =	vmul.f32 v36, v20;
	v43 =	vld [tilespmem:s5+$0x200]  }
0x2fe: {  	v45 =	vadd.f32 v46, v21;
	v32 =	vmul.f32 v22, v20;
	v39 =	vmul.f32 v39, v19;
	v24 =	vmovc v25;
	v26 =	vld [tilespmem:s16+$0x200]  }
0x2ff: {  	s13 =	sadd.s32 $0x20, s13;
	v21 =	vmovc v23;
	v28 =	vadd.f32 v35, v28;
	v31 =	vadd.f32 v31, v33;
	v33 =	vmul.f32 v29, v18;
	v23 =	vld [tilespmem:s20+$0x200]  }
0x300: {  	v32 =	vadd.f32 v39, v32;
	v35 =	vadd.f32 v44, v36;
	v25 =	vld [tilespmem:s29+$0x200];
	v36 =	vmul.f32 v27, v18;
	[tilespmem:s13+$0x0] =	vst v45  }
0x301: {  	v39 =	vadd.f32 v30, v28;
	v31 =	vadd.f32 v41, v31;
	v41 =	vmul.f32 v27, v17;
	v29 =	vld [tilespmem:s11+$0x200]  }
.Ltmp4:
0x302: {  	v33 =	vadd.f32 v33, v35;
	v27 =	vld [tilespmem:s26+$0x200];
	v32 =	vadd.f32 v36, v32;
	v35 =	vmul.f32 v43, v17;
	(pc) =	sbr.rel @p0 .LBB2_11-.Ltmp4, $4  }
0x303: {  	v30 =	vmul.f32 v34, v20;
	v34 =	vadd.f32 v38, v39;
	v38 =	vadd.f32 v40, v31;
	v28 =	vld [tilespmem:s0+$0x200]  }
0x304: {  	v31 =	vmul.f32 v37, v19;
	v39 =	vadd.f32 v41, v33;
	v35 =	vadd.f32 v35, v32  }
0x305: {  	v33 =	vmul.f32 v42, v19;
	v32 =	vmul.f32 v37, v20  }
0x306: {  	s10 =	sadd.s32 $0x100, s10;
	s12 =	sadd.s32 $0x20, s12;
	v36 =	vmul.f32 v26, v20;
	v34 =	vmax.f32 v34, v38;
	v35 =	vmax.f32 v39, v35  }
0x307: {  	v37 =	vmul.f32 v23, v19  }
0x308: {  	v20 =	vmul.f32 v23, v20;
	v30 =	vadd.f32 v31, v30;
	v19 =	vmul.f32 v25, v19  }
0x309: {  	v26 =	vmul.f32 v26, v18;
	v31 =	vadd.f32 v33, v32;
	v53 =	vmul.f32 v23, v18  }
0x30a: {  	v25 =	vmul.f32 v25, v17;
	v52 =	vadd.f32 v37, v36;
	v19 =	vadd.f32 v19, v20  }
0x30b: {  	v20 =	vmul.f32 v29, v18;
	v26 =	vadd.f32 v26, v30;
	v18 =	vmul.f32 v27, v18  }
0x30c: {  	v29 =	vmul.f32 v23, v17;
	v30 =	vadd.f32 v53, v31;
	v27 =	vmul.f32 v27, v17  }
0x30d: {  	v17 =	vmul.f32 v28, v17;
	v20 =	vadd.f32 v20, v52;
	v18 =	vadd.f32 v18, v19  }
0x30e: {  	v19 =	vadd.f32 v29, v26;
	v25 =	vadd.f32 v25, v30  }
0x30f: {  	v20 =	vadd.f32 v27, v20;
	v17 =	vadd.f32 v17, v18;
	v18 =	vmax.f32 v34, v35  }
0x310: {  	s12 =	sor.u32 $0x5, s14;
	v18 =	vadd.f32 v18, v16  }
0x311: {  	s0 =	smulhi.u32 $0x92492493, s3;
	s10 =	sshll.u32 s12, $0x2;
	v19 =	vmax.f32 v19, v25;
	v17 =	vmax.f32 v20, v17  }
0x312: {  	s28 =	sor.u32 $0x1, s10;
	v17 =	vmax.f32 v19, v17;
	v19 =	vmul.f32 $2.000000030e-01, v18  }
0x313: {  	s5 =	sshrl.u32 s0, $0x2;
	v20 =	vmov s28;
	v16 =	vadd.f32 v17, v16;
	v17 =	vmul.f32 $2.000000030e-01, v24  }
0x314: {  	s5 =	smul.u32 $0x7, s5;
	v20 =	vand.u32 $0xFFFFFFF5, v20;
	v18 =	vmax.f32 v18, v19  }
0x315: {  	s7 =	sand.u32 $0x180, s18;
	s29 =	sor.u32 $0x2, s10;
	v19 =	vmul.f32 $2.000000030e-01, v16;
	v18 =	vadd.f32 v18, v22;
	v17 =	vmax.f32 v24, v17  }
0x316: {  	s9 =	sshll.u32 s0, $0x5;
	s0 =	sshll.u32 s0, $0xC;
	s26 =	ssub.s32 s3, s5;
	v22 =	vbroadcast v20, $0x0;
	v17 =	vadd.f32 v17, v21;
	v21 =	vmov s29  }
0x317: {  	s0 =	sand.u32 $0x60000, s0;
	s3 =	sshll.u32 s26, $0x12;
	v16 =	vmax.f32 v16, v19;
	v19 =	vmov s10;
	s10 =	sor.u32 s17, s7;
	v20 =	vand.u32 $0xFFFFFFF6, v21  }
0x318: {  	s9 =	sand.u32 $0x380, s9;
	s5 =	sshllo.u32 s12, $0x2;
	s0 =	sadd.s32 s3, s0;
	v19 =	vand.u32 $0xFFFFFFF4, v19;
	[tilespmem:s10+$0x13200] =	vst v18;
	v18 =	vbroadcast v20, $0x0  }
0x319: {  	s0 =	sor.u32 s9, s0;
	v21 =	vmov s5;
	v19 =	vbroadcast v19, $0x0;
	s5 =	rddreg [dreg:$0x5]  }
0x31a: {  	s11 =	sadd.s32 $0x20, s13;
	v16 =	vadd.f32 v16, v23;
	v20 =	vand.u32 $0xFFFFFFF7, v21;
	v21 =	vmov s12;
	s0 =	sor.u32 s5, s0  }
0x31b: {  	s13 =	simm.s32 $0x80;
	s3 =	sadd.s32 $0x20, s11;
	[tilespmem:s11+$0x0] =	vst v17;
	v17 =	vbroadcast v20, $0x0;
	v20 =	vand.u32 $0xFFFFFFFD, v21;
	s0 =	sshrl.u32 s0, $0x3  }
0x31c: {  	s16 =	simm.s32 $0x400;
	s17 =	simm.s32 $0x13200;
	[tilespmem:s3+$0x0] =	vst v16;
	v16 =	vbroadcast v20, $0x0;
	s0 =	sadd.s32 s30, s0  }
0x31d: {  	[hbm4b:s0+s13] =	stream.strided.scatter [tilespmem:s17], [sflag:$0x2], $0x200, s16, s13, $0x38;
	[tilespmem:$0x13D00] =	vst v63  }
0x31e: {  	v18 =	vld.idx.msk [tilespmem:v18+s15+$0x0], $0xffff  }
0x31f: {  	v20 =	vld.idx.msk [tilespmem:v19+s15+$0x0], $0xffff  }
0x320: {  	v19 =	vld.idx.msk [tilespmem:v22+s15+$0x0], $0xffff  }
0x321: {  	s18 =	simm.s32 $0x13800;
	s20 =	simm.s32 $0x2;
	s13 =	simm.s32 $0x0;
	v17 =	vld.idx.msk [tilespmem:v17+s15+$0x0], $0xffff  }
0x322: {  	s9 =	sand.u32 $0x60, s13;
	s0 =	sand.u32 $0xC00, s13;
	v16 =	vld.idx.msk [tilespmem:v16+s18+$0x0], $0xffff;
	_ =	swait.ge [sflag:s20], $0x200  }
0x323: {  	s3 =	sadd.s32 s0, s23;
	s10 =	sor.u32 $0x10, s9;
	[sflag:s20] =	ssyncset.done $0x0  }
0x324: {  	s5 =	sadd.s32 s0, s24;
	s21 =	sadd.s32 s10, s3;
	[sflag:s20] =	ssyncadd.s32 $0xFFFFFE00  }
0x325: {  	s11 =	sadd.s32 s0, s31;
	s25 =	sadd.s32 s10, s5;
	v21 =	vld [tilespmem:s21+$0x280]  }
0x326: {  	s16 =	sadd.s32 s0, s4;
	s26 =	sadd.s32 s10, s11;
	v23 =	vld [tilespmem:s25+$0x280]  }
0x327: {  	s17 =	sadd.s32 s0, s2;
	s28 =	sadd.s32 s10, s16;
	v22 =	vld [tilespmem:s26+$0x280]  }
0x328: {  	s29 =	sadd.s32 s0, s1;
	s20 =	sadd.s32 s10, s17;
	v24 =	vld [tilespmem:s28+$0x280]  }
0x329: {  	s30 =	sadd.s32 s10, s29;
	v25 =	vld [tilespmem:s20+$0x280]  }
0x32a: {  	v26 =	vld [tilespmem:s30+$0x280]  }
0x32b: {  	s3 =	sadd.s32 s9, s3  }
0x32c: {  	s20 =	sadd.s32 s0, s6;
	v56 =	vld [tilespmem:s3+$0x280];
	s30 =	sadd.s32 s9, s16;
	s16 =	sadd.s32 s9, s11;
	v27 =	vmul.f32 v23, v17;
	v28 =	vmul.f32 v22, v17  }
0x32d: {  	s25 =	sadd.s32 s0, s19;
	s21 =	sadd.s32 s10, s20;
	v63 =	vld [tilespmem:s16+$0x280];
	v30 =	vmul.f32 v24, v18;
	v31 =	vmul.f32 v23, v18  }
0x32e: {  	s26 =	sadd.s32 s10, s25;
	v29 =	vld [tilespmem:s21+$0x280];
	v21 =	vmul.f32 v21, v20;
	v55 =	vmul.f32 v25, v19  }
0x32f: {  	s0 =	sadd.s32 s0, s8;
	v54 =	vld [tilespmem:s26+$0x280];
	v25 =	vmul.f32 v25, v20;
	v26 =	vmul.f32 v26, v19  }
0x330: {  	s28 =	sadd.s32 s10, s0;
	v24 =	vmul.f32 v24, v20;
	v58 =	vmul.f32 v23, v19  }
0x331: {  	s17 =	sadd.s32 s9, s17;
	v57 =	vld [tilespmem:s28+$0x280];
	v38 =	vmul.f32 v23, v20;
	v22 =	vmul.f32 v22, v19  }
0x332: {  	s29 =	sadd.s32 s9, s29;
	v59 =	vld [tilespmem:s17+$0x280];
	v62 =	vmul.f32 v56, v20;
	v50 =	vmul.f32 v63, v17;
	v21 =	vadd.f32 v55, v21  }
0x333: {  	v60 =	vld [tilespmem:s29+$0x280];
	v25 =	vadd.f32 v26, v25;
	v26 =	vmul.f32 v29, v18;
	v24 =	vadd.f32 v58, v24  }
0x334: {  	s5 =	sadd.s32 s9, s5;
	v29 =	vld [tilespmem:s30+$0x280];
	v22 =	vadd.f32 v22, v38;
	v61 =	vmul.f32 v54, v18;
	v30 =	vadd.f32 v30, v21  }
0x335: {  	v21 =	vld [tilespmem:s5+$0x280];
	v25 =	vadd.f32 v31, v25;
	v31 =	vmul.f32 v54, v17;
	v24 =	vadd.f32 v26, v24  }
0x336: {  	v22 =	vadd.f32 v61, v22;
	v26 =	vmul.f32 v57, v17;
	v27 =	vadd.f32 v27, v30  }
0x337: {  	s18 =	simm.s32 $0x100;
	s3 =	simm.s32 $0x20;
	s17 =	sadd.s32 s9, s20;
	v25 =	vadd.f32 v28, v25;
	v28 =	vmul.f32 v59, v19;
	v24 =	vadd.f32 v31, v24  }
0x338: {  	s7 =	sand.u32 $0xC00, s18;
	s21 =	sadd.s32 s9, s25;
	v22 =	vadd.f32 v26, v22;
	v26 =	vmul.f32 v59, v20;
	v30 =	vld [tilespmem:s17+$0x280];
	v31 =	vmul.f32 v60, v19;
	s17 =	sand.u32 $0x60, s3  }
0x339: {  	s0 =	sadd.s32 s9, s0;
	s20 =	sadd.s32 s7, s23;
	v43 =	vld [tilespmem:s21+$0x280];
	v42 =	vmul.f32 v29, v20;
	s18 =	sor.u32 $0x10, s17;
	v29 =	vmul.f32 v29, v18;
	v25 =	vmax.f32 v27, v25  }
0x33a: {  	s16 =	sadd.s32 s7, s31;
	v22 =	vmax.f32 v24, v22;
	v27 =	vld [tilespmem:s0+$0x280];
	s25 =	sadd.s32 s18, s20;
	v24 =	vmul.f32 v21, v19;
	v44 =	vmul.f32 v21, v20  }
0x33b: {  	s5 =	sadd.s32 s7, s24;
	s28 =	sadd.s32 s18, s16;
	v22 =	vmax.f32 v25, v22;
	v25 =	vadd.f32 v28, v62;
	v28 =	vmul.f32 v63, v19;
	v46 =	vld [tilespmem:s25+$0x280]  }
0x33c: {  	s21 =	sadd.s32 s7, s4;
	s26 =	sadd.s32 s18, s5;
	v26 =	vadd.f32 v31, v26;
	v31 =	vmul.f32 v21, v18;
	v48 =	vld [tilespmem:s28+$0x280];
	v49 =	vmul.f32 v21, v17  }
0x33d: {  	s25 =	sadd.s32 s18, s21;
	v45 =	vadd.f32 v22, v16;
	v22 =	vld [tilespmem:s26+$0x280];
	v24 =	vadd.f32 v24, v42;
	v30 =	vmul.f32 v30, v18  }
0x33e: {  	s11 =	sadd.s32 s7, s2;
	v39 =	vld [tilespmem:s25+$0x280];
	v28 =	vadd.f32 v28, v44;
	v25 =	vadd.f32 v29, v25;
	v29 =	vmul.f32 v43, v18  }
0x33f: {  	s0 =	sadd.s32 s7, s1;
	s26 =	sadd.s32 s18, s11;
	v26 =	vadd.f32 v31, v26;
	v47 =	vmul.f32 $2.000000030e-01, v45;
	v24 =	vadd.f32 v30, v24  }
0x340: {  	s29 =	sadd.s32 s18, s0;
	v51 =	vld [tilespmem:s26+$0x280];
	v28 =	vadd.f32 v29, v28;
	v27 =	vmul.f32 v27, v17;
	v25 =	vadd.f32 v49, v25  }
0x341: {  	s26 =	sadd.s32 s7, s19;
	v30 =	vld [tilespmem:s29+$0x280];
	v26 =	vadd.f32 v50, v26;
	v31 =	vmax.f32 v45, v47;
	v37 =	vmul.f32 v46, v20  }
0x342: {  	s25 =	sadd.s32 s7, s6;
	s30 =	sadd.s32 s18, s26;
	v52 =	vadd.f32 v31, v23;
	v23 =	vmul.f32 v43, v17;
	v29 =	vmul.f32 v22, v17  }
0x343: {  	s28 =	sadd.s32 s18, s25;
	s7 =	sadd.s32 s7, s8;
	v31 =	vmul.f32 v48, v17;
	v53 =	vmul.f32 v39, v18;
	v27 =	vadd.f32 v27, v28;
	v28 =	vld [tilespmem:s30+$0x280]  }
0x344: {  	s29 =	sadd.s32 s18, s7;
	v54 =	vmul.f32 v22, v18;
	v57 =	vmul.f32 v22, v19;
	v23 =	vadd.f32 v23, v24;
	v24 =	vld [tilespmem:s28+$0x280]  }
0x345: {  	v56 =	vld [tilespmem:s29+$0x280];
	v25 =	vmax.f32 v25, v26;
	v55 =	vmul.f32 v51, v19;
	v26 =	vmul.f32 v51, v20  }
0x346: {  	s11 =	sadd.s32 s17, s11;
	v30 =	vmul.f32 v30, v19;
	v23 =	vmax.f32 v23, v27;
	v27 =	vmul.f32 v39, v20  }
0x347: {  	s20 =	sadd.s32 s17, s20;
	v58 =	vld [tilespmem:s11+$0x280];
	v41 =	vmax.f32 v25, v23;
	v23 =	vmul.f32 v22, v20;
	v25 =	vmul.f32 v48, v19  }
0x348: {  	v40 =	vld [tilespmem:s20+$0x280];
	s0 =	sadd.s32 s17, s0;
	v37 =	vadd.f32 v55, v37;
	v26 =	vadd.f32 v30, v26;
	v60 =	vmul.f32 v28, v18  }
0x349: {  	v59 =	vld [tilespmem:s0+$0x280];
	s30 =	sadd.s32 s17, s21;
	v30 =	vadd.f32 v57, v27;
	v24 =	vmul.f32 v24, v18;
	v25 =	vadd.f32 v25, v23  }
0x34a: {  	s11 =	sadd.s32 s17, s5;
	v33 =	vmul.f32 v56, v17;
	v32 =	vadd.f32 v53, v37;
	v27 =	vld [tilespmem:s30+$0x280];
	v26 =	vadd.f32 v54, v26  }
0x34b: {  	s20 =	sadd.s32 s17, s16;
	v28 =	vmul.f32 v28, v17;
	v23 =	vld [tilespmem:s11+$0x280];
	v24 =	vadd.f32 v24, v30;
	v61 =	vadd.f32 v60, v25  }
0x34c: {  	s21 =	sand.u32 $0x180, s13;
	s28 =	sadd.s32 s17, s25;
	v37 =	vadd.f32 v29, v32;
	v32 =	vmul.f32 v58, v20;
	v25 =	vld [tilespmem:s20+$0x280];
	v62 =	vadd.f32 v31, v26  }
0x34d: {  	s29 =	sadd.s32 s17, s26;
	s0 =	sor.u32 $0x13400, s21;
	v29 =	vld [tilespmem:s28+$0x280];
	v30 =	vmul.f32 v40, v20;
	v63 =	vadd.f32 v28, v24;
	v35 =	vadd.f32 v33, v61  }
0x34e: {  	s7 =	sadd.s32 s17, s7;
	s13 =	sor.u32 s9, s0;
	s30 =	sor.u32 s10, s0;
	v31 =	vmul.f32 v58, v19;
	v26 =	vld [tilespmem:s29+$0x280];
	v24 =	vadd.f32 v41, v16;
	v33 =	vmul.f32 v59, v19  }
0x34f: {  	s9 =	simm.s32 $0x200;
	s10 =	simm.s32 $0x40;
	[tilespmem:s30+$0x0] =	vst v52;
	s20 =	simm.s32 $0x2;
	v28 =	vld [tilespmem:s7+$0x280];
	v36 =	vmul.f32 v27, v20;
	v34 =	vmax.f32 v37, v62;
	v35 =	vmax.f32 v63, v35  }
.LBB2_13:
0x350: {  	s5 =	sand.u32 $0x60, s10;
	s28 =	sand.u32 $0xC00, s9;
	v37 =	vmul.f32 v23, v19;
	v38 =	vmul.f32 v23, v20;
	v34 =	vmax.f32 v34, v35  }
0x351: {  	v30 =	vadd.f32 v31, v30;
	v31 =	vmul.f32 v25, v19;
	s0 =	sadd.s32 s28, s23;
	s16 =	sor.u32 $0x10, s5;
	v34 =	vadd.f32 v34, v16  }
0x352: {  	v27 =	vmul.f32 v27, v18;
	v32 =	vadd.f32 v33, v32;
	s11 =	sadd.s32 s28, s24;
	s7 =	sadd.s32 s5, s0;
	s0 =	sadd.s32 s16, s0;
	v33 =	vadd.f32 v37, v36  }
0x353: {  	s25 =	sadd.s32 s28, s31;
	s21 =	sadd.s32 s5, s11;
	v36 =	vmul.f32 v23, v18;
	v31 =	vadd.f32 v31, v38;
	v35 =	vld [tilespmem:s0+$0x280];
	s0 =	sadd.s32 s16, s11;
	v37 =	vmul.f32 $2.000000030e-01, v34  }
0x354: {  	v29 =	vmul.f32 v29, v18;
	s29 =	sadd.s32 s5, s25;
	v27 =	vadd.f32 v27, v30;
	v30 =	vmul.f32 v26, v18;
	s11 =	sadd.s32 s28, s4;
	v38 =	vld [tilespmem:s0+$0x280];
	s0 =	sadd.s32 s16, s25  }
0x355: {  	v40 =	vmul.f32 v23, v17;
	s25 =	sadd.s32 s28, s2;
	s26 =	sadd.s32 s16, s11;
	v32 =	vadd.f32 v36, v32;
	v39 =	vld [tilespmem:s0+$0x280];
	s0 =	sand.u32 $0x180, s3;
	v34 =	vmax.f32 v34, v37  }
0x356: {  	v25 =	vmul.f32 v25, v17;
	v29 =	vadd.f32 v29, v33;
	s3 =	sadd.s32 s28, s1;
	s30 =	sadd.s32 s16, s25;
	v36 =	vld [tilespmem:s26+$0x280];
	s0 =	sor.u32 $0x13400, s0;
	v37 =	vadd.f32 v34, v22  }
0x357: {  	s20 =	sadd.s32 $0x2, s20;
	v28 =	vmul.f32 v28, v17;
	v26 =	vmul.f32 v26, v17;
	v30 =	vadd.f32 v30, v31;
	s26 =	sadd.s32 s16, s3;
	v33 =	vld [tilespmem:s30+$0x280];
	s18 =	sor.u32 s18, s0  }
0x358: {  	p0 =	slt.u32 s20, $0x1E;
	v27 =	vadd.f32 v40, v27;
	s25 =	sadd.s32 s5, s25;
	v25 =	vadd.f32 v25, v32;
	v32 =	vmul.f32 $2.000000030e-01, v24;
	s30 =	sadd.s32 s5, s3;
	v31 =	vld [tilespmem:s26+$0x280];
	[tilespmem:s18+$0x0] =	vst v37  }
0x359: {  	v26 =	vadd.f32 v26, v29;
	v28 =	vadd.f32 v28, v30;
	s3 =	sadd.s32 s28, s6;
	s0 =	sor.u32 s17, s0;
	v34 =	vld [tilespmem:s7+$0x280];
	s7 =	sadd.s32 s5, s11;
	v22 =	vmov v38  }
0x35a: {  	s17 =	sadd.s32 s28, s19;
	v25 =	vmax.f32 v27, v25;
	s11 =	sadd.s32 s5, s3;
	s3 =	sadd.s32 s16, s3;
	v37 =	vld [tilespmem:s25+$0x280];
	v38 =	vmul.f32 v22, v17;
	v40 =	vmul.f32 v39, v17  }
0x35b: {  	v26 =	vmax.f32 v26, v28;
	s25 =	sadd.s32 s5, s17;
	v41 =	vmul.f32 v22, v18;
	v29 =	vld [tilespmem:s3+$0x280];
	s3 =	sadd.s32 s16, s17;
	v30 =	vmul.f32 v36, v18;
	s17 =	smov.u32 s5  }
0x35c: {  	v35 =	vmul.f32 v35, v20;
	s18 =	smov.u32 s16;
	v25 =	vmax.f32 v25, v26;
	s5 =	sadd.s32 s28, s8;
	v28 =	vld [tilespmem:s3+$0x280];
	v42 =	vmul.f32 v33, v19;
	s3 =	smov.u32 s10  }
0x35d: {  	v25 =	vadd.f32 v25, v16;
	s16 =	sadd.s32 s17, s5;
	s5 =	sadd.s32 s18, s5;
	v26 =	vmul.f32 v33, v20;
	v43 =	vld [tilespmem:s30+$0x280];
	v31 =	vmul.f32 v31, v19  }
0x35e: {  	v46 =	vmax.f32 v24, v32;
	v44 =	vmul.f32 v22, v19;
	v36 =	vmul.f32 v36, v20;
	v33 =	vld [tilespmem:s5+$0x280]  }
0x35f: {  	v45 =	vadd.f32 v46, v21;
	v32 =	vmul.f32 v22, v20;
	v39 =	vmul.f32 v39, v19;
	v24 =	vmovc v25;
	v27 =	vld [tilespmem:s7+$0x280]  }
0x360: {  	v21 =	vmovc v23;
	v35 =	vadd.f32 v42, v35;
	v26 =	vadd.f32 v31, v26;
	v31 =	vmul.f32 v29, v18;
	v23 =	vld [tilespmem:s21+$0x280]  }
0x361: {  	v32 =	vadd.f32 v39, v32;
	v36 =	vadd.f32 v44, v36;
	v25 =	vld [tilespmem:s29+$0x280];
	v39 =	vmul.f32 v28, v18;
	[tilespmem:s13+$0x0] =	vst v45;
	s13 =	smov.u32 s0  }
0x362: {  	v35 =	vadd.f32 v30, v35;
	v41 =	vadd.f32 v41, v26;
	v42 =	vmul.f32 v28, v17;
	v29 =	vld [tilespmem:s11+$0x280]  }
.Ltmp5:
0x363: {  	v36 =	vadd.f32 v31, v36;
	v26 =	vld [tilespmem:s25+$0x280];
	v32 =	vadd.f32 v39, v32;
	v33 =	vmul.f32 v33, v17;
	(pc) =	sbr.rel @p0 .LBB2_13-.Ltmp5, $4  }
0x364: {  	v30 =	vmul.f32 v34, v20;
	v34 =	vadd.f32 v38, v35;
	v35 =	vadd.f32 v40, v41;
	v28 =	vld [tilespmem:s16+$0x280]  }
0x365: {  	v31 =	vmul.f32 v37, v19;
	v38 =	vadd.f32 v42, v36;
	v39 =	vadd.f32 v33, v32  }
0x366: {  	v32 =	vmul.f32 v37, v20;
	v33 =	vmul.f32 v43, v19  }
0x367: {  	s9 =	sadd.s32 $0x100, s9;
	s10 =	sadd.s32 $0x20, s10;
	v36 =	vmul.f32 v27, v20;
	v34 =	vmax.f32 v34, v35;
	v35 =	vmax.f32 v38, v39  }
0x368: {  	v37 =	vmul.f32 v23, v19  }
0x369: {  	v20 =	vmul.f32 v23, v20;
	v30 =	vadd.f32 v31, v30;
	v19 =	vmul.f32 v25, v19  }
0x36a: {  	v27 =	vmul.f32 v27, v18;
	v31 =	vadd.f32 v33, v32;
	v44 =	vmul.f32 v23, v18  }
0x36b: {  	v25 =	vmul.f32 v25, v17;
	v43 =	vadd.f32 v37, v36;
	v19 =	vadd.f32 v19, v20  }
0x36c: {  	v20 =	vmul.f32 v29, v18;
	v27 =	vadd.f32 v27, v30;
	v18 =	vmul.f32 v26, v18  }
0x36d: {  	v29 =	vmul.f32 v23, v17;
	v30 =	vadd.f32 v44, v31;
	v26 =	vmul.f32 v26, v17  }
0x36e: {  	v17 =	vmul.f32 v28, v17;
	v20 =	vadd.f32 v20, v43;
	v18 =	vadd.f32 v18, v19  }
0x36f: {  	v19 =	vadd.f32 v29, v27;
	v25 =	vadd.f32 v25, v30  }
0x370: {  	v20 =	vadd.f32 v26, v20;
	v17 =	vadd.f32 v17, v18  }
0x371: {  	v18 =	vmax.f32 v34, v35  }
0x372: {  	s7 =	sand.u32 $0x180, s3;
	s3 =	sor.u32 $0x6, s14;
	v19 =	vmax.f32 v19, v25;
	v18 =	vadd.f32 v18, v16;
	v17 =	vmax.f32 v20, v17  }
0x373: {  	s0 =	smulhi.u32 $0x92492493, s12;
	s10 =	sshll.u32 s3, $0x2;
	v17 =	vmax.f32 v19, v17  }
0x374: {  	s11 =	sor.u32 $0x1, s10;
	v19 =	vmul.f32 $2.000000030e-01, v18;
	v16 =	vadd.f32 v17, v16  }
0x375: {  	s5 =	sshrl.u32 s0, $0x2;
	v20 =	vmov s11;
	v17 =	vmul.f32 $2.000000030e-01, v24  }
0x376: {  	s5 =	smul.u32 $0x7, s5;
	v20 =	vand.u32 $0xFFFFFFF9, v20;
	v18 =	vmax.f32 v18, v19;
	v19 =	vmul.f32 $2.000000030e-01, v16  }
0x377: {  	s7 =	sor.u32 $0x13400, s7;
	s28 =	sshllo.u32 s3, $0x2;
	s9 =	sshll.u32 s0, $0x5;
	v18 =	vadd.f32 v18, v22;
	v17 =	vmax.f32 v24, v17;
	v22 =	vbroadcast v20, $0x0  }
0x378: {  	s0 =	sshll.u32 s0, $0xC;
	s5 =	ssub.s32 s12, s5;
	v17 =	vadd.f32 v17, v21;
	v16 =	vmax.f32 v16, v19;
	v19 =	vmov s10;
	s10 =	sor.u32 $0x2, s10  }
0x379: {  	s29 =	sor.u32 s18, s7;
	s0 =	sand.u32 $0x60000, s0;
	s5 =	sshll.u32 s5, $0x12;
	v16 =	vadd.f32 v16, v23;
	v19 =	vand.u32 $0xFFFFFFF8, v19;
	v21 =	vmov s10  }
0x37a: {  	s9 =	sand.u32 $0x380, s9;
	s0 =	sadd.s32 s5, s0;
	[tilespmem:s29+$0x0] =	vst v18;
	v19 =	vbroadcast v19, $0x0;
	v20 =	vand.u32 $0xFFFFFFFA, v21;
	v21 =	vmov s28  }
0x37b: {  	s0 =	sor.u32 s9, s0;
	s11 =	rddreg [dreg:$0x5];
	v18 =	vbroadcast v20, $0x0;
	v20 =	vand.u32 $0xFFFFFFFB, v21;
	v21 =	vmov s3  }
0x37c: {  	s12 =	sor.u32 s17, s7;
	[tilespmem:s13+$0x0] =	vst v17;
	s0 =	sor.u32 s11, s0;
	v17 =	vbroadcast v20, $0x0;
	v20 =	vand.u32 $0xFFFFFFFE, v21  }
0x37d: {  	s30 =	rddreg [dreg:$0x3];
	s16 =	simm.s32 $0x400;
	s0 =	sshrl.u32 s0, $0x3;
	[tilespmem:s12+$0x0] =	vst v16;
	v16 =	vbroadcast v20, $0x0  }
0x37e: {  	s17 =	simm.s32 $0x13400;
	s13 =	simm.s32 $0x80;
	s0 =	sadd.s32 s30, s0  }
0x37f: {  	[hbm4b:s0+s13] =	stream.strided.scatter [tilespmem:s17], [sflag:$0x2], $0x200, s16, s13, $0x38;
	[tilespmem:$0x13D00] =	vst v63  }
0x380: {  	v20 =	vld.idx.msk [tilespmem:v19+s15+$0x0], $0xffff  }
0x381: {  	v19 =	vld.idx.msk [tilespmem:v22+s15+$0x0], $0xffff  }
0x382: {  	s18 =	simm.s32 $0x13800;
	v18 =	vld.idx.msk [tilespmem:v18+s15+$0x0], $0xffff  }
0x383: {  	s20 =	simm.s32 $0x2;
	v16 =	vld.idx.msk [tilespmem:v16+s18+$0x0], $0xffff;
	s18 =	simm.s32 $0x0  }
0x384: {  	v17 =	vld.idx.msk [tilespmem:v17+s15+$0x0], $0xffff;
	_ =	swait.ge [sflag:s20], $0x200;
	s5 =	sand.u32 $0x60, s18;
	s0 =	sand.u32 $0xC00, s18  }
0x385: {  	[sflag:s20] =	ssyncset.done $0x0;
	s7 =	sadd.s32 s0, s23;
	s13 =	sor.u32 $0x10, s5  }
0x386: {  	[sflag:s20] =	ssyncadd.s32 $0xFFFFFE00;
	s9 =	sadd.s32 s0, s24;
	s21 =	sadd.s32 s13, s7  }
0x387: {  	s11 =	sadd.s32 s0, s31;
	s25 =	sadd.s32 s13, s9;
	v21 =	vld [tilespmem:s21+$0x300]  }
0x388: {  	s12 =	sadd.s32 s0, s4;
	s26 =	sadd.s32 s13, s11;
	v22 =	vld [tilespmem:s25+$0x300]  }
0x389: {  	s16 =	sadd.s32 s0, s2;
	s28 =	sadd.s32 s13, s12;
	v23 =	vld [tilespmem:s26+$0x300]  }
0x38a: {  	s20 =	sadd.s32 s13, s16;
	v24 =	vld [tilespmem:s28+$0x300]  }
0x38b: {  	s29 =	sadd.s32 s0, s1;
	s7 =	sadd.s32 s5, s7;
	v25 =	vld [tilespmem:s20+$0x300]  }
0x38c: {  	s21 =	sadd.s32 s13, s29;
	v47 =	vld [tilespmem:s7+$0x300]  }
0x38d: {  	s17 =	sadd.s32 s0, s6;
	s28 =	sadd.s32 s5, s29;
	v26 =	vld [tilespmem:s21+$0x300]  }
0x38e: {  	s20 =	sadd.s32 s0, s19;
	s21 =	sadd.s32 s13, s17;
	v51 =	vld [tilespmem:s28+$0x300]  }
0x38f: {  	s0 =	sadd.s32 s0, s8;
	s25 =	sadd.s32 s13, s20;
	v29 =	vld [tilespmem:s21+$0x300];
	v27 =	vmul.f32 v22, v17;
	v28 =	vmul.f32 v23, v17  }
0x390: {  	s26 =	sadd.s32 s13, s0;
	v45 =	vld [tilespmem:s25+$0x300];
	v30 =	vmul.f32 v24, v18;
	v31 =	vmul.f32 v22, v18  }
0x391: {  	s0 =	sadd.s32 s5, s0;
	v48 =	vld [tilespmem:s26+$0x300];
	v21 =	vmul.f32 v21, v20;
	v46 =	vmul.f32 v25, v19  }
0x392: {  	s21 =	sadd.s32 s5, s20;
	v58 =	vld [tilespmem:s0+$0x300];
	v25 =	vmul.f32 v25, v20;
	v24 =	vmul.f32 v24, v20  }
0x393: {  	v57 =	vld [tilespmem:s21+$0x300];
	v49 =	vmul.f32 v22, v19;
	v38 =	vmul.f32 v22, v20  }
0x394: {  	s16 =	sadd.s32 s5, s16;
	v23 =	vmul.f32 v23, v19;
	v34 =	vmul.f32 v47, v20  }
0x395: {  	s9 =	sadd.s32 s5, s9;
	v50 =	vld [tilespmem:s16+$0x300];
	v26 =	vmul.f32 v26, v19;
	v55 =	vmul.f32 v51, v19;
	v21 =	vadd.f32 v46, v21  }
0x396: {  	s29 =	sadd.s32 s5, s12;
	s16 =	simm.s32 $0x100;
	v24 =	vadd.f32 v49, v24;
	v52 =	vadd.f32 v23, v38;
	v53 =	vmul.f32 v45, v18;
	v23 =	vld [tilespmem:s9+$0x300];
	s9 =	simm.s32 $0x20  }
0x397: {  	s12 =	sadd.s32 s5, s17;
	s16 =	sand.u32 $0xC00, s16;
	v54 =	vmul.f32 v48, v17;
	v25 =	vadd.f32 v26, v25;
	v26 =	vmul.f32 v29, v18;
	s17 =	sand.u32 $0x60, s9  }
0x398: {  	s11 =	sadd.s32 s5, s11;
	s7 =	sadd.s32 s16, s23;
	v43 =	vmul.f32 v58, v17;
	v29 =	vld [tilespmem:s29+$0x300];
	v61 =	vmul.f32 v57, v18;
	v21 =	vadd.f32 v30, v21;
	s10 =	sor.u32 $0x10, s17  }
0x399: {  	v30 =	vmul.f32 v45, v17;
	v25 =	vadd.f32 v31, v25;
	v24 =	vadd.f32 v26, v24;
	v26 =	vld [tilespmem:s11+$0x300];
	s25 =	sadd.s32 s10, s7  }
0x39a: {  	v31 =	vadd.f32 v53, v52;
	s7 =	sadd.s32 s17, s7;
	v21 =	vadd.f32 v27, v21;
	v27 =	vmul.f32 v50, v19;
	v59 =	vld [tilespmem:s25+$0x300]  }
0x39b: {  	s11 =	sadd.s32 s16, s4;
	v39 =	vld [tilespmem:s7+$0x300];
	v25 =	vadd.f32 v28, v25;
	v24 =	vadd.f32 v30, v24;
	v30 =	vmul.f32 v50, v20  }
0x39c: {  	s20 =	sadd.s32 s16, s2;
	s29 =	sadd.s32 s10, s11;
	v28 =	vadd.f32 v54, v31;
	v31 =	vld [tilespmem:s12+$0x300];
	v60 =	vmul.f32 v23, v18;
	v62 =	vmul.f32 v23, v17  }
0x39d: {  	s25 =	sadd.s32 s10, s20;
	v63 =	vld [tilespmem:s29+$0x300];
	v56 =	vmul.f32 v29, v20;
	v29 =	vmul.f32 v29, v18;
	v21 =	vmax.f32 v21, v25  }
0x39e: {  	s5 =	sadd.s32 s16, s31;
	s0 =	sadd.s32 s16, s1;
	s11 =	sadd.s32 s17, s11;
	v42 =	vld [tilespmem:s25+$0x300];
	v24 =	vmax.f32 v24, v28;
	v25 =	vmul.f32 v23, v19;
	v28 =	vmul.f32 v23, v20  }
0x39f: {  	s21 =	sadd.s32 s16, s6;
	s20 =	sadd.s32 s17, s20;
	s12 =	sadd.s32 s16, s24;
	v51 =	vld [tilespmem:s11+$0x300];
	v30 =	vadd.f32 v55, v30;
	v21 =	vmax.f32 v21, v24;
	v24 =	vadd.f32 v27, v34  }
0x3a0: {  	s25 =	sadd.s32 s16, s19;
	s16 =	sadd.s32 s16, s8;
	v40 =	vld [tilespmem:s20+$0x300];
	s20 =	sadd.s32 s17, s5;
	v27 =	vmul.f32 v26, v19;
	v26 =	vmul.f32 v26, v17;
	v21 =	vadd.f32 v21, v16  }
0x3a1: {  	s29 =	sadd.s32 s10, s16;
	v54 =	vld [tilespmem:s20+$0x300];
	v33 =	vadd.f32 v25, v56;
	v30 =	vadd.f32 v60, v30;
	v32 =	vmul.f32 v59, v20  }
0x3a2: {  	s26 =	sadd.s32 s10, s12;
	v48 =	vld [tilespmem:s29+$0x300];
	v53 =	vmul.f32 v39, v20;
	v29 =	vadd.f32 v29, v24;
	v24 =	vmul.f32 v31, v18  }
0x3a3: {  	v25 =	vld [tilespmem:s26+$0x300];
	v27 =	vadd.f32 v27, v28;
	v45 =	vmul.f32 v63, v18;
	v28 =	vmul.f32 $2.000000030e-01, v21  }
0x3a4: {  	s28 =	sadd.s32 s10, s5;
	v47 =	vmul.f32 v42, v19;
	v35 =	vmul.f32 v51, v18;
	v26 =	vadd.f32 v26, v30  }
0x3a5: {  	s26 =	sadd.s32 s10, s0;
	v31 =	vld [tilespmem:s28+$0x300];
	v29 =	vadd.f32 v62, v29;
	v21 =	vmax.f32 v21, v28;
	v28 =	vadd.f32 v24, v33  }
0x3a6: {  	v59 =	vmul.f32 v54, v19;
	v24 =	vadd.f32 v21, v22;
	v22 =	vadd.f32 v61, v27;
	v27 =	vld [tilespmem:s26+$0x300]  }
0x3a7: {  	s28 =	sadd.s32 s10, s25;
	v36 =	vmul.f32 v54, v17;
	v21 =	vmul.f32 v57, v17  }
0x3a8: {  	v33 =	vmul.f32 v48, v17;
	s26 =	sadd.s32 s10, s21;
	v26 =	vmax.f32 v29, v26;
	v29 =	vld [tilespmem:s28+$0x300];
	v49 =	vmul.f32 v25, v19  }
0x3a9: {  	v41 =	vmul.f32 v25, v20;
	v44 =	vld [tilespmem:s26+$0x300];
	v21 =	vadd.f32 v21, v28;
	v22 =	vadd.f32 v43, v22  }
0x3aa: {  	v32 =	vadd.f32 v47, v32;
	v30 =	vmul.f32 v31, v17;
	v31 =	vmul.f32 v31, v19  }
0x3ab: {  	s0 =	sadd.s32 s17, s0;
	v21 =	vmax.f32 v21, v22;
	v22 =	vmul.f32 v42, v20;
	v27 =	vmul.f32 v27, v19  }
0x3ac: {  	v50 =	vld [tilespmem:s0+$0x300];
	v32 =	vadd.f32 v45, v32;
	s21 =	sadd.s32 s17, s21;
	v26 =	vmax.f32 v26, v21;
	v21 =	vmul.f32 v63, v20  }
0x3ad: {  	s25 =	sadd.s32 s17, s25;
	v46 =	vmul.f32 v25, v18;
	v55 =	vld [tilespmem:s21+$0x300];
	v31 =	vadd.f32 v31, v41;
	v22 =	vadd.f32 v27, v22  }
0x3ae: {  	v58 =	vld [tilespmem:s25+$0x300];
	v52 =	vmul.f32 v29, v18;
	v27 =	vmul.f32 v44, v18;
	v34 =	vadd.f32 v49, v21  }
0x3af: {  	v57 =	vmul.f32 v51, v20;
	v28 =	vmul.f32 v25, v17;
	v22 =	vadd.f32 v46, v22  }
0x3b0: {  	s12 =	sadd.s32 s17, s12;
	v29 =	vmul.f32 v29, v17;
	v31 =	vadd.f32 v52, v31;
	v27 =	vadd.f32 v27, v34  }
0x3b1: {  	v56 =	vmul.f32 v50, v19;
	s26 =	simm.s32 $0x200;
	v28 =	vadd.f32 v28, v32;
	v21 =	vld [tilespmem:s12+$0x300];
	s12 =	simm.s32 $0x40;
	v22 =	vadd.f32 v30, v22  }
0x3b2: {  	s0 =	sand.u32 $0xC00, s26;
	v32 =	vmul.f32 v55, v18;
	s20 =	sand.u32 $0x60, s12;
	v27 =	vadd.f32 v29, v27;
	v29 =	vadd.f32 v33, v31  }
0x3b3: {  	s28 =	sadd.s32 s17, s16;
	s21 =	sadd.s32 s0, s23;
	v26 =	vadd.f32 v26, v16;
	v44 =	vmul.f32 v58, v18;
	v49 =	vmul.f32 v58, v17;
	s17 =	sor.u32 $0x10, s20  }
0x3b4: {  	s29 =	sadd.s32 s17, s21;
	v30 =	vmul.f32 v40, v19;
	v22 =	vmax.f32 v28, v22;
	v27 =	vmax.f32 v27, v29  }
0x3b5: {  	s5 =	sadd.s32 s0, s31;
	v51 =	vmul.f32 $2.000000030e-01, v26;
	v31 =	vmul.f32 v40, v20;
	v61 =	vld [tilespmem:s29+$0x300];
	v22 =	vmax.f32 v22, v27  }
0x3b6: {  	s25 =	sadd.s32 s17, s5;
	v28 =	vmul.f32 v21, v19;
	v27 =	vadd.f32 v30, v53;
	v30 =	vld [tilespmem:s28+$0x300];
	v60 =	vadd.f32 v22, v16  }
0x3b7: {  	s16 =	sadd.s32 s0, s24;
	v45 =	vld [tilespmem:s25+$0x300];
	v62 =	vmul.f32 v21, v18;
	v29 =	vmul.f32 v21, v20;
	v31 =	vadd.f32 v56, v31  }
0x3b8: {  	s11 =	sadd.s32 s17, s16;
	v26 =	vmax.f32 v26, v51;
	v28 =	vadd.f32 v28, v57;
	v63 =	vmul.f32 $2.000000030e-01, v60  }
0x3b9: {  	v46 =	vmul.f32 v21, v17;
	v29 =	vadd.f32 v59, v29;
	v22 =	vld [tilespmem:s11+$0x300];
	s11 =	sadd.s32 s0, s2;
	v31 =	vadd.f32 v62, v31  }
0x3ba: {  	s7 =	sadd.s32 s0, s1;
	v27 =	vadd.f32 v35, v27;
	s29 =	sadd.s32 s17, s11;
	v28 =	vadd.f32 v32, v28;
	v34 =	vmax.f32 v60, v63  }
0x3bb: {  	s28 =	sadd.s32 s0, s4;
	v29 =	vadd.f32 v44, v29;
	v30 =	vmul.f32 v30, v17;
	v48 =	vadd.f32 v34, v25;
	v25 =	vld [tilespmem:s29+$0x300];
	s29 =	sadd.s32 s17, s7  }
0x3bc: {  	s25 =	sadd.s32 s0, s6;
	s26 =	sadd.s32 s17, s28;
	v53 =	vmul.f32 v45, v17;
	v33 =	vmul.f32 v61, v20;
	v31 =	vadd.f32 v36, v31;
	v50 =	vld [tilespmem:s29+$0x300]  }
0x3bd: {  	v47 =	vld [tilespmem:s26+$0x300];
	s26 =	sadd.s32 s0, s19;
	v40 =	vmul.f32 v45, v19;
	v28 =	vadd.f32 v49, v28;
	v29 =	vadd.f32 v30, v29;
	s29 =	sadd.s32 s17, s25  }
0x3be: {  	v44 =	vadd.f32 v26, v23;
	v27 =	vadd.f32 v46, v27;
	v52 =	vmul.f32 v22, v17;
	v30 =	vld [tilespmem:s29+$0x300];
	s29 =	sadd.s32 s17, s26  }
0x3bf: {  	s0 =	sadd.s32 s0, s8;
	v54 =	vmul.f32 v22, v18;
	v42 =	vmul.f32 v22, v19;
	s7 =	sadd.s32 s20, s7;
	v28 =	vmax.f32 v28, v29;
	v29 =	vld [tilespmem:s29+$0x300]  }
0x3c0: {  	s18 =	sand.u32 $0x180, s18;
	v27 =	vmax.f32 v27, v31;
	v43 =	vmul.f32 v22, v20;
	v58 =	vld [tilespmem:s7+$0x300];
	s29 =	sadd.s32 s17, s0;
	v55 =	vmul.f32 v25, v19  }
0x3c1: {  	s11 =	sadd.s32 s20, s11;
	s7 =	sor.u32 s13, s18;
	v27 =	vmax.f32 v27, v28;
	v56 =	vld [tilespmem:s29+$0x300];
	v25 =	vmul.f32 v25, v20;
	v28 =	vmul.f32 v50, v19  }
0x3c2: {  	v45 =	vld [tilespmem:s11+$0x300];
	s11 =	sadd.s32 s20, s28;
	v37 =	vmul.f32 v47, v20;
	v59 =	vadd.f32 v40, v43;
	[tilespmem:s7+$0x13200] =	vst v24;
	v24 =	vadd.f32 v27, v16  }
0x3c3: {  	s21 =	sadd.s32 s20, s21;
	v26 =	vld [tilespmem:s11+$0x300];
	v31 =	vmul.f32 v47, v18;
	v23 =	vadd.f32 v55, v33;
	v25 =	vadd.f32 v28, v25  }
0x3c4: {  	v57 =	vld [tilespmem:s21+$0x300];
	v28 =	vmul.f32 v30, v18;
	v30 =	vadd.f32 v42, v37;
	v60 =	vmul.f32 v29, v18  }
0x3c5: {  	s16 =	sadd.s32 s20, s16;
	v61 =	vmul.f32 v29, v17;
	v31 =	vadd.f32 v31, v23;
	v39 =	vadd.f32 v54, v25  }
0x3c6: {  	s5 =	sadd.s32 s20, s5;
	v23 =	vld [tilespmem:s16+$0x300];
	v35 =	vmul.f32 v56, v17;
	v28 =	vadd.f32 v28, v30;
	v37 =	vadd.f32 v60, v59  }
0x3c7: {  	v32 =	vmul.f32 v45, v20;
	s29 =	sadd.s32 s20, s26;
	v25 =	vld [tilespmem:s5+$0x300];
	v62 =	vadd.f32 v52, v31;
	v38 =	vadd.f32 v53, v39  }
0x3c8: {  	s21 =	sand.u32 $0x180, s9;
	s28 =	sadd.s32 s20, s25;
	s13 =	simm.s32 $0x13200;
	v34 =	vmul.f32 v26, v20;
	v27 =	vld [tilespmem:s29+$0x300];
	v63 =	vadd.f32 v61, v28;
	v37 =	vadd.f32 v35, v37  }
0x3c9: {  	[tilespmem:s13+$0x0] =	vst v44;
	s0 =	sadd.s32 s20, s0;
	v33 =	vmul.f32 v58, v19;
	v29 =	vld [tilespmem:s28+$0x300];
	v30 =	vmul.f32 v57, v20;
	s5 =	sor.u32 s10, s21  }
0x3ca: {  	s9 =	simm.s32 $0x4;
	s18 =	simm.s32 $0x60;
	s10 =	simm.s32 $0x300;
	v31 =	vmul.f32 v45, v19;
	[tilespmem:s5+$0x13200] =	vst v48;
	v28 =	vld [tilespmem:s0+$0x300];
	v35 =	vmax.f32 v62, v38;
	v36 =	vmax.f32 v63, v37  }
.LBB2_15:
0x3cb: {  	s21 =	sand.u32 $0x60, s18;
	s5 =	sand.u32 $0xC00, s10;
	v37 =	vmul.f32 v23, v19;
	v38 =	vmul.f32 v23, v20;
	v35 =	vmax.f32 v35, v36  }
0x3cc: {  	v30 =	vadd.f32 v31, v30;
	v31 =	vmul.f32 v25, v19;
	s0 =	sadd.s32 s5, s23;
	s28 =	sor.u32 $0x10, s21;
	v35 =	vadd.f32 v35, v16  }
0x3cd: {  	v26 =	vmul.f32 v26, v18;
	v32 =	vadd.f32 v33, v32;
	s11 =	sadd.s32 s5, s24;
	s7 =	sadd.s32 s21, s0;
	s0 =	sadd.s32 s28, s0;
	v33 =	vadd.f32 v37, v34  }
0x3ce: {  	v36 =	vmul.f32 v23, v18;
	s16 =	sadd.s32 s5, s31;
	s20 =	sadd.s32 s21, s11;
	v31 =	vadd.f32 v31, v38;
	v34 =	vld [tilespmem:s0+$0x300];
	s0 =	sadd.s32 s28, s11;
	v37 =	vmul.f32 $2.000000030e-01, v35  }
0x3cf: {  	v29 =	vmul.f32 v29, v18;
	s29 =	sadd.s32 s21, s16;
	v26 =	vadd.f32 v26, v30;
	v30 =	vmul.f32 v27, v18;
	s11 =	sadd.s32 s5, s4;
	v38 =	vld [tilespmem:s0+$0x300];
	s0 =	sadd.s32 s28, s16  }
0x3d0: {  	v40 =	vmul.f32 v23, v17;
	s25 =	sadd.s32 s5, s2;
	v32 =	vadd.f32 v36, v32;
	s16 =	sadd.s32 s21, s11;
	s11 =	sadd.s32 s28, s11;
	v39 =	vld [tilespmem:s0+$0x300];
	v35 =	vmax.f32 v35, v37  }
0x3d1: {  	v25 =	vmul.f32 v25, v17;
	s26 =	sadd.s32 s28, s25;
	v29 =	vadd.f32 v29, v33;
	s0 =	sadd.s32 s5, s1;
	v36 =	vld [tilespmem:s11+$0x300];
	v37 =	vadd.f32 v35, v22;
	s11 =	sand.u32 $0x180, s12  }
0x3d2: {  	s9 =	sadd.s32 $0x2, s9;
	v28 =	vmul.f32 v28, v17;
	v27 =	vmul.f32 v27, v17;
	v30 =	vadd.f32 v30, v31;
	s12 =	sadd.s32 s28, s0;
	v33 =	vld [tilespmem:s26+$0x300];
	s11 =	sor.u32 s17, s11  }
0x3d3: {  	p0 =	slt.u32 s9, $0x1E;
	s25 =	sadd.s32 s21, s25;
	v26 =	vadd.f32 v40, v26;
	v25 =	vadd.f32 v25, v32;
	v32 =	vmul.f32 $2.000000030e-01, v24;
	s0 =	sadd.s32 s21, s0;
	v31 =	vld [tilespmem:s12+$0x300];
	[tilespmem:s11+$0x13200] =	vst v37  }
0x3d4: {  	v27 =	vadd.f32 v27, v29;
	v28 =	vadd.f32 v28, v30;
	s17 =	smov.u32 s28;
	s12 =	smov.u32 s18;
	v35 =	vld [tilespmem:s7+$0x300];
	s7 =	sadd.s32 s5, s6;
	v22 =	vmov v38  }
0x3d5: {  	v25 =	vmax.f32 v26, v25;
	v37 =	vld [tilespmem:s25+$0x300];
	s11 =	sadd.s32 s21, s7;
	s25 =	sadd.s32 s5, s19;
	s7 =	sadd.s32 s17, s7;
	v38 =	vmul.f32 v22, v17;
	v40 =	vmul.f32 v39, v17  }
0x3d6: {  	v26 =	vmax.f32 v27, v28;
	v41 =	vmul.f32 v22, v18;
	s26 =	sadd.s32 s21, s25;
	v29 =	vld [tilespmem:s7+$0x300];
	s7 =	sadd.s32 s17, s25;
	v30 =	vmul.f32 v36, v18  }
0x3d7: {  	v28 =	vmul.f32 v34, v20;
	v25 =	vmax.f32 v25, v26;
	s5 =	sadd.s32 s5, s8;
	v27 =	vld [tilespmem:s7+$0x300];
	v34 =	vmul.f32 v33, v19  }
0x3d8: {  	v25 =	vadd.f32 v25, v16;
	v33 =	vmul.f32 v33, v20;
	v42 =	vld [tilespmem:s0+$0x300];
	s0 =	sadd.s32 s21, s5;
	s5 =	sadd.s32 s17, s5;
	v31 =	vmul.f32 v31, v19  }
0x3d9: {  	v46 =	vmax.f32 v24, v32;
	v44 =	vmul.f32 v22, v19;
	v36 =	vmul.f32 v36, v20;
	v43 =	vld [tilespmem:s5+$0x300]  }
0x3da: {  	v45 =	vadd.f32 v46, v21;
	v32 =	vmul.f32 v22, v20;
	v39 =	vmul.f32 v39, v19;
	v24 =	vmovc v25;
	v26 =	vld [tilespmem:s16+$0x300]  }
0x3db: {  	s13 =	sadd.s32 $0x20, s13;
	v21 =	vmovc v23;
	v28 =	vadd.f32 v34, v28;
	v31 =	vadd.f32 v31, v33;
	v33 =	vmul.f32 v29, v18;
	v23 =	vld [tilespmem:s20+$0x300]  }
0x3dc: {  	v32 =	vadd.f32 v39, v32;
	v34 =	vadd.f32 v44, v36;
	v25 =	vld [tilespmem:s29+$0x300];
	v36 =	vmul.f32 v27, v18;
	[tilespmem:s13+$0x0] =	vst v45  }
0x3dd: {  	v39 =	vadd.f32 v30, v28;
	v31 =	vadd.f32 v41, v31;
	v41 =	vmul.f32 v27, v17;
	v29 =	vld [tilespmem:s11+$0x300]  }
.Ltmp6:
0x3de: {  	v33 =	vadd.f32 v33, v34;
	v27 =	vld [tilespmem:s26+$0x300];
	v32 =	vadd.f32 v36, v32;
	v34 =	vmul.f32 v43, v17;
	(pc) =	sbr.rel @p0 .LBB2_15-.Ltmp6, $4  }
0x3df: {  	v30 =	vmul.f32 v35, v20;
	v35 =	vadd.f32 v38, v39;
	v36 =	vadd.f32 v40, v31;
	v28 =	vld [tilespmem:s0+$0x300]  }
0x3e0: {  	v31 =	vmul.f32 v37, v19;
	v38 =	vadd.f32 v41, v33;
	v39 =	vadd.f32 v34, v32  }
0x3e1: {  	v33 =	vmul.f32 v42, v19;
	v32 =	vmul.f32 v37, v20  }
0x3e2: {  	s10 =	sadd.s32 $0x100, s10;
	s18 =	sadd.s32 $0x20, s18;
	v34 =	vmul.f32 v26, v20;
	v35 =	vmax.f32 v35, v36;
	v36 =	vmax.f32 v38, v39  }
0x3e3: {  	v37 =	vmul.f32 v23, v19;
	v20 =	vmul.f32 v23, v20;
	v35 =	vmax.f32 v35, v36  }
0x3e4: {  	v30 =	vadd.f32 v31, v30;
	v19 =	vmul.f32 v25, v19;
	v26 =	vmul.f32 v26, v18  }
0x3e5: {  	v32 =	vadd.f32 v33, v32;
	v53 =	vmul.f32 v23, v18;
	v31 =	vadd.f32 v35, v16  }
0x3e6: {  	v25 =	vmul.f32 v25, v17;
	v52 =	vadd.f32 v37, v34;
	v19 =	vadd.f32 v19, v20  }
0x3e7: {  	v20 =	vmul.f32 v29, v18;
	v26 =	vadd.f32 v26, v30;
	v18 =	vmul.f32 v27, v18  }
0x3e8: {  	v29 =	vmul.f32 v23, v17;
	v30 =	vadd.f32 v53, v32;
	v27 =	vmul.f32 v27, v17  }
0x3e9: {  	v17 =	vmul.f32 v28, v17;
	v20 =	vadd.f32 v20, v52;
	v18 =	vadd.f32 v18, v19  }
0x3ea: {  	v19 =	vadd.f32 v29, v26;
	v25 =	vadd.f32 v25, v30  }
0x3eb: {  	s0 =	smulhi.u32 $0x92492493, s3;
	v20 =	vadd.f32 v27, v20;
	v17 =	vadd.f32 v17, v18;
	_ =	sdelay $0x1  }
0x3ec: {  	s5 =	sshrl.u32 s0, $0x2;
	v18 =	vmul.f32 $2.000000030e-01, v31;
	v19 =	vmax.f32 v19, v25;
	v17 =	vmax.f32 v20, v17  }
0x3ed: {  	s7 =	sand.u32 $0x180, s12;
	s12 =	sor.u32 $0x7, s14;
	s5 =	smul.u32 $0x7, s5;
	v17 =	vmax.f32 v19, v17;
	v19 =	vmul.f32 $2.000000030e-01, v24  }
0x3ee: {  	s29 =	sshll.u32 s12, $0x2;
	s9 =	sshll.u32 s0, $0x5;
	v18 =	vmax.f32 v31, v18;
	v16 =	vadd.f32 v17, v16  }
0x3ef: {  	s0 =	sshll.u32 s0, $0xC;
	s10 =	sor.u32 $0x1, s29;
	s28 =	ssub.s32 s3, s5;
	v20 =	vmov s29;
	v17 =	vadd.f32 v18, v22;
	v18 =	vmax.f32 v24, v19  }
0x3f0: {  	s0 =	sand.u32 $0x60000, s0;
	s3 =	sshll.u32 s28, $0x12;
	v19 =	vmul.f32 $2.000000030e-01, v16;
	v18 =	vadd.f32 v18, v21;
	v21 =	vmov s10;
	s10 =	sor.u32 s17, s7  }
0x3f1: {  	s9 =	sand.u32 $0x380, s9;
	s5 =	sor.u32 $0x2, s29;
	s0 =	sadd.s32 s3, s0;
	v20 =	vbroadcast v20, $0x0;
	[tilespmem:s10+$0x13200] =	vst v17  }
0x3f2: {  	s0 =	sor.u32 s9, s0;
	v16 =	vmax.f32 v16, v19;
	v19 =	vbroadcast v21, $0x0;
	v21 =	vmov s5;
	s5 =	rddreg [dreg:$0x5]  }
0x3f3: {  	s11 =	sadd.s32 $0x20, s13;
	s14 =	simm.s32 $0x80;
	v16 =	vadd.f32 v16, v23;
	s0 =	sor.u32 s5, s0;
	v17 =	vbroadcast v21, $0x0  }
0x3f4: {  	s13 =	sshllo.u32 s12, $0x2;
	s3 =	sadd.s32 $0x20, s11;
	[tilespmem:s11+$0x0] =	vst v18;
	s0 =	sshrl.u32 s0, $0x3  }
0x3f5: {  	s16 =	simm.s32 $0x400;
	s17 =	simm.s32 $0x13200;
	[tilespmem:s3+$0x0] =	vst v16;
	s0 =	sadd.s32 s30, s0;
	v16 =	vmov s13  }
0x3f6: {  	v21 =	vmov s12;
	[hbm4b:s0+s14] =	stream.strided.scatter [tilespmem:s17], [sflag:$0x2], $0x200, s16, s14, $0x38;
	[tilespmem:$0x13D00] =	vst v63  }
0x3f7: {  	v20 =	vld.idx.msk [tilespmem:v20+s15+$0x0], $0xffff  }
0x3f8: {  	v19 =	vld.idx.msk [tilespmem:v19+s15+$0x0], $0xffff  }
0x3f9: {  	v18 =	vld.idx.msk [tilespmem:v17+s15+$0x0], $0xffff  }
0x3fa: {  	s18 =	simm.s32 $0x13800;
	s20 =	simm.s32 $0x2;
	s17 =	simm.s32 $0x0;
	v17 =	vld.idx.msk [tilespmem:v16+s15+$0x0], $0xffff  }
0x3fb: {  	s9 =	sand.u32 $0x60, s17;
	s0 =	sand.u32 $0xC00, s17;
	v16 =	vld.idx.msk [tilespmem:v21+s18+$0x0], $0xffff;
	_ =	swait.ge [sflag:s20], $0x200  }
0x3fc: {  	s3 =	sadd.s32 s0, s23;
	s10 =	sor.u32 $0x10, s9;
	[sflag:s20] =	ssyncset.done $0x0  }
0x3fd: {  	s5 =	sadd.s32 s0, s24;
	s21 =	sadd.s32 s10, s3;
	[sflag:s20] =	ssyncadd.s32 $0xFFFFFE00  }
0x3fe: {  	s11 =	sadd.s32 s0, s31;
	s25 =	sadd.s32 s10, s5;
	v21 =	vld [tilespmem:s21+$0x380]  }
0x3ff: {  	s13 =	sadd.s32 s0, s4;
	s26 =	sadd.s32 s10, s11;
	v23 =	vld [tilespmem:s25+$0x380]  }
0x400: {  	s14 =	sadd.s32 s0, s2;
	s16 =	sadd.s32 s10, s13;
	v22 =	vld [tilespmem:s26+$0x380]  }
0x401: {  	s28 =	sadd.s32 s0, s1;
	s18 =	sadd.s32 s10, s14;
	v24 =	vld [tilespmem:s16+$0x380]  }
0x402: {  	s29 =	sadd.s32 s10, s28;
	v25 =	vld [tilespmem:s18+$0x380]  }
0x403: {  	v26 =	vld [tilespmem:s29+$0x380]  }
0x404: {  	s3 =	sadd.s32 s9, s3  }
0x405: {  	s11 =	sadd.s32 s9, s11;
	s18 =	sadd.s32 s0, s6;
	v56 =	vld [tilespmem:s3+$0x380];
	v27 =	vmul.f32 v23, v17;
	v28 =	vmul.f32 v22, v17  }
0x406: {  	s21 =	sadd.s32 s0, s19;
	v63 =	vld [tilespmem:s11+$0x380];
	s20 =	sadd.s32 s10, s18;
	v30 =	vmul.f32 v24, v18;
	v31 =	vmul.f32 v23, v18  }
0x407: {  	s25 =	sadd.s32 s10, s21;
	v29 =	vld [tilespmem:s20+$0x380];
	v21 =	vmul.f32 v21, v20;
	v55 =	vmul.f32 v25, v19  }
0x408: {  	s0 =	sadd.s32 s0, s8;
	v54 =	vld [tilespmem:s25+$0x380];
	v25 =	vmul.f32 v25, v20;
	v26 =	vmul.f32 v26, v19  }
0x409: {  	s26 =	sadd.s32 s10, s0;
	v24 =	vmul.f32 v24, v20;
	v58 =	vmul.f32 v23, v19  }
0x40a: {  	s14 =	sadd.s32 s9, s14;
	v57 =	vld [tilespmem:s26+$0x380];
	v38 =	vmul.f32 v23, v20;
	v22 =	vmul.f32 v22, v19  }
0x40b: {  	s28 =	sadd.s32 s9, s28;
	v59 =	vld [tilespmem:s14+$0x380];
	v62 =	vmul.f32 v56, v20;
	v50 =	vmul.f32 v63, v17;
	v21 =	vadd.f32 v55, v21  }
0x40c: {  	s29 =	sadd.s32 s9, s13;
	v60 =	vld [tilespmem:s28+$0x380];
	v25 =	vadd.f32 v26, v25;
	v26 =	vmul.f32 v29, v18;
	v24 =	vadd.f32 v58, v24  }
0x40d: {  	s5 =	sadd.s32 s9, s5;
	v29 =	vld [tilespmem:s29+$0x380];
	v22 =	vadd.f32 v22, v38;
	v61 =	vmul.f32 v54, v18;
	v30 =	vadd.f32 v30, v21  }
0x40e: {  	v21 =	vld [tilespmem:s5+$0x380];
	v25 =	vadd.f32 v31, v25;
	v31 =	vmul.f32 v54, v17;
	v24 =	vadd.f32 v26, v24  }
0x40f: {  	v22 =	vadd.f32 v61, v22;
	v26 =	vmul.f32 v57, v17;
	v27 =	vadd.f32 v27, v30  }
0x410: {  	s16 =	simm.s32 $0x100;
	s14 =	simm.s32 $0x20;
	s13 =	sadd.s32 s9, s18;
	v25 =	vadd.f32 v28, v25;
	v28 =	vmul.f32 v59, v19;
	v24 =	vadd.f32 v31, v24  }
0x411: {  	s3 =	sand.u32 $0x60, s14;
	s11 =	sand.u32 $0xC00, s16;
	s20 =	sadd.s32 s9, s21;
	v22 =	vadd.f32 v26, v22;
	v26 =	vmul.f32 v59, v20;
	v30 =	vld [tilespmem:s13+$0x380];
	v31 =	vmul.f32 v60, v19  }
0x412: {  	s0 =	sadd.s32 s9, s0;
	s18 =	sadd.s32 s11, s23;
	v43 =	vld [tilespmem:s20+$0x380];
	s13 =	sor.u32 $0x10, s3;
	v42 =	vmul.f32 v29, v20;
	v29 =	vmul.f32 v29, v18;
	v25 =	vmax.f32 v27, v25  }
0x413: {  	s16 =	sadd.s32 s11, s31;
	s21 =	sadd.s32 s13, s18;
	v22 =	vmax.f32 v24, v22;
	v27 =	vld [tilespmem:s0+$0x380];
	v24 =	vmul.f32 v21, v19;
	v44 =	vmul.f32 v21, v20  }
0x414: {  	s20 =	sadd.s32 s11, s4;
	s26 =	sadd.s32 s13, s16;
	v46 =	vld [tilespmem:s21+$0x380];
	v22 =	vmax.f32 v25, v22;
	v25 =	vadd.f32 v28, v62;
	v28 =	vmul.f32 v63, v19  }
0x415: {  	s5 =	sadd.s32 s11, s24;
	v26 =	vadd.f32 v31, v26;
	s21 =	sadd.s32 s13, s20;
	v48 =	vld [tilespmem:s26+$0x380];
	v31 =	vmul.f32 v21, v18;
	v49 =	vmul.f32 v21, v17  }
0x416: {  	s25 =	sadd.s32 s13, s5;
	v39 =	vld [tilespmem:s21+$0x380];
	v45 =	vadd.f32 v22, v16;
	v24 =	vadd.f32 v24, v42;
	v30 =	vmul.f32 v30, v18  }
0x417: {  	s7 =	sadd.s32 s11, s2;
	v22 =	vld [tilespmem:s25+$0x380];
	v28 =	vadd.f32 v28, v44;
	v25 =	vadd.f32 v29, v25;
	v29 =	vmul.f32 v43, v18  }
0x418: {  	s0 =	sadd.s32 s11, s1;
	s25 =	sadd.s32 s13, s7;
	v26 =	vadd.f32 v31, v26;
	v47 =	vmul.f32 $2.000000030e-01, v45;
	v24 =	vadd.f32 v30, v24  }
0x419: {  	s28 =	sadd.s32 s13, s0;
	v51 =	vld [tilespmem:s25+$0x380];
	v28 =	vadd.f32 v29, v28;
	v27 =	vmul.f32 v27, v17;
	v25 =	vadd.f32 v49, v25  }
0x41a: {  	s25 =	sadd.s32 s11, s19;
	v30 =	vld [tilespmem:s28+$0x380];
	v26 =	vadd.f32 v50, v26;
	v37 =	vmul.f32 v46, v20;
	v31 =	vmax.f32 v45, v47  }
0x41b: {  	s21 =	sadd.s32 s11, s6;
	s29 =	sadd.s32 s13, s25;
	v53 =	vmul.f32 v39, v18;
	v52 =	vadd.f32 v31, v23;
	v23 =	vmul.f32 v43, v17  }
0x41c: {  	s26 =	sadd.s32 s13, s21;
	s11 =	sadd.s32 s11, s8;
	v29 =	vmul.f32 v22, v17;
	v31 =	vmul.f32 v48, v17;
	v27 =	vadd.f32 v27, v28;
	v28 =	vld [tilespmem:s29+$0x380]  }
0x41d: {  	s28 =	sadd.s32 s13, s11;
	v54 =	vmul.f32 v22, v18;
	v57 =	vmul.f32 v22, v19;
	v23 =	vadd.f32 v23, v24;
	v24 =	vld [tilespmem:s26+$0x380]  }
0x41e: {  	v56 =	vld [tilespmem:s28+$0x380];
	v25 =	vmax.f32 v25, v26;
	v55 =	vmul.f32 v51, v19;
	v26 =	vmul.f32 v51, v20  }
0x41f: {  	s7 =	sadd.s32 s3, s7;
	v30 =	vmul.f32 v30, v19;
	v23 =	vmax.f32 v23, v27;
	v27 =	vmul.f32 v39, v20  }
0x420: {  	s18 =	sadd.s32 s3, s18;
	v58 =	vld [tilespmem:s7+$0x380];
	v41 =	vmax.f32 v25, v23;
	v23 =	vmul.f32 v22, v20;
	v25 =	vmul.f32 v48, v19  }
0x421: {  	v40 =	vld [tilespmem:s18+$0x380];
	s0 =	sadd.s32 s3, s0;
	v37 =	vadd.f32 v55, v37;
	v26 =	vadd.f32 v30, v26;
	v60 =	vmul.f32 v28, v18  }
0x422: {  	v59 =	vld [tilespmem:s0+$0x380];
	s29 =	sadd.s32 s3, s20;
	v30 =	vadd.f32 v57, v27;
	v24 =	vmul.f32 v24, v18;
	v25 =	vadd.f32 v25, v23  }
0x423: {  	s7 =	sadd.s32 s3, s5;
	v33 =	vmul.f32 v56, v17;
	v32 =	vadd.f32 v53, v37;
	v27 =	vld [tilespmem:s29+$0x380];
	v26 =	vadd.f32 v54, v26  }
0x424: {  	s18 =	sadd.s32 s3, s16;
	v28 =	vmul.f32 v28, v17;
	v23 =	vld [tilespmem:s7+$0x380];
	v24 =	vadd.f32 v24, v30;
	v61 =	vadd.f32 v60, v25  }
0x425: {  	s21 =	sadd.s32 s3, s21;
	s20 =	sand.u32 $0x180, s17;
	v37 =	vadd.f32 v29, v32;
	v32 =	vmul.f32 v58, v20;
	v25 =	vld [tilespmem:s18+$0x380];
	v62 =	vadd.f32 v31, v26  }
0x426: {  	s0 =	sor.u32 $0x13400, s20;
	s26 =	sadd.s32 s3, s25;
	v29 =	vld [tilespmem:s21+$0x380];
	v30 =	vmul.f32 v40, v20;
	v63 =	vadd.f32 v28, v24;
	v35 =	vadd.f32 v33, v61  }
0x427: {  	s17 =	simm.s32 $0x2;
	s28 =	sor.u32 s10, s0;
	s29 =	sadd.s32 s3, s11;
	v31 =	vmul.f32 v58, v19;
	v26 =	vld [tilespmem:s26+$0x380];
	v24 =	vadd.f32 v41, v16;
	v33 =	vmul.f32 v59, v19  }
0x428: {  	s9 =	sor.u32 s9, s0;
	s10 =	simm.s32 $0x200;
	[tilespmem:s28+$0x0] =	vst v52;
	s18 =	simm.s32 $0x40;
	v28 =	vld [tilespmem:s29+$0x380];
	v36 =	vmul.f32 v27, v20;
	v34 =	vmax.f32 v37, v62;
	v35 =	vmax.f32 v63, v35  }
.LBB2_17:
0x429: {  	s5 =	sand.u32 $0x60, s18;
	s28 =	sand.u32 $0xC00, s10;
	v37 =	vmul.f32 v23, v19;
	v38 =	vmul.f32 v23, v20;
	v34 =	vmax.f32 v34, v35  }
0x42a: {  	v30 =	vadd.f32 v31, v30;
	v31 =	vmul.f32 v25, v19;
	s0 =	sadd.s32 s28, s23;
	s16 =	sor.u32 $0x10, s5;
	v34 =	vadd.f32 v34, v16  }
0x42b: {  	v27 =	vmul.f32 v27, v18;
	v32 =	vadd.f32 v33, v32;
	s11 =	sadd.s32 s28, s24;
	s7 =	sadd.s32 s5, s0;
	s0 =	sadd.s32 s16, s0;
	v33 =	vadd.f32 v37, v36  }
0x42c: {  	s25 =	sadd.s32 s28, s31;
	s20 =	sadd.s32 s5, s11;
	v36 =	vmul.f32 v23, v18;
	v31 =	vadd.f32 v31, v38;
	v35 =	vld [tilespmem:s0+$0x380];
	s0 =	sadd.s32 s16, s11;
	v37 =	vmul.f32 $2.000000030e-01, v34  }
0x42d: {  	v29 =	vmul.f32 v29, v18;
	s21 =	sadd.s32 s5, s25;
	v27 =	vadd.f32 v27, v30;
	v30 =	vmul.f32 v26, v18;
	s11 =	sadd.s32 s28, s4;
	v38 =	vld [tilespmem:s0+$0x380];
	s0 =	sadd.s32 s16, s25  }
0x42e: {  	v40 =	vmul.f32 v23, v17;
	s25 =	sadd.s32 s28, s2;
	s26 =	sadd.s32 s16, s11;
	v32 =	vadd.f32 v36, v32;
	v39 =	vld [tilespmem:s0+$0x380];
	s0 =	sand.u32 $0x180, s14;
	v34 =	vmax.f32 v34, v37  }
0x42f: {  	v25 =	vmul.f32 v25, v17;
	v29 =	vadd.f32 v29, v33;
	s14 =	sadd.s32 s28, s1;
	s29 =	sadd.s32 s16, s25;
	v36 =	vld [tilespmem:s26+$0x380];
	s0 =	sor.u32 $0x13400, s0;
	v37 =	vadd.f32 v34, v22  }
0x430: {  	s17 =	sadd.s32 $0x2, s17;
	v28 =	vmul.f32 v28, v17;
	v26 =	vmul.f32 v26, v17;
	v30 =	vadd.f32 v30, v31;
	s26 =	sadd.s32 s16, s14;
	v33 =	vld [tilespmem:s29+$0x380];
	s13 =	sor.u32 s13, s0  }
0x431: {  	p0 =	slt.u32 s17, $0x1E;
	v27 =	vadd.f32 v40, v27;
	s25 =	sadd.s32 s5, s25;
	v25 =	vadd.f32 v25, v32;
	v32 =	vmul.f32 $2.000000030e-01, v24;
	s29 =	sadd.s32 s5, s14;
	v31 =	vld [tilespmem:s26+$0x380];
	[tilespmem:s13+$0x0] =	vst v37  }
0x432: {  	v26 =	vadd.f32 v26, v29;
	v28 =	vadd.f32 v28, v30;
	s0 =	sor.u32 s3, s0;
	v34 =	vld [tilespmem:s7+$0x380];
	s7 =	sadd.s32 s5, s11;
	s11 =	sadd.s32 s28, s6;
	v22 =	vmov v38  }
0x433: {  	s3 =	sadd.s32 s28, s19;
	v25 =	vmax.f32 v27, v25;
	v37 =	vld [tilespmem:s25+$0x380];
	s25 =	sadd.s32 s5, s11;
	s11 =	sadd.s32 s16, s11;
	v38 =	vmul.f32 v22, v17;
	v40 =	vmul.f32 v39, v17  }
0x434: {  	s26 =	sadd.s32 s5, s3;
	v26 =	vmax.f32 v26, v28;
	v41 =	vmul.f32 v22, v18;
	v29 =	vld [tilespmem:s11+$0x380];
	s11 =	sadd.s32 s16, s3;
	v30 =	vmul.f32 v36, v18;
	s3 =	smov.u32 s5  }
0x435: {  	s14 =	smov.u32 s18;
	v35 =	vmul.f32 v35, v20;
	s13 =	smov.u32 s16;
	v25 =	vmax.f32 v25, v26;
	s5 =	sadd.s32 s28, s8;
	v28 =	vld [tilespmem:s11+$0x380];
	v42 =	vmul.f32 v33, v19  }
0x436: {  	v25 =	vadd.f32 v25, v16;
	s11 =	sadd.s32 s3, s5;
	s5 =	sadd.s32 s13, s5;
	v26 =	vmul.f32 v33, v20;
	v43 =	vld [tilespmem:s29+$0x380];
	v31 =	vmul.f32 v31, v19  }
0x437: {  	v46 =	vmax.f32 v24, v32;
	v44 =	vmul.f32 v22, v19;
	v36 =	vmul.f32 v36, v20;
	v33 =	vld [tilespmem:s5+$0x380]  }
0x438: {  	v45 =	vadd.f32 v46, v21;
	v32 =	vmul.f32 v22, v20;
	v39 =	vmul.f32 v39, v19;
	v24 =	vmovc v25;
	v27 =	vld [tilespmem:s7+$0x380]  }
0x439: {  	v21 =	vmovc v23;
	v35 =	vadd.f32 v42, v35;
	v26 =	vadd.f32 v31, v26;
	v31 =	vmul.f32 v29, v18;
	v23 =	vld [tilespmem:s20+$0x380]  }
0x43a: {  	v32 =	vadd.f32 v39, v32;
	v36 =	vadd.f32 v44, v36;
	v25 =	vld [tilespmem:s21+$0x380];
	v39 =	vmul.f32 v28, v18;
	[tilespmem:s9+$0x0] =	vst v45;
	s9 =	smov.u32 s0  }
0x43b: {  	v35 =	vadd.f32 v30, v35;
	v41 =	vadd.f32 v41, v26;
	v42 =	vmul.f32 v28, v17;
	v29 =	vld [tilespmem:s25+$0x380]  }
.Ltmp7:
0x43c: {  	v36 =	vadd.f32 v31, v36;
	v26 =	vld [tilespmem:s26+$0x380];
	v32 =	vadd.f32 v39, v32;
	v33 =	vmul.f32 v33, v17;
	(pc) =	sbr.rel @p0 .LBB2_17-.Ltmp7, $4  }
0x43d: {  	v30 =	vmul.f32 v34, v20;
	v34 =	vadd.f32 v38, v35;
	v35 =	vadd.f32 v40, v41;
	v28 =	vld [tilespmem:s11+$0x380]  }
0x43e: {  	v31 =	vmul.f32 v37, v19;
	v38 =	vadd.f32 v42, v36;
	v39 =	vadd.f32 v33, v32  }
0x43f: {  	v32 =	vmul.f32 v37, v20;
	v33 =	vmul.f32 v43, v19  }
0x440: {  	s10 =	sadd.s32 $0x100, s10;
	s18 =	sadd.s32 $0x20, s18;
	v36 =	vmul.f32 v27, v20;
	v34 =	vmax.f32 v34, v35;
	v35 =	vmax.f32 v38, v39  }
0x441: {  	v37 =	vmul.f32 v23, v19;
	v20 =	vmul.f32 v23, v20  }
0x442: {  	v30 =	vadd.f32 v31, v30;
	v50 =	vmul.f32 v25, v19;
	v27 =	vmul.f32 v27, v18  }
0x443: {  	v51 =	vadd.f32 v33, v32;
	v53 =	vmul.f32 v23, v18;
	v54 =	vmul.f32 v29, v18  }
0x444: {  	v55 =	vmul.f32 v26, v18;
	v56 =	vmul.f32 v23, v17;
	v52 =	vadd.f32 v37, v36  }
0x445: {  	v58 =	vmul.f32 v25, v17;
	v19 =	vadd.f32 v50, v20;
	v27 =	vadd.f32 v27, v30  }
0x446: {  	v59 =	vmul.f32 v26, v17;
	v57 =	vadd.f32 v53, v51;
	v20 =	vadd.f32 v54, v52  }
0x447: {  	v17 =	vmul.f32 v28, v17;
	v18 =	vadd.f32 v55, v19;
	v60 =	vadd.f32 v56, v27  }
0x448: {  	v61 =	vmax.f32 v34, v35;
	v25 =	vadd.f32 v58, v57;
	v20 =	vadd.f32 v59, v20  }
0x449: {  	s0 =	smulhi.u32 $0x92492493, s12;
	v17 =	vadd.f32 v17, v18;
	v18 =	vadd.f32 v61, v16;
	_ =	sdelay $0x1  }
0x44a: {  	s1 =	sshrl.u32 s0, $0x2;
	v19 =	vmax.f32 v60, v25;
	v17 =	vmax.f32 v20, v17;
	v62 =	vmul.f32 $2.000000030e-01, v18  }
0x44b: {  	s2 =	sand.u32 $0x180, s14;
	s1 =	smul.u32 $0x7, s1;
	v17 =	vmax.f32 v19, v17  }
0x44c: {  	s22 =	sadd.s32 $0x1, s22;
	s2 =	sor.u32 $0x13400, s2;
	v16 =	vadd.f32 v17, v16;
	v18 =	vmax.f32 v18, v62  }
0x44d: {  	s4 =	sshll.u32 s0, $0xC;
	s0 =	sshll.u32 s0, $0x5;
	s1 =	ssub.s32 s12, s1;
	v17 =	vmul.f32 $2.000000030e-01, v24;
	v18 =	vadd.f32 v18, v22  }
0x44e: {  	s26 =	sor.u32 s13, s2;
	s4 =	sand.u32 $0x60000, s4;
	s1 =	sshll.u32 s1, $0x12;
	v63 =	vmul.f32 $2.000000030e-01, v16  }
0x44f: {  	p0 =	sne.s32 s22, $0xD;
	s0 =	sand.u32 $0x380, s0;
	s1 =	sadd.s32 s1, s4;
	v17 =	vmax.f32 v24, v17;
	[tilespmem:s26+$0x0] =	vst v18  }
.Ltmp8:
0x450: {  	s0 =	sor.u32 s0, s1;
	v17 =	vadd.f32 v17, v21;
	v16 =	vmax.f32 v16, v63;
	s1 =	rddreg [dreg:$0x5];
	(pc) =	sbr.rel @p0 .LBB2_2-.Ltmp8, $4  }
0x451: {  	v16 =	vadd.f32 v16, v23;
	s0 =	sor.u32 s1, s0  }
0x452: {  	s25 =	simm.s32 $0x80;
	s28 =	sor.u32 s3, s2;
	[tilespmem:s9+$0x0] =	vst v17;
	s0 =	sshrl.u32 s0, $0x3  }
0x453: {  	s29 =	simm.s32 $0x400;
	s31 =	simm.s32 $0x13400;
	[tilespmem:s28+$0x0] =	vst v16;
	s0 =	sadd.s32 s30, s0  }
0x454: {  	[hbm4b:s0+s25] =	stream.strided.scatter [tilespmem:s31], [sflag:$0x2], $0x200, s29, s25, $0x38;
	[tilespmem:$0x13D00] =	vst v63  }
0x455: {  	s3 =	rddreg [dreg:$0x6]  }
0x456: {  	s0 =	rddreg [dreg:$0x11]  }
0x457: {  	s0 =	sadd.s32 s3, s0  }
0x458: {  	s1 =	rddreg [dreg:$0x0];
	s2 =	simm.s32 $0x12000;
	s0 =	sshrl.u32 s0, $0x3  }
0x459: {  	s4 =	simm.s32 $0x400;
	s17 =	simm.s32 $0x3;
	s0 =	sadd.s32 s1, s0  }
0x45a: {  	[tilespmem:s2], [sflag:$0x3] =	stream.strided.gather [hbm4b:s0+s25], $0x200, s4, s25, $0x38;
	[tilespmem:$0x13D00] =	vst v63  }
0x45b: {  	_ =	swait.ge [sflag:s17], $0x200  }
0x45c: {  	s22 =	rddreg [dreg:$0x12]  }
0x45d: {  	s0 =	sadd.s32 s3, s22  }
0x45e: {  	[sflag:s17] =	ssyncset.done $0x0;
	s0 =	sshrl.u32 s0, $0x3  }
0x45f: {  	s5 =	simm.s32 $0x12200;
	[sflag:s17] =	ssyncadd.s32 $0xFFFFFE00;
	s0 =	sadd.s32 s1, s0  }
0x460: {  	[tilespmem:s5], [sflag:$0x3] =	stream.strided.gather [hbm4b:s0+s25], $0x200, s4, s25, $0x38;
	[tilespmem:$0x13D00] =	vst v63  }
0x461: {  	_ =	swait.ge [sflag:s17], $0x200  }
0x462: {  	s23 =	rddreg [dreg:$0x10]  }
0x463: {  	s0 =	sadd.s32 s3, s23  }
0x464: {  	[sflag:s17] =	ssyncset.done $0x0;
	s0 =	sshrl.u32 s0, $0x3  }
0x465: {  	s24 =	simm.s32 $0x12400;
	[sflag:s17] =	ssyncadd.s32 $0xFFFFFE00;
	s0 =	sadd.s32 s1, s0  }
0x466: {  	[tilespmem:s24], [sflag:$0x3] =	stream.strided.gather [hbm4b:s0+s25], $0x200, s4, s25, $0x38;
	[tilespmem:$0x13D00] =	vst v63  }
0x467: {  	_ =	swait.ge [sflag:s17], $0x200  }
0x468: {  	s26 =	rddreg [dreg:$0xf]  }
0x469: {  	s0 =	sadd.s32 s3, s26  }
0x46a: {  	[sflag:s17] =	ssyncset.done $0x0;
	s0 =	sshrl.u32 s0, $0x3  }
0x46b: {  	s28 =	simm.s32 $0x12600;
	[sflag:s17] =	ssyncadd.s32 $0xFFFFFE00;
	s0 =	sadd.s32 s1, s0  }
0x46c: {  	[tilespmem:s28], [sflag:$0x3] =	stream.strided.gather [hbm4b:s0+s25], $0x200, s4, s25, $0x38;
	[tilespmem:$0x13D00] =	vst v63  }
0x46d: {  	_ =	swait.ge [sflag:s17], $0x200  }
0x46e: {  	s29 =	rddreg [dreg:$0xe]  }
0x46f: {  	s0 =	sadd.s32 s3, s29  }
0x470: {  	[sflag:s17] =	ssyncset.done $0x0;
	s0 =	sshrl.u32 s0, $0x3  }
0x471: {  	s31 =	simm.s32 $0x12800;
	[sflag:s17] =	ssyncadd.s32 $0xFFFFFE00;
	s0 =	sadd.s32 s1, s0  }
0x472: {  	[tilespmem:s31], [sflag:$0x3] =	stream.strided.gather [hbm4b:s0+s25], $0x200, s4, s25, $0x38;
	[tilespmem:$0x13D00] =	vst v63  }
0x473: {  	_ =	swait.ge [sflag:s17], $0x200  }
0x474: {  	s5 =	rddreg [dreg:$0xd]  }
0x475: {  	s0 =	sadd.s32 s3, s5  }
0x476: {  	[sflag:s17] =	ssyncset.done $0x0;
	s0 =	sshrl.u32 s0, $0x3  }
0x477: {  	s6 =	simm.s32 $0x12A00;
	[sflag:s17] =	ssyncadd.s32 $0xFFFFFE00;
	s0 =	sadd.s32 s1, s0  }
0x478: {  	[tilespmem:s6], [sflag:$0x3] =	stream.strided.gather [hbm4b:s0+s25], $0x200, s4, s25, $0x38;
	[tilespmem:$0x13D00] =	vst v63  }
0x479: {  	_ =	swait.ge [sflag:s17], $0x200  }
0x47a: {  	s7 =	rddreg [dreg:$0xc]  }
0x47b: {  	s0 =	sadd.s32 s3, s7  }
0x47c: {  	[sflag:s17] =	ssyncset.done $0x0;
	s0 =	sshrl.u32 s0, $0x3  }
0x47d: {  	s8 =	simm.s32 $0x12C00;
	[sflag:s17] =	ssyncadd.s32 $0xFFFFFE00;
	s0 =	sadd.s32 s1, s0  }
0x47e: {  	[tilespmem:s8], [sflag:$0x3] =	stream.strided.gather [hbm4b:s0+s25], $0x200, s4, s25, $0x38;
	[tilespmem:$0x13D00] =	vst v63  }
0x47f: {  	_ =	swait.ge [sflag:s17], $0x200  }
0x480: {  	s9 =	rddreg [dreg:$0xb]  }
0x481: {  	s0 =	sadd.s32 s3, s9  }
0x482: {  	[sflag:s17] =	ssyncset.done $0x0;
	s0 =	sshrl.u32 s0, $0x3  }
0x483: {  	s10 =	simm.s32 $0x12E00;
	[sflag:s17] =	ssyncadd.s32 $0xFFFFFE00;
	s0 =	sadd.s32 s1, s0  }
0x484: {  	[tilespmem:s10], [sflag:$0x3] =	stream.strided.gather [hbm4b:s0+s25], $0x200, s4, s25, $0x38;
	[tilespmem:$0x13D00] =	vst v63  }
0x485: {  	_ =	swait.ge [sflag:s17], $0x200  }
0x486: {  	s11 =	rddreg [dreg:$0xa]  }
0x487: {  	s0 =	sadd.s32 s3, s11  }
0x488: {  	[sflag:s17] =	ssyncset.done $0x0;
	s0 =	sshrl.u32 s0, $0x3  }
0x489: {  	s12 =	simm.s32 $0x13000;
	[sflag:s17] =	ssyncadd.s32 $0xFFFFFE00;
	s0 =	sadd.s32 s1, s0  }
0x48a: {  	[tilespmem:s12], [sflag:$0x3] =	stream.strided.gather [hbm4b:s0+s25], $0x200, s4, s25, $0x38;
	[tilespmem:$0x13D00] =	vst v63  }
0x48b: {  	_ =	swait.ge [sflag:s17], $0x200  }
0x48c: {  	[sflag:s17] =	ssyncset.done $0x0  }
0x48d: {  	[sflag:s17] =	ssyncadd.s32 $0xFFFFFE00  }
0x48e: {  	v19 =	vld.idx.msk [tilespmem:v11+s15+$0x0], $0xffff  }
0x48f: {  	v20 =	vld.idx.msk [tilespmem:v12+s15+$0x0], $0xffff  }
0x490: {  	v18 =	vld.idx.msk [tilespmem:v13+s15+$0x0], $0xffff  }
0x491: {  	s13 =	simm.s32 $0x13800;
	s14 =	simm.s32 $0x2;
	v17 =	vld.idx.msk [tilespmem:v14+s15+$0x0], $0xffff  }
0x492: {  	s16 =	simm.s32 $0x0;
	v16 =	vld.idx.msk [tilespmem:v15+s13+$0x0], $0xffff;
	_ =	swait.ge [sflag:s14], $0x200  }
0x493: {  	s18 =	sand.u32 $0x60, s16;
	s0 =	sand.u32 $0x180, s16;
	[sflag:s14] =	ssyncset.done $0x0  }
0x494: {  	s19 =	sor.u32 $0x10, s18;
	s20 =	sor.u32 $0x12800, s0;
	[sflag:s14] =	ssyncadd.s32 $0xFFFFFE00  }
0x495: {  	s21 =	sor.u32 $0x12A00, s0;
	s6 =	sor.u32 s19, s20;
	v21 =	vld [tilespmem:s2+$0x0]  }
0x496: {  	s7 =	sor.u32 $0x12600, s0;
	s22 =	sor.u32 s19, s21;
	v25 =	vld [tilespmem:s6+$0x0]  }
0x497: {  	s8 =	sor.u32 $0x12200, s0;
	s9 =	sor.u32 s19, s7;
	v23 =	vld [tilespmem:s22+$0x0]  }
0x498: {  	s23 =	sor.u32 $0x12400, s0;
	s10 =	sor.u32 s19, s8;
	v24 =	vld [tilespmem:s9+$0x0]  }
0x499: {  	s26 =	sor.u32 $0x12C00, s0;
	s24 =	sor.u32 s19, s23;
	v26 =	vld [tilespmem:s10+$0x0]  }
0x49a: {  	s28 =	sor.u32 $0x12E00, s0;
	s11 =	sor.u32 s19, s26;
	v27 =	vld [tilespmem:s24+$0x0]  }
0x49b: {  	s29 =	sor.u32 s19, s28;
	v30 =	vld [tilespmem:s11+$0x0]  }
0x49c: {  	s8 =	sor.u32 s18, s8;
	v33 =	vld [tilespmem:s29+$0x0]  }
0x49d: {  	s31 =	sor.u32 s18, s7;
	v35 =	vld [tilespmem:s8+$0x0];
	v21 =	vmul.f32 v21, v19  }
0x49e: {  	s7 =	sor.u32 s18, s28;
	v55 =	vld [tilespmem:s31+$0x0];
	v28 =	vmul.f32 v25, v17;
	v29 =	vmul.f32 v23, v17  }
0x49f: {  	s4 =	sor.u32 s18, s20;
	s2 =	sor.u32 s0, s19;
	v59 =	vld [tilespmem:s7+$0x0];
	v31 =	vmul.f32 v24, v18;
	v32 =	vmul.f32 v25, v18  }
0x4a0: {  	s5 =	sor.u32 s18, s21;
	s0 =	sor.u32 $0x13000, s0;
	s6 =	sor.u32 s18, s23;
	v22 =	vld [tilespmem:s2+$0x12000];
	v34 =	vmul.f32 v26, v20;
	v26 =	vmul.f32 v26, v19  }
0x4a1: {  	s8 =	simm.s32 $0x20;
	s3 =	sor.u32 s19, s0;
	v38 =	vld [tilespmem:s6+$0x0];
	s6 =	sor.u32 s18, s26;
	v27 =	vmul.f32 v27, v20;
	v24 =	vmul.f32 v24, v19  }
0x4a2: {  	s1 =	sand.u32 $0x60, s8;
	s9 =	sand.u32 $0x180, s8;
	s19 =	simm.s32 $0x12020;
	v36 =	vld [tilespmem:s3+$0x0];
	v37 =	vmul.f32 v25, v20;
	v39 =	vmul.f32 v25, v19  }
0x4a3: {  	s0 =	sor.u32 s18, s0;
	s18 =	sor.u32 $0x10, s1;
	v63 =	vld [tilespmem:s19+$0x0];
	s21 =	sor.u32 $0x12A00, s9;
	v40 =	vmul.f32 v23, v20;
	v56 =	vmul.f32 v33, v18  }
0x4a4: {  	s24 =	sor.u32 s18, s21;
	v58 =	vmul.f32 v35, v20;
	v60 =	vmul.f32 v55, v19  }
0x4a5: {  	s20 =	sor.u32 $0x12800, s9;
	s23 =	sor.u32 $0x12600, s9;
	s26 =	sor.u32 $0x12200, s9;
	v44 =	vld [tilespmem:s24+$0x0];
	v43 =	vmul.f32 v59, v18;
	v22 =	vmul.f32 v22, v19  }
0x4a6: {  	s29 =	sor.u32 $0x12400, s9;
	s13 =	sor.u32 $0x12C00, s9;
	s14 =	sor.u32 $0x12E00, s9;
	v23 =	vld [tilespmem:s4+$0x0];
	v26 =	vadd.f32 v27, v26;
	v27 =	vmul.f32 v30, v18;
	v24 =	vadd.f32 v37, v24  }
0x4a7: {  	v62 =	vld [tilespmem:s0+$0x0];
	s0 =	sor.u32 $0x13000, s9;
	s4 =	sor.u32 s9, s18;
	s9 =	sor.u32 s1, s26;
	v30 =	vadd.f32 v40, v39;
	v57 =	vmul.f32 v36, v17;
	v21 =	vadd.f32 v58, v21  }
0x4a8: {  	v52 =	vld [tilespmem:s9+$0x0];
	v46 =	vmul.f32 v63, v19;
	v22 =	vadd.f32 v34, v22;
	v26 =	vadd.f32 v32, v26  }
0x4a9: {  	v34 =	vmul.f32 v55, v18;
	v24 =	vadd.f32 v27, v24;
	v30 =	vadd.f32 v56, v30  }
0x4aa: {  	v27 =	vld [tilespmem:s5+$0x0];
	v32 =	vmul.f32 v59, v17;
	v48 =	vmul.f32 v44, v17;
	v22 =	vadd.f32 v31, v22  }
0x4ab: {  	v31 =	vmul.f32 v33, v17;
	v61 =	vmul.f32 v23, v20;
	v21 =	vadd.f32 v34, v21  }
0x4ac: {  	v45 =	vmul.f32 v23, v17;
	v26 =	vadd.f32 v29, v26;
	v29 =	vld [tilespmem:s6+$0x0];
	v22 =	vadd.f32 v28, v22  }
0x4ad: {  	s19 =	sor.u32 s1, s23;
	v30 =	vadd.f32 v57, v30;
	v55 =	vmul.f32 v52, v20;
	v24 =	vadd.f32 v31, v24  }
0x4ae: {  	v54 =	vld [tilespmem:s19+$0x0];
	v28 =	vmul.f32 v35, v19;
	v31 =	vmul.f32 v38, v20;
	v22 =	vmax.f32 v22, v26  }
0x4af: {  	v24 =	vmax.f32 v24, v30;
	v26 =	vmul.f32 v23, v19;
	v30 =	vmul.f32 v27, v20  }
0x4b0: {  	v42 =	vld [tilespmem:s4+$0x12000];
	v28 =	vadd.f32 v31, v28;
	v31 =	vmul.f32 v23, v18;
	v22 =	vmax.f32 v22, v24  }
0x4b1: {  	s5 =	sor.u32 s1, s21;
	s21 =	sor.u32 s1, s14;
	v33 =	vadd.f32 v61, v60;
	v22 =	vadd.f32 v22, v16;
	v29 =	vmul.f32 v29, v18  }
0x4b2: {  	v56 =	vld [tilespmem:s21+$0x0];
	v27 =	vmul.f32 v27, v17;
	v26 =	vadd.f32 v30, v26;
	v28 =	vadd.f32 v31, v28  }
0x4b3: {  	s22 =	sor.u32 s18, s20;
	v57 =	vmul.f32 v54, v19;
	v30 =	vmul.f32 $2.000000030e-01, v22;
	v29 =	vadd.f32 v29, v33  }
0x4b4: {  	s28 =	sor.u32 s18, s23;
	v24 =	vld [tilespmem:s22+$0x0];
	v26 =	vadd.f32 v43, v26;
	v27 =	vadd.f32 v27, v28;
	v28 =	vmul.f32 v62, v17  }
0x4b5: {  	s31 =	sor.u32 s18, s26;
	v21 =	vadd.f32 v45, v21;
	v38 =	vmul.f32 v42, v19;
	v35 =	vmul.f32 v44, v20;
	v31 =	vld [tilespmem:s28+$0x0]  }
0x4b6: {  	s16 =	sor.u32 s18, s14;
	v22 =	vmax.f32 v22, v30;
	v30 =	vld [tilespmem:s31+$0x0];
	v29 =	vadd.f32 v32, v29;
	v26 =	vadd.f32 v28, v26  }
0x4b7: {  	s12 =	sor.u32 s18, s29;
	v60 =	vmul.f32 v54, v18;
	v34 =	vmul.f32 v56, v17;
	v21 =	vmax.f32 v21, v27;
	v27 =	vld [tilespmem:s16+$0x0]  }
0x4b8: {  	v33 =	vadd.f32 v55, v46;
	v25 =	vadd.f32 v22, v25;
	v22 =	vld [tilespmem:s12+$0x0];
	s12 =	sor.u32 s18, s13;
	v26 =	vmax.f32 v29, v26  }
0x4b9: {  	v47 =	vmul.f32 v24, v17;
	v50 =	vmul.f32 v24, v18;
	v28 =	vld [tilespmem:s12+$0x0];
	v21 =	vmax.f32 v21, v26  }
0x4ba: {  	s6 =	sor.u32 s18, s0;
	s22 =	simm.s32 $0x40;
	v49 =	vmul.f32 v31, v18;
	v41 =	vadd.f32 v21, v16;
	v21 =	vmul.f32 v24, v19  }
0x4bb: {  	s23 =	sand.u32 $0x180, s22;
	v26 =	vld [tilespmem:s6+$0x0];
	s6 =	sand.u32 $0x60, s22;
	v51 =	vmul.f32 v30, v20;
	v29 =	vmul.f32 v30, v19  }
0x4bc: {  	s21 =	sor.u32 $0x12E00, s23;
	v33 =	vadd.f32 v60, v33;
	s24 =	sor.u32 $0x10, s6;
	v30 =	vmul.f32 v31, v19;
	v31 =	vmul.f32 v24, v20  }
0x4bd: {  	v53 =	vmul.f32 v27, v18;
	s22 =	sor.u32 s24, s21;
	v22 =	vmul.f32 v22, v20;
	v38 =	vadd.f32 v51, v38  }
0x4be: {  	s3 =	sor.u32 s1, s20;
	v55 =	vld [tilespmem:s22+$0x0];
	v28 =	vmul.f32 v28, v18;
	v30 =	vadd.f32 v31, v30;
	v31 =	vadd.f32 v35, v21  }
0x4bf: {  	s18 =	sor.u32 s1, s29;
	v27 =	vmul.f32 v27, v17;
	v21 =	vld [tilespmem:s3+$0x0];
	v22 =	vadd.f32 v22, v29;
	v36 =	vadd.f32 v49, v38  }
0x4c0: {  	v29 =	vld [tilespmem:s18+$0x0];
	v26 =	vmul.f32 v26, v17;
	v28 =	vadd.f32 v28, v30;
	v30 =	vadd.f32 v53, v31  }
0x4c1: {  	v46 =	vmul.f32 v56, v18;
	v22 =	vadd.f32 v50, v22;
	v32 =	vadd.f32 v47, v36  }
0x4c2: {  	v31 =	vld [tilespmem:s5+$0x0];
	v49 =	vmul.f32 $2.000000030e-01, v41;
	v27 =	vadd.f32 v27, v28;
	v26 =	vadd.f32 v26, v30  }
0x4c3: {  	s20 =	sor.u32 s1, s13;
	s5 =	sor.u32 $0x12A00, s23;
	v30 =	vmul.f32 v52, v19;
	v60 =	vmul.f32 v55, v17;
	v22 =	vadd.f32 v48, v22  }
0x4c4: {  	s29 =	sor.u32 s24, s5;
	v28 =	vld [tilespmem:s20+$0x0];
	v58 =	vmul.f32 v21, v19;
	v62 =	vmul.f32 v21, v18  }
0x4c5: {  	v47 =	vld [tilespmem:s29+$0x0];
	v29 =	vmul.f32 v29, v20;
	v26 =	vmax.f32 v27, v26;
	v22 =	vmax.f32 v32, v22  }
0x4c6: {  	s0 =	sor.u32 s1, s0;
	s28 =	sor.u32 $0x12600, s23;
	v45 =	vmul.f32 v21, v17;
	v27 =	vmul.f32 v21, v20;
	v22 =	vmax.f32 v22, v26  }
0x4c7: {  	s16 =	sor.u32 s24, s28;
	v59 =	vmul.f32 v31, v20;
	v26 =	vld [tilespmem:s0+$0x0];
	v29 =	vadd.f32 v29, v30;
	v61 =	vadd.f32 v22, v16  }
0x4c8: {  	s8 =	sor.u32 $0x12800, s23;
	s1 =	sor.u32 s23, s24;
	v48 =	vld [tilespmem:s16+$0x0];
	v31 =	vmul.f32 v31, v17;
	v33 =	vadd.f32 v45, v33;
	v27 =	vadd.f32 v27, v57  }
0x4c9: {  	s26 =	sor.u32 s24, s8;
	v63 =	vld [tilespmem:s1+$0x12000];
	s18 =	sor.u32 $0x12400, s23;
	v28 =	vmul.f32 v28, v18;
	v29 =	vadd.f32 v62, v29;
	v44 =	vmul.f32 $2.000000030e-01, v61  }
0x4ca: {  	s31 =	sor.u32 $0x12200, s23;
	s19 =	sor.u32 s24, s18;
	v32 =	vadd.f32 v59, v58;
	v22 =	vld [tilespmem:s26+$0x0];
	v51 =	vmul.f32 v47, v17;
	v39 =	vmul.f32 v47, v20  }
0x4cb: {  	s13 =	sor.u32 s24, s31;
	v27 =	vadd.f32 v28, v27;
	v29 =	vadd.f32 v31, v29;
	v31 =	vld [tilespmem:s19+$0x0];
	v28 =	vmax.f32 v61, v44  }
0x4cc: {  	v32 =	vadd.f32 v46, v32;
	v26 =	vmul.f32 v26, v17;
	v28 =	vadd.f32 v28, v24;
	v24 =	vld [tilespmem:s13+$0x0]  }
0x4cd: {  	s20 =	sor.u32 $0x12C00, s23;
	v59 =	vmul.f32 v55, v18;
	v53 =	vmul.f32 v48, v18;
	v27 =	vadd.f32 v34, v27  }
0x4ce: {  	s14 =	sor.u32 s24, s20;
	s0 =	sor.u32 $0x13000, s23;
	v34 =	vmax.f32 v41, v49;
	v29 =	vmax.f32 v33, v29;
	v26 =	vadd.f32 v26, v32  }
0x4cf: {  	v52 =	vld [tilespmem:s14+$0x0];
	s7 =	sor.u32 s24, s0;
	v50 =	vmul.f32 v22, v17;
	v57 =	vmul.f32 v22, v20;
	v34 =	vadd.f32 v34, v23  }
0x4d0: {  	s3 =	simm.s32 $0x12040;
	v42 =	vld [tilespmem:s7+$0x0];
	v23 =	vmul.f32 v22, v19;
	v26 =	vmax.f32 v27, v26;
	v27 =	vmul.f32 v63, v19  }
0x4d1: {  	v30 =	vld [tilespmem:s3+$0x0];
	s23 =	sor.u32 s6, s31;
	v31 =	vmul.f32 v31, v20;
	v26 =	vmax.f32 v29, v26;
	v56 =	vmul.f32 v24, v20  }
0x4d2: {  	v43 =	vld [tilespmem:s23+$0x0];
	s24 =	sor.u32 s6, s18;
	v29 =	vmul.f32 v24, v19;
	v24 =	vadd.f32 v26, v16;
	v26 =	vmul.f32 v48, v19  }
0x4d3: {  	s26 =	sor.u32 s6, s28;
	s28 =	sor.u32 s6, s8;
	v44 =	vld [tilespmem:s24+$0x0];
	v54 =	vmul.f32 v22, v18;
	v58 =	vadd.f32 v39, v23;
	v35 =	vadd.f32 v56, v27  }
0x4d4: {  	v23 =	vld [tilespmem:s28+$0x0];
	v29 =	vadd.f32 v31, v29;
	v31 =	vmul.f32 v52, v18;
	v26 =	vadd.f32 v57, v26  }
0x4d5: {  	s5 =	sor.u32 s6, s5;
	v62 =	vmul.f32 v42, v17;
	v36 =	vadd.f32 v59, v58;
	v27 =	vld [tilespmem:s26+$0x0];
	v35 =	vadd.f32 v53, v35  }
0x4d6: {  	v30 =	vmul.f32 v30, v19;
	v29 =	vadd.f32 v54, v29;
	v61 =	vadd.f32 v31, v26;
	v26 =	vld [tilespmem:s5+$0x0]  }
0x4d7: {  	s0 =	sor.u32 s6, s0;
	v63 =	vmul.f32 v43, v20;
	v37 =	vadd.f32 v62, v36;
	v35 =	vadd.f32 v50, v35  }
0x4d8: {  	[tilespmem:s2+$0x13200] =	vst v25;
	s2 =	simm.s32 $0x13200;
	s29 =	sor.u32 s6, s20;
	v25 =	vld [tilespmem:s0+$0x0];
	v36 =	vmul.f32 v44, v20;
	v33 =	vadd.f32 v51, v29;
	v38 =	vadd.f32 v60, v61  }
0x4d9: {  	s31 =	sor.u32 s6, s21;
	[tilespmem:s2+$0x0] =	vst v34;
	v30 =	vadd.f32 v63, v30;
	v34 =	vmul.f32 v23, v20;
	v31 =	vmul.f32 v43, v19;
	v29 =	vld [tilespmem:s29+$0x0]  }
0x4da: {  	s6 =	simm.s32 $0x60;
	[tilespmem:s4+$0x13200] =	vst v28;
	v28 =	vld [tilespmem:s31+$0x0];
	s4 =	simm.s32 $0x4;
	v32 =	vmul.f32 v27, v19;
	v33 =	vmax.f32 v35, v33;
	v35 =	vmax.f32 v38, v37  }
.LBB2_20:
0x4db: {  	s8 =	sand.u32 $0x60, s6;
	v37 =	vmul.f32 v23, v19;
	v38 =	vmul.f32 v26, v20;
	v33 =	vmax.f32 v33, v35  }
0x4dc: {  	s12 =	sand.u32 $0x180, s6;
	v27 =	vmul.f32 v27, v18;
	v31 =	vadd.f32 v36, v31;
	s3 =	sadd.s32 $0x20, s3;
	s5 =	sor.u32 $0x10, s8;
	v33 =	vadd.f32 v33, v16  }
0x4dd: {  	v36 =	vmul.f32 v23, v18;
	s0 =	sor.u32 $0x12800, s12;
	v32 =	vadd.f32 v34, v32;
	v35 =	vld [tilespmem:s3+$0x0];
	s7 =	sor.u32 s12, s5;
	v34 =	vadd.f32 v38, v37  }
0x4de: {  	v29 =	vmul.f32 v29, v18;
	s11 =	sor.u32 $0x12A00, s12;
	s9 =	sor.u32 s8, s0;
	s0 =	sor.u32 s5, s0;
	v27 =	vadd.f32 v27, v30;
	v37 =	vld [tilespmem:s7+$0x12000];
	v30 =	vmul.f32 $2.000000030e-01, v33  }
0x4df: {  	v39 =	vmul.f32 v23, v17;
	s13 =	sor.u32 $0x12600, s12;
	s10 =	sor.u32 s8, s11;
	v31 =	vadd.f32 v36, v31;
	v36 =	vmul.f32 v28, v18;
	v38 =	vld [tilespmem:s0+$0x0];
	s0 =	sor.u32 s5, s11  }
0x4e0: {  	v26 =	vmul.f32 v26, v17;
	s14 =	sor.u32 s8, s13;
	s13 =	sor.u32 s5, s13;
	v29 =	vadd.f32 v29, v32;
	s11 =	sor.u32 $0x12200, s12;
	v40 =	vld [tilespmem:s0+$0x0];
	v30 =	vmax.f32 v33, v30  }
0x4e1: {  	s16 =	sor.u32 $0x12400, s12;
	v28 =	vmul.f32 v28, v17;
	s0 =	sor.u32 s8, s11;
	s11 =	sor.u32 s5, s11;
	v33 =	vadd.f32 v36, v34;
	v32 =	vld [tilespmem:s13+$0x0];
	v36 =	vadd.f32 v30, v22  }
0x4e2: {  	s4 =	sadd.s32 $0x2, s4;
	v25 =	vmul.f32 v25, v17;
	v27 =	vadd.f32 v39, v27;
	v26 =	vadd.f32 v26, v31;
	s13 =	sor.u32 s8, s16;
	v30 =	vld [tilespmem:s11+$0x0];
	s11 =	sor.u32 s5, s16  }
0x4e3: {  	p0 =	slt.u32 s4, $0x1E;
	v28 =	vadd.f32 v28, v29;
	v29 =	vmul.f32 $2.000000030e-01, v24;
	v31 =	vld [tilespmem:s11+$0x0];
	[tilespmem:s1+$0x13200] =	vst v36;
	s1 =	smov.u32 s7  }
0x4e4: {  	v26 =	vmax.f32 v27, v26;
	v35 =	vmul.f32 v35, v19;
	v25 =	vadd.f32 v25, v33;
	v34 =	vld [tilespmem:s0+$0x0];
	s0 =	sor.u32 $0x12C00, s12;
	v22 =	vmovc v38  }
0x4e5: {  	v29 =	vmax.f32 v24, v29;
	s11 =	sor.u32 $0x12E00, s12;
	v33 =	vld [tilespmem:s13+$0x0];
	s7 =	sor.u32 s8, s0;
	s0 =	sor.u32 s5, s0;
	v36 =	vmul.f32 v22, v17;
	v38 =	vmul.f32 v40, v17  }
0x4e6: {  	v24 =	vmax.f32 v28, v25;
	s13 =	sor.u32 s8, s11;
	v42 =	vmul.f32 v22, v18;
	v39 =	vld [tilespmem:s0+$0x0];
	s0 =	sor.u32 s5, s11;
	v41 =	vmul.f32 v32, v18  }
0x4e7: {  	v28 =	vmul.f32 v37, v19;
	v24 =	vmax.f32 v26, v24;
	s11 =	sor.u32 $0x13000, s12;
	v25 =	vld [tilespmem:s0+$0x0];
	v37 =	vmul.f32 v30, v20  }
0x4e8: {  	v24 =	vadd.f32 v24, v16;
	s0 =	sor.u32 s8, s11;
	s5 =	sor.u32 s5, s11;
	v30 =	vmul.f32 v30, v19;
	v27 =	vld [tilespmem:s14+$0x0];
	v31 =	vmul.f32 v31, v20  }
0x4e9: {  	v29 =	vadd.f32 v29, v21;
	v21 =	vmovc v23;
	v44 =	vmul.f32 v22, v20;
	v32 =	vmul.f32 v32, v19;
	v43 =	vld [tilespmem:s5+$0x0]  }
0x4ea: {  	s2 =	sadd.s32 $0x20, s2;
	v45 =	vmul.f32 v22, v19;
	v40 =	vmul.f32 v40, v20;
	v23 =	vld [tilespmem:s9+$0x0]  }
0x4eb: {  	v37 =	vadd.f32 v37, v28;
	v30 =	vadd.f32 v31, v30;
	v26 =	vld [tilespmem:s10+$0x0];
	v31 =	vmul.f32 v39, v18;
	[tilespmem:s2+$0x0] =	vst v29  }
0x4ec: {  	v32 =	vadd.f32 v44, v32;
	v39 =	vadd.f32 v40, v45;
	v29 =	vld [tilespmem:s7+$0x0];
	v40 =	vmul.f32 v25, v18  }
0x4ed: {  	v37 =	vadd.f32 v41, v37;
	v30 =	vadd.f32 v42, v30;
	v41 =	vmul.f32 v25, v17;
	v28 =	vld [tilespmem:s13+$0x0]  }
.Ltmp9:
0x4ee: {  	v32 =	vadd.f32 v31, v32;
	v25 =	vld [tilespmem:s0+$0x0];
	v39 =	vadd.f32 v40, v39;
	v40 =	vmul.f32 v43, v17;
	(pc) =	sbr.rel @p0 .LBB2_20-.Ltmp9, $4  }
0x4ef: {  	v42 =	vmul.f32 v34, v20;
	v37 =	vadd.f32 v36, v37;
	v38 =	vadd.f32 v38, v30  }
0x4f0: {  	v31 =	vmul.f32 v34, v19;
	v41 =	vadd.f32 v41, v32;
	v39 =	vadd.f32 v40, v39  }
0x4f1: {  	v36 =	vmul.f32 v33, v20;
	v30 =	vadd.f32 v42, v35;
	v32 =	vmul.f32 v27, v19  }
0x4f2: {  	s6 =	sadd.s32 $0x20, s6;
	v34 =	vmul.f32 v23, v20;
	v33 =	vmax.f32 v37, v38;
	v35 =	vmax.f32 v41, v39  }
0x4f3: {  	v19 =	vmul.f32 v23, v19  }
0x4f4: {  	v20 =	vmul.f32 v26, v20;
	v27 =	vmul.f32 v27, v18  }
0x4f5: {  	v52 =	vmul.f32 v23, v18;
	v53 =	vmul.f32 v29, v18  }
0x4f6: {  	v31 =	vadd.f32 v36, v31;
	v54 =	vmul.f32 v23, v17;
	v55 =	vmul.f32 v28, v18  }
0x4f7: {  	v57 =	vmul.f32 v26, v17;
	v32 =	vadd.f32 v34, v32;
	v19 =	vadd.f32 v20, v19  }
0x4f8: {  	v58 =	vmul.f32 v28, v17;
	v27 =	vadd.f32 v27, v30;
	v56 =	vadd.f32 v52, v31  }
0x4f9: {  	v17 =	vmul.f32 v25, v17;
	v20 =	vadd.f32 v53, v32;
	v18 =	vadd.f32 v55, v19  }
0x4fa: {  	v59 =	vadd.f32 v54, v27;
	v60 =	vadd.f32 v57, v56  }
0x4fb: {  	v20 =	vadd.f32 v58, v20;
	v17 =	vadd.f32 v17, v18  }
0x4fc: {  	v61 =	vmax.f32 v33, v35  }
0x4fd: {  	v18 =	vadd.f32 v61, v16;
	v19 =	vmax.f32 v59, v60;
	v17 =	vmax.f32 v20, v17  }
0x4fe: {  	v17 =	vmax.f32 v19, v17  }
0x4ff: {  	v62 =	vmul.f32 $2.000000030e-01, v18;
	v16 =	vadd.f32 v17, v16  }
0x500: {  	v17 =	vmul.f32 $2.000000030e-01, v24  }
0x501: {  	v18 =	vmax.f32 v18, v62;
	v63 =	vmul.f32 $2.000000030e-01, v16  }
0x502: {  	v18 =	vadd.f32 v18, v22;
	v17 =	vmax.f32 v24, v17  }
0x503: {  	v17 =	vadd.f32 v17, v21;
	v16 =	vmax.f32 v16, v63  }
0x504: {  	s0 =	sadd.s32 $0x20, s2;
	[tilespmem:s1+$0x13200] =	vst v18;
	v16 =	vadd.f32 v16, v23  }
0x505: {  	[tilespmem:s0+$0x0] =	vst v17;
	s0 =	sadd.s32 $0x20, s0  }
0x506: {  	s24 =	simm.s32 $0x400;
	[tilespmem:s0+$0x0] =	vst v16  }
0x507: {  	s26 =	simm.s32 $0x13200;
	s28 =	simm.s32 $0x2;
	s0 =	rddreg [dreg:$0x7]  }
0x508: {  	[hbm4b:s0+s25] =	stream.strided.scatter [tilespmem:s26], [sflag:$0x2], $0x200, s24, s25, $0x38;
	[tilespmem:$0x13D00] =	vst v63  }
0x509: {  	_ =	swait.ge [sflag:s28], $0x200  }
0x50a: {  	[sflag:s28] =	ssyncset.done $0x0  }
0x50b: {  	[sflag:s28] =	ssyncadd.s32 $0xFFFFFE00  }
0x50c: {  	_ =	swait.ge [sflag:s28], $0x200  }
0x50d: {  	s29 =	rddreg [dreg:$0x9]  }
0x50e: {  	s31 =	rddreg [dreg:$0x8];
	s2 =	sadd.s32 $0x1, s29  }
0x50f: {  	p0 =	sne.s32 s2, s31  }
.Ltmp10:
0x510: {  	_ = 	snop;
	(pc) =	sbr.rel @p0 .LBB2_1-.Ltmp10, $3  }
0x511: {  	_ =	sdelay $0x1  }
0x512: {  	[sflag:s28] =	ssyncset.done $0x0  }
0x513: {  	[sflag:s28] =	ssyncadd.s32 $0xFFFFFE00  }
0x514: {  	_ =	sfence.sel $0x180000  }
0x515: {  	[bflag:$0x0] =	sbarrier.arrive $0xFFFF  }
0x516: {  	_ =	strace $0x90000047  }
0x517: {  	s0 =	stileid.u32;
	[bflag:$0x2] =	sbarrier.arrive $0xFFFF  }
0x518: {  	p0 =	sne.s32 s0, $0x0;
	s0 =	rddreg [dreg:$0x4]  }
0x519: {  	s0 =	sadd.s32 @!p0 $0x100000, s0  }
0x51a: {  	[sflag:s0] =	ssyncadd.tile.s32 @!p0 $0x1;
	_ =	shalt  }
.Lfunc_end2:
_tile_overlayer_lowered:
.L_overlay_start_2:
0x51b: {  	(tag) =	ssettag $0x2  }
0x51c: {  	s0 =	rddreg [dreg:$0x0];
	s2 =	stileid.u32  }
0x51d: {  	s1 =	rddreg [dreg:$0x1];
	p0 =	sne.s32 s2, $0x0  }
0x51e: {  	s3 =	rddreg [dreg:$0x2];
	[bflag:$0x3] =	sbarrier.arrive $0xFFFF;
	s2 =	simm.s32 @!p0 $0x1C03  }
0x51f: {  	[timem:s3], [sflag:s2] =	dma.local @!p0 [hbm:s0], s1  }
0x520: {  	s0 =	simm.s32 @!p0 $0x3  }
0x521: {  	_ =	swait.ge @!p0 [sflag:s0], s1  }
0x522: {  	s1 =	ssub.s32 @!p0 $0x0, s1;
	[sflag:s0] =	ssyncset.done @!p0 $0x0  }
0x523: {  	[sflag:s0] =	ssyncadd.s32 @!p0 s1  }
0x524: {  	[bflag:$0x3] =	sbarrier.arrive $0xFFFF  }
0x525: {  	_ =	shalt  }

</sc_bundles>
